<compile_context>
chip_gen: v7x
topology: tpu7x:2x2x1
jax: 0.10.2.dev20260603
libtpu: 0.0.44.dev20260713+nightly
codegen_flags: <defaults>
</compile_context>

<pallas_src>
import functools

import jax
import jax.numpy as jnp
from jax import lax
from jax.experimental import pallas as pl
from jax.experimental.pallas import tpu as pltpu
from jax.experimental.pallas import tpu_sc as plsc

_B, _C = 64, 4
_NF, _MS = 1024, 4096
_J = 1024
_NB, _L = 2, 8192

_P = _B * _C
_NC, _NS, _LN = 2, 16, 16
_NW = _NC * _NS
_PPW = _P // _NW
_SL = _NB * _L
_S2 = 2 * _SL
_CL = 2048
_CL2 = 2 * _CL
_NCHUNK = _SL // _CL
_J2 = 2 * _J
_NF2 = 2 * _NF
_GPC = _CL // _LN


def _sc_body(ifp, tfp, isp, tsp, xia, ksa, ifs, tfs, iss, tss,
             harm_out, scat_out,
             tifb, ttfb, fgb, sbi0, sbt0, sbi1, sbt1, xib, ksb,
             accH, accS, semi0, semt0, semi1, semt1):
    wid = lax.axis_index("s") * _NC + lax.axis_index("c")
    lane = lax.iota(jnp.int32, _LN)
    zero = jnp.zeros((_LN,), jnp.float32)

    def scat_plane(k, acc):
        p = wid * _PPW + k
        pltpu.sync_copy(ifs.at[pl.ds(p * _NF2, _NF2)], sbi0.at[pl.ds(0, _NF2)])
        pltpu.sync_copy(tfs.at[pl.ds(p * _NF2, _NF2)], sbt0.at[pl.ds(0, _NF2)])

        @plsc.parallel_loop(0, _NF // _LN, unroll=4, carry=acc)
        def f_iter(t, a):
            offr = (t // 8) * 256 + (t % 8) * _LN
            t0 = sbt0[pl.ds(offr, _LN)]
            t1 = sbt0[pl.ds(offr + 128, _LN)]
            i0 = sbi0[pl.ds(offr, _LN)]
            i1 = sbi0[pl.ds(offr + 128, _LN)]
            v = t1 - i1 - 2.0 * t0 * (t0 - i0)
            return a + v * v

        return f_iter

    accS0 = lax.fori_loop(0, _PPW, scat_plane, zero)

    def scat_b(h, acc):
        b = wid * 2 + h

        def blk(q, a):
            off = b * (4 * _MS) + q * _CL2
            pltpu.sync_copy(iss.at[pl.ds(off, _CL2)], sbi0)
            pltpu.sync_copy(tss.at[pl.ds(off, _CL2)], sbt0)

            @plsc.parallel_loop(0, _CL2 // _LN, unroll=8, carry=a)
            def s_iter(t, a2):
                s = pl.ds(t * _LN, _LN)
                d = sbt0[s] - sbi0[s]
                return a2 + d * d

            return s_iter

        return lax.fori_loop(0, 4, blk, acc)

    accS[...] = lax.fori_loop(0, 2, scat_b, accS0)
    pltpu.sync_copy(accS, scat_out.at[wid])

    pltpu.sync_copy(xia, xib)
    pltpu.sync_copy(ksa, ksb)

    bufs = ((sbi0, sbt0, semi0, semt0), (sbi1, sbt1, semi1, semt1))

    def start_chunk(p, cn, buf):
        bi, bt, si, st = buf
        pltpu.async_copy(isp.at[pl.ds(p * _S2 + cn * _CL2, _CL2)], bi, si)
        pltpu.async_copy(tsp.at[pl.ds(p * _S2 + cn * _CL2, _CL2)], bt, st)

    def wait_chunk(p, cn, buf):
        bi, bt, si, st = buf
        pltpu.make_async_copy(isp.at[pl.ds(p * _S2 + cn * _CL2, _CL2)], bi, si).wait()
        pltpu.make_async_copy(tsp.at[pl.ds(p * _S2 + cn * _CL2, _CL2)], bt, st).wait()

    def plane_loop(k, acc):
        p = wid * _PPW + k
        start_chunk(p, 0, bufs[0])
        pltpu.sync_copy(ifp.at[pl.ds(p * _J2, _J2)], tifb)
        pltpu.sync_copy(tfp.at[pl.ds(p * _J2, _J2)], ttfb)

        @plsc.parallel_loop(0, _J2 // _LN, unroll=8)
        def tbl_iter(t):
            s = pl.ds(t * _LN, _LN)
            fgb[s] = tifb[s] - ttfb[s]

        for cn in range(_NCHUNK):
            bi, bt = bufs[cn % 2][0], bufs[cn % 2][1]
            wait_chunk(p, cn, bufs[cn % 2])
            if cn + 1 < _NCHUNK:
                start_chunk(p, cn + 1, bufs[(cn + 1) % 2])

            def hot(t, a, bi=bi, bt=bt, cn=cn):
                g = cn * _GPC + t
                offx = (g // 512) * (2 * _SL // _NB) + ((g % 512) // 8) * 256 \
                    + (g % 8) * _LN
                v0 = xib[pl.ds(offx, _LN)]
                v1 = xib[pl.ds(offx + 128, _LN)]
                k0 = ksb[pl.ds(offx, _LN)]
                k1 = ksb[pl.ds(offx + 128, _LN)]
                m = jnp.where((k0 == 0) & (k1 == 0), 1.0, 0.0)
                i0 = v0 + ((v0 >> 7) << 7)
                i1 = v1 + ((v1 >> 7) << 7)
                f0r = plsc.load_gather(fgb, [i0])
                f0i = plsc.load_gather(fgb, [i0 + 128])
                f1r = plsc.load_gather(fgb, [i1])
                f1i = plsc.load_gather(fgb, [i1 + 128])
                g0r = plsc.load_gather(ttfb, [i0])
                g0i = plsc.load_gather(ttfb, [i0 + 128])
                g1r = plsc.load_gather(ttfb, [i1])
                g1i = plsc.load_gather(ttfb, [i1 + 128])
                er = f0r * g1r + f0i * g1i - g0r * f1r - g0i * f1i
                ei = f0i * g1r - f0r * g1i + g0r * f1i - g0i * f1r
                offs = (t // 8) * 256 + (t % 8) * _LN
                sr = bi[pl.ds(offs, _LN)] - bt[pl.ds(offs, _LN)]
                si = bi[pl.ds(offs + 128, _LN)] - bt[pl.ds(offs + 128, _LN)]
                dr = sr - m * er
                di = si - m * ei
                return a + dr * dr + di * di

            acc = plsc.parallel_loop(0, _GPC, unroll=4, carry=acc)(hot)
        return acc

    accH[...] = lax.fori_loop(0, _PPW, plane_loop, zero)
    pltpu.sync_copy(accH, harm_out.at[wid])


_sc_call = functools.partial(
    pl.kernel,
    compiler_params=pltpu.CompilerParams(needs_layout_passes=False),
    out_type=(
        jax.ShapeDtypeStruct((_NW, _LN), jnp.float32),
        jax.ShapeDtypeStruct((_NW, _LN), jnp.float32),
    ),
    mesh=plsc.VectorSubcoreMesh(
        core_axis_name="c", subcore_axis_name="s",
        num_cores=_NC, num_subcores=_NS,
    ),
    scratch_types=[
        pltpu.VMEM((_J2,), jnp.float32),
        pltpu.VMEM((_J2,), jnp.float32),
        pltpu.VMEM((_J2,), jnp.float32),
        pltpu.VMEM((_CL2,), jnp.float32),
        pltpu.VMEM((_CL2,), jnp.float32),
        pltpu.VMEM((_CL2,), jnp.float32),
        pltpu.VMEM((_CL2,), jnp.float32),
        pltpu.VMEM((2 * _SL,), jnp.int32),
        pltpu.VMEM((2 * _SL,), jnp.int32),
        pltpu.VMEM((_LN,), jnp.float32),
        pltpu.VMEM((_LN,), jnp.float32),
        pltpu.SemaphoreType.DMA,
        pltpu.SemaphoreType.DMA,
        pltpu.SemaphoreType.DMA,
        pltpu.SemaphoreType.DMA,
    ],
)(_sc_body)


def _flat_cplx(x):
    n = x.shape[2]
    return x.reshape(_B, _C, n // 128, 128, 2).transpose(0, 1, 2, 4, 3).reshape(-1)


def kernel(i_f_scat, i_f_phe, i_s_scat, i_s_phe,
           t_f_scat, t_f_phe, t_s_scat, t_s_phe, xi_idx, ks):
    ifp = _flat_cplx(i_f_phe)
    tfp = _flat_cplx(t_f_phe)
    isp = _flat_cplx(i_s_phe)
    tsp = _flat_cplx(t_s_phe)
    ifs = _flat_cplx(i_f_scat)
    tfs = _flat_cplx(t_f_scat)
    iss = i_s_scat.reshape(_B, _C, _MS // 128, 128).transpose(0, 2, 1, 3).reshape(-1)
    tss = t_s_scat.reshape(_B, _C, _MS // 128, 128).transpose(0, 2, 1, 3).reshape(-1)
    xia = xi_idx.astype(jnp.int32).reshape(_NB, _L // 128, 128, 2) \
        .transpose(0, 1, 3, 2).reshape(-1)
    ksa = ks.astype(jnp.int32).reshape(_NB, _L // 128, 128, 2) \
        .transpose(0, 1, 3, 2).reshape(-1)

    harm, scat = _sc_call(ifp, tfp, isp, tsp, xia, ksa, ifs, tfs, iss, tss)
    loss_scat = jnp.sum(scat) / (_B * _C)
    loss_harm = jnp.sum(harm) / (_B * _C * _SL)
    return (loss_scat, loss_harm)

# --- scband reference (transcript-rebuilt; emitter-appended) ---
"""Pipeline reference for scband-mseloss-24386824307117 (READ-ONLY COPY).

The authoritative reference and input builder live on the scoring server;
editing this copy changes nothing except your own understanding.
"""

import jax, jax.numpy as jnp
import numpy as np

B, C = 64, 4
NF, MS = 1024, 4096
J = 1024
NB, L = 2, 8192
ALPHA = 0.5


def cplx_mul(a, b):
    ar, ai = a[..., 0], a[..., 1]
    br, bi = b[..., 0], b[..., 1]
    return jnp.stack([ar * br - ai * bi, ar * bi + ai * br], axis=-1)


def cplx_conj(a):
    return jnp.stack([a[..., 0], -a[..., 1]], axis=-1)


def mse_norm(x):
    sq_err = jnp.sum(x ** 2, axis=-1)
    return jnp.mean(sq_err.reshape(-1))


def setup_inputs(seed: int = 0) -> dict:
    key = jax.random.key(seed)
    ks_ = jax.random.split(key, 10)
    return {
        "i_f_scat": jax.random.normal(ks_[0], (B, C, NF, 2), jnp.float32),
        "i_f_phe": jax.random.normal(ks_[1], (B, C, J, 2), jnp.float32),
        "i_s_scat": jax.random.normal(ks_[2], (B, C, MS), jnp.float32),
        "i_s_phe": jax.random.normal(ks_[3], (B, C, NB * L, 2), jnp.float32),
        "t_f_scat": jax.random.normal(ks_[4], (B, C, NF, 2), jnp.float32),
        "t_f_phe": jax.random.normal(ks_[5], (B, C, J, 2), jnp.float32),
        "t_s_scat": jax.random.normal(ks_[6], (B, C, MS), jnp.float32),
        "t_s_phe": jax.random.normal(ks_[7], (B, C, NB * L, 2), jnp.float32),
        "xi_idx": jax.random.randint(ks_[8], (NB, L, 2), 0, J),
        "ks": jax.random.randint(ks_[9], (NB, L, 2), 0, 4),
    }


def compute_gap_scat(i_f, i_s, t_f, t_s):
    s_gap = t_s - i_s
    f_gap = t_f[..., 1] - i_f[..., 1] - 2 * t_f[..., 0] * (t_f[..., 0] - i_f[..., 0])
    return jnp.concatenate([f_gap, s_gap], axis=2)


def compute_gap_phe(i_f, i_s, t_f, t_s, xi_idx, ks):
    s_gap = i_s - t_s
    f_gap = i_f - t_f
    gaps = []
    start = 0
    for b in range(xi_idx.shape[0]):
        xi = xi_idx[b]
        kk = ks[b]
        f_gap0 = jnp.take(f_gap, xi[:, 0], axis=2)
        f_gap1 = jnp.take(f_gap, xi[:, 1], axis=2)
        t_f0 = jnp.take(t_f, xi[:, 0], axis=2)
        t_f1 = jnp.take(t_f, xi[:, 1], axis=2)
        idx_null0 = (kk[:, 0] > 0)[None, None, :, None]
        idx_null1 = (kk[:, 1] > 0)[None, None, :, None]
        f_gap0 = jnp.where(idx_null0, 0.0, f_gap0)
        f_gap1 = jnp.where(idx_null1, 0.0, f_gap1)
        t_f0 = jnp.where(idx_null0, 0.0, t_f0)
        t_f1 = jnp.where(idx_null1, 0.0, t_f1)
        err_fst0 = cplx_mul(f_gap0, cplx_conj(t_f1))
        err_fst1 = cplx_mul(t_f0, cplx_conj(-f_gap1))
        l = xi.shape[0]
        s_gap_l = s_gap[:, :, start:start + l]
        start += l
        gaps.append(s_gap_l - err_fst0 - err_fst1)
    return jnp.concatenate(gaps, axis=2)


def reference(i_f_scat, i_f_phe, i_s_scat, i_s_phe, t_f_scat, t_f_phe, t_s_scat, t_s_phe, xi_idx, ks):
    gap_scat = compute_gap_scat(i_f_scat, i_s_scat, t_f_scat, t_s_scat)
    gap_phe = compute_gap_phe(i_f_phe, i_s_phe, t_f_phe, t_s_phe, xi_idx, ks)
    loss_scat = mse_norm(gap_scat)
    loss_harm = mse_norm(gap_phe)
    return (loss_scat, loss_harm)


if False:  # reference __main__ guard neutralized (emitter)
    out = reference(**setup_inputs())
    print(out)

if __name__ == "__main__":
    import jax
    _d = setup_inputs()
    print(jax.jit(kernel)(*tuple(_d.values())))

</pallas_src>

<mosaic_0001>
#map = affine_map<(d0, d1) -> (0)>
#map1 = affine_map<(d0, d1) -> (0, 0)>
module attributes {stable_mosaic.version = 14 : i64} {
  func.func @_sc_body(%arg0: i32, %arg1: i32, %arg2: memref<524288xf32, #tpu.memory_space<hbm>>, %arg3: memref<524288xf32, #tpu.memory_space<hbm>>, %arg4: memref<8388608xf32, #tpu.memory_space<hbm>>, %arg5: memref<8388608xf32, #tpu.memory_space<hbm>>, %arg6: memref<32768xi32, #tpu.memory_space<hbm>>, %arg7: memref<32768xi32, #tpu.memory_space<hbm>>, %arg8: memref<524288xf32, #tpu.memory_space<hbm>>, %arg9: memref<524288xf32, #tpu.memory_space<hbm>>, %arg10: memref<1048576xf32, #tpu.memory_space<hbm>>, %arg11: memref<1048576xf32, #tpu.memory_space<hbm>>, %arg12: memref<32x16xf32, #tpu.memory_space<hbm>>, %arg13: memref<32x16xf32, #tpu.memory_space<hbm>>, %arg14: memref<2048xf32, #tpu.memory_space<vmem>>, %arg15: memref<2048xf32, #tpu.memory_space<vmem>>, %arg16: memref<2048xf32, #tpu.memory_space<vmem>>, %arg17: memref<4096xf32, #tpu.memory_space<vmem>>, %arg18: memref<4096xf32, #tpu.memory_space<vmem>>, %arg19: memref<4096xf32, #tpu.memory_space<vmem>>, %arg20: memref<4096xf32, #tpu.memory_space<vmem>>, %arg21: memref<32768xi32, #tpu.memory_space<vmem>>, %arg22: memref<32768xi32, #tpu.memory_space<vmem>>, %arg23: memref<16xf32, #tpu.memory_space<vmem>>, %arg24: memref<16xf32, #tpu.memory_space<vmem>>, %arg25: memref<!tpu.dma_semaphore, #tpu.memory_space<semaphore_mem>>, %arg26: memref<!tpu.dma_semaphore, #tpu.memory_space<semaphore_mem>>, %arg27: memref<!tpu.dma_semaphore, #tpu.memory_space<semaphore_mem>>, %arg28: memref<!tpu.dma_semaphore, #tpu.memory_space<semaphore_mem>>) attributes {dimension_semantics = [#tpu.dimension_semantics<core_parallel>, #tpu.dimension_semantics<subcore_parallel>], iteration_bounds = array<i64: 2, 16>, scalar_prefetch = 0 : i64, scratch_operands = 15 : i64, tpu.core_type = #tpu.core_type<sc_vector_subcore>, window_params = [{transform_indices = #map}, {transform_indices = #map}, {transform_indices = #map}, {transform_indices = #map}, {transform_indices = #map}, {transform_indices = #map}, {transform_indices = #map}, {transform_indices = #map}, {transform_indices = #map}, {transform_indices = #map}, {transform_indices = #map1}, {transform_indices = #map1}]} {
    %mul3A = arith.constant 2 : i32
    %mul3A_0 = arith.muli %arg1, %mul3A : i32
    %add3A = arith.addi %mul3A_0, %arg0 : i32
    %iota3A = tpu.iota {dimensions = array<i32: 0>} : vector<16xi32>
    %broadcast_in_dim3A = arith.constant 0.000000e+00 : f32
    %broadcast_in_dim3A_1 = vector.broadcast %broadcast_in_dim3A : f32 to vector<16xf32>
    %scan3A = arith.constant 0 : i32
    %scan3A_2 = arith.constant 8 : i32
    %scan3A_3 = arith.addi %scan3A, %scan3A_2 : i32
    %scan3A_4 = arith.constant 1 : i32
    %scan3A_5 = scf.for %scan3A_22 = %scan3A to %scan3A_3 step %scan3A_4 iter_args(%scan3A_23 = %broadcast_in_dim3A_1) -> (vector<16xf32>)  : i32 {
      %mul3A_24 = arith.constant 8 : i32
      %mul3A_25 = arith.muli %add3A, %mul3A_24 : i32
      %add3A_26 = arith.addi %mul3A_25, %scan3A_22 : i32
      %mul3A_27 = arith.constant 2048 : i32
      %mul3A_28 = arith.muli %add3A_26, %mul3A_27 : i32
      "tpu.region"() ({
        %run_scoped3A = tpu.sem_alloc : memref<!tpu.dma_semaphore, #tpu.memory_space<semaphore_mem>>
        %dma_start3A = arith.constant 0 : i32
        %dma_start3A_34 = tpu.memref_slice %arg17[%dma_start3A] : memref<4096xf32, #tpu.memory_space<vmem>> -> memref<2048xf32, #tpu.memory_space<vmem>>
        %dma_start3A_35 = tpu.memref_slice %arg8[%mul3A_28] : memref<524288xf32, #tpu.memory_space<hbm>> -> memref<2048xf32, #tpu.memory_space<hbm>>
        %dma_start3A_36 = arith.constant 0 : i32
        %dma_start3A_37 = tpu.memref_slice %arg17[%dma_start3A_36] : memref<4096xf32, #tpu.memory_space<vmem>> -> memref<2048xf32, #tpu.memory_space<vmem>>
        %dma_start3A_38 = tpu.memref_slice %arg8[%mul3A_28] : memref<524288xf32, #tpu.memory_space<hbm>> -> memref<2048xf32, #tpu.memory_space<hbm>>
        tpu.enqueue_dma source(%dma_start3A_38 : memref<2048xf32, #tpu.memory_space<hbm>>) target(%dma_start3A_37 : memref<2048xf32, #tpu.memory_space<vmem>>) target_semaphore(%run_scoped3A : memref<!tpu.dma_semaphore, #tpu.memory_space<semaphore_mem>>)
        %dma_wait3A = arith.constant 0 : i32
        %dma_wait3A_39 = tpu.memref_slice %arg17[%dma_wait3A] : memref<4096xf32, #tpu.memory_space<vmem>> -> memref<2048xf32, #tpu.memory_space<vmem>>
        %dma_wait3A_40 = tpu.memref_slice %arg8[%mul3A_28] : memref<524288xf32, #tpu.memory_space<hbm>> -> memref<2048xf32, #tpu.memory_space<hbm>>
        %dma_wait3A_41 = arith.constant 0 : i32
        %dma_wait3A_42 = tpu.memref_slice %arg17[%dma_wait3A_41] : memref<4096xf32, #tpu.memory_space<vmem>> -> memref<2048xf32, #tpu.memory_space<vmem>>
        %dma_wait3A_43 = tpu.memref_slice %arg8[%mul3A_28] : memref<524288xf32, #tpu.memory_space<hbm>> -> memref<2048xf32, #tpu.memory_space<hbm>>
        tpu.wait_dma2 semaphore(%run_scoped3A : memref<!tpu.dma_semaphore, #tpu.memory_space<semaphore_mem>>) src(%dma_wait3A_43 : memref<2048xf32, #tpu.memory_space<hbm>>) dst(%dma_wait3A_42 : memref<2048xf32, #tpu.memory_space<vmem>>)
        tpu.yield
      }) : () -> ()
      %mul3A_29 = arith.constant 2048 : i32
      %mul3A_30 = arith.muli %add3A_26, %mul3A_29 : i32
      "tpu.region"() ({
        %run_scoped3A = tpu.sem_alloc : memref<!tpu.dma_semaphore, #tpu.memory_space<semaphore_mem>>
        %dma_start3A = arith.constant 0 : i32
        %dma_start3A_34 = tpu.memref_slice %arg18[%dma_start3A] : memref<4096xf32, #tpu.memory_space<vmem>> -> memref<2048xf32, #tpu.memory_space<vmem>>
        %dma_start3A_35 = tpu.memref_slice %arg9[%mul3A_30] : memref<524288xf32, #tpu.memory_space<hbm>> -> memref<2048xf32, #tpu.memory_space<hbm>>
        %dma_start3A_36 = arith.constant 0 : i32
        %dma_start3A_37 = tpu.memref_slice %arg18[%dma_start3A_36] : memref<4096xf32, #tpu.memory_space<vmem>> -> memref<2048xf32, #tpu.memory_space<vmem>>
        %dma_start3A_38 = tpu.memref_slice %arg9[%mul3A_30] : memref<524288xf32, #tpu.memory_space<hbm>> -> memref<2048xf32, #tpu.memory_space<hbm>>
        tpu.enqueue_dma source(%dma_start3A_38 : memref<2048xf32, #tpu.memory_space<hbm>>) target(%dma_start3A_37 : memref<2048xf32, #tpu.memory_space<vmem>>) target_semaphore(%run_scoped3A : memref<!tpu.dma_semaphore, #tpu.memory_space<semaphore_mem>>)
        %dma_wait3A = arith.constant 0 : i32
        %dma_wait3A_39 = tpu.memref_slice %arg18[%dma_wait3A] : memref<4096xf32, #tpu.memory_space<vmem>> -> memref<2048xf32, #tpu.memory_space<vmem>>
        %dma_wait3A_40 = tpu.memref_slice %arg9[%mul3A_30] : memref<524288xf32, #tpu.memory_space<hbm>> -> memref<2048xf32, #tpu.memory_space<hbm>>
        %dma_wait3A_41 = arith.constant 0 : i32
        %dma_wait3A_42 = tpu.memref_slice %arg18[%dma_wait3A_41] : memref<4096xf32, #tpu.memory_space<vmem>> -> memref<2048xf32, #tpu.memory_space<vmem>>
        %dma_wait3A_43 = tpu.memref_slice %arg9[%mul3A_30] : memref<524288xf32, #tpu.memory_space<hbm>> -> memref<2048xf32, #tpu.memory_space<hbm>>
        tpu.wait_dma2 semaphore(%run_scoped3A : memref<!tpu.dma_semaphore, #tpu.memory_space<semaphore_mem>>) src(%dma_wait3A_43 : memref<2048xf32, #tpu.memory_space<hbm>>) dst(%dma_wait3A_42 : memref<2048xf32, #tpu.memory_space<vmem>>)
        tpu.yield
      }) : () -> ()
      %parallel_loop3A = arith.constant 0 : i32
      %parallel_loop3A_31 = arith.constant 64 : i32
      %parallel_loop3A_32 = arith.constant 1 : i32
      %parallel_loop3A_33 = scf.for %parallel_loop3A_34 = %parallel_loop3A to %parallel_loop3A_31 step %parallel_loop3A_32 iter_args(%parallel_loop3A_35 = %scan3A_23) -> (vector<16xf32>)  : i32 {
        %parallel_loop3A_36 = arith.constant 8 : i32
        %parallel_loop3A_37 = arith.divsi %parallel_loop3A_34, %parallel_loop3A_36 : i32
        %parallel_loop3A_38 = arith.constant 0 : i32
        %parallel_loop3A_39 = arith.cmpi sgt, %parallel_loop3A_34, %parallel_loop3A_38 : i32
        %parallel_loop3A_40 = arith.extui %parallel_loop3A_39 : i1 to i32
        %parallel_loop3A_41 = arith.constant 0 : i32
        %parallel_loop3A_42 = arith.cmpi slt, %parallel_loop3A_34, %parallel_loop3A_41 : i32
        %parallel_loop3A_43 = arith.extui %parallel_loop3A_42 : i1 to i32
        %parallel_loop3A_44 = arith.subi %parallel_loop3A_40, %parallel_loop3A_43 : i32
        %parallel_loop3A_45 = arith.constant 0 : i32
        %parallel_loop3A_46 = arith.cmpi sgt, %parallel_loop3A_36, %parallel_loop3A_45 : i32
        %parallel_loop3A_47 = arith.extui %parallel_loop3A_46 : i1 to i32
        %parallel_loop3A_48 = arith.constant 0 : i32
        %parallel_loop3A_49 = arith.cmpi slt, %parallel_loop3A_36, %parallel_loop3A_48 : i32
        %parallel_loop3A_50 = arith.extui %parallel_loop3A_49 : i1 to i32
        %parallel_loop3A_51 = arith.subi %parallel_loop3A_47, %parallel_loop3A_50 : i32
        %parallel_loop3A_52 = arith.cmpi ne, %parallel_loop3A_44, %parallel_loop3A_51 : i32
        %parallel_loop3A_53 = arith.remsi %parallel_loop3A_34, %parallel_loop3A_36 : i32
        %parallel_loop3A_54 = arith.constant 0 : i32
        %parallel_loop3A_55 = arith.cmpi ne, %parallel_loop3A_53, %parallel_loop3A_54 : i32
        %parallel_loop3A_56 = arith.andi %parallel_loop3A_52, %parallel_loop3A_55 : i1
        %parallel_loop3A_57 = arith.constant 1 : i32
        %parallel_loop3A_58 = arith.subi %parallel_loop3A_37, %parallel_loop3A_57 : i32
        %parallel_loop3A_59 = arith.select %parallel_loop3A_56, %parallel_loop3A_58, %parallel_loop3A_37 : i32
        %parallel_loop3A_60 = arith.constant 256 : i32
        %parallel_loop3A_61 = arith.muli %parallel_loop3A_59, %parallel_loop3A_60 : i32
        %parallel_loop3A_62 = arith.constant 8 : i32
        %parallel_loop3A_63 = arith.constant 0 : i32
        %parallel_loop3A_64 = arith.cmpi eq, %parallel_loop3A_62, %parallel_loop3A_63 : i32
        %parallel_loop3A_65 = arith.constant 1 : i32
        %parallel_loop3A_66 = arith.select %parallel_loop3A_64, %parallel_loop3A_65, %parallel_loop3A_62 : i32
        %parallel_loop3A_67 = arith.remsi %parallel_loop3A_34, %parallel_loop3A_66 : i32
        %parallel_loop3A_68 = arith.constant 0 : i32
        %parallel_loop3A_69 = arith.cmpi ne, %parallel_loop3A_67, %parallel_loop3A_68 : i32
        %parallel_loop3A_70 = arith.constant 0 : i32
        %parallel_loop3A_71 = arith.cmpi slt, %parallel_loop3A_67, %parallel_loop3A_70 : i32
        %parallel_loop3A_72 = arith.constant 0 : i32
        %parallel_loop3A_73 = arith.cmpi slt, %parallel_loop3A_66, %parallel_loop3A_72 : i32
        %parallel_loop3A_74 = arith.xori %parallel_loop3A_71, %parallel_loop3A_73 : i1
        %parallel_loop3A_75 = arith.andi %parallel_loop3A_74, %parallel_loop3A_69 : i1
        %parallel_loop3A_76 = arith.addi %parallel_loop3A_67, %parallel_loop3A_66 : i32
        %parallel_loop3A_77 = arith.select %parallel_loop3A_75, %parallel_loop3A_76, %parallel_loop3A_67 : i32
        %parallel_loop3A_78 = arith.constant 16 : i32
        %parallel_loop3A_79 = arith.muli %parallel_loop3A_77, %parallel_loop3A_78 : i32
        %parallel_loop3A_80 = arith.addi %parallel_loop3A_61, %parallel_loop3A_79 : i32
        %parallel_loop3A_81 = arith.index_cast %parallel_loop3A_80 : i32 to index
        %parallel_loop3A_82 = tpu.vector_load %arg18[%parallel_loop3A_81] {strides = array<i32>} : memref<4096xf32, #tpu.memory_space<vmem>>, vector<16xf32>,
        %parallel_loop3A_83 = arith.constant 128 : i32
        %parallel_loop3A_84 = arith.addi %parallel_loop3A_80, %parallel_loop3A_83 : i32
        %parallel_loop3A_85 = arith.index_cast %parallel_loop3A_84 : i32 to index
        %parallel_loop3A_86 = tpu.vector_load %arg18[%parallel_loop3A_85] {strides = array<i32>} : memref<4096xf32, #tpu.memory_space<vmem>>, vector<16xf32>,
        %parallel_loop3A_87 = arith.index_cast %parallel_loop3A_80 : i32 to index
        %parallel_loop3A_88 = tpu.vector_load %arg17[%parallel_loop3A_87] {strides = array<i32>} : memref<4096xf32, #tpu.memory_space<vmem>>, vector<16xf32>,
        %parallel_loop3A_89 = arith.constant 128 : i32
        %parallel_loop3A_90 = arith.addi %parallel_loop3A_80, %parallel_loop3A_89 : i32
        %parallel_loop3A_91 = arith.index_cast %parallel_loop3A_90 : i32 to index
        %parallel_loop3A_92 = tpu.vector_load %arg17[%parallel_loop3A_91] {strides = array<i32>} : memref<4096xf32, #tpu.memory_space<vmem>>, vector<16xf32>,
        %parallel_loop3A_93 = arith.subf %parallel_loop3A_86, %parallel_loop3A_92 : vector<16xf32>
        %parallel_loop3A_94 = arith.constant 2.000000e+00 : f32
        %parallel_loop3A_95 = vector.broadcast %parallel_loop3A_94 : f32 to vector<16xf32>
        %parallel_loop3A_96 = arith.mulf %parallel_loop3A_95, %parallel_loop3A_82 : vector<16xf32>
        %parallel_loop3A_97 = arith.subf %parallel_loop3A_82, %parallel_loop3A_88 : vector<16xf32>
        %parallel_loop3A_98 = arith.mulf %parallel_loop3A_96, %parallel_loop3A_97 : vector<16xf32>
        %parallel_loop3A_99 = arith.subf %parallel_loop3A_93, %parallel_loop3A_98 : vector<16xf32>
        %parallel_loop3A_100 = arith.mulf %parallel_loop3A_99, %parallel_loop3A_99 : vector<16xf32>
        %parallel_loop3A_101 = arith.addf %parallel_loop3A_35, %parallel_loop3A_100 : vector<16xf32>
        scf.yield %parallel_loop3A_101 : vector<16xf32>
      } {sc.loop_unroll_factor = 4 : i64, sc.parallel_access}
      scf.yield %parallel_loop3A_33 : vector<16xf32>
    }
    %scan3A_6 = arith.constant 8 : i32
    %scan3A_7 = arith.constant 0 : i32
    %scan3A_8 = arith.constant 2 : i32
    %scan3A_9 = arith.addi %scan3A_7, %scan3A_8 : i32
    %scan3A_10 = arith.constant 1 : i32
    %scan3A_11 = scf.for %scan3A_22 = %scan3A_7 to %scan3A_9 step %scan3A_10 iter_args(%scan3A_23 = %scan3A_5) -> (vector<16xf32>)  : i32 {
      %mul3A_24 = arith.constant 2 : i32
      %mul3A_25 = arith.muli %add3A, %mul3A_24 : i32
      %add3A_26 = arith.addi %mul3A_25, %scan3A_22 : i32
      %scan3A_27 = arith.constant 0 : i32
      %scan3A_28 = arith.constant 4 : i32
      %scan3A_29 = arith.addi %scan3A_27, %scan3A_28 : i32
      %scan3A_30 = arith.constant 1 : i32
      %scan3A_31 = scf.for %scan3A_33 = %scan3A_27 to %scan3A_29 step %scan3A_30 iter_args(%scan3A_34 = %scan3A_23) -> (vector<16xf32>)  : i32 {
        %mul3A_35 = arith.constant 16384 : i32
        %mul3A_36 = arith.muli %add3A_26, %mul3A_35 : i32
        %mul3A_37 = arith.constant 4096 : i32
        %mul3A_38 = arith.muli %scan3A_33, %mul3A_37 : i32
        %add3A_39 = arith.addi %mul3A_36, %mul3A_38 : i32
        "tpu.region"() ({
          %run_scoped3A = tpu.sem_alloc : memref<!tpu.dma_semaphore, #tpu.memory_space<semaphore_mem>>
          %dma_start3A = tpu.memref_slice %arg10[%add3A_39] : memref<1048576xf32, #tpu.memory_space<hbm>> -> memref<4096xf32, #tpu.memory_space<hbm>>
          %dma_start3A_43 = tpu.memref_slice %arg10[%add3A_39] : memref<1048576xf32, #tpu.memory_space<hbm>> -> memref<4096xf32, #tpu.memory_space<hbm>>
          tpu.enqueue_dma source(%dma_start3A_43 : memref<4096xf32, #tpu.memory_space<hbm>>) target(%arg17 : memref<4096xf32, #tpu.memory_space<vmem>>) target_semaphore(%run_scoped3A : memref<!tpu.dma_semaphore, #tpu.memory_space<semaphore_mem>>)
          %dma_wait3A = tpu.memref_slice %arg10[%add3A_39] : memref<1048576xf32, #tpu.memory_space<hbm>> -> memref<4096xf32, #tpu.memory_space<hbm>>
          %dma_wait3A_44 = tpu.memref_slice %arg10[%add3A_39] : memref<1048576xf32, #tpu.memory_space<hbm>> -> memref<4096xf32, #tpu.memory_space<hbm>>
          tpu.wait_dma2 semaphore(%run_scoped3A : memref<!tpu.dma_semaphore, #tpu.memory_space<semaphore_mem>>) src(%dma_wait3A_44 : memref<4096xf32, #tpu.memory_space<hbm>>) dst(%arg17 : memref<4096xf32, #tpu.memory_space<vmem>>)
          tpu.yield
        }) : () -> ()
        "tpu.region"() ({
          %run_scoped3A = tpu.sem_alloc : memref<!tpu.dma_semaphore, #tpu.memory_space<semaphore_mem>>
          %dma_start3A = tpu.memref_slice %arg11[%add3A_39] : memref<1048576xf32, #tpu.memory_space<hbm>> -> memref<4096xf32, #tpu.memory_space<hbm>>
          %dma_start3A_43 = tpu.memref_slice %arg11[%add3A_39] : memref<1048576xf32, #tpu.memory_space<hbm>> -> memref<4096xf32, #tpu.memory_space<hbm>>
          tpu.enqueue_dma source(%dma_start3A_43 : memref<4096xf32, #tpu.memory_space<hbm>>) target(%arg18 : memref<4096xf32, #tpu.memory_space<vmem>>) target_semaphore(%run_scoped3A : memref<!tpu.dma_semaphore, #tpu.memory_space<semaphore_mem>>)
          %dma_wait3A = tpu.memref_slice %arg11[%add3A_39] : memref<1048576xf32, #tpu.memory_space<hbm>> -> memref<4096xf32, #tpu.memory_space<hbm>>
          %dma_wait3A_44 = tpu.memref_slice %arg11[%add3A_39] : memref<1048576xf32, #tpu.memory_space<hbm>> -> memref<4096xf32, #tpu.memory_space<hbm>>
          tpu.wait_dma2 semaphore(%run_scoped3A : memref<!tpu.dma_semaphore, #tpu.memory_space<semaphore_mem>>) src(%dma_wait3A_44 : memref<4096xf32, #tpu.memory_space<hbm>>) dst(%arg18 : memref<4096xf32, #tpu.memory_space<vmem>>)
          tpu.yield
        }) : () -> ()
        %parallel_loop3A = arith.constant 0 : i32
        %parallel_loop3A_40 = arith.constant 256 : i32
        %parallel_loop3A_41 = arith.constant 1 : i32
        %parallel_loop3A_42 = scf.for %parallel_loop3A_43 = %parallel_loop3A to %parallel_loop3A_40 step %parallel_loop3A_41 iter_args(%parallel_loop3A_44 = %scan3A_34) -> (vector<16xf32>)  : i32 {
          %parallel_loop3A_45 = arith.constant 16 : i32
          %parallel_loop3A_46 = arith.muli %parallel_loop3A_43, %parallel_loop3A_45 : i32
          %parallel_loop3A_47 = arith.index_cast %parallel_loop3A_46 : i32 to index
          %parallel_loop3A_48 = tpu.vector_load %arg18[%parallel_loop3A_47] {strides = array<i32>} : memref<4096xf32, #tpu.memory_space<vmem>>, vector<16xf32>,
          %parallel_loop3A_49 = arith.index_cast %parallel_loop3A_46 : i32 to index
          %parallel_loop3A_50 = tpu.vector_load %arg17[%parallel_loop3A_49] {strides = array<i32>} : memref<4096xf32, #tpu.memory_space<vmem>>, vector<16xf32>,
          %parallel_loop3A_51 = arith.subf %parallel_loop3A_48, %parallel_loop3A_50 : vector<16xf32>
          %parallel_loop3A_52 = arith.mulf %parallel_loop3A_51, %parallel_loop3A_51 : vector<16xf32>
          %parallel_loop3A_53 = arith.addf %parallel_loop3A_44, %parallel_loop3A_52 : vector<16xf32>
          scf.yield %parallel_loop3A_53 : vector<16xf32>
        } {sc.loop_unroll_factor = 8 : i64, sc.parallel_access}
        scf.yield %parallel_loop3A_42 : vector<16xf32>
      }
      %scan3A_32 = arith.constant 4 : i32
      scf.yield %scan3A_31 : vector<16xf32>
    }
    %scan3A_12 = arith.constant 2 : i32
    %swap3A = arith.constant 0 : index
    %swap3A_13 = tpu.vector_load %arg24[%swap3A] {strides = array<i32>} : memref<16xf32, #tpu.memory_space<vmem>>, vector<16xf32>,
    tpu.vector_store %arg24[%swap3A], %scan3A_11 {strides = array<i32>} : memref<16xf32, #tpu.memory_space<vmem>>, vector<16xf32>,
    "tpu.region"() ({
      %run_scoped3A = tpu.sem_alloc : memref<!tpu.dma_semaphore, #tpu.memory_space<semaphore_mem>>
      %dma_start3A = arith.constant 0 : i32
      %dma_start3A_22 = tpu.memref_slice %arg13[%add3A, %dma_start3A] : memref<32x16xf32, #tpu.memory_space<hbm>> -> memref<1x16xf32, #tpu.memory_space<hbm>>
      %dma_start3A_23 = tpu.memref_squeeze %dma_start3A_22 : memref<1x16xf32, #tpu.memory_space<hbm>> -> memref<16xf32, #tpu.memory_space<hbm>>
      %dma_start3A_24 = arith.constant 0 : i32
      %dma_start3A_25 = tpu.memref_slice %arg13[%add3A, %dma_start3A_24] : memref<32x16xf32, #tpu.memory_space<hbm>> -> memref<1x16xf32, #tpu.memory_space<hbm>>
      %dma_start3A_26 = tpu.memref_squeeze %dma_start3A_25 : memref<1x16xf32, #tpu.memory_space<hbm>> -> memref<16xf32, #tpu.memory_space<hbm>>
      tpu.enqueue_dma source(%arg24 : memref<16xf32, #tpu.memory_space<vmem>>) target(%dma_start3A_26 : memref<16xf32, #tpu.memory_space<hbm>>) target_semaphore(%run_scoped3A : memref<!tpu.dma_semaphore, #tpu.memory_space<semaphore_mem>>)
      %dma_wait3A = arith.constant 0 : i32
      %dma_wait3A_27 = tpu.memref_slice %arg13[%add3A, %dma_wait3A] : memref<32x16xf32, #tpu.memory_space<hbm>> -> memref<1x16xf32, #tpu.memory_space<hbm>>
      %dma_wait3A_28 = tpu.memref_squeeze %dma_wait3A_27 : memref<1x16xf32, #tpu.memory_space<hbm>> -> memref<16xf32, #tpu.memory_space<hbm>>
      %dma_wait3A_29 = arith.constant 0 : i32
      %dma_wait3A_30 = tpu.memref_slice %arg13[%add3A, %dma_wait3A_29] : memref<32x16xf32, #tpu.memory_space<hbm>> -> memref<1x16xf32, #tpu.memory_space<hbm>>
      %dma_wait3A_31 = tpu.memref_squeeze %dma_wait3A_30 : memref<1x16xf32, #tpu.memory_space<hbm>> -> memref<16xf32, #tpu.memory_space<hbm>>
      tpu.wait_dma2 semaphore(%run_scoped3A : memref<!tpu.dma_semaphore, #tpu.memory_space<semaphore_mem>>) src(%arg24 : memref<16xf32, #tpu.memory_space<vmem>>) dst(%dma_wait3A_31 : memref<16xf32, #tpu.memory_space<hbm>>)
      tpu.yield
    }) : () -> ()
    "tpu.region"() ({
      %run_scoped3A = tpu.sem_alloc : memref<!tpu.dma_semaphore, #tpu.memory_space<semaphore_mem>>
      tpu.enqueue_dma source(%arg6 : memref<32768xi32, #tpu.memory_space<hbm>>) target(%arg21 : memref<32768xi32, #tpu.memory_space<vmem>>) target_semaphore(%run_scoped3A : memref<!tpu.dma_semaphore, #tpu.memory_space<semaphore_mem>>)
      tpu.wait_dma2 semaphore(%run_scoped3A : memref<!tpu.dma_semaphore, #tpu.memory_space<semaphore_mem>>) src(%arg6 : memref<32768xi32, #tpu.memory_space<hbm>>) dst(%arg21 : memref<32768xi32, #tpu.memory_space<vmem>>)
      tpu.yield
    }) : () -> ()
    "tpu.region"() ({
      %run_scoped3A = tpu.sem_alloc : memref<!tpu.dma_semaphore, #tpu.memory_space<semaphore_mem>>
      tpu.enqueue_dma source(%arg7 : memref<32768xi32, #tpu.memory_space<hbm>>) target(%arg22 : memref<32768xi32, #tpu.memory_space<vmem>>) target_semaphore(%run_scoped3A : memref<!tpu.dma_semaphore, #tpu.memory_space<semaphore_mem>>)
      tpu.wait_dma2 semaphore(%run_scoped3A : memref<!tpu.dma_semaphore, #tpu.memory_space<semaphore_mem>>) src(%arg7 : memref<32768xi32, #tpu.memory_space<hbm>>) dst(%arg22 : memref<32768xi32, #tpu.memory_space<vmem>>)
      tpu.yield
    }) : () -> ()
    %scan3A_14 = arith.constant 0 : i32
    %scan3A_15 = arith.constant 8 : i32
    %scan3A_16 = arith.addi %scan3A_14, %scan3A_15 : i32
    %scan3A_17 = arith.constant 1 : i32
    %scan3A_18 = scf.for %scan3A_22 = %scan3A_14 to %scan3A_16 step %scan3A_17 iter_args(%scan3A_23 = %broadcast_in_dim3A_1) -> (vector<16xf32>)  : i32 {
      %mul3A_24 = arith.constant 8 : i32
      %mul3A_25 = arith.muli %add3A, %mul3A_24 : i32
      %add3A_26 = arith.addi %mul3A_25, %scan3A_22 : i32
      %mul3A_27 = arith.constant 32768 : i32
      %mul3A_28 = arith.muli %add3A_26, %mul3A_27 : i32
      %add3A_29 = arith.constant 0 : i32
      %add3A_30 = arith.addi %mul3A_28, %add3A_29 : i32
      %dma_start3A = tpu.memref_slice %arg4[%add3A_30] : memref<8388608xf32, #tpu.memory_space<hbm>> -> memref<4096xf32, #tpu.memory_space<hbm>>
      %dma_start3A_31 = tpu.memref_slice %arg4[%add3A_30] : memref<8388608xf32, #tpu.memory_space<hbm>> -> memref<4096xf32, #tpu.memory_space<hbm>>
      tpu.enqueue_dma source(%dma_start3A_31 : memref<4096xf32, #tpu.memory_space<hbm>>) target(%arg17 : memref<4096xf32, #tpu.memory_space<vmem>>) target_semaphore(%arg25 : memref<!tpu.dma_semaphore, #tpu.memory_space<semaphore_mem>>)
      %mul3A_32 = arith.constant 32768 : i32
      %mul3A_33 = arith.muli %add3A_26, %mul3A_32 : i32
      %add3A_34 = arith.constant 0 : i32
      %add3A_35 = arith.addi %mul3A_33, %add3A_34 : i32
      %dma_start3A_36 = tpu.memref_slice %arg5[%add3A_35] : memref<8388608xf32, #tpu.memory_space<hbm>> -> memref<4096xf32, #tpu.memory_space<hbm>>
      %dma_start3A_37 = tpu.memref_slice %arg5[%add3A_35] : memref<8388608xf32, #tpu.memory_space<hbm>> -> memref<4096xf32, #tpu.memory_space<hbm>>
      tpu.enqueue_dma source(%dma_start3A_37 : memref<4096xf32, #tpu.memory_space<hbm>>) target(%arg18 : memref<4096xf32, #tpu.memory_space<vmem>>) target_semaphore(%arg26 : memref<!tpu.dma_semaphore, #tpu.memory_space<semaphore_mem>>)
      %mul3A_38 = arith.constant 2048 : i32
      %mul3A_39 = arith.muli %add3A_26, %mul3A_38 : i32
      "tpu.region"() ({
        %run_scoped3A = tpu.sem_alloc : memref<!tpu.dma_semaphore, #tpu.memory_space<semaphore_mem>>
        %dma_start3A_255 = tpu.memref_slice %arg2[%mul3A_39] : memref<524288xf32, #tpu.memory_space<hbm>> -> memref<2048xf32, #tpu.memory_space<hbm>>
        %dma_start3A_256 = tpu.memref_slice %arg2[%mul3A_39] : memref<524288xf32, #tpu.memory_space<hbm>> -> memref<2048xf32, #tpu.memory_space<hbm>>
        tpu.enqueue_dma source(%dma_start3A_256 : memref<2048xf32, #tpu.memory_space<hbm>>) target(%arg14 : memref<2048xf32, #tpu.memory_space<vmem>>) target_semaphore(%run_scoped3A : memref<!tpu.dma_semaphore, #tpu.memory_space<semaphore_mem>>)
        %dma_wait3A_257 = tpu.memref_slice %arg2[%mul3A_39] : memref<524288xf32, #tpu.memory_space<hbm>> -> memref<2048xf32, #tpu.memory_space<hbm>>
        %dma_wait3A_258 = tpu.memref_slice %arg2[%mul3A_39] : memref<524288xf32, #tpu.memory_space<hbm>> -> memref<2048xf32, #tpu.memory_space<hbm>>
        tpu.wait_dma2 semaphore(%run_scoped3A : memref<!tpu.dma_semaphore, #tpu.memory_space<semaphore_mem>>) src(%dma_wait3A_258 : memref<2048xf32, #tpu.memory_space<hbm>>) dst(%arg14 : memref<2048xf32, #tpu.memory_space<vmem>>)
        tpu.yield
      }) : () -> ()
      %mul3A_40 = arith.constant 2048 : i32
      %mul3A_41 = arith.muli %add3A_26, %mul3A_40 : i32
      "tpu.region"() ({
        %run_scoped3A = tpu.sem_alloc : memref<!tpu.dma_semaphore, #tpu.memory_space<semaphore_mem>>
        %dma_start3A_255 = tpu.memref_slice %arg3[%mul3A_41] : memref<524288xf32, #tpu.memory_space<hbm>> -> memref<2048xf32, #tpu.memory_space<hbm>>
        %dma_start3A_256 = tpu.memref_slice %arg3[%mul3A_41] : memref<524288xf32, #tpu.memory_space<hbm>> -> memref<2048xf32, #tpu.memory_space<hbm>>
        tpu.enqueue_dma source(%dma_start3A_256 : memref<2048xf32, #tpu.memory_space<hbm>>) target(%arg15 : memref<2048xf32, #tpu.memory_space<vmem>>) target_semaphore(%run_scoped3A : memref<!tpu.dma_semaphore, #tpu.memory_space<semaphore_mem>>)
        %dma_wait3A_257 = tpu.memref_slice %arg3[%mul3A_41] : memref<524288xf32, #tpu.memory_space<hbm>> -> memref<2048xf32, #tpu.memory_space<hbm>>
        %dma_wait3A_258 = tpu.memref_slice %arg3[%mul3A_41] : memref<524288xf32, #tpu.memory_space<hbm>> -> memref<2048xf32, #tpu.memory_space<hbm>>
        tpu.wait_dma2 semaphore(%run_scoped3A : memref<!tpu.dma_semaphore, #tpu.memory_space<semaphore_mem>>) src(%dma_wait3A_258 : memref<2048xf32, #tpu.memory_space<hbm>>) dst(%arg15 : memref<2048xf32, #tpu.memory_space<vmem>>)
        tpu.yield
      }) : () -> ()
      %parallel_loop3A = arith.constant 0 : i32
      %parallel_loop3A_42 = arith.constant 128 : i32
      %parallel_loop3A_43 = arith.constant 1 : i32
      scf.for %parallel_loop3A_255 = %parallel_loop3A to %parallel_loop3A_42 step %parallel_loop3A_43  : i32 {
        %parallel_loop3A_256 = arith.constant 16 : i32
        %parallel_loop3A_257 = arith.muli %parallel_loop3A_255, %parallel_loop3A_256 : i32
        %parallel_loop3A_258 = arith.index_cast %parallel_loop3A_257 : i32 to index
        %parallel_loop3A_259 = tpu.vector_load %arg14[%parallel_loop3A_258] {strides = array<i32>} : memref<2048xf32, #tpu.memory_space<vmem>>, vector<16xf32>,
        %parallel_loop3A_260 = arith.index_cast %parallel_loop3A_257 : i32 to index
        %parallel_loop3A_261 = tpu.vector_load %arg15[%parallel_loop3A_260] {strides = array<i32>} : memref<2048xf32, #tpu.memory_space<vmem>>, vector<16xf32>,
        %parallel_loop3A_262 = arith.subf %parallel_loop3A_259, %parallel_loop3A_261 : vector<16xf32>
        %parallel_loop3A_263 = arith.index_cast %parallel_loop3A_257 : i32 to index
        %parallel_loop3A_264 = tpu.vector_load %arg16[%parallel_loop3A_263] {strides = array<i32>} : memref<2048xf32, #tpu.memory_space<vmem>>, vector<16xf32>,
        tpu.vector_store %arg16[%parallel_loop3A_263], %parallel_loop3A_262 {strides = array<i32>} : memref<2048xf32, #tpu.memory_space<vmem>>, vector<16xf32>,
      } {sc.loop_unroll_factor = 8 : i64, sc.parallel_access}
      %mul3A_44 = arith.constant 32768 : i32
      %mul3A_45 = arith.muli %add3A_26, %mul3A_44 : i32
      %add3A_46 = arith.constant 0 : i32
      %add3A_47 = arith.addi %mul3A_45, %add3A_46 : i32
      %dma_wait3A = tpu.memref_slice %arg4[%add3A_47] : memref<8388608xf32, #tpu.memory_space<hbm>> -> memref<4096xf32, #tpu.memory_space<hbm>>
      %dma_wait3A_48 = tpu.memref_slice %arg4[%add3A_47] : memref<8388608xf32, #tpu.memory_space<hbm>> -> memref<4096xf32, #tpu.memory_space<hbm>>
      tpu.wait_dma2 semaphore(%arg25 : memref<!tpu.dma_semaphore, #tpu.memory_space<semaphore_mem>>) src(%dma_wait3A_48 : memref<4096xf32, #tpu.memory_space<hbm>>) dst(%arg17 : memref<4096xf32, #tpu.memory_space<vmem>>)
      %mul3A_49 = arith.constant 32768 : i32
      %mul3A_50 = arith.muli %add3A_26, %mul3A_49 : i32
      %add3A_51 = arith.constant 0 : i32
      %add3A_52 = arith.addi %mul3A_50, %add3A_51 : i32
      %dma_wait3A_53 = tpu.memref_slice %arg5[%add3A_52] : memref<8388608xf32, #tpu.memory_space<hbm>> -> memref<4096xf32, #tpu.memory_space<hbm>>
      %dma_wait3A_54 = tpu.memref_slice %arg5[%add3A_52] : memref<8388608xf32, #tpu.memory_space<hbm>> -> memref<4096xf32, #tpu.memory_space<hbm>>
      tpu.wait_dma2 semaphore(%arg26 : memref<!tpu.dma_semaphore, #tpu.memory_space<semaphore_mem>>) src(%dma_wait3A_54 : memref<4096xf32, #tpu.memory_space<hbm>>) dst(%arg18 : memref<4096xf32, #tpu.memory_space<vmem>>)
      %mul3A_55 = arith.constant 32768 : i32
      %mul3A_56 = arith.muli %add3A_26, %mul3A_55 : i32
      %add3A_57 = arith.constant 4096 : i32
      %add3A_58 = arith.addi %mul3A_56, %add3A_57 : i32
      %dma_start3A_59 = tpu.memref_slice %arg4[%add3A_58] : memref<8388608xf32, #tpu.memory_space<hbm>> -> memref<4096xf32, #tpu.memory_space<hbm>>
      %dma_start3A_60 = tpu.memref_slice %arg4[%add3A_58] : memref<8388608xf32, #tpu.memory_space<hbm>> -> memref<4096xf32, #tpu.memory_space<hbm>>
      tpu.enqueue_dma source(%dma_start3A_60 : memref<4096xf32, #tpu.memory_space<hbm>>) target(%arg19 : memref<4096xf32, #tpu.memory_space<vmem>>) target_semaphore(%arg27 : memref<!tpu.dma_semaphore, #tpu.memory_space<semaphore_mem>>)
      %mul3A_61 = arith.constant 32768 : i32
      %mul3A_62 = arith.muli %add3A_26, %mul3A_61 : i32
      %add3A_63 = arith.constant 4096 : i32
      %add3A_64 = arith.addi %mul3A_62, %add3A_63 : i32
      %dma_start3A_65 = tpu.memref_slice %arg5[%add3A_64] : memref<8388608xf32, #tpu.memory_space<hbm>> -> memref<4096xf32, #tpu.memory_space<hbm>>
      %dma_start3A_66 = tpu.memref_slice %arg5[%add3A_64] : memref<8388608xf32, #tpu.memory_space<hbm>> -> memref<4096xf32, #tpu.memory_space<hbm>>
      tpu.enqueue_dma source(%dma_start3A_66 : memref<4096xf32, #tpu.memory_space<hbm>>) target(%arg20 : memref<4096xf32, #tpu.memory_space<vmem>>) target_semaphore(%arg28 : memref<!tpu.dma_semaphore, #tpu.memory_space<semaphore_mem>>)
      %parallel_loop3A_67 = arith.constant 0 : i32
      %parallel_loop3A_68 = arith.constant 128 : i32
      %parallel_loop3A_69 = arith.constant 1 : i32
      %parallel_loop3A_70 = scf.for %parallel_loop3A_255 = %parallel_loop3A_67 to %parallel_loop3A_68 step %parallel_loop3A_69 iter_args(%parallel_loop3A_256 = %scan3A_23) -> (vector<16xf32>)  : i32 {
        %parallel_loop3A_257 = arith.constant 0 : i32
        %parallel_loop3A_258 = arith.addi %parallel_loop3A_257, %parallel_loop3A_255 : i32
        %parallel_loop3A_259 = arith.constant 512 : i32
        %parallel_loop3A_260 = arith.divsi %parallel_loop3A_258, %parallel_loop3A_259 : i32
        %parallel_loop3A_261 = arith.constant 0 : i32
        %parallel_loop3A_262 = arith.cmpi sgt, %parallel_loop3A_258, %parallel_loop3A_261 : i32
        %parallel_loop3A_263 = arith.extui %parallel_loop3A_262 : i1 to i32
        %parallel_loop3A_264 = arith.constant 0 : i32
        %parallel_loop3A_265 = arith.cmpi slt, %parallel_loop3A_258, %parallel_loop3A_264 : i32
        %parallel_loop3A_266 = arith.extui %parallel_loop3A_265 : i1 to i32
        %parallel_loop3A_267 = arith.subi %parallel_loop3A_263, %parallel_loop3A_266 : i32
        %parallel_loop3A_268 = arith.constant 0 : i32
        %parallel_loop3A_269 = arith.cmpi sgt, %parallel_loop3A_259, %parallel_loop3A_268 : i32
        %parallel_loop3A_270 = arith.extui %parallel_loop3A_269 : i1 to i32
        %parallel_loop3A_271 = arith.constant 0 : i32
        %parallel_loop3A_272 = arith.cmpi slt, %parallel_loop3A_259, %parallel_loop3A_271 : i32
        %parallel_loop3A_273 = arith.extui %parallel_loop3A_272 : i1 to i32
        %parallel_loop3A_274 = arith.subi %parallel_loop3A_270, %parallel_loop3A_273 : i32
        %parallel_loop3A_275 = arith.cmpi ne, %parallel_loop3A_267, %parallel_loop3A_274 : i32
        %parallel_loop3A_276 = arith.remsi %parallel_loop3A_258, %parallel_loop3A_259 : i32
        %parallel_loop3A_277 = arith.constant 0 : i32
        %parallel_loop3A_278 = arith.cmpi ne, %parallel_loop3A_276, %parallel_loop3A_277 : i32
        %parallel_loop3A_279 = arith.andi %parallel_loop3A_275, %parallel_loop3A_278 : i1
        %parallel_loop3A_280 = arith.constant 1 : i32
        %parallel_loop3A_281 = arith.subi %parallel_loop3A_260, %parallel_loop3A_280 : i32
        %parallel_loop3A_282 = arith.select %parallel_loop3A_279, %parallel_loop3A_281, %parallel_loop3A_260 : i32
        %parallel_loop3A_283 = arith.constant 16384 : i32
        %parallel_loop3A_284 = arith.muli %parallel_loop3A_282, %parallel_loop3A_283 : i32
        %parallel_loop3A_285 = arith.constant 512 : i32
        %parallel_loop3A_286 = arith.constant 0 : i32
        %parallel_loop3A_287 = arith.cmpi eq, %parallel_loop3A_285, %parallel_loop3A_286 : i32
        %parallel_loop3A_288 = arith.constant 1 : i32
        %parallel_loop3A_289 = arith.select %parallel_loop3A_287, %parallel_loop3A_288, %parallel_loop3A_285 : i32
        %parallel_loop3A_290 = arith.remsi %parallel_loop3A_258, %parallel_loop3A_289 : i32
        %parallel_loop3A_291 = arith.constant 0 : i32
        %parallel_loop3A_292 = arith.cmpi ne, %parallel_loop3A_290, %parallel_loop3A_291 : i32
        %parallel_loop3A_293 = arith.constant 0 : i32
        %parallel_loop3A_294 = arith.cmpi slt, %parallel_loop3A_290, %parallel_loop3A_293 : i32
        %parallel_loop3A_295 = arith.constant 0 : i32
        %parallel_loop3A_296 = arith.cmpi slt, %parallel_loop3A_289, %parallel_loop3A_295 : i32
        %parallel_loop3A_297 = arith.xori %parallel_loop3A_294, %parallel_loop3A_296 : i1
        %parallel_loop3A_298 = arith.andi %parallel_loop3A_297, %parallel_loop3A_292 : i1
        %parallel_loop3A_299 = arith.addi %parallel_loop3A_290, %parallel_loop3A_289 : i32
        %parallel_loop3A_300 = arith.select %parallel_loop3A_298, %parallel_loop3A_299, %parallel_loop3A_290 : i32
        %parallel_loop3A_301 = arith.constant 8 : i32
        %parallel_loop3A_302 = arith.divsi %parallel_loop3A_300, %parallel_loop3A_301 : i32
        %parallel_loop3A_303 = arith.constant 0 : i32
        %parallel_loop3A_304 = arith.cmpi sgt, %parallel_loop3A_300, %parallel_loop3A_303 : i32
        %parallel_loop3A_305 = arith.extui %parallel_loop3A_304 : i1 to i32
        %parallel_loop3A_306 = arith.constant 0 : i32
        %parallel_loop3A_307 = arith.cmpi slt, %parallel_loop3A_300, %parallel_loop3A_306 : i32
        %parallel_loop3A_308 = arith.extui %parallel_loop3A_307 : i1 to i32
        %parallel_loop3A_309 = arith.subi %parallel_loop3A_305, %parallel_loop3A_308 : i32
        %parallel_loop3A_310 = arith.constant 0 : i32
        %parallel_loop3A_311 = arith.cmpi sgt, %parallel_loop3A_301, %parallel_loop3A_310 : i32
        %parallel_loop3A_312 = arith.extui %parallel_loop3A_311 : i1 to i32
        %parallel_loop3A_313 = arith.constant 0 : i32
        %parallel_loop3A_314 = arith.cmpi slt, %parallel_loop3A_301, %parallel_loop3A_313 : i32
        %parallel_loop3A_315 = arith.extui %parallel_loop3A_314 : i1 to i32
        %parallel_loop3A_316 = arith.subi %parallel_loop3A_312, %parallel_loop3A_315 : i32
        %parallel_loop3A_317 = arith.cmpi ne, %parallel_loop3A_309, %parallel_loop3A_316 : i32
        %parallel_loop3A_318 = arith.remsi %parallel_loop3A_300, %parallel_loop3A_301 : i32
        %parallel_loop3A_319 = arith.constant 0 : i32
        %parallel_loop3A_320 = arith.cmpi ne, %parallel_loop3A_318, %parallel_loop3A_319 : i32
        %parallel_loop3A_321 = arith.andi %parallel_loop3A_317, %parallel_loop3A_320 : i1
        %parallel_loop3A_322 = arith.constant 1 : i32
        %parallel_loop3A_323 = arith.subi %parallel_loop3A_302, %parallel_loop3A_322 : i32
        %parallel_loop3A_324 = arith.select %parallel_loop3A_321, %parallel_loop3A_323, %parallel_loop3A_302 : i32
        %parallel_loop3A_325 = arith.constant 256 : i32
        %parallel_loop3A_326 = arith.muli %parallel_loop3A_324, %parallel_loop3A_325 : i32
        %parallel_loop3A_327 = arith.addi %parallel_loop3A_284, %parallel_loop3A_326 : i32
        %parallel_loop3A_328 = arith.constant 8 : i32
        %parallel_loop3A_329 = arith.constant 0 : i32
        %parallel_loop3A_330 = arith.cmpi eq, %parallel_loop3A_328, %parallel_loop3A_329 : i32
        %parallel_loop3A_331 = arith.constant 1 : i32
        %parallel_loop3A_332 = arith.select %parallel_loop3A_330, %parallel_loop3A_331, %parallel_loop3A_328 : i32
        %parallel_loop3A_333 = arith.remsi %parallel_loop3A_258, %parallel_loop3A_332 : i32
        %parallel_loop3A_334 = arith.constant 0 : i32
        %parallel_loop3A_335 = arith.cmpi ne, %parallel_loop3A_333, %parallel_loop3A_334 : i32
        %parallel_loop3A_336 = arith.constant 0 : i32
        %parallel_loop3A_337 = arith.cmpi slt, %parallel_loop3A_333, %parallel_loop3A_336 : i32
        %parallel_loop3A_338 = arith.constant 0 : i32
        %parallel_loop3A_339 = arith.cmpi slt, %parallel_loop3A_332, %parallel_loop3A_338 : i32
        %parallel_loop3A_340 = arith.xori %parallel_loop3A_337, %parallel_loop3A_339 : i1
        %parallel_loop3A_341 = arith.andi %parallel_loop3A_340, %parallel_loop3A_335 : i1
        %parallel_loop3A_342 = arith.addi %parallel_loop3A_333, %parallel_loop3A_332 : i32
        %parallel_loop3A_343 = arith.select %parallel_loop3A_341, %parallel_loop3A_342, %parallel_loop3A_333 : i32
        %parallel_loop3A_344 = arith.constant 16 : i32
        %parallel_loop3A_345 = arith.muli %parallel_loop3A_343, %parallel_loop3A_344 : i32
        %parallel_loop3A_346 = arith.addi %parallel_loop3A_327, %parallel_loop3A_345 : i32
        %parallel_loop3A_347 = arith.index_cast %parallel_loop3A_346 : i32 to index
        %parallel_loop3A_348 = tpu.vector_load %arg21[%parallel_loop3A_347] {strides = array<i32>} : memref<32768xi32, #tpu.memory_space<vmem>>, vector<16xi32>,
        %parallel_loop3A_349 = arith.constant 128 : i32
        %parallel_loop3A_350 = arith.addi %parallel_loop3A_346, %parallel_loop3A_349 : i32
        %parallel_loop3A_351 = arith.index_cast %parallel_loop3A_350 : i32 to index
        %parallel_loop3A_352 = tpu.vector_load %arg21[%parallel_loop3A_351] {strides = array<i32>} : memref<32768xi32, #tpu.memory_space<vmem>>, vector<16xi32>,
        %parallel_loop3A_353 = arith.index_cast %parallel_loop3A_346 : i32 to index
        %parallel_loop3A_354 = tpu.vector_load %arg22[%parallel_loop3A_353] {strides = array<i32>} : memref<32768xi32, #tpu.memory_space<vmem>>, vector<16xi32>,
        %parallel_loop3A_355 = arith.constant 128 : i32
        %parallel_loop3A_356 = arith.addi %parallel_loop3A_346, %parallel_loop3A_355 : i32
        %parallel_loop3A_357 = arith.index_cast %parallel_loop3A_356 : i32 to index
        %parallel_loop3A_358 = tpu.vector_load %arg22[%parallel_loop3A_357] {strides = array<i32>} : memref<32768xi32, #tpu.memory_space<vmem>>, vector<16xi32>,
        %parallel_loop3A_359 = arith.constant 0 : i32
        %parallel_loop3A_360 = vector.broadcast %parallel_loop3A_359 : i32 to vector<16xi32>
        %parallel_loop3A_361 = arith.cmpi eq, %parallel_loop3A_354, %parallel_loop3A_360 : vector<16xi32>
        %parallel_loop3A_362 = arith.constant 0 : i32
        %parallel_loop3A_363 = vector.broadcast %parallel_loop3A_362 : i32 to vector<16xi32>
        %parallel_loop3A_364 = arith.cmpi eq, %parallel_loop3A_358, %parallel_loop3A_363 : vector<16xi32>
        %parallel_loop3A_365 = arith.andi %parallel_loop3A_361, %parallel_loop3A_364 : vector<16xi1>
        %parallel_loop3A_366 = arith.constant 1.000000e+00 : f32
        %parallel_loop3A_367 = arith.constant 0.000000e+00 : f32
        %parallel_loop3A_368 = vector.broadcast %parallel_loop3A_366 : f32 to vector<16xf32>
        %parallel_loop3A_369 = vector.broadcast %parallel_loop3A_367 : f32 to vector<16xf32>
        %parallel_loop3A_370 = arith.select %parallel_loop3A_365, %parallel_loop3A_368, %parallel_loop3A_369 : vector<16xi1>, vector<16xf32>
        %parallel_loop3A_371 = arith.constant 7 : i32
        %parallel_loop3A_372 = vector.broadcast %parallel_loop3A_371 : i32 to vector<16xi32>
        %parallel_loop3A_373 = arith.shrsi %parallel_loop3A_348, %parallel_loop3A_372 : vector<16xi32>
        %parallel_loop3A_374 = arith.constant 7 : i32
        %parallel_loop3A_375 = vector.broadcast %parallel_loop3A_374 : i32 to vector<16xi32>
        %parallel_loop3A_376 = arith.shli %parallel_loop3A_373, %parallel_loop3A_375 : vector<16xi32>
        %parallel_loop3A_377 = arith.addi %parallel_loop3A_348, %parallel_loop3A_376 : vector<16xi32>
        %parallel_loop3A_378 = arith.constant 7 : i32
        %parallel_loop3A_379 = vector.broadcast %parallel_loop3A_378 : i32 to vector<16xi32>
        %parallel_loop3A_380 = arith.shrsi %parallel_loop3A_352, %parallel_loop3A_379 : vector<16xi32>
        %parallel_loop3A_381 = arith.constant 7 : i32
        %parallel_loop3A_382 = vector.broadcast %parallel_loop3A_381 : i32 to vector<16xi32>
        %parallel_loop3A_383 = arith.shli %parallel_loop3A_380, %parallel_loop3A_382 : vector<16xi32>
        %parallel_loop3A_384 = arith.addi %parallel_loop3A_352, %parallel_loop3A_383 : vector<16xi32>
        %parallel_loop3A_385 = tpu.vector_load_idx %arg16[%parallel_loop3A_377] : memref<2048xf32, #tpu.memory_space<vmem>>[vector<16xi32>], vector<16xf32>,
        %parallel_loop3A_386 = arith.constant 128 : i32
        %parallel_loop3A_387 = vector.broadcast %parallel_loop3A_386 : i32 to vector<16xi32>
        %parallel_loop3A_388 = arith.addi %parallel_loop3A_377, %parallel_loop3A_387 : vector<16xi32>
        %parallel_loop3A_389 = tpu.vector_load_idx %arg16[%parallel_loop3A_388] : memref<2048xf32, #tpu.memory_space<vmem>>[vector<16xi32>], vector<16xf32>,
        %parallel_loop3A_390 = tpu.vector_load_idx %arg16[%parallel_loop3A_384] : memref<2048xf32, #tpu.memory_space<vmem>>[vector<16xi32>], vector<16xf32>,
        %parallel_loop3A_391 = arith.constant 128 : i32
        %parallel_loop3A_392 = vector.broadcast %parallel_loop3A_391 : i32 to vector<16xi32>
        %parallel_loop3A_393 = arith.addi %parallel_loop3A_384, %parallel_loop3A_392 : vector<16xi32>
        %parallel_loop3A_394 = tpu.vector_load_idx %arg16[%parallel_loop3A_393] : memref<2048xf32, #tpu.memory_space<vmem>>[vector<16xi32>], vector<16xf32>,
        %parallel_loop3A_395 = tpu.vector_load_idx %arg15[%parallel_loop3A_377] : memref<2048xf32, #tpu.memory_space<vmem>>[vector<16xi32>], vector<16xf32>,
        %parallel_loop3A_396 = arith.constant 128 : i32
        %parallel_loop3A_397 = vector.broadcast %parallel_loop3A_396 : i32 to vector<16xi32>
        %parallel_loop3A_398 = arith.addi %parallel_loop3A_377, %parallel_loop3A_397 : vector<16xi32>
        %parallel_loop3A_399 = tpu.vector_load_idx %arg15[%parallel_loop3A_398] : memref<2048xf32, #tpu.memory_space<vmem>>[vector<16xi32>], vector<16xf32>,
        %parallel_loop3A_400 = tpu.vector_load_idx %arg15[%parallel_loop3A_384] : memref<2048xf32, #tpu.memory_space<vmem>>[vector<16xi32>], vector<16xf32>,
        %parallel_loop3A_401 = arith.constant 128 : i32
        %parallel_loop3A_402 = vector.broadcast %parallel_loop3A_401 : i32 to vector<16xi32>
        %parallel_loop3A_403 = arith.addi %parallel_loop3A_384, %parallel_loop3A_402 : vector<16xi32>
        %parallel_loop3A_404 = tpu.vector_load_idx %arg15[%parallel_loop3A_403] : memref<2048xf32, #tpu.memory_space<vmem>>[vector<16xi32>], vector<16xf32>,
        %parallel_loop3A_405 = arith.mulf %parallel_loop3A_385, %parallel_loop3A_400 : vector<16xf32>
        %parallel_loop3A_406 = arith.mulf %parallel_loop3A_389, %parallel_loop3A_404 : vector<16xf32>
        %parallel_loop3A_407 = arith.addf %parallel_loop3A_405, %parallel_loop3A_406 : vector<16xf32>
        %parallel_loop3A_408 = arith.mulf %parallel_loop3A_395, %parallel_loop3A_390 : vector<16xf32>
        %parallel_loop3A_409 = arith.subf %parallel_loop3A_407, %parallel_loop3A_408 : vector<16xf32>
        %parallel_loop3A_410 = arith.mulf %parallel_loop3A_399, %parallel_loop3A_394 : vector<16xf32>
        %parallel_loop3A_411 = arith.subf %parallel_loop3A_409, %parallel_loop3A_410 : vector<16xf32>
        %parallel_loop3A_412 = arith.mulf %parallel_loop3A_389, %parallel_loop3A_400 : vector<16xf32>
        %parallel_loop3A_413 = arith.mulf %parallel_loop3A_385, %parallel_loop3A_404 : vector<16xf32>
        %parallel_loop3A_414 = arith.subf %parallel_loop3A_412, %parallel_loop3A_413 : vector<16xf32>
        %parallel_loop3A_415 = arith.mulf %parallel_loop3A_395, %parallel_loop3A_394 : vector<16xf32>
        %parallel_loop3A_416 = arith.addf %parallel_loop3A_414, %parallel_loop3A_415 : vector<16xf32>
        %parallel_loop3A_417 = arith.mulf %parallel_loop3A_399, %parallel_loop3A_390 : vector<16xf32>
        %parallel_loop3A_418 = arith.subf %parallel_loop3A_416, %parallel_loop3A_417 : vector<16xf32>
        %parallel_loop3A_419 = arith.constant 8 : i32
        %parallel_loop3A_420 = arith.divsi %parallel_loop3A_255, %parallel_loop3A_419 : i32
        %parallel_loop3A_421 = arith.constant 0 : i32
        %parallel_loop3A_422 = arith.cmpi sgt, %parallel_loop3A_255, %parallel_loop3A_421 : i32
        %parallel_loop3A_423 = arith.extui %parallel_loop3A_422 : i1 to i32
        %parallel_loop3A_424 = arith.constant 0 : i32
        %parallel_loop3A_425 = arith.cmpi slt, %parallel_loop3A_255, %parallel_loop3A_424 : i32
        %parallel_loop3A_426 = arith.extui %parallel_loop3A_425 : i1 to i32
        %parallel_loop3A_427 = arith.subi %parallel_loop3A_423, %parallel_loop3A_426 : i32
        %parallel_loop3A_428 = arith.constant 0 : i32
        %parallel_loop3A_429 = arith.cmpi sgt, %parallel_loop3A_419, %parallel_loop3A_428 : i32
        %parallel_loop3A_430 = arith.extui %parallel_loop3A_429 : i1 to i32
        %parallel_loop3A_431 = arith.constant 0 : i32
        %parallel_loop3A_432 = arith.cmpi slt, %parallel_loop3A_419, %parallel_loop3A_431 : i32
        %parallel_loop3A_433 = arith.extui %parallel_loop3A_432 : i1 to i32
        %parallel_loop3A_434 = arith.subi %parallel_loop3A_430, %parallel_loop3A_433 : i32
        %parallel_loop3A_435 = arith.cmpi ne, %parallel_loop3A_427, %parallel_loop3A_434 : i32
        %parallel_loop3A_436 = arith.remsi %parallel_loop3A_255, %parallel_loop3A_419 : i32
        %parallel_loop3A_437 = arith.constant 0 : i32
        %parallel_loop3A_438 = arith.cmpi ne, %parallel_loop3A_436, %parallel_loop3A_437 : i32
        %parallel_loop3A_439 = arith.andi %parallel_loop3A_435, %parallel_loop3A_438 : i1
        %parallel_loop3A_440 = arith.constant 1 : i32
        %parallel_loop3A_441 = arith.subi %parallel_loop3A_420, %parallel_loop3A_440 : i32
        %parallel_loop3A_442 = arith.select %parallel_loop3A_439, %parallel_loop3A_441, %parallel_loop3A_420 : i32
        %parallel_loop3A_443 = arith.constant 256 : i32
        %parallel_loop3A_444 = arith.muli %parallel_loop3A_442, %parallel_loop3A_443 : i32
        %parallel_loop3A_445 = arith.constant 8 : i32
        %parallel_loop3A_446 = arith.constant 0 : i32
        %parallel_loop3A_447 = arith.cmpi eq, %parallel_loop3A_445, %parallel_loop3A_446 : i32
        %parallel_loop3A_448 = arith.constant 1 : i32
        %parallel_loop3A_449 = arith.select %parallel_loop3A_447, %parallel_loop3A_448, %parallel_loop3A_445 : i32
        %parallel_loop3A_450 = arith.remsi %parallel_loop3A_255, %parallel_loop3A_449 : i32
        %parallel_loop3A_451 = arith.constant 0 : i32
        %parallel_loop3A_452 = arith.cmpi ne, %parallel_loop3A_450, %parallel_loop3A_451 : i32
        %parallel_loop3A_453 = arith.constant 0 : i32
        %parallel_loop3A_454 = arith.cmpi slt, %parallel_loop3A_450, %parallel_loop3A_453 : i32
        %parallel_loop3A_455 = arith.constant 0 : i32
        %parallel_loop3A_456 = arith.cmpi slt, %parallel_loop3A_449, %parallel_loop3A_455 : i32
        %parallel_loop3A_457 = arith.xori %parallel_loop3A_454, %parallel_loop3A_456 : i1
        %parallel_loop3A_458 = arith.andi %parallel_loop3A_457, %parallel_loop3A_452 : i1
        %parallel_loop3A_459 = arith.addi %parallel_loop3A_450, %parallel_loop3A_449 : i32
        %parallel_loop3A_460 = arith.select %parallel_loop3A_458, %parallel_loop3A_459, %parallel_loop3A_450 : i32
        %parallel_loop3A_461 = arith.constant 16 : i32
        %parallel_loop3A_462 = arith.muli %parallel_loop3A_460, %parallel_loop3A_461 : i32
        %parallel_loop3A_463 = arith.addi %parallel_loop3A_444, %parallel_loop3A_462 : i32
        %parallel_loop3A_464 = arith.index_cast %parallel_loop3A_463 : i32 to index
        %parallel_loop3A_465 = tpu.vector_load %arg17[%parallel_loop3A_464] {strides = array<i32>} : memref<4096xf32, #tpu.memory_space<vmem>>, vector<16xf32>,
        %parallel_loop3A_466 = arith.index_cast %parallel_loop3A_463 : i32 to index
        %parallel_loop3A_467 = tpu.vector_load %arg18[%parallel_loop3A_466] {strides = array<i32>} : memref<4096xf32, #tpu.memory_space<vmem>>, vector<16xf32>,
        %parallel_loop3A_468 = arith.subf %parallel_loop3A_465, %parallel_loop3A_467 : vector<16xf32>
        %parallel_loop3A_469 = arith.constant 128 : i32
        %parallel_loop3A_470 = arith.addi %parallel_loop3A_463, %parallel_loop3A_469 : i32
        %parallel_loop3A_471 = arith.index_cast %parallel_loop3A_470 : i32 to index
        %parallel_loop3A_472 = tpu.vector_load %arg17[%parallel_loop3A_471] {strides = array<i32>} : memref<4096xf32, #tpu.memory_space<vmem>>, vector<16xf32>,
        %parallel_loop3A_473 = arith.constant 128 : i32
        %parallel_loop3A_474 = arith.addi %parallel_loop3A_463, %parallel_loop3A_473 : i32
        %parallel_loop3A_475 = arith.index_cast %parallel_loop3A_474 : i32 to index
        %parallel_loop3A_476 = tpu.vector_load %arg18[%parallel_loop3A_475] {strides = array<i32>} : memref<4096xf32, #tpu.memory_space<vmem>>, vector<16xf32>,
        %parallel_loop3A_477 = arith.subf %parallel_loop3A_472, %parallel_loop3A_476 : vector<16xf32>
        %parallel_loop3A_478 = arith.mulf %parallel_loop3A_370, %parallel_loop3A_411 : vector<16xf32>
        %parallel_loop3A_479 = arith.subf %parallel_loop3A_468, %parallel_loop3A_478 : vector<16xf32>
        %parallel_loop3A_480 = arith.mulf %parallel_loop3A_370, %parallel_loop3A_418 : vector<16xf32>
        %parallel_loop3A_481 = arith.subf %parallel_loop3A_477, %parallel_loop3A_480 : vector<16xf32>
        %parallel_loop3A_482 = arith.mulf %parallel_loop3A_479, %parallel_loop3A_479 : vector<16xf32>
        %parallel_loop3A_483 = arith.addf %parallel_loop3A_256, %parallel_loop3A_482 : vector<16xf32>
        %parallel_loop3A_484 = arith.mulf %parallel_loop3A_481, %parallel_loop3A_481 : vector<16xf32>
        %parallel_loop3A_485 = arith.addf %parallel_loop3A_483, %parallel_loop3A_484 : vector<16xf32>
        scf.yield %parallel_loop3A_485 : vector<16xf32>
      } {sc.loop_unroll_factor = 4 : i64, sc.parallel_access}
      %mul3A_71 = arith.constant 32768 : i32
      %mul3A_72 = arith.muli %add3A_26, %mul3A_71 : i32
      %add3A_73 = arith.constant 4096 : i32
      %add3A_74 = arith.addi %mul3A_72, %add3A_73 : i32
      %dma_wait3A_75 = tpu.memref_slice %arg4[%add3A_74] : memref<8388608xf32, #tpu.memory_space<hbm>> -> memref<4096xf32, #tpu.memory_space<hbm>>
      %dma_wait3A_76 = tpu.memref_slice %arg4[%add3A_74] : memref<8388608xf32, #tpu.memory_space<hbm>> -> memref<4096xf32, #tpu.memory_space<hbm>>
      tpu.wait_dma2 semaphore(%arg27 : memref<!tpu.dma_semaphore, #tpu.memory_space<semaphore_mem>>) src(%dma_wait3A_76 : memref<4096xf32, #tpu.memory_space<hbm>>) dst(%arg19 : memref<4096xf32, #tpu.memory_space<vmem>>)
      %mul3A_77 = arith.constant 32768 : i32
      %mul3A_78 = arith.muli %add3A_26, %mul3A_77 : i32
      %add3A_79 = arith.constant 4096 : i32
      %add3A_80 = arith.addi %mul3A_78, %add3A_79 : i32
      %dma_wait3A_81 = tpu.memref_slice %arg5[%add3A_80] : memref<8388608xf32, #tpu.memory_space<hbm>> -> memref<4096xf32, #tpu.memory_space<hbm>>
      %dma_wait3A_82 = tpu.memref_slice %arg5[%add3A_80] : memref<8388608xf32, #tpu.memory_space<hbm>> -> memref<4096xf32, #tpu.memory_space<hbm>>
      tpu.wait_dma2 semaphore(%arg28 : memref<!tpu.dma_semaphore, #tpu.memory_space<semaphore_mem>>) src(%dma_wait3A_82 : memref<4096xf32, #tpu.memory_space<hbm>>) dst(%arg20 : memref<4096xf32, #tpu.memory_space<vmem>>)
      %mul3A_83 = arith.constant 32768 : i32
      %mul3A_84 = arith.muli %add3A_26, %mul3A_83 : i32
      %add3A_85 = arith.constant 8192 : i32
      %add3A_86 = arith.addi %mul3A_84, %add3A_85 : i32
      %dma_start3A_87 = tpu.memref_slice %arg4[%add3A_86] : memref<8388608xf32, #tpu.memory_space<hbm>> -> memref<4096xf32, #tpu.memory_space<hbm>>
      %dma_start3A_88 = tpu.memref_slice %arg4[%add3A_86] : memref<8388608xf32, #tpu.memory_space<hbm>> -> memref<4096xf32, #tpu.memory_space<hbm>>
      tpu.enqueue_dma source(%dma_start3A_88 : memref<4096xf32, #tpu.memory_space<hbm>>) target(%arg17 : memref<4096xf32, #tpu.memory_space<vmem>>) target_semaphore(%arg25 : memref<!tpu.dma_semaphore, #tpu.memory_space<semaphore_mem>>)
      %mul3A_89 = arith.constant 32768 : i32
      %mul3A_90 = arith.muli %add3A_26, %mul3A_89 : i32
      %add3A_91 = arith.constant 8192 : i32
      %add3A_92 = arith.addi %mul3A_90, %add3A_91 : i32
      %dma_start3A_93 = tpu.memref_slice %arg5[%add3A_92] : memref<8388608xf32, #tpu.memory_space<hbm>> -> memref<4096xf32, #tpu.memory_space<hbm>>
      %dma_start3A_94 = tpu.memref_slice %arg5[%add3A_92] : memref<8388608xf32, #tpu.memory_space<hbm>> -> memref<4096xf32, #tpu.memory_space<hbm>>
      tpu.enqueue_dma source(%dma_start3A_94 : memref<4096xf32, #tpu.memory_space<hbm>>) target(%arg18 : memref<4096xf32, #tpu.memory_space<vmem>>) target_semaphore(%arg26 : memref<!tpu.dma_semaphore, #tpu.memory_space<semaphore_mem>>)
      %parallel_loop3A_95 = arith.constant 0 : i32
      %parallel_loop3A_96 = arith.constant 128 : i32
      %parallel_loop3A_97 = arith.constant 1 : i32
      %parallel_loop3A_98 = scf.for %parallel_loop3A_255 = %parallel_loop3A_95 to %parallel_loop3A_96 step %parallel_loop3A_97 iter_args(%parallel_loop3A_256 = %parallel_loop3A_70) -> (vector<16xf32>)  : i32 {
        %parallel_loop3A_257 = arith.constant 128 : i32
        %parallel_loop3A_258 = arith.addi %parallel_loop3A_257, %parallel_loop3A_255 : i32
        %parallel_loop3A_259 = arith.constant 512 : i32
        %parallel_loop3A_260 = arith.divsi %parallel_loop3A_258, %parallel_loop3A_259 : i32
        %parallel_loop3A_261 = arith.constant 0 : i32
        %parallel_loop3A_262 = arith.cmpi sgt, %parallel_loop3A_258, %parallel_loop3A_261 : i32
        %parallel_loop3A_263 = arith.extui %parallel_loop3A_262 : i1 to i32
        %parallel_loop3A_264 = arith.constant 0 : i32
        %parallel_loop3A_265 = arith.cmpi slt, %parallel_loop3A_258, %parallel_loop3A_264 : i32
        %parallel_loop3A_266 = arith.extui %parallel_loop3A_265 : i1 to i32
        %parallel_loop3A_267 = arith.subi %parallel_loop3A_263, %parallel_loop3A_266 : i32
        %parallel_loop3A_268 = arith.constant 0 : i32
        %parallel_loop3A_269 = arith.cmpi sgt, %parallel_loop3A_259, %parallel_loop3A_268 : i32
        %parallel_loop3A_270 = arith.extui %parallel_loop3A_269 : i1 to i32
        %parallel_loop3A_271 = arith.constant 0 : i32
        %parallel_loop3A_272 = arith.cmpi slt, %parallel_loop3A_259, %parallel_loop3A_271 : i32
        %parallel_loop3A_273 = arith.extui %parallel_loop3A_272 : i1 to i32
        %parallel_loop3A_274 = arith.subi %parallel_loop3A_270, %parallel_loop3A_273 : i32
        %parallel_loop3A_275 = arith.cmpi ne, %parallel_loop3A_267, %parallel_loop3A_274 : i32
        %parallel_loop3A_276 = arith.remsi %parallel_loop3A_258, %parallel_loop3A_259 : i32
        %parallel_loop3A_277 = arith.constant 0 : i32
        %parallel_loop3A_278 = arith.cmpi ne, %parallel_loop3A_276, %parallel_loop3A_277 : i32
        %parallel_loop3A_279 = arith.andi %parallel_loop3A_275, %parallel_loop3A_278 : i1
        %parallel_loop3A_280 = arith.constant 1 : i32
        %parallel_loop3A_281 = arith.subi %parallel_loop3A_260, %parallel_loop3A_280 : i32
        %parallel_loop3A_282 = arith.select %parallel_loop3A_279, %parallel_loop3A_281, %parallel_loop3A_260 : i32
        %parallel_loop3A_283 = arith.constant 16384 : i32
        %parallel_loop3A_284 = arith.muli %parallel_loop3A_282, %parallel_loop3A_283 : i32
        %parallel_loop3A_285 = arith.constant 512 : i32
        %parallel_loop3A_286 = arith.constant 0 : i32
        %parallel_loop3A_287 = arith.cmpi eq, %parallel_loop3A_285, %parallel_loop3A_286 : i32
        %parallel_loop3A_288 = arith.constant 1 : i32
        %parallel_loop3A_289 = arith.select %parallel_loop3A_287, %parallel_loop3A_288, %parallel_loop3A_285 : i32
        %parallel_loop3A_290 = arith.remsi %parallel_loop3A_258, %parallel_loop3A_289 : i32
        %parallel_loop3A_291 = arith.constant 0 : i32
        %parallel_loop3A_292 = arith.cmpi ne, %parallel_loop3A_290, %parallel_loop3A_291 : i32
        %parallel_loop3A_293 = arith.constant 0 : i32
        %parallel_loop3A_294 = arith.cmpi slt, %parallel_loop3A_290, %parallel_loop3A_293 : i32
        %parallel_loop3A_295 = arith.constant 0 : i32
        %parallel_loop3A_296 = arith.cmpi slt, %parallel_loop3A_289, %parallel_loop3A_295 : i32
        %parallel_loop3A_297 = arith.xori %parallel_loop3A_294, %parallel_loop3A_296 : i1
        %parallel_loop3A_298 = arith.andi %parallel_loop3A_297, %parallel_loop3A_292 : i1
        %parallel_loop3A_299 = arith.addi %parallel_loop3A_290, %parallel_loop3A_289 : i32
        %parallel_loop3A_300 = arith.select %parallel_loop3A_298, %parallel_loop3A_299, %parallel_loop3A_290 : i32
        %parallel_loop3A_301 = arith.constant 8 : i32
        %parallel_loop3A_302 = arith.divsi %parallel_loop3A_300, %parallel_loop3A_301 : i32
        %parallel_loop3A_303 = arith.constant 0 : i32
        %parallel_loop3A_304 = arith.cmpi sgt, %parallel_loop3A_300, %parallel_loop3A_303 : i32
        %parallel_loop3A_305 = arith.extui %parallel_loop3A_304 : i1 to i32
        %parallel_loop3A_306 = arith.constant 0 : i32
        %parallel_loop3A_307 = arith.cmpi slt, %parallel_loop3A_300, %parallel_loop3A_306 : i32
        %parallel_loop3A_308 = arith.extui %parallel_loop3A_307 : i1 to i32
        %parallel_loop3A_309 = arith.subi %parallel_loop3A_305, %parallel_loop3A_308 : i32
        %parallel_loop3A_310 = arith.constant 0 : i32
        %parallel_loop3A_311 = arith.cmpi sgt, %parallel_loop3A_301, %parallel_loop3A_310 : i32
        %parallel_loop3A_312 = arith.extui %parallel_loop3A_311 : i1 to i32
        %parallel_loop3A_313 = arith.constant 0 : i32
        %parallel_loop3A_314 = arith.cmpi slt, %parallel_loop3A_301, %parallel_loop3A_313 : i32
        %parallel_loop3A_315 = arith.extui %parallel_loop3A_314 : i1 to i32
        %parallel_loop3A_316 = arith.subi %parallel_loop3A_312, %parallel_loop3A_315 : i32
        %parallel_loop3A_317 = arith.cmpi ne, %parallel_loop3A_309, %parallel_loop3A_316 : i32
        %parallel_loop3A_318 = arith.remsi %parallel_loop3A_300, %parallel_loop3A_301 : i32
        %parallel_loop3A_319 = arith.constant 0 : i32
        %parallel_loop3A_320 = arith.cmpi ne, %parallel_loop3A_318, %parallel_loop3A_319 : i32
        %parallel_loop3A_321 = arith.andi %parallel_loop3A_317, %parallel_loop3A_320 : i1
        %parallel_loop3A_322 = arith.constant 1 : i32
        %parallel_loop3A_323 = arith.subi %parallel_loop3A_302, %parallel_loop3A_322 : i32
        %parallel_loop3A_324 = arith.select %parallel_loop3A_321, %parallel_loop3A_323, %parallel_loop3A_302 : i32
        %parallel_loop3A_325 = arith.constant 256 : i32
        %parallel_loop3A_326 = arith.muli %parallel_loop3A_324, %parallel_loop3A_325 : i32
        %parallel_loop3A_327 = arith.addi %parallel_loop3A_284, %parallel_loop3A_326 : i32
        %parallel_loop3A_328 = arith.constant 8 : i32
        %parallel_loop3A_329 = arith.constant 0 : i32
        %parallel_loop3A_330 = arith.cmpi eq, %parallel_loop3A_328, %parallel_loop3A_329 : i32
        %parallel_loop3A_331 = arith.constant 1 : i32
        %parallel_loop3A_332 = arith.select %parallel_loop3A_330, %parallel_loop3A_331, %parallel_loop3A_328 : i32
        %parallel_loop3A_333 = arith.remsi %parallel_loop3A_258, %parallel_loop3A_332 : i32
        %parallel_loop3A_334 = arith.constant 0 : i32
        %parallel_loop3A_335 = arith.cmpi ne, %parallel_loop3A_333, %parallel_loop3A_334 : i32
        %parallel_loop3A_336 = arith.constant 0 : i32
        %parallel_loop3A_337 = arith.cmpi slt, %parallel_loop3A_333, %parallel_loop3A_336 : i32
        %parallel_loop3A_338 = arith.constant 0 : i32
        %parallel_loop3A_339 = arith.cmpi slt, %parallel_loop3A_332, %parallel_loop3A_338 : i32
        %parallel_loop3A_340 = arith.xori %parallel_loop3A_337, %parallel_loop3A_339 : i1
        %parallel_loop3A_341 = arith.andi %parallel_loop3A_340, %parallel_loop3A_335 : i1
        %parallel_loop3A_342 = arith.addi %parallel_loop3A_333, %parallel_loop3A_332 : i32
        %parallel_loop3A_343 = arith.select %parallel_loop3A_341, %parallel_loop3A_342, %parallel_loop3A_333 : i32
        %parallel_loop3A_344 = arith.constant 16 : i32
        %parallel_loop3A_345 = arith.muli %parallel_loop3A_343, %parallel_loop3A_344 : i32
        %parallel_loop3A_346 = arith.addi %parallel_loop3A_327, %parallel_loop3A_345 : i32
        %parallel_loop3A_347 = arith.index_cast %parallel_loop3A_346 : i32 to index
        %parallel_loop3A_348 = tpu.vector_load %arg21[%parallel_loop3A_347] {strides = array<i32>} : memref<32768xi32, #tpu.memory_space<vmem>>, vector<16xi32>,
        %parallel_loop3A_349 = arith.constant 128 : i32
        %parallel_loop3A_350 = arith.addi %parallel_loop3A_346, %parallel_loop3A_349 : i32
        %parallel_loop3A_351 = arith.index_cast %parallel_loop3A_350 : i32 to index
        %parallel_loop3A_352 = tpu.vector_load %arg21[%parallel_loop3A_351] {strides = array<i32>} : memref<32768xi32, #tpu.memory_space<vmem>>, vector<16xi32>,
        %parallel_loop3A_353 = arith.index_cast %parallel_loop3A_346 : i32 to index
        %parallel_loop3A_354 = tpu.vector_load %arg22[%parallel_loop3A_353] {strides = array<i32>} : memref<32768xi32, #tpu.memory_space<vmem>>, vector<16xi32>,
        %parallel_loop3A_355 = arith.constant 128 : i32
        %parallel_loop3A_356 = arith.addi %parallel_loop3A_346, %parallel_loop3A_355 : i32
        %parallel_loop3A_357 = arith.index_cast %parallel_loop3A_356 : i32 to index
        %parallel_loop3A_358 = tpu.vector_load %arg22[%parallel_loop3A_357] {strides = array<i32>} : memref<32768xi32, #tpu.memory_space<vmem>>, vector<16xi32>,
        %parallel_loop3A_359 = arith.constant 0 : i32
        %parallel_loop3A_360 = vector.broadcast %parallel_loop3A_359 : i32 to vector<16xi32>
        %parallel_loop3A_361 = arith.cmpi eq, %parallel_loop3A_354, %parallel_loop3A_360 : vector<16xi32>
        %parallel_loop3A_362 = arith.constant 0 : i32
        %parallel_loop3A_363 = vector.broadcast %parallel_loop3A_362 : i32 to vector<16xi32>
        %parallel_loop3A_364 = arith.cmpi eq, %parallel_loop3A_358, %parallel_loop3A_363 : vector<16xi32>
        %parallel_loop3A_365 = arith.andi %parallel_loop3A_361, %parallel_loop3A_364 : vector<16xi1>
        %parallel_loop3A_366 = arith.constant 1.000000e+00 : f32
        %parallel_loop3A_367 = arith.constant 0.000000e+00 : f32
        %parallel_loop3A_368 = vector.broadcast %parallel_loop3A_366 : f32 to vector<16xf32>
        %parallel_loop3A_369 = vector.broadcast %parallel_loop3A_367 : f32 to vector<16xf32>
        %parallel_loop3A_370 = arith.select %parallel_loop3A_365, %parallel_loop3A_368, %parallel_loop3A_369 : vector<16xi1>, vector<16xf32>
        %parallel_loop3A_371 = arith.constant 7 : i32
        %parallel_loop3A_372 = vector.broadcast %parallel_loop3A_371 : i32 to vector<16xi32>
        %parallel_loop3A_373 = arith.shrsi %parallel_loop3A_348, %parallel_loop3A_372 : vector<16xi32>
        %parallel_loop3A_374 = arith.constant 7 : i32
        %parallel_loop3A_375 = vector.broadcast %parallel_loop3A_374 : i32 to vector<16xi32>
        %parallel_loop3A_376 = arith.shli %parallel_loop3A_373, %parallel_loop3A_375 : vector<16xi32>
        %parallel_loop3A_377 = arith.addi %parallel_loop3A_348, %parallel_loop3A_376 : vector<16xi32>
        %parallel_loop3A_378 = arith.constant 7 : i32
        %parallel_loop3A_379 = vector.broadcast %parallel_loop3A_378 : i32 to vector<16xi32>
        %parallel_loop3A_380 = arith.shrsi %parallel_loop3A_352, %parallel_loop3A_379 : vector<16xi32>
        %parallel_loop3A_381 = arith.constant 7 : i32
        %parallel_loop3A_382 = vector.broadcast %parallel_loop3A_381 : i32 to vector<16xi32>
        %parallel_loop3A_383 = arith.shli %parallel_loop3A_380, %parallel_loop3A_382 : vector<16xi32>
        %parallel_loop3A_384 = arith.addi %parallel_loop3A_352, %parallel_loop3A_383 : vector<16xi32>
        %parallel_loop3A_385 = tpu.vector_load_idx %arg16[%parallel_loop3A_377] : memref<2048xf32, #tpu.memory_space<vmem>>[vector<16xi32>], vector<16xf32>,
        %parallel_loop3A_386 = arith.constant 128 : i32
        %parallel_loop3A_387 = vector.broadcast %parallel_loop3A_386 : i32 to vector<16xi32>
        %parallel_loop3A_388 = arith.addi %parallel_loop3A_377, %parallel_loop3A_387 : vector<16xi32>
        %parallel_loop3A_389 = tpu.vector_load_idx %arg16[%parallel_loop3A_388] : memref<2048xf32, #tpu.memory_space<vmem>>[vector<16xi32>], vector<16xf32>,
        %parallel_loop3A_390 = tpu.vector_load_idx %arg16[%parallel_loop3A_384] : memref<2048xf32, #tpu.memory_space<vmem>>[vector<16xi32>], vector<16xf32>,
        %parallel_loop3A_391 = arith.constant 128 : i32
        %parallel_loop3A_392 = vector.broadcast %parallel_loop3A_391 : i32 to vector<16xi32>
        %parallel_loop3A_393 = arith.addi %parallel_loop3A_384, %parallel_loop3A_392 : vector<16xi32>
        %parallel_loop3A_394 = tpu.vector_load_idx %arg16[%parallel_loop3A_393] : memref<2048xf32, #tpu.memory_space<vmem>>[vector<16xi32>], vector<16xf32>,
        %parallel_loop3A_395 = tpu.vector_load_idx %arg15[%parallel_loop3A_377] : memref<2048xf32, #tpu.memory_space<vmem>>[vector<16xi32>], vector<16xf32>,
        %parallel_loop3A_396 = arith.constant 128 : i32
        %parallel_loop3A_397 = vector.broadcast %parallel_loop3A_396 : i32 to vector<16xi32>
        %parallel_loop3A_398 = arith.addi %parallel_loop3A_377, %parallel_loop3A_397 : vector<16xi32>
        %parallel_loop3A_399 = tpu.vector_load_idx %arg15[%parallel_loop3A_398] : memref<2048xf32, #tpu.memory_space<vmem>>[vector<16xi32>], vector<16xf32>,
        %parallel_loop3A_400 = tpu.vector_load_idx %arg15[%parallel_loop3A_384] : memref<2048xf32, #tpu.memory_space<vmem>>[vector<16xi32>], vector<16xf32>,
        %parallel_loop3A_401 = arith.constant 128 : i32
        %parallel_loop3A_402 = vector.broadcast %parallel_loop3A_401 : i32 to vector<16xi32>
        %parallel_loop3A_403 = arith.addi %parallel_loop3A_384, %parallel_loop3A_402 : vector<16xi32>
        %parallel_loop3A_404 = tpu.vector_load_idx %arg15[%parallel_loop3A_403] : memref<2048xf32, #tpu.memory_space<vmem>>[vector<16xi32>], vector<16xf32>,
        %parallel_loop3A_405 = arith.mulf %parallel_loop3A_385, %parallel_loop3A_400 : vector<16xf32>
        %parallel_loop3A_406 = arith.mulf %parallel_loop3A_389, %parallel_loop3A_404 : vector<16xf32>
        %parallel_loop3A_407 = arith.addf %parallel_loop3A_405, %parallel_loop3A_406 : vector<16xf32>
        %parallel_loop3A_408 = arith.mulf %parallel_loop3A_395, %parallel_loop3A_390 : vector<16xf32>
        %parallel_loop3A_409 = arith.subf %parallel_loop3A_407, %parallel_loop3A_408 : vector<16xf32>
        %parallel_loop3A_410 = arith.mulf %parallel_loop3A_399, %parallel_loop3A_394 : vector<16xf32>
        %parallel_loop3A_411 = arith.subf %parallel_loop3A_409, %parallel_loop3A_410 : vector<16xf32>
        %parallel_loop3A_412 = arith.mulf %parallel_loop3A_389, %parallel_loop3A_400 : vector<16xf32>
        %parallel_loop3A_413 = arith.mulf %parallel_loop3A_385, %parallel_loop3A_404 : vector<16xf32>
        %parallel_loop3A_414 = arith.subf %parallel_loop3A_412, %parallel_loop3A_413 : vector<16xf32>
        %parallel_loop3A_415 = arith.mulf %parallel_loop3A_395, %parallel_loop3A_394 : vector<16xf32>
        %parallel_loop3A_416 = arith.addf %parallel_loop3A_414, %parallel_loop3A_415 : vector<16xf32>
        %parallel_loop3A_417 = arith.mulf %parallel_loop3A_399, %parallel_loop3A_390 : vector<16xf32>
        %parallel_loop3A_418 = arith.subf %parallel_loop3A_416, %parallel_loop3A_417 : vector<16xf32>
        %parallel_loop3A_419 = arith.constant 8 : i32
        %parallel_loop3A_420 = arith.divsi %parallel_loop3A_255, %parallel_loop3A_419 : i32
        %parallel_loop3A_421 = arith.constant 0 : i32
        %parallel_loop3A_422 = arith.cmpi sgt, %parallel_loop3A_255, %parallel_loop3A_421 : i32
        %parallel_loop3A_423 = arith.extui %parallel_loop3A_422 : i1 to i32
        %parallel_loop3A_424 = arith.constant 0 : i32
        %parallel_loop3A_425 = arith.cmpi slt, %parallel_loop3A_255, %parallel_loop3A_424 : i32
        %parallel_loop3A_426 = arith.extui %parallel_loop3A_425 : i1 to i32
        %parallel_loop3A_427 = arith.subi %parallel_loop3A_423, %parallel_loop3A_426 : i32
        %parallel_loop3A_428 = arith.constant 0 : i32
        %parallel_loop3A_429 = arith.cmpi sgt, %parallel_loop3A_419, %parallel_loop3A_428 : i32
        %parallel_loop3A_430 = arith.extui %parallel_loop3A_429 : i1 to i32
        %parallel_loop3A_431 = arith.constant 0 : i32
        %parallel_loop3A_432 = arith.cmpi slt, %parallel_loop3A_419, %parallel_loop3A_431 : i32
        %parallel_loop3A_433 = arith.extui %parallel_loop3A_432 : i1 to i32
        %parallel_loop3A_434 = arith.subi %parallel_loop3A_430, %parallel_loop3A_433 : i32
        %parallel_loop3A_435 = arith.cmpi ne, %parallel_loop3A_427, %parallel_loop3A_434 : i32
        %parallel_loop3A_436 = arith.remsi %parallel_loop3A_255, %parallel_loop3A_419 : i32
        %parallel_loop3A_437 = arith.constant 0 : i32
        %parallel_loop3A_438 = arith.cmpi ne, %parallel_loop3A_436, %parallel_loop3A_437 : i32
        %parallel_loop3A_439 = arith.andi %parallel_loop3A_435, %parallel_loop3A_438 : i1
        %parallel_loop3A_440 = arith.constant 1 : i32
        %parallel_loop3A_441 = arith.subi %parallel_loop3A_420, %parallel_loop3A_440 : i32
        %parallel_loop3A_442 = arith.select %parallel_loop3A_439, %parallel_loop3A_441, %parallel_loop3A_420 : i32
        %parallel_loop3A_443 = arith.constant 256 : i32
        %parallel_loop3A_444 = arith.muli %parallel_loop3A_442, %parallel_loop3A_443 : i32
        %parallel_loop3A_445 = arith.constant 8 : i32
        %parallel_loop3A_446 = arith.constant 0 : i32
        %parallel_loop3A_447 = arith.cmpi eq, %parallel_loop3A_445, %parallel_loop3A_446 : i32
        %parallel_loop3A_448 = arith.constant 1 : i32
        %parallel_loop3A_449 = arith.select %parallel_loop3A_447, %parallel_loop3A_448, %parallel_loop3A_445 : i32
        %parallel_loop3A_450 = arith.remsi %parallel_loop3A_255, %parallel_loop3A_449 : i32
        %parallel_loop3A_451 = arith.constant 0 : i32
        %parallel_loop3A_452 = arith.cmpi ne, %parallel_loop3A_450, %parallel_loop3A_451 : i32
        %parallel_loop3A_453 = arith.constant 0 : i32
        %parallel_loop3A_454 = arith.cmpi slt, %parallel_loop3A_450, %parallel_loop3A_453 : i32
        %parallel_loop3A_455 = arith.constant 0 : i32
        %parallel_loop3A_456 = arith.cmpi slt, %parallel_loop3A_449, %parallel_loop3A_455 : i32
        %parallel_loop3A_457 = arith.xori %parallel_loop3A_454, %parallel_loop3A_456 : i1
        %parallel_loop3A_458 = arith.andi %parallel_loop3A_457, %parallel_loop3A_452 : i1
        %parallel_loop3A_459 = arith.addi %parallel_loop3A_450, %parallel_loop3A_449 : i32
        %parallel_loop3A_460 = arith.select %parallel_loop3A_458, %parallel_loop3A_459, %parallel_loop3A_450 : i32
        %parallel_loop3A_461 = arith.constant 16 : i32
        %parallel_loop3A_462 = arith.muli %parallel_loop3A_460, %parallel_loop3A_461 : i32
        %parallel_loop3A_463 = arith.addi %parallel_loop3A_444, %parallel_loop3A_462 : i32
        %parallel_loop3A_464 = arith.index_cast %parallel_loop3A_463 : i32 to index
        %parallel_loop3A_465 = tpu.vector_load %arg19[%parallel_loop3A_464] {strides = array<i32>} : memref<4096xf32, #tpu.memory_space<vmem>>, vector<16xf32>,
        %parallel_loop3A_466 = arith.index_cast %parallel_loop3A_463 : i32 to index
        %parallel_loop3A_467 = tpu.vector_load %arg20[%parallel_loop3A_466] {strides = array<i32>} : memref<4096xf32, #tpu.memory_space<vmem>>, vector<16xf32>,
        %parallel_loop3A_468 = arith.subf %parallel_loop3A_465, %parallel_loop3A_467 : vector<16xf32>
        %parallel_loop3A_469 = arith.constant 128 : i32
        %parallel_loop3A_470 = arith.addi %parallel_loop3A_463, %parallel_loop3A_469 : i32
        %parallel_loop3A_471 = arith.index_cast %parallel_loop3A_470 : i32 to index
        %parallel_loop3A_472 = tpu.vector_load %arg19[%parallel_loop3A_471] {strides = array<i32>} : memref<4096xf32, #tpu.memory_space<vmem>>, vector<16xf32>,
        %parallel_loop3A_473 = arith.constant 128 : i32
        %parallel_loop3A_474 = arith.addi %parallel_loop3A_463, %parallel_loop3A_473 : i32
        %parallel_loop3A_475 = arith.index_cast %parallel_loop3A_474 : i32 to index
        %parallel_loop3A_476 = tpu.vector_load %arg20[%parallel_loop3A_475] {strides = array<i32>} : memref<4096xf32, #tpu.memory_space<vmem>>, vector<16xf32>,
        %parallel_loop3A_477 = arith.subf %parallel_loop3A_472, %parallel_loop3A_476 : vector<16xf32>
        %parallel_loop3A_478 = arith.mulf %parallel_loop3A_370, %parallel_loop3A_411 : vector<16xf32>
        %parallel_loop3A_479 = arith.subf %parallel_loop3A_468, %parallel_loop3A_478 : vector<16xf32>
        %parallel_loop3A_480 = arith.mulf %parallel_loop3A_370, %parallel_loop3A_418 : vector<16xf32>
        %parallel_loop3A_481 = arith.subf %parallel_loop3A_477, %parallel_loop3A_480 : vector<16xf32>
        %parallel_loop3A_482 = arith.mulf %parallel_loop3A_479, %parallel_loop3A_479 : vector<16xf32>
        %parallel_loop3A_483 = arith.addf %parallel_loop3A_256, %parallel_loop3A_482 : vector<16xf32>
        %parallel_loop3A_484 = arith.mulf %parallel_loop3A_481, %parallel_loop3A_481 : vector<16xf32>
        %parallel_loop3A_485 = arith.addf %parallel_loop3A_483, %parallel_loop3A_484 : vector<16xf32>
        scf.yield %parallel_loop3A_485 : vector<16xf32>
      } {sc.loop_unroll_factor = 4 : i64, sc.parallel_access}
      %mul3A_99 = arith.constant 32768 : i32
      %mul3A_100 = arith.muli %add3A_26, %mul3A_99 : i32
      %add3A_101 = arith.constant 8192 : i32
      %add3A_102 = arith.addi %mul3A_100, %add3A_101 : i32
      %dma_wait3A_103 = tpu.memref_slice %arg4[%add3A_102] : memref<8388608xf32, #tpu.memory_space<hbm>> -> memref<4096xf32, #tpu.memory_space<hbm>>
      %dma_wait3A_104 = tpu.memref_slice %arg4[%add3A_102] : memref<8388608xf32, #tpu.memory_space<hbm>> -> memref<4096xf32, #tpu.memory_space<hbm>>
      tpu.wait_dma2 semaphore(%arg25 : memref<!tpu.dma_semaphore, #tpu.memory_space<semaphore_mem>>) src(%dma_wait3A_104 : memref<4096xf32, #tpu.memory_space<hbm>>) dst(%arg17 : memref<4096xf32, #tpu.memory_space<vmem>>)
      %mul3A_105 = arith.constant 32768 : i32
      %mul3A_106 = arith.muli %add3A_26, %mul3A_105 : i32
      %add3A_107 = arith.constant 8192 : i32
      %add3A_108 = arith.addi %mul3A_106, %add3A_107 : i32
      %dma_wait3A_109 = tpu.memref_slice %arg5[%add3A_108] : memref<8388608xf32, #tpu.memory_space<hbm>> -> memref<4096xf32, #tpu.memory_space<hbm>>
      %dma_wait3A_110 = tpu.memref_slice %arg5[%add3A_108] : memref<8388608xf32, #tpu.memory_space<hbm>> -> memref<4096xf32, #tpu.memory_space<hbm>>
      tpu.wait_dma2 semaphore(%arg26 : memref<!tpu.dma_semaphore, #tpu.memory_space<semaphore_mem>>) src(%dma_wait3A_110 : memref<4096xf32, #tpu.memory_space<hbm>>) dst(%arg18 : memref<4096xf32, #tpu.memory_space<vmem>>)
      %mul3A_111 = arith.constant 32768 : i32
      %mul3A_112 = arith.muli %add3A_26, %mul3A_111 : i32
      %add3A_113 = arith.constant 12288 : i32
      %add3A_114 = arith.addi %mul3A_112, %add3A_113 : i32
      %dma_start3A_115 = tpu.memref_slice %arg4[%add3A_114] : memref<8388608xf32, #tpu.memory_space<hbm>> -> memref<4096xf32, #tpu.memory_space<hbm>>
      %dma_start3A_116 = tpu.memref_slice %arg4[%add3A_114] : memref<8388608xf32, #tpu.memory_space<hbm>> -> memref<4096xf32, #tpu.memory_space<hbm>>
      tpu.enqueue_dma source(%dma_start3A_116 : memref<4096xf32, #tpu.memory_space<hbm>>) target(%arg19 : memref<4096xf32, #tpu.memory_space<vmem>>) target_semaphore(%arg27 : memref<!tpu.dma_semaphore, #tpu.memory_space<semaphore_mem>>)
      %mul3A_117 = arith.constant 32768 : i32
      %mul3A_118 = arith.muli %add3A_26, %mul3A_117 : i32
      %add3A_119 = arith.constant 12288 : i32
      %add3A_120 = arith.addi %mul3A_118, %add3A_119 : i32
      %dma_start3A_121 = tpu.memref_slice %arg5[%add3A_120] : memref<8388608xf32, #tpu.memory_space<hbm>> -> memref<4096xf32, #tpu.memory_space<hbm>>
      %dma_start3A_122 = tpu.memref_slice %arg5[%add3A_120] : memref<8388608xf32, #tpu.memory_space<hbm>> -> memref<4096xf32, #tpu.memory_space<hbm>>
      tpu.enqueue_dma source(%dma_start3A_122 : memref<4096xf32, #tpu.memory_space<hbm>>) target(%arg20 : memref<4096xf32, #tpu.memory_space<vmem>>) target_semaphore(%arg28 : memref<!tpu.dma_semaphore, #tpu.memory_space<semaphore_mem>>)
      %parallel_loop3A_123 = arith.constant 0 : i32
      %parallel_loop3A_124 = arith.constant 128 : i32
      %parallel_loop3A_125 = arith.constant 1 : i32
      %parallel_loop3A_126 = scf.for %parallel_loop3A_255 = %parallel_loop3A_123 to %parallel_loop3A_124 step %parallel_loop3A_125 iter_args(%parallel_loop3A_256 = %parallel_loop3A_98) -> (vector<16xf32>)  : i32 {
        %parallel_loop3A_257 = arith.constant 256 : i32
        %parallel_loop3A_258 = arith.addi %parallel_loop3A_257, %parallel_loop3A_255 : i32
        %parallel_loop3A_259 = arith.constant 512 : i32
        %parallel_loop3A_260 = arith.divsi %parallel_loop3A_258, %parallel_loop3A_259 : i32
        %parallel_loop3A_261 = arith.constant 0 : i32
        %parallel_loop3A_262 = arith.cmpi sgt, %parallel_loop3A_258, %parallel_loop3A_261 : i32
        %parallel_loop3A_263 = arith.extui %parallel_loop3A_262 : i1 to i32
        %parallel_loop3A_264 = arith.constant 0 : i32
        %parallel_loop3A_265 = arith.cmpi slt, %parallel_loop3A_258, %parallel_loop3A_264 : i32
        %parallel_loop3A_266 = arith.extui %parallel_loop3A_265 : i1 to i32
        %parallel_loop3A_267 = arith.subi %parallel_loop3A_263, %parallel_loop3A_266 : i32
        %parallel_loop3A_268 = arith.constant 0 : i32
        %parallel_loop3A_269 = arith.cmpi sgt, %parallel_loop3A_259, %parallel_loop3A_268 : i32
        %parallel_loop3A_270 = arith.extui %parallel_loop3A_269 : i1 to i32
        %parallel_loop3A_271 = arith.constant 0 : i32
        %parallel_loop3A_272 = arith.cmpi slt, %parallel_loop3A_259, %parallel_loop3A_271 : i32
        %parallel_loop3A_273 = arith.extui %parallel_loop3A_272 : i1 to i32
        %parallel_loop3A_274 = arith.subi %parallel_loop3A_270, %parallel_loop3A_273 : i32
        %parallel_loop3A_275 = arith.cmpi ne, %parallel_loop3A_267, %parallel_loop3A_274 : i32
        %parallel_loop3A_276 = arith.remsi %parallel_loop3A_258, %parallel_loop3A_259 : i32
        %parallel_loop3A_277 = arith.constant 0 : i32
        %parallel_loop3A_278 = arith.cmpi ne, %parallel_loop3A_276, %parallel_loop3A_277 : i32
        %parallel_loop3A_279 = arith.andi %parallel_loop3A_275, %parallel_loop3A_278 : i1
        %parallel_loop3A_280 = arith.constant 1 : i32
        %parallel_loop3A_281 = arith.subi %parallel_loop3A_260, %parallel_loop3A_280 : i32
        %parallel_loop3A_282 = arith.select %parallel_loop3A_279, %parallel_loop3A_281, %parallel_loop3A_260 : i32
        %parallel_loop3A_283 = arith.constant 16384 : i32
        %parallel_loop3A_284 = arith.muli %parallel_loop3A_282, %parallel_loop3A_283 : i32
        %parallel_loop3A_285 = arith.constant 512 : i32
        %parallel_loop3A_286 = arith.constant 0 : i32
        %parallel_loop3A_287 = arith.cmpi eq, %parallel_loop3A_285, %parallel_loop3A_286 : i32
        %parallel_loop3A_288 = arith.constant 1 : i32
        %parallel_loop3A_289 = arith.select %parallel_loop3A_287, %parallel_loop3A_288, %parallel_loop3A_285 : i32
        %parallel_loop3A_290 = arith.remsi %parallel_loop3A_258, %parallel_loop3A_289 : i32
        %parallel_loop3A_291 = arith.constant 0 : i32
        %parallel_loop3A_292 = arith.cmpi ne, %parallel_loop3A_290, %parallel_loop3A_291 : i32
        %parallel_loop3A_293 = arith.constant 0 : i32
        %parallel_loop3A_294 = arith.cmpi slt, %parallel_loop3A_290, %parallel_loop3A_293 : i32
        %parallel_loop3A_295 = arith.constant 0 : i32
        %parallel_loop3A_296 = arith.cmpi slt, %parallel_loop3A_289, %parallel_loop3A_295 : i32
        %parallel_loop3A_297 = arith.xori %parallel_loop3A_294, %parallel_loop3A_296 : i1
        %parallel_loop3A_298 = arith.andi %parallel_loop3A_297, %parallel_loop3A_292 : i1
        %parallel_loop3A_299 = arith.addi %parallel_loop3A_290, %parallel_loop3A_289 : i32
        %parallel_loop3A_300 = arith.select %parallel_loop3A_298, %parallel_loop3A_299, %parallel_loop3A_290 : i32
        %parallel_loop3A_301 = arith.constant 8 : i32
        %parallel_loop3A_302 = arith.divsi %parallel_loop3A_300, %parallel_loop3A_301 : i32
        %parallel_loop3A_303 = arith.constant 0 : i32
        %parallel_loop3A_304 = arith.cmpi sgt, %parallel_loop3A_300, %parallel_loop3A_303 : i32
        %parallel_loop3A_305 = arith.extui %parallel_loop3A_304 : i1 to i32
        %parallel_loop3A_306 = arith.constant 0 : i32
        %parallel_loop3A_307 = arith.cmpi slt, %parallel_loop3A_300, %parallel_loop3A_306 : i32
        %parallel_loop3A_308 = arith.extui %parallel_loop3A_307 : i1 to i32
        %parallel_loop3A_309 = arith.subi %parallel_loop3A_305, %parallel_loop3A_308 : i32
        %parallel_loop3A_310 = arith.constant 0 : i32
        %parallel_loop3A_311 = arith.cmpi sgt, %parallel_loop3A_301, %parallel_loop3A_310 : i32
        %parallel_loop3A_312 = arith.extui %parallel_loop3A_311 : i1 to i32
        %parallel_loop3A_313 = arith.constant 0 : i32
        %parallel_loop3A_314 = arith.cmpi slt, %parallel_loop3A_301, %parallel_loop3A_313 : i32
        %parallel_loop3A_315 = arith.extui %parallel_loop3A_314 : i1 to i32
        %parallel_loop3A_316 = arith.subi %parallel_loop3A_312, %parallel_loop3A_315 : i32
        %parallel_loop3A_317 = arith.cmpi ne, %parallel_loop3A_309, %parallel_loop3A_316 : i32
        %parallel_loop3A_318 = arith.remsi %parallel_loop3A_300, %parallel_loop3A_301 : i32
        %parallel_loop3A_319 = arith.constant 0 : i32
        %parallel_loop3A_320 = arith.cmpi ne, %parallel_loop3A_318, %parallel_loop3A_319 : i32
        %parallel_loop3A_321 = arith.andi %parallel_loop3A_317, %parallel_loop3A_320 : i1
        %parallel_loop3A_322 = arith.constant 1 : i32
        %parallel_loop3A_323 = arith.subi %parallel_loop3A_302, %parallel_loop3A_322 : i32
        %parallel_loop3A_324 = arith.select %parallel_loop3A_321, %parallel_loop3A_323, %parallel_loop3A_302 : i32
        %parallel_loop3A_325 = arith.constant 256 : i32
        %parallel_loop3A_326 = arith.muli %parallel_loop3A_324, %parallel_loop3A_325 : i32
        %parallel_loop3A_327 = arith.addi %parallel_loop3A_284, %parallel_loop3A_326 : i32
        %parallel_loop3A_328 = arith.constant 8 : i32
        %parallel_loop3A_329 = arith.constant 0 : i32
        %parallel_loop3A_330 = arith.cmpi eq, %parallel_loop3A_328, %parallel_loop3A_329 : i32
        %parallel_loop3A_331 = arith.constant 1 : i32
        %parallel_loop3A_332 = arith.select %parallel_loop3A_330, %parallel_loop3A_331, %parallel_loop3A_328 : i32
        %parallel_loop3A_333 = arith.remsi %parallel_loop3A_258, %parallel_loop3A_332 : i32
        %parallel_loop3A_334 = arith.constant 0 : i32
        %parallel_loop3A_335 = arith.cmpi ne, %parallel_loop3A_333, %parallel_loop3A_334 : i32
        %parallel_loop3A_336 = arith.constant 0 : i32
        %parallel_loop3A_337 = arith.cmpi slt, %parallel_loop3A_333, %parallel_loop3A_336 : i32
        %parallel_loop3A_338 = arith.constant 0 : i32
        %parallel_loop3A_339 = arith.cmpi slt, %parallel_loop3A_332, %parallel_loop3A_338 : i32
        %parallel_loop3A_340 = arith.xori %parallel_loop3A_337, %parallel_loop3A_339 : i1
        %parallel_loop3A_341 = arith.andi %parallel_loop3A_340, %parallel_loop3A_335 : i1
        %parallel_loop3A_342 = arith.addi %parallel_loop3A_333, %parallel_loop3A_332 : i32
        %parallel_loop3A_343 = arith.select %parallel_loop3A_341, %parallel_loop3A_342, %parallel_loop3A_333 : i32
        %parallel_loop3A_344 = arith.constant 16 : i32
        %parallel_loop3A_345 = arith.muli %parallel_loop3A_343, %parallel_loop3A_344 : i32
        %parallel_loop3A_346 = arith.addi %parallel_loop3A_327, %parallel_loop3A_345 : i32
        %parallel_loop3A_347 = arith.index_cast %parallel_loop3A_346 : i32 to index
        %parallel_loop3A_348 = tpu.vector_load %arg21[%parallel_loop3A_347] {strides = array<i32>} : memref<32768xi32, #tpu.memory_space<vmem>>, vector<16xi32>,
        %parallel_loop3A_349 = arith.constant 128 : i32
        %parallel_loop3A_350 = arith.addi %parallel_loop3A_346, %parallel_loop3A_349 : i32
        %parallel_loop3A_351 = arith.index_cast %parallel_loop3A_350 : i32 to index
        %parallel_loop3A_352 = tpu.vector_load %arg21[%parallel_loop3A_351] {strides = array<i32>} : memref<32768xi32, #tpu.memory_space<vmem>>, vector<16xi32>,
        %parallel_loop3A_353 = arith.index_cast %parallel_loop3A_346 : i32 to index
        %parallel_loop3A_354 = tpu.vector_load %arg22[%parallel_loop3A_353] {strides = array<i32>} : memref<32768xi32, #tpu.memory_space<vmem>>, vector<16xi32>,
        %parallel_loop3A_355 = arith.constant 128 : i32
        %parallel_loop3A_356 = arith.addi %parallel_loop3A_346, %parallel_loop3A_355 : i32
        %parallel_loop3A_357 = arith.index_cast %parallel_loop3A_356 : i32 to index
        %parallel_loop3A_358 = tpu.vector_load %arg22[%parallel_loop3A_357] {strides = array<i32>} : memref<32768xi32, #tpu.memory_space<vmem>>, vector<16xi32>,
        %parallel_loop3A_359 = arith.constant 0 : i32
        %parallel_loop3A_360 = vector.broadcast %parallel_loop3A_359 : i32 to vector<16xi32>
        %parallel_loop3A_361 = arith.cmpi eq, %parallel_loop3A_354, %parallel_loop3A_360 : vector<16xi32>
        %parallel_loop3A_362 = arith.constant 0 : i32
        %parallel_loop3A_363 = vector.broadcast %parallel_loop3A_362 : i32 to vector<16xi32>
        %parallel_loop3A_364 = arith.cmpi eq, %parallel_loop3A_358, %parallel_loop3A_363 : vector<16xi32>
        %parallel_loop3A_365 = arith.andi %parallel_loop3A_361, %parallel_loop3A_364 : vector<16xi1>
        %parallel_loop3A_366 = arith.constant 1.000000e+00 : f32
        %parallel_loop3A_367 = arith.constant 0.000000e+00 : f32
        %parallel_loop3A_368 = vector.broadcast %parallel_loop3A_366 : f32 to vector<16xf32>
        %parallel_loop3A_369 = vector.broadcast %parallel_loop3A_367 : f32 to vector<16xf32>
        %parallel_loop3A_370 = arith.select %parallel_loop3A_365, %parallel_loop3A_368, %parallel_loop3A_369 : vector<16xi1>, vector<16xf32>
        %parallel_loop3A_371 = arith.constant 7 : i32
        %parallel_loop3A_372 = vector.broadcast %parallel_loop3A_371 : i32 to vector<16xi32>
        %parallel_loop3A_373 = arith.shrsi %parallel_loop3A_348, %parallel_loop3A_372 : vector<16xi32>
        %parallel_loop3A_374 = arith.constant 7 : i32
        %parallel_loop3A_375 = vector.broadcast %parallel_loop3A_374 : i32 to vector<16xi32>
        %parallel_loop3A_376 = arith.shli %parallel_loop3A_373, %parallel_loop3A_375 : vector<16xi32>
        %parallel_loop3A_377 = arith.addi %parallel_loop3A_348, %parallel_loop3A_376 : vector<16xi32>
        %parallel_loop3A_378 = arith.constant 7 : i32
        %parallel_loop3A_379 = vector.broadcast %parallel_loop3A_378 : i32 to vector<16xi32>
        %parallel_loop3A_380 = arith.shrsi %parallel_loop3A_352, %parallel_loop3A_379 : vector<16xi32>
        %parallel_loop3A_381 = arith.constant 7 : i32
        %parallel_loop3A_382 = vector.broadcast %parallel_loop3A_381 : i32 to vector<16xi32>
        %parallel_loop3A_383 = arith.shli %parallel_loop3A_380, %parallel_loop3A_382 : vector<16xi32>
        %parallel_loop3A_384 = arith.addi %parallel_loop3A_352, %parallel_loop3A_383 : vector<16xi32>
        %parallel_loop3A_385 = tpu.vector_load_idx %arg16[%parallel_loop3A_377] : memref<2048xf32, #tpu.memory_space<vmem>>[vector<16xi32>], vector<16xf32>,
        %parallel_loop3A_386 = arith.constant 128 : i32
        %parallel_loop3A_387 = vector.broadcast %parallel_loop3A_386 : i32 to vector<16xi32>
        %parallel_loop3A_388 = arith.addi %parallel_loop3A_377, %parallel_loop3A_387 : vector<16xi32>
        %parallel_loop3A_389 = tpu.vector_load_idx %arg16[%parallel_loop3A_388] : memref<2048xf32, #tpu.memory_space<vmem>>[vector<16xi32>], vector<16xf32>,
        %parallel_loop3A_390 = tpu.vector_load_idx %arg16[%parallel_loop3A_384] : memref<2048xf32, #tpu.memory_space<vmem>>[vector<16xi32>], vector<16xf32>,
        %parallel_loop3A_391 = arith.constant 128 : i32
        %parallel_loop3A_392 = vector.broadcast %parallel_loop3A_391 : i32 to vector<16xi32>
        %parallel_loop3A_393 = arith.addi %parallel_loop3A_384, %parallel_loop3A_392 : vector<16xi32>
        %parallel_loop3A_394 = tpu.vector_load_idx %arg16[%parallel_loop3A_393] : memref<2048xf32, #tpu.memory_space<vmem>>[vector<16xi32>], vector<16xf32>,
        %parallel_loop3A_395 = tpu.vector_load_idx %arg15[%parallel_loop3A_377] : memref<2048xf32, #tpu.memory_space<vmem>>[vector<16xi32>], vector<16xf32>,
        %parallel_loop3A_396 = arith.constant 128 : i32
        %parallel_loop3A_397 = vector.broadcast %parallel_loop3A_396 : i32 to vector<16xi32>
        %parallel_loop3A_398 = arith.addi %parallel_loop3A_377, %parallel_loop3A_397 : vector<16xi32>
        %parallel_loop3A_399 = tpu.vector_load_idx %arg15[%parallel_loop3A_398] : memref<2048xf32, #tpu.memory_space<vmem>>[vector<16xi32>], vector<16xf32>,
        %parallel_loop3A_400 = tpu.vector_load_idx %arg15[%parallel_loop3A_384] : memref<2048xf32, #tpu.memory_space<vmem>>[vector<16xi32>], vector<16xf32>,
        %parallel_loop3A_401 = arith.constant 128 : i32
        %parallel_loop3A_402 = vector.broadcast %parallel_loop3A_401 : i32 to vector<16xi32>
        %parallel_loop3A_403 = arith.addi %parallel_loop3A_384, %parallel_loop3A_402 : vector<16xi32>
        %parallel_loop3A_404 = tpu.vector_load_idx %arg15[%parallel_loop3A_403] : memref<2048xf32, #tpu.memory_space<vmem>>[vector<16xi32>], vector<16xf32>,
        %parallel_loop3A_405 = arith.mulf %parallel_loop3A_385, %parallel_loop3A_400 : vector<16xf32>
        %parallel_loop3A_406 = arith.mulf %parallel_loop3A_389, %parallel_loop3A_404 : vector<16xf32>
        %parallel_loop3A_407 = arith.addf %parallel_loop3A_405, %parallel_loop3A_406 : vector<16xf32>
        %parallel_loop3A_408 = arith.mulf %parallel_loop3A_395, %parallel_loop3A_390 : vector<16xf32>
        %parallel_loop3A_409 = arith.subf %parallel_loop3A_407, %parallel_loop3A_408 : vector<16xf32>
        %parallel_loop3A_410 = arith.mulf %parallel_loop3A_399, %parallel_loop3A_394 : vector<16xf32>
        %parallel_loop3A_411 = arith.subf %parallel_loop3A_409, %parallel_loop3A_410 : vector<16xf32>
        %parallel_loop3A_412 = arith.mulf %parallel_loop3A_389, %parallel_loop3A_400 : vector<16xf32>
        %parallel_loop3A_413 = arith.mulf %parallel_loop3A_385, %parallel_loop3A_404 : vector<16xf32>
        %parallel_loop3A_414 = arith.subf %parallel_loop3A_412, %parallel_loop3A_413 : vector<16xf32>
        %parallel_loop3A_415 = arith.mulf %parallel_loop3A_395, %parallel_loop3A_394 : vector<16xf32>
        %parallel_loop3A_416 = arith.addf %parallel_loop3A_414, %parallel_loop3A_415 : vector<16xf32>
        %parallel_loop3A_417 = arith.mulf %parallel_loop3A_399, %parallel_loop3A_390 : vector<16xf32>
        %parallel_loop3A_418 = arith.subf %parallel_loop3A_416, %parallel_loop3A_417 : vector<16xf32>
        %parallel_loop3A_419 = arith.constant 8 : i32
        %parallel_loop3A_420 = arith.divsi %parallel_loop3A_255, %parallel_loop3A_419 : i32
        %parallel_loop3A_421 = arith.constant 0 : i32
        %parallel_loop3A_422 = arith.cmpi sgt, %parallel_loop3A_255, %parallel_loop3A_421 : i32
        %parallel_loop3A_423 = arith.extui %parallel_loop3A_422 : i1 to i32
        %parallel_loop3A_424 = arith.constant 0 : i32
        %parallel_loop3A_425 = arith.cmpi slt, %parallel_loop3A_255, %parallel_loop3A_424 : i32
        %parallel_loop3A_426 = arith.extui %parallel_loop3A_425 : i1 to i32
        %parallel_loop3A_427 = arith.subi %parallel_loop3A_423, %parallel_loop3A_426 : i32
        %parallel_loop3A_428 = arith.constant 0 : i32
        %parallel_loop3A_429 = arith.cmpi sgt, %parallel_loop3A_419, %parallel_loop3A_428 : i32
        %parallel_loop3A_430 = arith.extui %parallel_loop3A_429 : i1 to i32
        %parallel_loop3A_431 = arith.constant 0 : i32
        %parallel_loop3A_432 = arith.cmpi slt, %parallel_loop3A_419, %parallel_loop3A_431 : i32
        %parallel_loop3A_433 = arith.extui %parallel_loop3A_432 : i1 to i32
        %parallel_loop3A_434 = arith.subi %parallel_loop3A_430, %parallel_loop3A_433 : i32
        %parallel_loop3A_435 = arith.cmpi ne, %parallel_loop3A_427, %parallel_loop3A_434 : i32
        %parallel_loop3A_436 = arith.remsi %parallel_loop3A_255, %parallel_loop3A_419 : i32
        %parallel_loop3A_437 = arith.constant 0 : i32
        %parallel_loop3A_438 = arith.cmpi ne, %parallel_loop3A_436, %parallel_loop3A_437 : i32
        %parallel_loop3A_439 = arith.andi %parallel_loop3A_435, %parallel_loop3A_438 : i1
        %parallel_loop3A_440 = arith.constant 1 : i32
        %parallel_loop3A_441 = arith.subi %parallel_loop3A_420, %parallel_loop3A_440 : i32
        %parallel_loop3A_442 = arith.select %parallel_loop3A_439, %parallel_loop3A_441, %parallel_loop3A_420 : i32
        %parallel_loop3A_443 = arith.constant 256 : i32
        %parallel_loop3A_444 = arith.muli %parallel_loop3A_442, %parallel_loop3A_443 : i32
        %parallel_loop3A_445 = arith.constant 8 : i32
        %parallel_loop3A_446 = arith.constant 0 : i32
        %parallel_loop3A_447 = arith.cmpi eq, %parallel_loop3A_445, %parallel_loop3A_446 : i32
        %parallel_loop3A_448 = arith.constant 1 : i32
        %parallel_loop3A_449 = arith.select %parallel_loop3A_447, %parallel_loop3A_448, %parallel_loop3A_445 : i32
        %parallel_loop3A_450 = arith.remsi %parallel_loop3A_255, %parallel_loop3A_449 : i32
        %parallel_loop3A_451 = arith.constant 0 : i32
        %parallel_loop3A_452 = arith.cmpi ne, %parallel_loop3A_450, %parallel_loop3A_451 : i32
        %parallel_loop3A_453 = arith.constant 0 : i32
        %parallel_loop3A_454 = arith.cmpi slt, %parallel_loop3A_450, %parallel_loop3A_453 : i32
        %parallel_loop3A_455 = arith.constant 0 : i32
        %parallel_loop3A_456 = arith.cmpi slt, %parallel_loop3A_449, %parallel_loop3A_455 : i32
        %parallel_loop3A_457 = arith.xori %parallel_loop3A_454, %parallel_loop3A_456 : i1
        %parallel_loop3A_458 = arith.andi %parallel_loop3A_457, %parallel_loop3A_452 : i1
        %parallel_loop3A_459 = arith.addi %parallel_loop3A_450, %parallel_loop3A_449 : i32
        %parallel_loop3A_460 = arith.select %parallel_loop3A_458, %parallel_loop3A_459, %parallel_loop3A_450 : i32
        %parallel_loop3A_461 = arith.constant 16 : i32
        %parallel_loop3A_462 = arith.muli %parallel_loop3A_460, %parallel_loop3A_461 : i32
        %parallel_loop3A_463 = arith.addi %parallel_loop3A_444, %parallel_loop3A_462 : i32
        %parallel_loop3A_464 = arith.index_cast %parallel_loop3A_463 : i32 to index
        %parallel_loop3A_465 = tpu.vector_load %arg17[%parallel_loop3A_464] {strides = array<i32>} : memref<4096xf32, #tpu.memory_space<vmem>>, vector<16xf32>,
        %parallel_loop3A_466 = arith.index_cast %parallel_loop3A_463 : i32 to index
        %parallel_loop3A_467 = tpu.vector_load %arg18[%parallel_loop3A_466] {strides = array<i32>} : memref<4096xf32, #tpu.memory_space<vmem>>, vector<16xf32>,
        %parallel_loop3A_468 = arith.subf %parallel_loop3A_465, %parallel_loop3A_467 : vector<16xf32>
        %parallel_loop3A_469 = arith.constant 128 : i32
        %parallel_loop3A_470 = arith.addi %parallel_loop3A_463, %parallel_loop3A_469 : i32
        %parallel_loop3A_471 = arith.index_cast %parallel_loop3A_470 : i32 to index
        %parallel_loop3A_472 = tpu.vector_load %arg17[%parallel_loop3A_471] {strides = array<i32>} : memref<4096xf32, #tpu.memory_space<vmem>>, vector<16xf32>,
        %parallel_loop3A_473 = arith.constant 128 : i32
        %parallel_loop3A_474 = arith.addi %parallel_loop3A_463, %parallel_loop3A_473 : i32
        %parallel_loop3A_475 = arith.index_cast %parallel_loop3A_474 : i32 to index
        %parallel_loop3A_476 = tpu.vector_load %arg18[%parallel_loop3A_475] {strides = array<i32>} : memref<4096xf32, #tpu.memory_space<vmem>>, vector<16xf32>,
        %parallel_loop3A_477 = arith.subf %parallel_loop3A_472, %parallel_loop3A_476 : vector<16xf32>
        %parallel_loop3A_478 = arith.mulf %parallel_loop3A_370, %parallel_loop3A_411 : vector<16xf32>
        %parallel_loop3A_479 = arith.subf %parallel_loop3A_468, %parallel_loop3A_478 : vector<16xf32>
        %parallel_loop3A_480 = arith.mulf %parallel_loop3A_370, %parallel_loop3A_418 : vector<16xf32>
        %parallel_loop3A_481 = arith.subf %parallel_loop3A_477, %parallel_loop3A_480 : vector<16xf32>
        %parallel_loop3A_482 = arith.mulf %parallel_loop3A_479, %parallel_loop3A_479 : vector<16xf32>
        %parallel_loop3A_483 = arith.addf %parallel_loop3A_256, %parallel_loop3A_482 : vector<16xf32>
        %parallel_loop3A_484 = arith.mulf %parallel_loop3A_481, %parallel_loop3A_481 : vector<16xf32>
        %parallel_loop3A_485 = arith.addf %parallel_loop3A_483, %parallel_loop3A_484 : vector<16xf32>
        scf.yield %parallel_loop3A_485 : vector<16xf32>
      } {sc.loop_unroll_factor = 4 : i64, sc.parallel_access}
      %mul3A_127 = arith.constant 32768 : i32
      %mul3A_128 = arith.muli %add3A_26, %mul3A_127 : i32
      %add3A_129 = arith.constant 12288 : i32
      %add3A_130 = arith.addi %mul3A_128, %add3A_129 : i32
      %dma_wait3A_131 = tpu.memref_slice %arg4[%add3A_130] : memref<8388608xf32, #tpu.memory_space<hbm>> -> memref<4096xf32, #tpu.memory_space<hbm>>
      %dma_wait3A_132 = tpu.memref_slice %arg4[%add3A_130] : memref<8388608xf32, #tpu.memory_space<hbm>> -> memref<4096xf32, #tpu.memory_space<hbm>>
      tpu.wait_dma2 semaphore(%arg27 : memref<!tpu.dma_semaphore, #tpu.memory_space<semaphore_mem>>) src(%dma_wait3A_132 : memref<4096xf32, #tpu.memory_space<hbm>>) dst(%arg19 : memref<4096xf32, #tpu.memory_space<vmem>>)
      %mul3A_133 = arith.constant 32768 : i32
      %mul3A_134 = arith.muli %add3A_26, %mul3A_133 : i32
      %add3A_135 = arith.constant 12288 : i32
      %add3A_136 = arith.addi %mul3A_134, %add3A_135 : i32
      %dma_wait3A_137 = tpu.memref_slice %arg5[%add3A_136] : memref<8388608xf32, #tpu.memory_space<hbm>> -> memref<4096xf32, #tpu.memory_space<hbm>>
      %dma_wait3A_138 = tpu.memref_slice %arg5[%add3A_136] : memref<8388608xf32, #tpu.memory_space<hbm>> -> memref<4096xf32, #tpu.memory_space<hbm>>
      tpu.wait_dma2 semaphore(%arg28 : memref<!tpu.dma_semaphore, #tpu.memory_space<semaphore_mem>>) src(%dma_wait3A_138 : memref<4096xf32, #tpu.memory_space<hbm>>) dst(%arg20 : memref<4096xf32, #tpu.memory_space<vmem>>)
      %mul3A_139 = arith.constant 32768 : i32
      %mul3A_140 = arith.muli %add3A_26, %mul3A_139 : i32
      %add3A_141 = arith.constant 16384 : i32
      %add3A_142 = arith.addi %mul3A_140, %add3A_141 : i32
      %dma_start3A_143 = tpu.memref_slice %arg4[%add3A_142] : memref<8388608xf32, #tpu.memory_space<hbm>> -> memref<4096xf32, #tpu.memory_space<hbm>>
      %dma_start3A_144 = tpu.memref_slice %arg4[%add3A_142] : memref<8388608xf32, #tpu.memory_space<hbm>> -> memref<4096xf32, #tpu.memory_space<hbm>>
      tpu.enqueue_dma source(%dma_start3A_144 : memref<4096xf32, #tpu.memory_space<hbm>>) target(%arg17 : memref<4096xf32, #tpu.memory_space<vmem>>) target_semaphore(%arg25 : memref<!tpu.dma_semaphore, #tpu.memory_space<semaphore_mem>>)
      %mul3A_145 = arith.constant 32768 : i32
      %mul3A_146 = arith.muli %add3A_26, %mul3A_145 : i32
      %add3A_147 = arith.constant 16384 : i32
      %add3A_148 = arith.addi %mul3A_146, %add3A_147 : i32
      %dma_start3A_149 = tpu.memref_slice %arg5[%add3A_148] : memref<8388608xf32, #tpu.memory_space<hbm>> -> memref<4096xf32, #tpu.memory_space<hbm>>
      %dma_start3A_150 = tpu.memref_slice %arg5[%add3A_148] : memref<8388608xf32, #tpu.memory_space<hbm>> -> memref<4096xf32, #tpu.memory_space<hbm>>
      tpu.enqueue_dma source(%dma_start3A_150 : memref<4096xf32, #tpu.memory_space<hbm>>) target(%arg18 : memref<4096xf32, #tpu.memory_space<vmem>>) target_semaphore(%arg26 : memref<!tpu.dma_semaphore, #tpu.memory_space<semaphore_mem>>)
      %parallel_loop3A_151 = arith.constant 0 : i32
      %parallel_loop3A_152 = arith.constant 128 : i32
      %parallel_loop3A_153 = arith.constant 1 : i32
      %parallel_loop3A_154 = scf.for %parallel_loop3A_255 = %parallel_loop3A_151 to %parallel_loop3A_152 step %parallel_loop3A_153 iter_args(%parallel_loop3A_256 = %parallel_loop3A_126) -> (vector<16xf32>)  : i32 {
        %parallel_loop3A_257 = arith.constant 384 : i32
        %parallel_loop3A_258 = arith.addi %parallel_loop3A_257, %parallel_loop3A_255 : i32
        %parallel_loop3A_259 = arith.constant 512 : i32
        %parallel_loop3A_260 = arith.divsi %parallel_loop3A_258, %parallel_loop3A_259 : i32
        %parallel_loop3A_261 = arith.constant 0 : i32
        %parallel_loop3A_262 = arith.cmpi sgt, %parallel_loop3A_258, %parallel_loop3A_261 : i32
        %parallel_loop3A_263 = arith.extui %parallel_loop3A_262 : i1 to i32
        %parallel_loop3A_264 = arith.constant 0 : i32
        %parallel_loop3A_265 = arith.cmpi slt, %parallel_loop3A_258, %parallel_loop3A_264 : i32
        %parallel_loop3A_266 = arith.extui %parallel_loop3A_265 : i1 to i32
        %parallel_loop3A_267 = arith.subi %parallel_loop3A_263, %parallel_loop3A_266 : i32
        %parallel_loop3A_268 = arith.constant 0 : i32
        %parallel_loop3A_269 = arith.cmpi sgt, %parallel_loop3A_259, %parallel_loop3A_268 : i32
        %parallel_loop3A_270 = arith.extui %parallel_loop3A_269 : i1 to i32
        %parallel_loop3A_271 = arith.constant 0 : i32
        %parallel_loop3A_272 = arith.cmpi slt, %parallel_loop3A_259, %parallel_loop3A_271 : i32
        %parallel_loop3A_273 = arith.extui %parallel_loop3A_272 : i1 to i32
        %parallel_loop3A_274 = arith.subi %parallel_loop3A_270, %parallel_loop3A_273 : i32
        %parallel_loop3A_275 = arith.cmpi ne, %parallel_loop3A_267, %parallel_loop3A_274 : i32
        %parallel_loop3A_276 = arith.remsi %parallel_loop3A_258, %parallel_loop3A_259 : i32
        %parallel_loop3A_277 = arith.constant 0 : i32
        %parallel_loop3A_278 = arith.cmpi ne, %parallel_loop3A_276, %parallel_loop3A_277 : i32
        %parallel_loop3A_279 = arith.andi %parallel_loop3A_275, %parallel_loop3A_278 : i1
        %parallel_loop3A_280 = arith.constant 1 : i32
        %parallel_loop3A_281 = arith.subi %parallel_loop3A_260, %parallel_loop3A_280 : i32
        %parallel_loop3A_282 = arith.select %parallel_loop3A_279, %parallel_loop3A_281, %parallel_loop3A_260 : i32
        %parallel_loop3A_283 = arith.constant 16384 : i32
        %parallel_loop3A_284 = arith.muli %parallel_loop3A_282, %parallel_loop3A_283 : i32
        %parallel_loop3A_285 = arith.constant 512 : i32
        %parallel_loop3A_286 = arith.constant 0 : i32
        %parallel_loop3A_287 = arith.cmpi eq, %parallel_loop3A_285, %parallel_loop3A_286 : i32
        %parallel_loop3A_288 = arith.constant 1 : i32
        %parallel_loop3A_289 = arith.select %parallel_loop3A_287, %parallel_loop3A_288, %parallel_loop3A_285 : i32
        %parallel_loop3A_290 = arith.remsi %parallel_loop3A_258, %parallel_loop3A_289 : i32
        %parallel_loop3A_291 = arith.constant 0 : i32
        %parallel_loop3A_292 = arith.cmpi ne, %parallel_loop3A_290, %parallel_loop3A_291 : i32
        %parallel_loop3A_293 = arith.constant 0 : i32
        %parallel_loop3A_294 = arith.cmpi slt, %parallel_loop3A_290, %parallel_loop3A_293 : i32
        %parallel_loop3A_295 = arith.constant 0 : i32
        %parallel_loop3A_296 = arith.cmpi slt, %parallel_loop3A_289, %parallel_loop3A_295 : i32
        %parallel_loop3A_297 = arith.xori %parallel_loop3A_294, %parallel_loop3A_296 : i1
        %parallel_loop3A_298 = arith.andi %parallel_loop3A_297, %parallel_loop3A_292 : i1
        %parallel_loop3A_299 = arith.addi %parallel_loop3A_290, %parallel_loop3A_289 : i32
        %parallel_loop3A_300 = arith.select %parallel_loop3A_298, %parallel_loop3A_299, %parallel_loop3A_290 : i32
        %parallel_loop3A_301 = arith.constant 8 : i32
        %parallel_loop3A_302 = arith.divsi %parallel_loop3A_300, %parallel_loop3A_301 : i32
        %parallel_loop3A_303 = arith.constant 0 : i32
        %parallel_loop3A_304 = arith.cmpi sgt, %parallel_loop3A_300, %parallel_loop3A_303 : i32
        %parallel_loop3A_305 = arith.extui %parallel_loop3A_304 : i1 to i32
        %parallel_loop3A_306 = arith.constant 0 : i32
        %parallel_loop3A_307 = arith.cmpi slt, %parallel_loop3A_300, %parallel_loop3A_306 : i32
        %parallel_loop3A_308 = arith.extui %parallel_loop3A_307 : i1 to i32
        %parallel_loop3A_309 = arith.subi %parallel_loop3A_305, %parallel_loop3A_308 : i32
        %parallel_loop3A_310 = arith.constant 0 : i32
        %parallel_loop3A_311 = arith.cmpi sgt, %parallel_loop3A_301, %parallel_loop3A_310 : i32
        %parallel_loop3A_312 = arith.extui %parallel_loop3A_311 : i1 to i32
        %parallel_loop3A_313 = arith.constant 0 : i32
        %parallel_loop3A_314 = arith.cmpi slt, %parallel_loop3A_301, %parallel_loop3A_313 : i32
        %parallel_loop3A_315 = arith.extui %parallel_loop3A_314 : i1 to i32
        %parallel_loop3A_316 = arith.subi %parallel_loop3A_312, %parallel_loop3A_315 : i32
        %parallel_loop3A_317 = arith.cmpi ne, %parallel_loop3A_309, %parallel_loop3A_316 : i32
        %parallel_loop3A_318 = arith.remsi %parallel_loop3A_300, %parallel_loop3A_301 : i32
        %parallel_loop3A_319 = arith.constant 0 : i32
        %parallel_loop3A_320 = arith.cmpi ne, %parallel_loop3A_318, %parallel_loop3A_319 : i32
        %parallel_loop3A_321 = arith.andi %parallel_loop3A_317, %parallel_loop3A_320 : i1
        %parallel_loop3A_322 = arith.constant 1 : i32
        %parallel_loop3A_323 = arith.subi %parallel_loop3A_302, %parallel_loop3A_322 : i32
        %parallel_loop3A_324 = arith.select %parallel_loop3A_321, %parallel_loop3A_323, %parallel_loop3A_302 : i32
        %parallel_loop3A_325 = arith.constant 256 : i32
        %parallel_loop3A_326 = arith.muli %parallel_loop3A_324, %parallel_loop3A_325 : i32
        %parallel_loop3A_327 = arith.addi %parallel_loop3A_284, %parallel_loop3A_326 : i32
        %parallel_loop3A_328 = arith.constant 8 : i32
        %parallel_loop3A_329 = arith.constant 0 : i32
        %parallel_loop3A_330 = arith.cmpi eq, %parallel_loop3A_328, %parallel_loop3A_329 : i32
        %parallel_loop3A_331 = arith.constant 1 : i32
        %parallel_loop3A_332 = arith.select %parallel_loop3A_330, %parallel_loop3A_331, %parallel_loop3A_328 : i32
        %parallel_loop3A_333 = arith.remsi %parallel_loop3A_258, %parallel_loop3A_332 : i32
        %parallel_loop3A_334 = arith.constant 0 : i32
        %parallel_loop3A_335 = arith.cmpi ne, %parallel_loop3A_333, %parallel_loop3A_334 : i32
        %parallel_loop3A_336 = arith.constant 0 : i32
        %parallel_loop3A_337 = arith.cmpi slt, %parallel_loop3A_333, %parallel_loop3A_336 : i32
        %parallel_loop3A_338 = arith.constant 0 : i32
        %parallel_loop3A_339 = arith.cmpi slt, %parallel_loop3A_332, %parallel_loop3A_338 : i32
        %parallel_loop3A_340 = arith.xori %parallel_loop3A_337, %parallel_loop3A_339 : i1
        %parallel_loop3A_341 = arith.andi %parallel_loop3A_340, %parallel_loop3A_335 : i1
        %parallel_loop3A_342 = arith.addi %parallel_loop3A_333, %parallel_loop3A_332 : i32
        %parallel_loop3A_343 = arith.select %parallel_loop3A_341, %parallel_loop3A_342, %parallel_loop3A_333 : i32
        %parallel_loop3A_344 = arith.constant 16 : i32
        %parallel_loop3A_345 = arith.muli %parallel_loop3A_343, %parallel_loop3A_344 : i32
        %parallel_loop3A_346 = arith.addi %parallel_loop3A_327, %parallel_loop3A_345 : i32
        %parallel_loop3A_347 = arith.index_cast %parallel_loop3A_346 : i32 to index
        %parallel_loop3A_348 = tpu.vector_load %arg21[%parallel_loop3A_347] {strides = array<i32>} : memref<32768xi32, #tpu.memory_space<vmem>>, vector<16xi32>,
        %parallel_loop3A_349 = arith.constant 128 : i32
        %parallel_loop3A_350 = arith.addi %parallel_loop3A_346, %parallel_loop3A_349 : i32
        %parallel_loop3A_351 = arith.index_cast %parallel_loop3A_350 : i32 to index
        %parallel_loop3A_352 = tpu.vector_load %arg21[%parallel_loop3A_351] {strides = array<i32>} : memref<32768xi32, #tpu.memory_space<vmem>>, vector<16xi32>,
        %parallel_loop3A_353 = arith.index_cast %parallel_loop3A_346 : i32 to index
        %parallel_loop3A_354 = tpu.vector_load %arg22[%parallel_loop3A_353] {strides = array<i32>} : memref<32768xi32, #tpu.memory_space<vmem>>, vector<16xi32>,
        %parallel_loop3A_355 = arith.constant 128 : i32
        %parallel_loop3A_356 = arith.addi %parallel_loop3A_346, %parallel_loop3A_355 : i32
        %parallel_loop3A_357 = arith.index_cast %parallel_loop3A_356 : i32 to index
        %parallel_loop3A_358 = tpu.vector_load %arg22[%parallel_loop3A_357] {strides = array<i32>} : memref<32768xi32, #tpu.memory_space<vmem>>, vector<16xi32>,
        %parallel_loop3A_359 = arith.constant 0 : i32
        %parallel_loop3A_360 = vector.broadcast %parallel_loop3A_359 : i32 to vector<16xi32>
        %parallel_loop3A_361 = arith.cmpi eq, %parallel_loop3A_354, %parallel_loop3A_360 : vector<16xi32>
        %parallel_loop3A_362 = arith.constant 0 : i32
        %parallel_loop3A_363 = vector.broadcast %parallel_loop3A_362 : i32 to vector<16xi32>
        %parallel_loop3A_364 = arith.cmpi eq, %parallel_loop3A_358, %parallel_loop3A_363 : vector<16xi32>
        %parallel_loop3A_365 = arith.andi %parallel_loop3A_361, %parallel_loop3A_364 : vector<16xi1>
        %parallel_loop3A_366 = arith.constant 1.000000e+00 : f32
        %parallel_loop3A_367 = arith.constant 0.000000e+00 : f32
        %parallel_loop3A_368 = vector.broadcast %parallel_loop3A_366 : f32 to vector<16xf32>
        %parallel_loop3A_369 = vector.broadcast %parallel_loop3A_367 : f32 to vector<16xf32>
        %parallel_loop3A_370 = arith.select %parallel_loop3A_365, %parallel_loop3A_368, %parallel_loop3A_369 : vector<16xi1>, vector<16xf32>
        %parallel_loop3A_371 = arith.constant 7 : i32
        %parallel_loop3A_372 = vector.broadcast %parallel_loop3A_371 : i32 to vector<16xi32>
        %parallel_loop3A_373 = arith.shrsi %parallel_loop3A_348, %parallel_loop3A_372 : vector<16xi32>
        %parallel_loop3A_374 = arith.constant 7 : i32
        %parallel_loop3A_375 = vector.broadcast %parallel_loop3A_374 : i32 to vector<16xi32>
        %parallel_loop3A_376 = arith.shli %parallel_loop3A_373, %parallel_loop3A_375 : vector<16xi32>
        %parallel_loop3A_377 = arith.addi %parallel_loop3A_348, %parallel_loop3A_376 : vector<16xi32>
        %parallel_loop3A_378 = arith.constant 7 : i32
        %parallel_loop3A_379 = vector.broadcast %parallel_loop3A_378 : i32 to vector<16xi32>
        %parallel_loop3A_380 = arith.shrsi %parallel_loop3A_352, %parallel_loop3A_379 : vector<16xi32>
        %parallel_loop3A_381 = arith.constant 7 : i32
        %parallel_loop3A_382 = vector.broadcast %parallel_loop3A_381 : i32 to vector<16xi32>
        %parallel_loop3A_383 = arith.shli %parallel_loop3A_380, %parallel_loop3A_382 : vector<16xi32>
        %parallel_loop3A_384 = arith.addi %parallel_loop3A_352, %parallel_loop3A_383 : vector<16xi32>
        %parallel_loop3A_385 = tpu.vector_load_idx %arg16[%parallel_loop3A_377] : memref<2048xf32, #tpu.memory_space<vmem>>[vector<16xi32>], vector<16xf32>,
        %parallel_loop3A_386 = arith.constant 128 : i32
        %parallel_loop3A_387 = vector.broadcast %parallel_loop3A_386 : i32 to vector<16xi32>
        %parallel_loop3A_388 = arith.addi %parallel_loop3A_377, %parallel_loop3A_387 : vector<16xi32>
        %parallel_loop3A_389 = tpu.vector_load_idx %arg16[%parallel_loop3A_388] : memref<2048xf32, #tpu.memory_space<vmem>>[vector<16xi32>], vector<16xf32>,
        %parallel_loop3A_390 = tpu.vector_load_idx %arg16[%parallel_loop3A_384] : memref<2048xf32, #tpu.memory_space<vmem>>[vector<16xi32>], vector<16xf32>,
        %parallel_loop3A_391 = arith.constant 128 : i32
        %parallel_loop3A_392 = vector.broadcast %parallel_loop3A_391 : i32 to vector<16xi32>
        %parallel_loop3A_393 = arith.addi %parallel_loop3A_384, %parallel_loop3A_392 : vector<16xi32>
        %parallel_loop3A_394 = tpu.vector_load_idx %arg16[%parallel_loop3A_393] : memref<2048xf32, #tpu.memory_space<vmem>>[vector<16xi32>], vector<16xf32>,
        %parallel_loop3A_395 = tpu.vector_load_idx %arg15[%parallel_loop3A_377] : memref<2048xf32, #tpu.memory_space<vmem>>[vector<16xi32>], vector<16xf32>,
        %parallel_loop3A_396 = arith.constant 128 : i32
        %parallel_loop3A_397 = vector.broadcast %parallel_loop3A_396 : i32 to vector<16xi32>
        %parallel_loop3A_398 = arith.addi %parallel_loop3A_377, %parallel_loop3A_397 : vector<16xi32>
        %parallel_loop3A_399 = tpu.vector_load_idx %arg15[%parallel_loop3A_398] : memref<2048xf32, #tpu.memory_space<vmem>>[vector<16xi32>], vector<16xf32>,
        %parallel_loop3A_400 = tpu.vector_load_idx %arg15[%parallel_loop3A_384] : memref<2048xf32, #tpu.memory_space<vmem>>[vector<16xi32>], vector<16xf32>,
        %parallel_loop3A_401 = arith.constant 128 : i32
        %parallel_loop3A_402 = vector.broadcast %parallel_loop3A_401 : i32 to vector<16xi32>
        %parallel_loop3A_403 = arith.addi %parallel_loop3A_384, %parallel_loop3A_402 : vector<16xi32>
        %parallel_loop3A_404 = tpu.vector_load_idx %arg15[%parallel_loop3A_403] : memref<2048xf32, #tpu.memory_space<vmem>>[vector<16xi32>], vector<16xf32>,
        %parallel_loop3A_405 = arith.mulf %parallel_loop3A_385, %parallel_loop3A_400 : vector<16xf32>
        %parallel_loop3A_406 = arith.mulf %parallel_loop3A_389, %parallel_loop3A_404 : vector<16xf32>
        %parallel_loop3A_407 = arith.addf %parallel_loop3A_405, %parallel_loop3A_406 : vector<16xf32>
        %parallel_loop3A_408 = arith.mulf %parallel_loop3A_395, %parallel_loop3A_390 : vector<16xf32>
        %parallel_loop3A_409 = arith.subf %parallel_loop3A_407, %parallel_loop3A_408 : vector<16xf32>
        %parallel_loop3A_410 = arith.mulf %parallel_loop3A_399, %parallel_loop3A_394 : vector<16xf32>
        %parallel_loop3A_411 = arith.subf %parallel_loop3A_409, %parallel_loop3A_410 : vector<16xf32>
        %parallel_loop3A_412 = arith.mulf %parallel_loop3A_389, %parallel_loop3A_400 : vector<16xf32>
        %parallel_loop3A_413 = arith.mulf %parallel_loop3A_385, %parallel_loop3A_404 : vector<16xf32>
        %parallel_loop3A_414 = arith.subf %parallel_loop3A_412, %parallel_loop3A_413 : vector<16xf32>
        %parallel_loop3A_415 = arith.mulf %parallel_loop3A_395, %parallel_loop3A_394 : vector<16xf32>
        %parallel_loop3A_416 = arith.addf %parallel_loop3A_414, %parallel_loop3A_415 : vector<16xf32>
        %parallel_loop3A_417 = arith.mulf %parallel_loop3A_399, %parallel_loop3A_390 : vector<16xf32>
        %parallel_loop3A_418 = arith.subf %parallel_loop3A_416, %parallel_loop3A_417 : vector<16xf32>
        %parallel_loop3A_419 = arith.constant 8 : i32
        %parallel_loop3A_420 = arith.divsi %parallel_loop3A_255, %parallel_loop3A_419 : i32
        %parallel_loop3A_421 = arith.constant 0 : i32
        %parallel_loop3A_422 = arith.cmpi sgt, %parallel_loop3A_255, %parallel_loop3A_421 : i32
        %parallel_loop3A_423 = arith.extui %parallel_loop3A_422 : i1 to i32
        %parallel_loop3A_424 = arith.constant 0 : i32
        %parallel_loop3A_425 = arith.cmpi slt, %parallel_loop3A_255, %parallel_loop3A_424 : i32
        %parallel_loop3A_426 = arith.extui %parallel_loop3A_425 : i1 to i32
        %parallel_loop3A_427 = arith.subi %parallel_loop3A_423, %parallel_loop3A_426 : i32
        %parallel_loop3A_428 = arith.constant 0 : i32
        %parallel_loop3A_429 = arith.cmpi sgt, %parallel_loop3A_419, %parallel_loop3A_428 : i32
        %parallel_loop3A_430 = arith.extui %parallel_loop3A_429 : i1 to i32
        %parallel_loop3A_431 = arith.constant 0 : i32
        %parallel_loop3A_432 = arith.cmpi slt, %parallel_loop3A_419, %parallel_loop3A_431 : i32
        %parallel_loop3A_433 = arith.extui %parallel_loop3A_432 : i1 to i32
        %parallel_loop3A_434 = arith.subi %parallel_loop3A_430, %parallel_loop3A_433 : i32
        %parallel_loop3A_435 = arith.cmpi ne, %parallel_loop3A_427, %parallel_loop3A_434 : i32
        %parallel_loop3A_436 = arith.remsi %parallel_loop3A_255, %parallel_loop3A_419 : i32
        %parallel_loop3A_437 = arith.constant 0 : i32
        %parallel_loop3A_438 = arith.cmpi ne, %parallel_loop3A_436, %parallel_loop3A_437 : i32
        %parallel_loop3A_439 = arith.andi %parallel_loop3A_435, %parallel_loop3A_438 : i1
        %parallel_loop3A_440 = arith.constant 1 : i32
        %parallel_loop3A_441 = arith.subi %parallel_loop3A_420, %parallel_loop3A_440 : i32
        %parallel_loop3A_442 = arith.select %parallel_loop3A_439, %parallel_loop3A_441, %parallel_loop3A_420 : i32
        %parallel_loop3A_443 = arith.constant 256 : i32
        %parallel_loop3A_444 = arith.muli %parallel_loop3A_442, %parallel_loop3A_443 : i32
        %parallel_loop3A_445 = arith.constant 8 : i32
        %parallel_loop3A_446 = arith.constant 0 : i32
        %parallel_loop3A_447 = arith.cmpi eq, %parallel_loop3A_445, %parallel_loop3A_446 : i32
        %parallel_loop3A_448 = arith.constant 1 : i32
        %parallel_loop3A_449 = arith.select %parallel_loop3A_447, %parallel_loop3A_448, %parallel_loop3A_445 : i32
        %parallel_loop3A_450 = arith.remsi %parallel_loop3A_255, %parallel_loop3A_449 : i32
        %parallel_loop3A_451 = arith.constant 0 : i32
        %parallel_loop3A_452 = arith.cmpi ne, %parallel_loop3A_450, %parallel_loop3A_451 : i32
        %parallel_loop3A_453 = arith.constant 0 : i32
        %parallel_loop3A_454 = arith.cmpi slt, %parallel_loop3A_450, %parallel_loop3A_453 : i32
        %parallel_loop3A_455 = arith.constant 0 : i32
        %parallel_loop3A_456 = arith.cmpi slt, %parallel_loop3A_449, %parallel_loop3A_455 : i32
        %parallel_loop3A_457 = arith.xori %parallel_loop3A_454, %parallel_loop3A_456 : i1
        %parallel_loop3A_458 = arith.andi %parallel_loop3A_457, %parallel_loop3A_452 : i1
        %parallel_loop3A_459 = arith.addi %parallel_loop3A_450, %parallel_loop3A_449 : i32
        %parallel_loop3A_460 = arith.select %parallel_loop3A_458, %parallel_loop3A_459, %parallel_loop3A_450 : i32
        %parallel_loop3A_461 = arith.constant 16 : i32
        %parallel_loop3A_462 = arith.muli %parallel_loop3A_460, %parallel_loop3A_461 : i32
        %parallel_loop3A_463 = arith.addi %parallel_loop3A_444, %parallel_loop3A_462 : i32
        %parallel_loop3A_464 = arith.index_cast %parallel_loop3A_463 : i32 to index
        %parallel_loop3A_465 = tpu.vector_load %arg19[%parallel_loop3A_464] {strides = array<i32>} : memref<4096xf32, #tpu.memory_space<vmem>>, vector<16xf32>,
        %parallel_loop3A_466 = arith.index_cast %parallel_loop3A_463 : i32 to index
        %parallel_loop3A_467 = tpu.vector_load %arg20[%parallel_loop3A_466] {strides = array<i32>} : memref<4096xf32, #tpu.memory_space<vmem>>, vector<16xf32>,
        %parallel_loop3A_468 = arith.subf %parallel_loop3A_465, %parallel_loop3A_467 : vector<16xf32>
        %parallel_loop3A_469 = arith.constant 128 : i32
        %parallel_loop3A_470 = arith.addi %parallel_loop3A_463, %parallel_loop3A_469 : i32
        %parallel_loop3A_471 = arith.index_cast %parallel_loop3A_470 : i32 to index
        %parallel_loop3A_472 = tpu.vector_load %arg19[%parallel_loop3A_471] {strides = array<i32>} : memref<4096xf32, #tpu.memory_space<vmem>>, vector<16xf32>,
        %parallel_loop3A_473 = arith.constant 128 : i32
        %parallel_loop3A_474 = arith.addi %parallel_loop3A_463, %parallel_loop3A_473 : i32
        %parallel_loop3A_475 = arith.index_cast %parallel_loop3A_474 : i32 to index
        %parallel_loop3A_476 = tpu.vector_load %arg20[%parallel_loop3A_475] {strides = array<i32>} : memref<4096xf32, #tpu.memory_space<vmem>>, vector<16xf32>,
        %parallel_loop3A_477 = arith.subf %parallel_loop3A_472, %parallel_loop3A_476 : vector<16xf32>
        %parallel_loop3A_478 = arith.mulf %parallel_loop3A_370, %parallel_loop3A_411 : vector<16xf32>
        %parallel_loop3A_479 = arith.subf %parallel_loop3A_468, %parallel_loop3A_478 : vector<16xf32>
        %parallel_loop3A_480 = arith.mulf %parallel_loop3A_370, %parallel_loop3A_418 : vector<16xf32>
        %parallel_loop3A_481 = arith.subf %parallel_loop3A_477, %parallel_loop3A_480 : vector<16xf32>
        %parallel_loop3A_482 = arith.mulf %parallel_loop3A_479, %parallel_loop3A_479 : vector<16xf32>
        %parallel_loop3A_483 = arith.addf %parallel_loop3A_256, %parallel_loop3A_482 : vector<16xf32>
        %parallel_loop3A_484 = arith.mulf %parallel_loop3A_481, %parallel_loop3A_481 : vector<16xf32>
        %parallel_loop3A_485 = arith.addf %parallel_loop3A_483, %parallel_loop3A_484 : vector<16xf32>
        scf.yield %parallel_loop3A_485 : vector<16xf32>
      } {sc.loop_unroll_factor = 4 : i64, sc.parallel_access}
      %mul3A_155 = arith.constant 32768 : i32
      %mul3A_156 = arith.muli %add3A_26, %mul3A_155 : i32
      %add3A_157 = arith.constant 16384 : i32
      %add3A_158 = arith.addi %mul3A_156, %add3A_157 : i32
      %dma_wait3A_159 = tpu.memref_slice %arg4[%add3A_158] : memref<8388608xf32, #tpu.memory_space<hbm>> -> memref<4096xf32, #tpu.memory_space<hbm>>
      %dma_wait3A_160 = tpu.memref_slice %arg4[%add3A_158] : memref<8388608xf32, #tpu.memory_space<hbm>> -> memref<4096xf32, #tpu.memory_space<hbm>>
      tpu.wait_dma2 semaphore(%arg25 : memref<!tpu.dma_semaphore, #tpu.memory_space<semaphore_mem>>) src(%dma_wait3A_160 : memref<4096xf32, #tpu.memory_space<hbm>>) dst(%arg17 : memref<4096xf32, #tpu.memory_space<vmem>>)
      %mul3A_161 = arith.constant 32768 : i32
      %mul3A_162 = arith.muli %add3A_26, %mul3A_161 : i32
      %add3A_163 = arith.constant 16384 : i32
      %add3A_164 = arith.addi %mul3A_162, %add3A_163 : i32
      %dma_wait3A_165 = tpu.memref_slice %arg5[%add3A_164] : memref<8388608xf32, #tpu.memory_space<hbm>> -> memref<4096xf32, #tpu.memory_space<hbm>>
      %dma_wait3A_166 = tpu.memref_slice %arg5[%add3A_164] : memref<8388608xf32, #tpu.memory_space<hbm>> -> memref<4096xf32, #tpu.memory_space<hbm>>
      tpu.wait_dma2 semaphore(%arg26 : memref<!tpu.dma_semaphore, #tpu.memory_space<semaphore_mem>>) src(%dma_wait3A_166 : memref<4096xf32, #tpu.memory_space<hbm>>) dst(%arg18 : memref<4096xf32, #tpu.memory_space<vmem>>)
      %mul3A_167 = arith.constant 32768 : i32
      %mul3A_168 = arith.muli %add3A_26, %mul3A_167 : i32
      %add3A_169 = arith.constant 20480 : i32
      %add3A_170 = arith.addi %mul3A_168, %add3A_169 : i32
      %dma_start3A_171 = tpu.memref_slice %arg4[%add3A_170] : memref<8388608xf32, #tpu.memory_space<hbm>> -> memref<4096xf32, #tpu.memory_space<hbm>>
      %dma_start3A_172 = tpu.memref_slice %arg4[%add3A_170] : memref<8388608xf32, #tpu.memory_space<hbm>> -> memref<4096xf32, #tpu.memory_space<hbm>>
      tpu.enqueue_dma source(%dma_start3A_172 : memref<4096xf32, #tpu.memory_space<hbm>>) target(%arg19 : memref<4096xf32, #tpu.memory_space<vmem>>) target_semaphore(%arg27 : memref<!tpu.dma_semaphore, #tpu.memory_space<semaphore_mem>>)
      %mul3A_173 = arith.constant 32768 : i32
      %mul3A_174 = arith.muli %add3A_26, %mul3A_173 : i32
      %add3A_175 = arith.constant 20480 : i32
      %add3A_176 = arith.addi %mul3A_174, %add3A_175 : i32
      %dma_start3A_177 = tpu.memref_slice %arg5[%add3A_176] : memref<8388608xf32, #tpu.memory_space<hbm>> -> memref<4096xf32, #tpu.memory_space<hbm>>
      %dma_start3A_178 = tpu.memref_slice %arg5[%add3A_176] : memref<8388608xf32, #tpu.memory_space<hbm>> -> memref<4096xf32, #tpu.memory_space<hbm>>
      tpu.enqueue_dma source(%dma_start3A_178 : memref<4096xf32, #tpu.memory_space<hbm>>) target(%arg20 : memref<4096xf32, #tpu.memory_space<vmem>>) target_semaphore(%arg28 : memref<!tpu.dma_semaphore, #tpu.memory_space<semaphore_mem>>)
      %parallel_loop3A_179 = arith.constant 0 : i32
      %parallel_loop3A_180 = arith.constant 128 : i32
      %parallel_loop3A_181 = arith.constant 1 : i32
      %parallel_loop3A_182 = scf.for %parallel_loop3A_255 = %parallel_loop3A_179 to %parallel_loop3A_180 step %parallel_loop3A_181 iter_args(%parallel_loop3A_256 = %parallel_loop3A_154) -> (vector<16xf32>)  : i32 {
        %parallel_loop3A_257 = arith.constant 512 : i32
        %parallel_loop3A_258 = arith.addi %parallel_loop3A_257, %parallel_loop3A_255 : i32
        %parallel_loop3A_259 = arith.constant 512 : i32
        %parallel_loop3A_260 = arith.divsi %parallel_loop3A_258, %parallel_loop3A_259 : i32
        %parallel_loop3A_261 = arith.constant 0 : i32
        %parallel_loop3A_262 = arith.cmpi sgt, %parallel_loop3A_258, %parallel_loop3A_261 : i32
        %parallel_loop3A_263 = arith.extui %parallel_loop3A_262 : i1 to i32
        %parallel_loop3A_264 = arith.constant 0 : i32
        %parallel_loop3A_265 = arith.cmpi slt, %parallel_loop3A_258, %parallel_loop3A_264 : i32
        %parallel_loop3A_266 = arith.extui %parallel_loop3A_265 : i1 to i32
        %parallel_loop3A_267 = arith.subi %parallel_loop3A_263, %parallel_loop3A_266 : i32
        %parallel_loop3A_268 = arith.constant 0 : i32
        %parallel_loop3A_269 = arith.cmpi sgt, %parallel_loop3A_259, %parallel_loop3A_268 : i32
        %parallel_loop3A_270 = arith.extui %parallel_loop3A_269 : i1 to i32
        %parallel_loop3A_271 = arith.constant 0 : i32
        %parallel_loop3A_272 = arith.cmpi slt, %parallel_loop3A_259, %parallel_loop3A_271 : i32
        %parallel_loop3A_273 = arith.extui %parallel_loop3A_272 : i1 to i32
        %parallel_loop3A_274 = arith.subi %parallel_loop3A_270, %parallel_loop3A_273 : i32
        %parallel_loop3A_275 = arith.cmpi ne, %parallel_loop3A_267, %parallel_loop3A_274 : i32
        %parallel_loop3A_276 = arith.remsi %parallel_loop3A_258, %parallel_loop3A_259 : i32
        %parallel_loop3A_277 = arith.constant 0 : i32
        %parallel_loop3A_278 = arith.cmpi ne, %parallel_loop3A_276, %parallel_loop3A_277 : i32
        %parallel_loop3A_279 = arith.andi %parallel_loop3A_275, %parallel_loop3A_278 : i1
        %parallel_loop3A_280 = arith.constant 1 : i32
        %parallel_loop3A_281 = arith.subi %parallel_loop3A_260, %parallel_loop3A_280 : i32
        %parallel_loop3A_282 = arith.select %parallel_loop3A_279, %parallel_loop3A_281, %parallel_loop3A_260 : i32
        %parallel_loop3A_283 = arith.constant 16384 : i32
        %parallel_loop3A_284 = arith.muli %parallel_loop3A_282, %parallel_loop3A_283 : i32
        %parallel_loop3A_285 = arith.constant 512 : i32
        %parallel_loop3A_286 = arith.constant 0 : i32
        %parallel_loop3A_287 = arith.cmpi eq, %parallel_loop3A_285, %parallel_loop3A_286 : i32
        %parallel_loop3A_288 = arith.constant 1 : i32
        %parallel_loop3A_289 = arith.select %parallel_loop3A_287, %parallel_loop3A_288, %parallel_loop3A_285 : i32
        %parallel_loop3A_290 = arith.remsi %parallel_loop3A_258, %parallel_loop3A_289 : i32
        %parallel_loop3A_291 = arith.constant 0 : i32
        %parallel_loop3A_292 = arith.cmpi ne, %parallel_loop3A_290, %parallel_loop3A_291 : i32
        %parallel_loop3A_293 = arith.constant 0 : i32
        %parallel_loop3A_294 = arith.cmpi slt, %parallel_loop3A_290, %parallel_loop3A_293 : i32
        %parallel_loop3A_295 = arith.constant 0 : i32
        %parallel_loop3A_296 = arith.cmpi slt, %parallel_loop3A_289, %parallel_loop3A_295 : i32
        %parallel_loop3A_297 = arith.xori %parallel_loop3A_294, %parallel_loop3A_296 : i1
        %parallel_loop3A_298 = arith.andi %parallel_loop3A_297, %parallel_loop3A_292 : i1
        %parallel_loop3A_299 = arith.addi %parallel_loop3A_290, %parallel_loop3A_289 : i32
        %parallel_loop3A_300 = arith.select %parallel_loop3A_298, %parallel_loop3A_299, %parallel_loop3A_290 : i32
        %parallel_loop3A_301 = arith.constant 8 : i32
        %parallel_loop3A_302 = arith.divsi %parallel_loop3A_300, %parallel_loop3A_301 : i32
        %parallel_loop3A_303 = arith.constant 0 : i32
        %parallel_loop3A_304 = arith.cmpi sgt, %parallel_loop3A_300, %parallel_loop3A_303 : i32
        %parallel_loop3A_305 = arith.extui %parallel_loop3A_304 : i1 to i32
        %parallel_loop3A_306 = arith.constant 0 : i32
        %parallel_loop3A_307 = arith.cmpi slt, %parallel_loop3A_300, %parallel_loop3A_306 : i32
        %parallel_loop3A_308 = arith.extui %parallel_loop3A_307 : i1 to i32
        %parallel_loop3A_309 = arith.subi %parallel_loop3A_305, %parallel_loop3A_308 : i32
        %parallel_loop3A_310 = arith.constant 0 : i32
        %parallel_loop3A_311 = arith.cmpi sgt, %parallel_loop3A_301, %parallel_loop3A_310 : i32
        %parallel_loop3A_312 = arith.extui %parallel_loop3A_311 : i1 to i32
        %parallel_loop3A_313 = arith.constant 0 : i32
        %parallel_loop3A_314 = arith.cmpi slt, %parallel_loop3A_301, %parallel_loop3A_313 : i32
        %parallel_loop3A_315 = arith.extui %parallel_loop3A_314 : i1 to i32
        %parallel_loop3A_316 = arith.subi %parallel_loop3A_312, %parallel_loop3A_315 : i32
        %parallel_loop3A_317 = arith.cmpi ne, %parallel_loop3A_309, %parallel_loop3A_316 : i32
        %parallel_loop3A_318 = arith.remsi %parallel_loop3A_300, %parallel_loop3A_301 : i32
        %parallel_loop3A_319 = arith.constant 0 : i32
        %parallel_loop3A_320 = arith.cmpi ne, %parallel_loop3A_318, %parallel_loop3A_319 : i32
        %parallel_loop3A_321 = arith.andi %parallel_loop3A_317, %parallel_loop3A_320 : i1
        %parallel_loop3A_322 = arith.constant 1 : i32
        %parallel_loop3A_323 = arith.subi %parallel_loop3A_302, %parallel_loop3A_322 : i32
        %parallel_loop3A_324 = arith.select %parallel_loop3A_321, %parallel_loop3A_323, %parallel_loop3A_302 : i32
        %parallel_loop3A_325 = arith.constant 256 : i32
        %parallel_loop3A_326 = arith.muli %parallel_loop3A_324, %parallel_loop3A_325 : i32
        %parallel_loop3A_327 = arith.addi %parallel_loop3A_284, %parallel_loop3A_326 : i32
        %parallel_loop3A_328 = arith.constant 8 : i32
        %parallel_loop3A_329 = arith.constant 0 : i32
        %parallel_loop3A_330 = arith.cmpi eq, %parallel_loop3A_328, %parallel_loop3A_329 : i32
        %parallel_loop3A_331 = arith.constant 1 : i32
        %parallel_loop3A_332 = arith.select %parallel_loop3A_330, %parallel_loop3A_331, %parallel_loop3A_328 : i32
        %parallel_loop3A_333 = arith.remsi %parallel_loop3A_258, %parallel_loop3A_332 : i32
        %parallel_loop3A_334 = arith.constant 0 : i32
        %parallel_loop3A_335 = arith.cmpi ne, %parallel_loop3A_333, %parallel_loop3A_334 : i32
        %parallel_loop3A_336 = arith.constant 0 : i32
        %parallel_loop3A_337 = arith.cmpi slt, %parallel_loop3A_333, %parallel_loop3A_336 : i32
        %parallel_loop3A_338 = arith.constant 0 : i32
        %parallel_loop3A_339 = arith.cmpi slt, %parallel_loop3A_332, %parallel_loop3A_338 : i32
        %parallel_loop3A_340 = arith.xori %parallel_loop3A_337, %parallel_loop3A_339 : i1
        %parallel_loop3A_341 = arith.andi %parallel_loop3A_340, %parallel_loop3A_335 : i1
        %parallel_loop3A_342 = arith.addi %parallel_loop3A_333, %parallel_loop3A_332 : i32
        %parallel_loop3A_343 = arith.select %parallel_loop3A_341, %parallel_loop3A_342, %parallel_loop3A_333 : i32
        %parallel_loop3A_344 = arith.constant 16 : i32
        %parallel_loop3A_345 = arith.muli %parallel_loop3A_343, %parallel_loop3A_344 : i32
        %parallel_loop3A_346 = arith.addi %parallel_loop3A_327, %parallel_loop3A_345 : i32
        %parallel_loop3A_347 = arith.index_cast %parallel_loop3A_346 : i32 to index
        %parallel_loop3A_348 = tpu.vector_load %arg21[%parallel_loop3A_347] {strides = array<i32>} : memref<32768xi32, #tpu.memory_space<vmem>>, vector<16xi32>,
        %parallel_loop3A_349 = arith.constant 128 : i32
        %parallel_loop3A_350 = arith.addi %parallel_loop3A_346, %parallel_loop3A_349 : i32
        %parallel_loop3A_351 = arith.index_cast %parallel_loop3A_350 : i32 to index
        %parallel_loop3A_352 = tpu.vector_load %arg21[%parallel_loop3A_351] {strides = array<i32>} : memref<32768xi32, #tpu.memory_space<vmem>>, vector<16xi32>,
        %parallel_loop3A_353 = arith.index_cast %parallel_loop3A_346 : i32 to index
        %parallel_loop3A_354 = tpu.vector_load %arg22[%parallel_loop3A_353] {strides = array<i32>} : memref<32768xi32, #tpu.memory_space<vmem>>, vector<16xi32>,
        %parallel_loop3A_355 = arith.constant 128 : i32
        %parallel_loop3A_356 = arith.addi %parallel_loop3A_346, %parallel_loop3A_355 : i32
        %parallel_loop3A_357 = arith.index_cast %parallel_loop3A_356 : i32 to index
        %parallel_loop3A_358 = tpu.vector_load %arg22[%parallel_loop3A_357] {strides = array<i32>} : memref<32768xi32, #tpu.memory_space<vmem>>, vector<16xi32>,
        %parallel_loop3A_359 = arith.constant 0 : i32
        %parallel_loop3A_360 = vector.broadcast %parallel_loop3A_359 : i32 to vector<16xi32>
        %parallel_loop3A_361 = arith.cmpi eq, %parallel_loop3A_354, %parallel_loop3A_360 : vector<16xi32>
        %parallel_loop3A_362 = arith.constant 0 : i32
        %parallel_loop3A_363 = vector.broadcast %parallel_loop3A_362 : i32 to vector<16xi32>
        %parallel_loop3A_364 = arith.cmpi eq, %parallel_loop3A_358, %parallel_loop3A_363 : vector<16xi32>
        %parallel_loop3A_365 = arith.andi %parallel_loop3A_361, %parallel_loop3A_364 : vector<16xi1>
        %parallel_loop3A_366 = arith.constant 1.000000e+00 : f32
        %parallel_loop3A_367 = arith.constant 0.000000e+00 : f32
        %parallel_loop3A_368 = vector.broadcast %parallel_loop3A_366 : f32 to vector<16xf32>
        %parallel_loop3A_369 = vector.broadcast %parallel_loop3A_367 : f32 to vector<16xf32>
        %parallel_loop3A_370 = arith.select %parallel_loop3A_365, %parallel_loop3A_368, %parallel_loop3A_369 : vector<16xi1>, vector<16xf32>
        %parallel_loop3A_371 = arith.constant 7 : i32
        %parallel_loop3A_372 = vector.broadcast %parallel_loop3A_371 : i32 to vector<16xi32>
        %parallel_loop3A_373 = arith.shrsi %parallel_loop3A_348, %parallel_loop3A_372 : vector<16xi32>
        %parallel_loop3A_374 = arith.constant 7 : i32
        %parallel_loop3A_375 = vector.broadcast %parallel_loop3A_374 : i32 to vector<16xi32>
        %parallel_loop3A_376 = arith.shli %parallel_loop3A_373, %parallel_loop3A_375 : vector<16xi32>
        %parallel_loop3A_377 = arith.addi %parallel_loop3A_348, %parallel_loop3A_376 : vector<16xi32>
        %parallel_loop3A_378 = arith.constant 7 : i32
        %parallel_loop3A_379 = vector.broadcast %parallel_loop3A_378 : i32 to vector<16xi32>
        %parallel_loop3A_380 = arith.shrsi %parallel_loop3A_352, %parallel_loop3A_379 : vector<16xi32>
        %parallel_loop3A_381 = arith.constant 7 : i32
        %parallel_loop3A_382 = vector.broadcast %parallel_loop3A_381 : i32 to vector<16xi32>
        %parallel_loop3A_383 = arith.shli %parallel_loop3A_380, %parallel_loop3A_382 : vector<16xi32>
        %parallel_loop3A_384 = arith.addi %parallel_loop3A_352, %parallel_loop3A_383 : vector<16xi32>
        %parallel_loop3A_385 = tpu.vector_load_idx %arg16[%parallel_loop3A_377] : memref<2048xf32, #tpu.memory_space<vmem>>[vector<16xi32>], vector<16xf32>,
        %parallel_loop3A_386 = arith.constant 128 : i32
        %parallel_loop3A_387 = vector.broadcast %parallel_loop3A_386 : i32 to vector<16xi32>
        %parallel_loop3A_388 = arith.addi %parallel_loop3A_377, %parallel_loop3A_387 : vector<16xi32>
        %parallel_loop3A_389 = tpu.vector_load_idx %arg16[%parallel_loop3A_388] : memref<2048xf32, #tpu.memory_space<vmem>>[vector<16xi32>], vector<16xf32>,
        %parallel_loop3A_390 = tpu.vector_load_idx %arg16[%parallel_loop3A_384] : memref<2048xf32, #tpu.memory_space<vmem>>[vector<16xi32>], vector<16xf32>,
        %parallel_loop3A_391 = arith.constant 128 : i32
        %parallel_loop3A_392 = vector.broadcast %parallel_loop3A_391 : i32 to vector<16xi32>
        %parallel_loop3A_393 = arith.addi %parallel_loop3A_384, %parallel_loop3A_392 : vector<16xi32>
        %parallel_loop3A_394 = tpu.vector_load_idx %arg16[%parallel_loop3A_393] : memref<2048xf32, #tpu.memory_space<vmem>>[vector<16xi32>], vector<16xf32>,
        %parallel_loop3A_395 = tpu.vector_load_idx %arg15[%parallel_loop3A_377] : memref<2048xf32, #tpu.memory_space<vmem>>[vector<16xi32>], vector<16xf32>,
        %parallel_loop3A_396 = arith.constant 128 : i32
        %parallel_loop3A_397 = vector.broadcast %parallel_loop3A_396 : i32 to vector<16xi32>
        %parallel_loop3A_398 = arith.addi %parallel_loop3A_377, %parallel_loop3A_397 : vector<16xi32>
        %parallel_loop3A_399 = tpu.vector_load_idx %arg15[%parallel_loop3A_398] : memref<2048xf32, #tpu.memory_space<vmem>>[vector<16xi32>], vector<16xf32>,
        %parallel_loop3A_400 = tpu.vector_load_idx %arg15[%parallel_loop3A_384] : memref<2048xf32, #tpu.memory_space<vmem>>[vector<16xi32>], vector<16xf32>,
        %parallel_loop3A_401 = arith.constant 128 : i32
        %parallel_loop3A_402 = vector.broadcast %parallel_loop3A_401 : i32 to vector<16xi32>
        %parallel_loop3A_403 = arith.addi %parallel_loop3A_384, %parallel_loop3A_402 : vector<16xi32>
        %parallel_loop3A_404 = tpu.vector_load_idx %arg15[%parallel_loop3A_403] : memref<2048xf32, #tpu.memory_space<vmem>>[vector<16xi32>], vector<16xf32>,
        %parallel_loop3A_405 = arith.mulf %parallel_loop3A_385, %parallel_loop3A_400 : vector<16xf32>
        %parallel_loop3A_406 = arith.mulf %parallel_loop3A_389, %parallel_loop3A_404 : vector<16xf32>
        %parallel_loop3A_407 = arith.addf %parallel_loop3A_405, %parallel_loop3A_406 : vector<16xf32>
        %parallel_loop3A_408 = arith.mulf %parallel_loop3A_395, %parallel_loop3A_390 : vector<16xf32>
        %parallel_loop3A_409 = arith.subf %parallel_loop3A_407, %parallel_loop3A_408 : vector<16xf32>
        %parallel_loop3A_410 = arith.mulf %parallel_loop3A_399, %parallel_loop3A_394 : vector<16xf32>
        %parallel_loop3A_411 = arith.subf %parallel_loop3A_409, %parallel_loop3A_410 : vector<16xf32>
        %parallel_loop3A_412 = arith.mulf %parallel_loop3A_389, %parallel_loop3A_400 : vector<16xf32>
        %parallel_loop3A_413 = arith.mulf %parallel_loop3A_385, %parallel_loop3A_404 : vector<16xf32>
        %parallel_loop3A_414 = arith.subf %parallel_loop3A_412, %parallel_loop3A_413 : vector<16xf32>
        %parallel_loop3A_415 = arith.mulf %parallel_loop3A_395, %parallel_loop3A_394 : vector<16xf32>
        %parallel_loop3A_416 = arith.addf %parallel_loop3A_414, %parallel_loop3A_415 : vector<16xf32>
        %parallel_loop3A_417 = arith.mulf %parallel_loop3A_399, %parallel_loop3A_390 : vector<16xf32>
        %parallel_loop3A_418 = arith.subf %parallel_loop3A_416, %parallel_loop3A_417 : vector<16xf32>
        %parallel_loop3A_419 = arith.constant 8 : i32
        %parallel_loop3A_420 = arith.divsi %parallel_loop3A_255, %parallel_loop3A_419 : i32
        %parallel_loop3A_421 = arith.constant 0 : i32
        %parallel_loop3A_422 = arith.cmpi sgt, %parallel_loop3A_255, %parallel_loop3A_421 : i32
        %parallel_loop3A_423 = arith.extui %parallel_loop3A_422 : i1 to i32
        %parallel_loop3A_424 = arith.constant 0 : i32
        %parallel_loop3A_425 = arith.cmpi slt, %parallel_loop3A_255, %parallel_loop3A_424 : i32
        %parallel_loop3A_426 = arith.extui %parallel_loop3A_425 : i1 to i32
        %parallel_loop3A_427 = arith.subi %parallel_loop3A_423, %parallel_loop3A_426 : i32
        %parallel_loop3A_428 = arith.constant 0 : i32
        %parallel_loop3A_429 = arith.cmpi sgt, %parallel_loop3A_419, %parallel_loop3A_428 : i32
        %parallel_loop3A_430 = arith.extui %parallel_loop3A_429 : i1 to i32
        %parallel_loop3A_431 = arith.constant 0 : i32
        %parallel_loop3A_432 = arith.cmpi slt, %parallel_loop3A_419, %parallel_loop3A_431 : i32
        %parallel_loop3A_433 = arith.extui %parallel_loop3A_432 : i1 to i32
        %parallel_loop3A_434 = arith.subi %parallel_loop3A_430, %parallel_loop3A_433 : i32
        %parallel_loop3A_435 = arith.cmpi ne, %parallel_loop3A_427, %parallel_loop3A_434 : i32
        %parallel_loop3A_436 = arith.remsi %parallel_loop3A_255, %parallel_loop3A_419 : i32
        %parallel_loop3A_437 = arith.constant 0 : i32
        %parallel_loop3A_438 = arith.cmpi ne, %parallel_loop3A_436, %parallel_loop3A_437 : i32
        %parallel_loop3A_439 = arith.andi %parallel_loop3A_435, %parallel_loop3A_438 : i1
        %parallel_loop3A_440 = arith.constant 1 : i32
        %parallel_loop3A_441 = arith.subi %parallel_loop3A_420, %parallel_loop3A_440 : i32
        %parallel_loop3A_442 = arith.select %parallel_loop3A_439, %parallel_loop3A_441, %parallel_loop3A_420 : i32
        %parallel_loop3A_443 = arith.constant 256 : i32
        %parallel_loop3A_444 = arith.muli %parallel_loop3A_442, %parallel_loop3A_443 : i32
        %parallel_loop3A_445 = arith.constant 8 : i32
        %parallel_loop3A_446 = arith.constant 0 : i32
        %parallel_loop3A_447 = arith.cmpi eq, %parallel_loop3A_445, %parallel_loop3A_446 : i32
        %parallel_loop3A_448 = arith.constant 1 : i32
        %parallel_loop3A_449 = arith.select %parallel_loop3A_447, %parallel_loop3A_448, %parallel_loop3A_445 : i32
        %parallel_loop3A_450 = arith.remsi %parallel_loop3A_255, %parallel_loop3A_449 : i32
        %parallel_loop3A_451 = arith.constant 0 : i32
        %parallel_loop3A_452 = arith.cmpi ne, %parallel_loop3A_450, %parallel_loop3A_451 : i32
        %parallel_loop3A_453 = arith.constant 0 : i32
        %parallel_loop3A_454 = arith.cmpi slt, %parallel_loop3A_450, %parallel_loop3A_453 : i32
        %parallel_loop3A_455 = arith.constant 0 : i32
        %parallel_loop3A_456 = arith.cmpi slt, %parallel_loop3A_449, %parallel_loop3A_455 : i32
        %parallel_loop3A_457 = arith.xori %parallel_loop3A_454, %parallel_loop3A_456 : i1
        %parallel_loop3A_458 = arith.andi %parallel_loop3A_457, %parallel_loop3A_452 : i1
        %parallel_loop3A_459 = arith.addi %parallel_loop3A_450, %parallel_loop3A_449 : i32
        %parallel_loop3A_460 = arith.select %parallel_loop3A_458, %parallel_loop3A_459, %parallel_loop3A_450 : i32
        %parallel_loop3A_461 = arith.constant 16 : i32
        %parallel_loop3A_462 = arith.muli %parallel_loop3A_460, %parallel_loop3A_461 : i32
        %parallel_loop3A_463 = arith.addi %parallel_loop3A_444, %parallel_loop3A_462 : i32
        %parallel_loop3A_464 = arith.index_cast %parallel_loop3A_463 : i32 to index
        %parallel_loop3A_465 = tpu.vector_load %arg17[%parallel_loop3A_464] {strides = array<i32>} : memref<4096xf32, #tpu.memory_space<vmem>>, vector<16xf32>,
        %parallel_loop3A_466 = arith.index_cast %parallel_loop3A_463 : i32 to index
        %parallel_loop3A_467 = tpu.vector_load %arg18[%parallel_loop3A_466] {strides = array<i32>} : memref<4096xf32, #tpu.memory_space<vmem>>, vector<16xf32>,
        %parallel_loop3A_468 = arith.subf %parallel_loop3A_465, %parallel_loop3A_467 : vector<16xf32>
        %parallel_loop3A_469 = arith.constant 128 : i32
        %parallel_loop3A_470 = arith.addi %parallel_loop3A_463, %parallel_loop3A_469 : i32
        %parallel_loop3A_471 = arith.index_cast %parallel_loop3A_470 : i32 to index
        %parallel_loop3A_472 = tpu.vector_load %arg17[%parallel_loop3A_471] {strides = array<i32>} : memref<4096xf32, #tpu.memory_space<vmem>>, vector<16xf32>,
        %parallel_loop3A_473 = arith.constant 128 : i32
        %parallel_loop3A_474 = arith.addi %parallel_loop3A_463, %parallel_loop3A_473 : i32
        %parallel_loop3A_475 = arith.index_cast %parallel_loop3A_474 : i32 to index
        %parallel_loop3A_476 = tpu.vector_load %arg18[%parallel_loop3A_475] {strides = array<i32>} : memref<4096xf32, #tpu.memory_space<vmem>>, vector<16xf32>,
        %parallel_loop3A_477 = arith.subf %parallel_loop3A_472, %parallel_loop3A_476 : vector<16xf32>
        %parallel_loop3A_478 = arith.mulf %parallel_loop3A_370, %parallel_loop3A_411 : vector<16xf32>
        %parallel_loop3A_479 = arith.subf %parallel_loop3A_468, %parallel_loop3A_478 : vector<16xf32>
        %parallel_loop3A_480 = arith.mulf %parallel_loop3A_370, %parallel_loop3A_418 : vector<16xf32>
        %parallel_loop3A_481 = arith.subf %parallel_loop3A_477, %parallel_loop3A_480 : vector<16xf32>
        %parallel_loop3A_482 = arith.mulf %parallel_loop3A_479, %parallel_loop3A_479 : vector<16xf32>
        %parallel_loop3A_483 = arith.addf %parallel_loop3A_256, %parallel_loop3A_482 : vector<16xf32>
        %parallel_loop3A_484 = arith.mulf %parallel_loop3A_481, %parallel_loop3A_481 : vector<16xf32>
        %parallel_loop3A_485 = arith.addf %parallel_loop3A_483, %parallel_loop3A_484 : vector<16xf32>
        scf.yield %parallel_loop3A_485 : vector<16xf32>
      } {sc.loop_unroll_factor = 4 : i64, sc.parallel_access}
      %mul3A_183 = arith.constant 32768 : i32
      %mul3A_184 = arith.muli %add3A_26, %mul3A_183 : i32
      %add3A_185 = arith.constant 20480 : i32
      %add3A_186 = arith.addi %mul3A_184, %add3A_185 : i32
      %dma_wait3A_187 = tpu.memref_slice %arg4[%add3A_186] : memref<8388608xf32, #tpu.memory_space<hbm>> -> memref<4096xf32, #tpu.memory_space<hbm>>
      %dma_wait3A_188 = tpu.memref_slice %arg4[%add3A_186] : memref<8388608xf32, #tpu.memory_space<hbm>> -> memref<4096xf32, #tpu.memory_space<hbm>>
      tpu.wait_dma2 semaphore(%arg27 : memref<!tpu.dma_semaphore, #tpu.memory_space<semaphore_mem>>) src(%dma_wait3A_188 : memref<4096xf32, #tpu.memory_space<hbm>>) dst(%arg19 : memref<4096xf32, #tpu.memory_space<vmem>>)
      %mul3A_189 = arith.constant 32768 : i32
      %mul3A_190 = arith.muli %add3A_26, %mul3A_189 : i32
      %add3A_191 = arith.constant 20480 : i32
      %add3A_192 = arith.addi %mul3A_190, %add3A_191 : i32
      %dma_wait3A_193 = tpu.memref_slice %arg5[%add3A_192] : memref<8388608xf32, #tpu.memory_space<hbm>> -> memref<4096xf32, #tpu.memory_space<hbm>>
      %dma_wait3A_194 = tpu.memref_slice %arg5[%add3A_192] : memref<8388608xf32, #tpu.memory_space<hbm>> -> memref<4096xf32, #tpu.memory_space<hbm>>
      tpu.wait_dma2 semaphore(%arg28 : memref<!tpu.dma_semaphore, #tpu.memory_space<semaphore_mem>>) src(%dma_wait3A_194 : memref<4096xf32, #tpu.memory_space<hbm>>) dst(%arg20 : memref<4096xf32, #tpu.memory_space<vmem>>)
      %mul3A_195 = arith.constant 32768 : i32
      %mul3A_196 = arith.muli %add3A_26, %mul3A_195 : i32
      %add3A_197 = arith.constant 24576 : i32
      %add3A_198 = arith.addi %mul3A_196, %add3A_197 : i32
      %dma_start3A_199 = tpu.memref_slice %arg4[%add3A_198] : memref<8388608xf32, #tpu.memory_space<hbm>> -> memref<4096xf32, #tpu.memory_space<hbm>>
      %dma_start3A_200 = tpu.memref_slice %arg4[%add3A_198] : memref<8388608xf32, #tpu.memory_space<hbm>> -> memref<4096xf32, #tpu.memory_space<hbm>>
      tpu.enqueue_dma source(%dma_start3A_200 : memref<4096xf32, #tpu.memory_space<hbm>>) target(%arg17 : memref<4096xf32, #tpu.memory_space<vmem>>) target_semaphore(%arg25 : memref<!tpu.dma_semaphore, #tpu.memory_space<semaphore_mem>>)
      %mul3A_201 = arith.constant 32768 : i32
      %mul3A_202 = arith.muli %add3A_26, %mul3A_201 : i32
      %add3A_203 = arith.constant 24576 : i32
      %add3A_204 = arith.addi %mul3A_202, %add3A_203 : i32
      %dma_start3A_205 = tpu.memref_slice %arg5[%add3A_204] : memref<8388608xf32, #tpu.memory_space<hbm>> -> memref<4096xf32, #tpu.memory_space<hbm>>
      %dma_start3A_206 = tpu.memref_slice %arg5[%add3A_204] : memref<8388608xf32, #tpu.memory_space<hbm>> -> memref<4096xf32, #tpu.memory_space<hbm>>
      tpu.enqueue_dma source(%dma_start3A_206 : memref<4096xf32, #tpu.memory_space<hbm>>) target(%arg18 : memref<4096xf32, #tpu.memory_space<vmem>>) target_semaphore(%arg26 : memref<!tpu.dma_semaphore, #tpu.memory_space<semaphore_mem>>)
      %parallel_loop3A_207 = arith.constant 0 : i32
      %parallel_loop3A_208 = arith.constant 128 : i32
      %parallel_loop3A_209 = arith.constant 1 : i32
      %parallel_loop3A_210 = scf.for %parallel_loop3A_255 = %parallel_loop3A_207 to %parallel_loop3A_208 step %parallel_loop3A_209 iter_args(%parallel_loop3A_256 = %parallel_loop3A_182) -> (vector<16xf32>)  : i32 {
        %parallel_loop3A_257 = arith.constant 640 : i32
        %parallel_loop3A_258 = arith.addi %parallel_loop3A_257, %parallel_loop3A_255 : i32
        %parallel_loop3A_259 = arith.constant 512 : i32
        %parallel_loop3A_260 = arith.divsi %parallel_loop3A_258, %parallel_loop3A_259 : i32
        %parallel_loop3A_261 = arith.constant 0 : i32
        %parallel_loop3A_262 = arith.cmpi sgt, %parallel_loop3A_258, %parallel_loop3A_261 : i32
        %parallel_loop3A_263 = arith.extui %parallel_loop3A_262 : i1 to i32
        %parallel_loop3A_264 = arith.constant 0 : i32
        %parallel_loop3A_265 = arith.cmpi slt, %parallel_loop3A_258, %parallel_loop3A_264 : i32
        %parallel_loop3A_266 = arith.extui %parallel_loop3A_265 : i1 to i32
        %parallel_loop3A_267 = arith.subi %parallel_loop3A_263, %parallel_loop3A_266 : i32
        %parallel_loop3A_268 = arith.constant 0 : i32
        %parallel_loop3A_269 = arith.cmpi sgt, %parallel_loop3A_259, %parallel_loop3A_268 : i32
        %parallel_loop3A_270 = arith.extui %parallel_loop3A_269 : i1 to i32
        %parallel_loop3A_271 = arith.constant 0 : i32
        %parallel_loop3A_272 = arith.cmpi slt, %parallel_loop3A_259, %parallel_loop3A_271 : i32
        %parallel_loop3A_273 = arith.extui %parallel_loop3A_272 : i1 to i32
        %parallel_loop3A_274 = arith.subi %parallel_loop3A_270, %parallel_loop3A_273 : i32
        %parallel_loop3A_275 = arith.cmpi ne, %parallel_loop3A_267, %parallel_loop3A_274 : i32
        %parallel_loop3A_276 = arith.remsi %parallel_loop3A_258, %parallel_loop3A_259 : i32
        %parallel_loop3A_277 = arith.constant 0 : i32
        %parallel_loop3A_278 = arith.cmpi ne, %parallel_loop3A_276, %parallel_loop3A_277 : i32
        %parallel_loop3A_279 = arith.andi %parallel_loop3A_275, %parallel_loop3A_278 : i1
        %parallel_loop3A_280 = arith.constant 1 : i32
        %parallel_loop3A_281 = arith.subi %parallel_loop3A_260, %parallel_loop3A_280 : i32
        %parallel_loop3A_282 = arith.select %parallel_loop3A_279, %parallel_loop3A_281, %parallel_loop3A_260 : i32
        %parallel_loop3A_283 = arith.constant 16384 : i32
        %parallel_loop3A_284 = arith.muli %parallel_loop3A_282, %parallel_loop3A_283 : i32
        %parallel_loop3A_285 = arith.constant 512 : i32
        %parallel_loop3A_286 = arith.constant 0 : i32
        %parallel_loop3A_287 = arith.cmpi eq, %parallel_loop3A_285, %parallel_loop3A_286 : i32
        %parallel_loop3A_288 = arith.constant 1 : i32
        %parallel_loop3A_289 = arith.select %parallel_loop3A_287, %parallel_loop3A_288, %parallel_loop3A_285 : i32
        %parallel_loop3A_290 = arith.remsi %parallel_loop3A_258, %parallel_loop3A_289 : i32
        %parallel_loop3A_291 = arith.constant 0 : i32
        %parallel_loop3A_292 = arith.cmpi ne, %parallel_loop3A_290, %parallel_loop3A_291 : i32
        %parallel_loop3A_293 = arith.constant 0 : i32
        %parallel_loop3A_294 = arith.cmpi slt, %parallel_loop3A_290, %parallel_loop3A_293 : i32
        %parallel_loop3A_295 = arith.constant 0 : i32
        %parallel_loop3A_296 = arith.cmpi slt, %parallel_loop3A_289, %parallel_loop3A_295 : i32
        %parallel_loop3A_297 = arith.xori %parallel_loop3A_294, %parallel_loop3A_296 : i1
        %parallel_loop3A_298 = arith.andi %parallel_loop3A_297, %parallel_loop3A_292 : i1
        %parallel_loop3A_299 = arith.addi %parallel_loop3A_290, %parallel_loop3A_289 : i32
        %parallel_loop3A_300 = arith.select %parallel_loop3A_298, %parallel_loop3A_299, %parallel_loop3A_290 : i32
        %parallel_loop3A_301 = arith.constant 8 : i32
        %parallel_loop3A_302 = arith.divsi %parallel_loop3A_300, %parallel_loop3A_301 : i32
        %parallel_loop3A_303 = arith.constant 0 : i32
        %parallel_loop3A_304 = arith.cmpi sgt, %parallel_loop3A_300, %parallel_loop3A_303 : i32
        %parallel_loop3A_305 = arith.extui %parallel_loop3A_304 : i1 to i32
        %parallel_loop3A_306 = arith.constant 0 : i32
        %parallel_loop3A_307 = arith.cmpi slt, %parallel_loop3A_300, %parallel_loop3A_306 : i32
        %parallel_loop3A_308 = arith.extui %parallel_loop3A_307 : i1 to i32
        %parallel_loop3A_309 = arith.subi %parallel_loop3A_305, %parallel_loop3A_308 : i32
        %parallel_loop3A_310 = arith.constant 0 : i32
        %parallel_loop3A_311 = arith.cmpi sgt, %parallel_loop3A_301, %parallel_loop3A_310 : i32
        %parallel_loop3A_312 = arith.extui %parallel_loop3A_311 : i1 to i32
        %parallel_loop3A_313 = arith.constant 0 : i32
        %parallel_loop3A_314 = arith.cmpi slt, %parallel_loop3A_301, %parallel_loop3A_313 : i32
        %parallel_loop3A_315 = arith.extui %parallel_loop3A_314 : i1 to i32
        %parallel_loop3A_316 = arith.subi %parallel_loop3A_312, %parallel_loop3A_315 : i32
        %parallel_loop3A_317 = arith.cmpi ne, %parallel_loop3A_309, %parallel_loop3A_316 : i32
        %parallel_loop3A_318 = arith.remsi %parallel_loop3A_300, %parallel_loop3A_301 : i32
        %parallel_loop3A_319 = arith.constant 0 : i32
        %parallel_loop3A_320 = arith.cmpi ne, %parallel_loop3A_318, %parallel_loop3A_319 : i32
        %parallel_loop3A_321 = arith.andi %parallel_loop3A_317, %parallel_loop3A_320 : i1
        %parallel_loop3A_322 = arith.constant 1 : i32
        %parallel_loop3A_323 = arith.subi %parallel_loop3A_302, %parallel_loop3A_322 : i32
        %parallel_loop3A_324 = arith.select %parallel_loop3A_321, %parallel_loop3A_323, %parallel_loop3A_302 : i32
        %parallel_loop3A_325 = arith.constant 256 : i32
        %parallel_loop3A_326 = arith.muli %parallel_loop3A_324, %parallel_loop3A_325 : i32
        %parallel_loop3A_327 = arith.addi %parallel_loop3A_284, %parallel_loop3A_326 : i32
        %parallel_loop3A_328 = arith.constant 8 : i32
        %parallel_loop3A_329 = arith.constant 0 : i32
        %parallel_loop3A_330 = arith.cmpi eq, %parallel_loop3A_328, %parallel_loop3A_329 : i32
        %parallel_loop3A_331 = arith.constant 1 : i32
        %parallel_loop3A_332 = arith.select %parallel_loop3A_330, %parallel_loop3A_331, %parallel_loop3A_328 : i32
        %parallel_loop3A_333 = arith.remsi %parallel_loop3A_258, %parallel_loop3A_332 : i32
        %parallel_loop3A_334 = arith.constant 0 : i32
        %parallel_loop3A_335 = arith.cmpi ne, %parallel_loop3A_333, %parallel_loop3A_334 : i32
        %parallel_loop3A_336 = arith.constant 0 : i32
        %parallel_loop3A_337 = arith.cmpi slt, %parallel_loop3A_333, %parallel_loop3A_336 : i32
        %parallel_loop3A_338 = arith.constant 0 : i32
        %parallel_loop3A_339 = arith.cmpi slt, %parallel_loop3A_332, %parallel_loop3A_338 : i32
        %parallel_loop3A_340 = arith.xori %parallel_loop3A_337, %parallel_loop3A_339 : i1
        %parallel_loop3A_341 = arith.andi %parallel_loop3A_340, %parallel_loop3A_335 : i1
        %parallel_loop3A_342 = arith.addi %parallel_loop3A_333, %parallel_loop3A_332 : i32
        %parallel_loop3A_343 = arith.select %parallel_loop3A_341, %parallel_loop3A_342, %parallel_loop3A_333 : i32
        %parallel_loop3A_344 = arith.constant 16 : i32
        %parallel_loop3A_345 = arith.muli %parallel_loop3A_343, %parallel_loop3A_344 : i32
        %parallel_loop3A_346 = arith.addi %parallel_loop3A_327, %parallel_loop3A_345 : i32
        %parallel_loop3A_347 = arith.index_cast %parallel_loop3A_346 : i32 to index
        %parallel_loop3A_348 = tpu.vector_load %arg21[%parallel_loop3A_347] {strides = array<i32>} : memref<32768xi32, #tpu.memory_space<vmem>>, vector<16xi32>,
        %parallel_loop3A_349 = arith.constant 128 : i32
        %parallel_loop3A_350 = arith.addi %parallel_loop3A_346, %parallel_loop3A_349 : i32
        %parallel_loop3A_351 = arith.index_cast %parallel_loop3A_350 : i32 to index
        %parallel_loop3A_352 = tpu.vector_load %arg21[%parallel_loop3A_351] {strides = array<i32>} : memref<32768xi32, #tpu.memory_space<vmem>>, vector<16xi32>,
        %parallel_loop3A_353 = arith.index_cast %parallel_loop3A_346 : i32 to index
        %parallel_loop3A_354 = tpu.vector_load %arg22[%parallel_loop3A_353] {strides = array<i32>} : memref<32768xi32, #tpu.memory_space<vmem>>, vector<16xi32>,
        %parallel_loop3A_355 = arith.constant 128 : i32
        %parallel_loop3A_356 = arith.addi %parallel_loop3A_346, %parallel_loop3A_355 : i32
        %parallel_loop3A_357 = arith.index_cast %parallel_loop3A_356 : i32 to index
        %parallel_loop3A_358 = tpu.vector_load %arg22[%parallel_loop3A_357] {strides = array<i32>} : memref<32768xi32, #tpu.memory_space<vmem>>, vector<16xi32>,
        %parallel_loop3A_359 = arith.constant 0 : i32
        %parallel_loop3A_360 = vector.broadcast %parallel_loop3A_359 : i32 to vector<16xi32>
        %parallel_loop3A_361 = arith.cmpi eq, %parallel_loop3A_354, %parallel_loop3A_360 : vector<16xi32>
        %parallel_loop3A_362 = arith.constant 0 : i32
        %parallel_loop3A_363 = vector.broadcast %parallel_loop3A_362 : i32 to vector<16xi32>
        %parallel_loop3A_364 = arith.cmpi eq, %parallel_loop3A_358, %parallel_loop3A_363 : vector<16xi32>
        %parallel_loop3A_365 = arith.andi %parallel_loop3A_361, %parallel_loop3A_364 : vector<16xi1>
        %parallel_loop3A_366 = arith.constant 1.000000e+00 : f32
        %parallel_loop3A_367 = arith.constant 0.000000e+00 : f32
        %parallel_loop3A_368 = vector.broadcast %parallel_loop3A_366 : f32 to vector<16xf32>
        %parallel_loop3A_369 = vector.broadcast %parallel_loop3A_367 : f32 to vector<16xf32>
        %parallel_loop3A_370 = arith.select %parallel_loop3A_365, %parallel_loop3A_368, %parallel_loop3A_369 : vector<16xi1>, vector<16xf32>
        %parallel_loop3A_371 = arith.constant 7 : i32
        %parallel_loop3A_372 = vector.broadcast %parallel_loop3A_371 : i32 to vector<16xi32>
        %parallel_loop3A_373 = arith.shrsi %parallel_loop3A_348, %parallel_loop3A_372 : vector<16xi32>
        %parallel_loop3A_374 = arith.constant 7 : i32
        %parallel_loop3A_375 = vector.broadcast %parallel_loop3A_374 : i32 to vector<16xi32>
        %parallel_loop3A_376 = arith.shli %parallel_loop3A_373, %parallel_loop3A_375 : vector<16xi32>
        %parallel_loop3A_377 = arith.addi %parallel_loop3A_348, %parallel_loop3A_376 : vector<16xi32>
        %parallel_loop3A_378 = arith.constant 7 : i32
        %parallel_loop3A_379 = vector.broadcast %parallel_loop3A_378 : i32 to vector<16xi32>
        %parallel_loop3A_380 = arith.shrsi %parallel_loop3A_352, %parallel_loop3A_379 : vector<16xi32>
        %parallel_loop3A_381 = arith.constant 7 : i32
        %parallel_loop3A_382 = vector.broadcast %parallel_loop3A_381 : i32 to vector<16xi32>
        %parallel_loop3A_383 = arith.shli %parallel_loop3A_380, %parallel_loop3A_382 : vector<16xi32>
        %parallel_loop3A_384 = arith.addi %parallel_loop3A_352, %parallel_loop3A_383 : vector<16xi32>
        %parallel_loop3A_385 = tpu.vector_load_idx %arg16[%parallel_loop3A_377] : memref<2048xf32, #tpu.memory_space<vmem>>[vector<16xi32>], vector<16xf32>,
        %parallel_loop3A_386 = arith.constant 128 : i32
        %parallel_loop3A_387 = vector.broadcast %parallel_loop3A_386 : i32 to vector<16xi32>
        %parallel_loop3A_388 = arith.addi %parallel_loop3A_377, %parallel_loop3A_387 : vector<16xi32>
        %parallel_loop3A_389 = tpu.vector_load_idx %arg16[%parallel_loop3A_388] : memref<2048xf32, #tpu.memory_space<vmem>>[vector<16xi32>], vector<16xf32>,
        %parallel_loop3A_390 = tpu.vector_load_idx %arg16[%parallel_loop3A_384] : memref<2048xf32, #tpu.memory_space<vmem>>[vector<16xi32>], vector<16xf32>,
        %parallel_loop3A_391 = arith.constant 128 : i32
        %parallel_loop3A_392 = vector.broadcast %parallel_loop3A_391 : i32 to vector<16xi32>
        %parallel_loop3A_393 = arith.addi %parallel_loop3A_384, %parallel_loop3A_392 : vector<16xi32>
        %parallel_loop3A_394 = tpu.vector_load_idx %arg16[%parallel_loop3A_393] : memref<2048xf32, #tpu.memory_space<vmem>>[vector<16xi32>], vector<16xf32>,
        %parallel_loop3A_395 = tpu.vector_load_idx %arg15[%parallel_loop3A_377] : memref<2048xf32, #tpu.memory_space<vmem>>[vector<16xi32>], vector<16xf32>,
        %parallel_loop3A_396 = arith.constant 128 : i32
        %parallel_loop3A_397 = vector.broadcast %parallel_loop3A_396 : i32 to vector<16xi32>
        %parallel_loop3A_398 = arith.addi %parallel_loop3A_377, %parallel_loop3A_397 : vector<16xi32>
        %parallel_loop3A_399 = tpu.vector_load_idx %arg15[%parallel_loop3A_398] : memref<2048xf32, #tpu.memory_space<vmem>>[vector<16xi32>], vector<16xf32>,
        %parallel_loop3A_400 = tpu.vector_load_idx %arg15[%parallel_loop3A_384] : memref<2048xf32, #tpu.memory_space<vmem>>[vector<16xi32>], vector<16xf32>,
        %parallel_loop3A_401 = arith.constant 128 : i32
        %parallel_loop3A_402 = vector.broadcast %parallel_loop3A_401 : i32 to vector<16xi32>
        %parallel_loop3A_403 = arith.addi %parallel_loop3A_384, %parallel_loop3A_402 : vector<16xi32>
        %parallel_loop3A_404 = tpu.vector_load_idx %arg15[%parallel_loop3A_403] : memref<2048xf32, #tpu.memory_space<vmem>>[vector<16xi32>], vector<16xf32>,
        %parallel_loop3A_405 = arith.mulf %parallel_loop3A_385, %parallel_loop3A_400 : vector<16xf32>
        %parallel_loop3A_406 = arith.mulf %parallel_loop3A_389, %parallel_loop3A_404 : vector<16xf32>
        %parallel_loop3A_407 = arith.addf %parallel_loop3A_405, %parallel_loop3A_406 : vector<16xf32>
        %parallel_loop3A_408 = arith.mulf %parallel_loop3A_395, %parallel_loop3A_390 : vector<16xf32>
        %parallel_loop3A_409 = arith.subf %parallel_loop3A_407, %parallel_loop3A_408 : vector<16xf32>
        %parallel_loop3A_410 = arith.mulf %parallel_loop3A_399, %parallel_loop3A_394 : vector<16xf32>
        %parallel_loop3A_411 = arith.subf %parallel_loop3A_409, %parallel_loop3A_410 : vector<16xf32>
        %parallel_loop3A_412 = arith.mulf %parallel_loop3A_389, %parallel_loop3A_400 : vector<16xf32>
        %parallel_loop3A_413 = arith.mulf %parallel_loop3A_385, %parallel_loop3A_404 : vector<16xf32>
        %parallel_loop3A_414 = arith.subf %parallel_loop3A_412, %parallel_loop3A_413 : vector<16xf32>
        %parallel_loop3A_415 = arith.mulf %parallel_loop3A_395, %parallel_loop3A_394 : vector<16xf32>
        %parallel_loop3A_416 = arith.addf %parallel_loop3A_414, %parallel_loop3A_415 : vector<16xf32>
        %parallel_loop3A_417 = arith.mulf %parallel_loop3A_399, %parallel_loop3A_390 : vector<16xf32>
        %parallel_loop3A_418 = arith.subf %parallel_loop3A_416, %parallel_loop3A_417 : vector<16xf32>
        %parallel_loop3A_419 = arith.constant 8 : i32
        %parallel_loop3A_420 = arith.divsi %parallel_loop3A_255, %parallel_loop3A_419 : i32
        %parallel_loop3A_421 = arith.constant 0 : i32
        %parallel_loop3A_422 = arith.cmpi sgt, %parallel_loop3A_255, %parallel_loop3A_421 : i32
        %parallel_loop3A_423 = arith.extui %parallel_loop3A_422 : i1 to i32
        %parallel_loop3A_424 = arith.constant 0 : i32
        %parallel_loop3A_425 = arith.cmpi slt, %parallel_loop3A_255, %parallel_loop3A_424 : i32
        %parallel_loop3A_426 = arith.extui %parallel_loop3A_425 : i1 to i32
        %parallel_loop3A_427 = arith.subi %parallel_loop3A_423, %parallel_loop3A_426 : i32
        %parallel_loop3A_428 = arith.constant 0 : i32
        %parallel_loop3A_429 = arith.cmpi sgt, %parallel_loop3A_419, %parallel_loop3A_428 : i32
        %parallel_loop3A_430 = arith.extui %parallel_loop3A_429 : i1 to i32
        %parallel_loop3A_431 = arith.constant 0 : i32
        %parallel_loop3A_432 = arith.cmpi slt, %parallel_loop3A_419, %parallel_loop3A_431 : i32
        %parallel_loop3A_433 = arith.extui %parallel_loop3A_432 : i1 to i32
        %parallel_loop3A_434 = arith.subi %parallel_loop3A_430, %parallel_loop3A_433 : i32
        %parallel_loop3A_435 = arith.cmpi ne, %parallel_loop3A_427, %parallel_loop3A_434 : i32
        %parallel_loop3A_436 = arith.remsi %parallel_loop3A_255, %parallel_loop3A_419 : i32
        %parallel_loop3A_437 = arith.constant 0 : i32
        %parallel_loop3A_438 = arith.cmpi ne, %parallel_loop3A_436, %parallel_loop3A_437 : i32
        %parallel_loop3A_439 = arith.andi %parallel_loop3A_435, %parallel_loop3A_438 : i1
        %parallel_loop3A_440 = arith.constant 1 : i32
        %parallel_loop3A_441 = arith.subi %parallel_loop3A_420, %parallel_loop3A_440 : i32
        %parallel_loop3A_442 = arith.select %parallel_loop3A_439, %parallel_loop3A_441, %parallel_loop3A_420 : i32
        %parallel_loop3A_443 = arith.constant 256 : i32
        %parallel_loop3A_444 = arith.muli %parallel_loop3A_442, %parallel_loop3A_443 : i32
        %parallel_loop3A_445 = arith.constant 8 : i32
        %parallel_loop3A_446 = arith.constant 0 : i32
        %parallel_loop3A_447 = arith.cmpi eq, %parallel_loop3A_445, %parallel_loop3A_446 : i32
        %parallel_loop3A_448 = arith.constant 1 : i32
        %parallel_loop3A_449 = arith.select %parallel_loop3A_447, %parallel_loop3A_448, %parallel_loop3A_445 : i32
        %parallel_loop3A_450 = arith.remsi %parallel_loop3A_255, %parallel_loop3A_449 : i32
        %parallel_loop3A_451 = arith.constant 0 : i32
        %parallel_loop3A_452 = arith.cmpi ne, %parallel_loop3A_450, %parallel_loop3A_451 : i32
        %parallel_loop3A_453 = arith.constant 0 : i32
        %parallel_loop3A_454 = arith.cmpi slt, %parallel_loop3A_450, %parallel_loop3A_453 : i32
        %parallel_loop3A_455 = arith.constant 0 : i32
        %parallel_loop3A_456 = arith.cmpi slt, %parallel_loop3A_449, %parallel_loop3A_455 : i32
        %parallel_loop3A_457 = arith.xori %parallel_loop3A_454, %parallel_loop3A_456 : i1
        %parallel_loop3A_458 = arith.andi %parallel_loop3A_457, %parallel_loop3A_452 : i1
        %parallel_loop3A_459 = arith.addi %parallel_loop3A_450, %parallel_loop3A_449 : i32
        %parallel_loop3A_460 = arith.select %parallel_loop3A_458, %parallel_loop3A_459, %parallel_loop3A_450 : i32
        %parallel_loop3A_461 = arith.constant 16 : i32
        %parallel_loop3A_462 = arith.muli %parallel_loop3A_460, %parallel_loop3A_461 : i32
        %parallel_loop3A_463 = arith.addi %parallel_loop3A_444, %parallel_loop3A_462 : i32
        %parallel_loop3A_464 = arith.index_cast %parallel_loop3A_463 : i32 to index
        %parallel_loop3A_465 = tpu.vector_load %arg19[%parallel_loop3A_464] {strides = array<i32>} : memref<4096xf32, #tpu.memory_space<vmem>>, vector<16xf32>,
        %parallel_loop3A_466 = arith.index_cast %parallel_loop3A_463 : i32 to index
        %parallel_loop3A_467 = tpu.vector_load %arg20[%parallel_loop3A_466] {strides = array<i32>} : memref<4096xf32, #tpu.memory_space<vmem>>, vector<16xf32>,
        %parallel_loop3A_468 = arith.subf %parallel_loop3A_465, %parallel_loop3A_467 : vector<16xf32>
        %parallel_loop3A_469 = arith.constant 128 : i32
        %parallel_loop3A_470 = arith.addi %parallel_loop3A_463, %parallel_loop3A_469 : i32
        %parallel_loop3A_471 = arith.index_cast %parallel_loop3A_470 : i32 to index
        %parallel_loop3A_472 = tpu.vector_load %arg19[%parallel_loop3A_471] {strides = array<i32>} : memref<4096xf32, #tpu.memory_space<vmem>>, vector<16xf32>,
        %parallel_loop3A_473 = arith.constant 128 : i32
        %parallel_loop3A_474 = arith.addi %parallel_loop3A_463, %parallel_loop3A_473 : i32
        %parallel_loop3A_475 = arith.index_cast %parallel_loop3A_474 : i32 to index
        %parallel_loop3A_476 = tpu.vector_load %arg20[%parallel_loop3A_475] {strides = array<i32>} : memref<4096xf32, #tpu.memory_space<vmem>>, vector<16xf32>,
        %parallel_loop3A_477 = arith.subf %parallel_loop3A_472, %parallel_loop3A_476 : vector<16xf32>
        %parallel_loop3A_478 = arith.mulf %parallel_loop3A_370, %parallel_loop3A_411 : vector<16xf32>
        %parallel_loop3A_479 = arith.subf %parallel_loop3A_468, %parallel_loop3A_478 : vector<16xf32>
        %parallel_loop3A_480 = arith.mulf %parallel_loop3A_370, %parallel_loop3A_418 : vector<16xf32>
        %parallel_loop3A_481 = arith.subf %parallel_loop3A_477, %parallel_loop3A_480 : vector<16xf32>
        %parallel_loop3A_482 = arith.mulf %parallel_loop3A_479, %parallel_loop3A_479 : vector<16xf32>
        %parallel_loop3A_483 = arith.addf %parallel_loop3A_256, %parallel_loop3A_482 : vector<16xf32>
        %parallel_loop3A_484 = arith.mulf %parallel_loop3A_481, %parallel_loop3A_481 : vector<16xf32>
        %parallel_loop3A_485 = arith.addf %parallel_loop3A_483, %parallel_loop3A_484 : vector<16xf32>
        scf.yield %parallel_loop3A_485 : vector<16xf32>
      } {sc.loop_unroll_factor = 4 : i64, sc.parallel_access}
      %mul3A_211 = arith.constant 32768 : i32
      %mul3A_212 = arith.muli %add3A_26, %mul3A_211 : i32
      %add3A_213 = arith.constant 24576 : i32
      %add3A_214 = arith.addi %mul3A_212, %add3A_213 : i32
      %dma_wait3A_215 = tpu.memref_slice %arg4[%add3A_214] : memref<8388608xf32, #tpu.memory_space<hbm>> -> memref<4096xf32, #tpu.memory_space<hbm>>
      %dma_wait3A_216 = tpu.memref_slice %arg4[%add3A_214] : memref<8388608xf32, #tpu.memory_space<hbm>> -> memref<4096xf32, #tpu.memory_space<hbm>>
      tpu.wait_dma2 semaphore(%arg25 : memref<!tpu.dma_semaphore, #tpu.memory_space<semaphore_mem>>) src(%dma_wait3A_216 : memref<4096xf32, #tpu.memory_space<hbm>>) dst(%arg17 : memref<4096xf32, #tpu.memory_space<vmem>>)
      %mul3A_217 = arith.constant 32768 : i32
      %mul3A_218 = arith.muli %add3A_26, %mul3A_217 : i32
      %add3A_219 = arith.constant 24576 : i32
      %add3A_220 = arith.addi %mul3A_218, %add3A_219 : i32
      %dma_wait3A_221 = tpu.memref_slice %arg5[%add3A_220] : memref<8388608xf32, #tpu.memory_space<hbm>> -> memref<4096xf32, #tpu.memory_space<hbm>>
      %dma_wait3A_222 = tpu.memref_slice %arg5[%add3A_220] : memref<8388608xf32, #tpu.memory_space<hbm>> -> memref<4096xf32, #tpu.memory_space<hbm>>
      tpu.wait_dma2 semaphore(%arg26 : memref<!tpu.dma_semaphore, #tpu.memory_space<semaphore_mem>>) src(%dma_wait3A_222 : memref<4096xf32, #tpu.memory_space<hbm>>) dst(%arg18 : memref<4096xf32, #tpu.memory_space<vmem>>)
      %mul3A_223 = arith.constant 32768 : i32
      %mul3A_224 = arith.muli %add3A_26, %mul3A_223 : i32
      %add3A_225 = arith.constant 28672 : i32
      %add3A_226 = arith.addi %mul3A_224, %add3A_225 : i32
      %dma_start3A_227 = tpu.memref_slice %arg4[%add3A_226] : memref<8388608xf32, #tpu.memory_space<hbm>> -> memref<4096xf32, #tpu.memory_space<hbm>>
      %dma_start3A_228 = tpu.memref_slice %arg4[%add3A_226] : memref<8388608xf32, #tpu.memory_space<hbm>> -> memref<4096xf32, #tpu.memory_space<hbm>>
      tpu.enqueue_dma source(%dma_start3A_228 : memref<4096xf32, #tpu.memory_space<hbm>>) target(%arg19 : memref<4096xf32, #tpu.memory_space<vmem>>) target_semaphore(%arg27 : memref<!tpu.dma_semaphore, #tpu.memory_space<semaphore_mem>>)
      %mul3A_229 = arith.constant 32768 : i32
      %mul3A_230 = arith.muli %add3A_26, %mul3A_229 : i32
      %add3A_231 = arith.constant 28672 : i32
      %add3A_232 = arith.addi %mul3A_230, %add3A_231 : i32
      %dma_start3A_233 = tpu.memref_slice %arg5[%add3A_232] : memref<8388608xf32, #tpu.memory_space<hbm>> -> memref<4096xf32, #tpu.memory_space<hbm>>
      %dma_start3A_234 = tpu.memref_slice %arg5[%add3A_232] : memref<8388608xf32, #tpu.memory_space<hbm>> -> memref<4096xf32, #tpu.memory_space<hbm>>
      tpu.enqueue_dma source(%dma_start3A_234 : memref<4096xf32, #tpu.memory_space<hbm>>) target(%arg20 : memref<4096xf32, #tpu.memory_space<vmem>>) target_semaphore(%arg28 : memref<!tpu.dma_semaphore, #tpu.memory_space<semaphore_mem>>)
      %parallel_loop3A_235 = arith.constant 0 : i32
      %parallel_loop3A_236 = arith.constant 128 : i32
      %parallel_loop3A_237 = arith.constant 1 : i32
      %parallel_loop3A_238 = scf.for %parallel_loop3A_255 = %parallel_loop3A_235 to %parallel_loop3A_236 step %parallel_loop3A_237 iter_args(%parallel_loop3A_256 = %parallel_loop3A_210) -> (vector<16xf32>)  : i32 {
        %parallel_loop3A_257 = arith.constant 768 : i32
        %parallel_loop3A_258 = arith.addi %parallel_loop3A_257, %parallel_loop3A_255 : i32
        %parallel_loop3A_259 = arith.constant 512 : i32
        %parallel_loop3A_260 = arith.divsi %parallel_loop3A_258, %parallel_loop3A_259 : i32
        %parallel_loop3A_261 = arith.constant 0 : i32
        %parallel_loop3A_262 = arith.cmpi sgt, %parallel_loop3A_258, %parallel_loop3A_261 : i32
        %parallel_loop3A_263 = arith.extui %parallel_loop3A_262 : i1 to i32
        %parallel_loop3A_264 = arith.constant 0 : i32
        %parallel_loop3A_265 = arith.cmpi slt, %parallel_loop3A_258, %parallel_loop3A_264 : i32
        %parallel_loop3A_266 = arith.extui %parallel_loop3A_265 : i1 to i32
        %parallel_loop3A_267 = arith.subi %parallel_loop3A_263, %parallel_loop3A_266 : i32
        %parallel_loop3A_268 = arith.constant 0 : i32
        %parallel_loop3A_269 = arith.cmpi sgt, %parallel_loop3A_259, %parallel_loop3A_268 : i32
        %parallel_loop3A_270 = arith.extui %parallel_loop3A_269 : i1 to i32
        %parallel_loop3A_271 = arith.constant 0 : i32
        %parallel_loop3A_272 = arith.cmpi slt, %parallel_loop3A_259, %parallel_loop3A_271 : i32
        %parallel_loop3A_273 = arith.extui %parallel_loop3A_272 : i1 to i32
        %parallel_loop3A_274 = arith.subi %parallel_loop3A_270, %parallel_loop3A_273 : i32
        %parallel_loop3A_275 = arith.cmpi ne, %parallel_loop3A_267, %parallel_loop3A_274 : i32
        %parallel_loop3A_276 = arith.remsi %parallel_loop3A_258, %parallel_loop3A_259 : i32
        %parallel_loop3A_277 = arith.constant 0 : i32
        %parallel_loop3A_278 = arith.cmpi ne, %parallel_loop3A_276, %parallel_loop3A_277 : i32
        %parallel_loop3A_279 = arith.andi %parallel_loop3A_275, %parallel_loop3A_278 : i1
        %parallel_loop3A_280 = arith.constant 1 : i32
        %parallel_loop3A_281 = arith.subi %parallel_loop3A_260, %parallel_loop3A_280 : i32
        %parallel_loop3A_282 = arith.select %parallel_loop3A_279, %parallel_loop3A_281, %parallel_loop3A_260 : i32
        %parallel_loop3A_283 = arith.constant 16384 : i32
        %parallel_loop3A_284 = arith.muli %parallel_loop3A_282, %parallel_loop3A_283 : i32
        %parallel_loop3A_285 = arith.constant 512 : i32
        %parallel_loop3A_286 = arith.constant 0 : i32
        %parallel_loop3A_287 = arith.cmpi eq, %parallel_loop3A_285, %parallel_loop3A_286 : i32
        %parallel_loop3A_288 = arith.constant 1 : i32
        %parallel_loop3A_289 = arith.select %parallel_loop3A_287, %parallel_loop3A_288, %parallel_loop3A_285 : i32
        %parallel_loop3A_290 = arith.remsi %parallel_loop3A_258, %parallel_loop3A_289 : i32
        %parallel_loop3A_291 = arith.constant 0 : i32
        %parallel_loop3A_292 = arith.cmpi ne, %parallel_loop3A_290, %parallel_loop3A_291 : i32
        %parallel_loop3A_293 = arith.constant 0 : i32
        %parallel_loop3A_294 = arith.cmpi slt, %parallel_loop3A_290, %parallel_loop3A_293 : i32
        %parallel_loop3A_295 = arith.constant 0 : i32
        %parallel_loop3A_296 = arith.cmpi slt, %parallel_loop3A_289, %parallel_loop3A_295 : i32
        %parallel_loop3A_297 = arith.xori %parallel_loop3A_294, %parallel_loop3A_296 : i1
        %parallel_loop3A_298 = arith.andi %parallel_loop3A_297, %parallel_loop3A_292 : i1
        %parallel_loop3A_299 = arith.addi %parallel_loop3A_290, %parallel_loop3A_289 : i32
        %parallel_loop3A_300 = arith.select %parallel_loop3A_298, %parallel_loop3A_299, %parallel_loop3A_290 : i32
        %parallel_loop3A_301 = arith.constant 8 : i32
        %parallel_loop3A_302 = arith.divsi %parallel_loop3A_300, %parallel_loop3A_301 : i32
        %parallel_loop3A_303 = arith.constant 0 : i32
        %parallel_loop3A_304 = arith.cmpi sgt, %parallel_loop3A_300, %parallel_loop3A_303 : i32
        %parallel_loop3A_305 = arith.extui %parallel_loop3A_304 : i1 to i32
        %parallel_loop3A_306 = arith.constant 0 : i32
        %parallel_loop3A_307 = arith.cmpi slt, %parallel_loop3A_300, %parallel_loop3A_306 : i32
        %parallel_loop3A_308 = arith.extui %parallel_loop3A_307 : i1 to i32
        %parallel_loop3A_309 = arith.subi %parallel_loop3A_305, %parallel_loop3A_308 : i32
        %parallel_loop3A_310 = arith.constant 0 : i32
        %parallel_loop3A_311 = arith.cmpi sgt, %parallel_loop3A_301, %parallel_loop3A_310 : i32
        %parallel_loop3A_312 = arith.extui %parallel_loop3A_311 : i1 to i32
        %parallel_loop3A_313 = arith.constant 0 : i32
        %parallel_loop3A_314 = arith.cmpi slt, %parallel_loop3A_301, %parallel_loop3A_313 : i32
        %parallel_loop3A_315 = arith.extui %parallel_loop3A_314 : i1 to i32
        %parallel_loop3A_316 = arith.subi %parallel_loop3A_312, %parallel_loop3A_315 : i32
        %parallel_loop3A_317 = arith.cmpi ne, %parallel_loop3A_309, %parallel_loop3A_316 : i32
        %parallel_loop3A_318 = arith.remsi %parallel_loop3A_300, %parallel_loop3A_301 : i32
        %parallel_loop3A_319 = arith.constant 0 : i32
        %parallel_loop3A_320 = arith.cmpi ne, %parallel_loop3A_318, %parallel_loop3A_319 : i32
        %parallel_loop3A_321 = arith.andi %parallel_loop3A_317, %parallel_loop3A_320 : i1
        %parallel_loop3A_322 = arith.constant 1 : i32
        %parallel_loop3A_323 = arith.subi %parallel_loop3A_302, %parallel_loop3A_322 : i32
        %parallel_loop3A_324 = arith.select %parallel_loop3A_321, %parallel_loop3A_323, %parallel_loop3A_302 : i32
        %parallel_loop3A_325 = arith.constant 256 : i32
        %parallel_loop3A_326 = arith.muli %parallel_loop3A_324, %parallel_loop3A_325 : i32
        %parallel_loop3A_327 = arith.addi %parallel_loop3A_284, %parallel_loop3A_326 : i32
        %parallel_loop3A_328 = arith.constant 8 : i32
        %parallel_loop3A_329 = arith.constant 0 : i32
        %parallel_loop3A_330 = arith.cmpi eq, %parallel_loop3A_328, %parallel_loop3A_329 : i32
        %parallel_loop3A_331 = arith.constant 1 : i32
        %parallel_loop3A_332 = arith.select %parallel_loop3A_330, %parallel_loop3A_331, %parallel_loop3A_328 : i32
        %parallel_loop3A_333 = arith.remsi %parallel_loop3A_258, %parallel_loop3A_332 : i32
        %parallel_loop3A_334 = arith.constant 0 : i32
        %parallel_loop3A_335 = arith.cmpi ne, %parallel_loop3A_333, %parallel_loop3A_334 : i32
        %parallel_loop3A_336 = arith.constant 0 : i32
        %parallel_loop3A_337 = arith.cmpi slt, %parallel_loop3A_333, %parallel_loop3A_336 : i32
        %parallel_loop3A_338 = arith.constant 0 : i32
        %parallel_loop3A_339 = arith.cmpi slt, %parallel_loop3A_332, %parallel_loop3A_338 : i32
        %parallel_loop3A_340 = arith.xori %parallel_loop3A_337, %parallel_loop3A_339 : i1
        %parallel_loop3A_341 = arith.andi %parallel_loop3A_340, %parallel_loop3A_335 : i1
        %parallel_loop3A_342 = arith.addi %parallel_loop3A_333, %parallel_loop3A_332 : i32
        %parallel_loop3A_343 = arith.select %parallel_loop3A_341, %parallel_loop3A_342, %parallel_loop3A_333 : i32
        %parallel_loop3A_344 = arith.constant 16 : i32
        %parallel_loop3A_345 = arith.muli %parallel_loop3A_343, %parallel_loop3A_344 : i32
        %parallel_loop3A_346 = arith.addi %parallel_loop3A_327, %parallel_loop3A_345 : i32
        %parallel_loop3A_347 = arith.index_cast %parallel_loop3A_346 : i32 to index
        %parallel_loop3A_348 = tpu.vector_load %arg21[%parallel_loop3A_347] {strides = array<i32>} : memref<32768xi32, #tpu.memory_space<vmem>>, vector<16xi32>,
        %parallel_loop3A_349 = arith.constant 128 : i32
        %parallel_loop3A_350 = arith.addi %parallel_loop3A_346, %parallel_loop3A_349 : i32
        %parallel_loop3A_351 = arith.index_cast %parallel_loop3A_350 : i32 to index
        %parallel_loop3A_352 = tpu.vector_load %arg21[%parallel_loop3A_351] {strides = array<i32>} : memref<32768xi32, #tpu.memory_space<vmem>>, vector<16xi32>,
        %parallel_loop3A_353 = arith.index_cast %parallel_loop3A_346 : i32 to index
        %parallel_loop3A_354 = tpu.vector_load %arg22[%parallel_loop3A_353] {strides = array<i32>} : memref<32768xi32, #tpu.memory_space<vmem>>, vector<16xi32>,
        %parallel_loop3A_355 = arith.constant 128 : i32
        %parallel_loop3A_356 = arith.addi %parallel_loop3A_346, %parallel_loop3A_355 : i32
        %parallel_loop3A_357 = arith.index_cast %parallel_loop3A_356 : i32 to index
        %parallel_loop3A_358 = tpu.vector_load %arg22[%parallel_loop3A_357] {strides = array<i32>} : memref<32768xi32, #tpu.memory_space<vmem>>, vector<16xi32>,
        %parallel_loop3A_359 = arith.constant 0 : i32
        %parallel_loop3A_360 = vector.broadcast %parallel_loop3A_359 : i32 to vector<16xi32>
        %parallel_loop3A_361 = arith.cmpi eq, %parallel_loop3A_354, %parallel_loop3A_360 : vector<16xi32>
        %parallel_loop3A_362 = arith.constant 0 : i32
        %parallel_loop3A_363 = vector.broadcast %parallel_loop3A_362 : i32 to vector<16xi32>
        %parallel_loop3A_364 = arith.cmpi eq, %parallel_loop3A_358, %parallel_loop3A_363 : vector<16xi32>
        %parallel_loop3A_365 = arith.andi %parallel_loop3A_361, %parallel_loop3A_364 : vector<16xi1>
        %parallel_loop3A_366 = arith.constant 1.000000e+00 : f32
        %parallel_loop3A_367 = arith.constant 0.000000e+00 : f32
        %parallel_loop3A_368 = vector.broadcast %parallel_loop3A_366 : f32 to vector<16xf32>
        %parallel_loop3A_369 = vector.broadcast %parallel_loop3A_367 : f32 to vector<16xf32>
        %parallel_loop3A_370 = arith.select %parallel_loop3A_365, %parallel_loop3A_368, %parallel_loop3A_369 : vector<16xi1>, vector<16xf32>
        %parallel_loop3A_371 = arith.constant 7 : i32
        %parallel_loop3A_372 = vector.broadcast %parallel_loop3A_371 : i32 to vector<16xi32>
        %parallel_loop3A_373 = arith.shrsi %parallel_loop3A_348, %parallel_loop3A_372 : vector<16xi32>
        %parallel_loop3A_374 = arith.constant 7 : i32
        %parallel_loop3A_375 = vector.broadcast %parallel_loop3A_374 : i32 to vector<16xi32>
        %parallel_loop3A_376 = arith.shli %parallel_loop3A_373, %parallel_loop3A_375 : vector<16xi32>
        %parallel_loop3A_377 = arith.addi %parallel_loop3A_348, %parallel_loop3A_376 : vector<16xi32>
        %parallel_loop3A_378 = arith.constant 7 : i32
        %parallel_loop3A_379 = vector.broadcast %parallel_loop3A_378 : i32 to vector<16xi32>
        %parallel_loop3A_380 = arith.shrsi %parallel_loop3A_352, %parallel_loop3A_379 : vector<16xi32>
        %parallel_loop3A_381 = arith.constant 7 : i32
        %parallel_loop3A_382 = vector.broadcast %parallel_loop3A_381 : i32 to vector<16xi32>
        %parallel_loop3A_383 = arith.shli %parallel_loop3A_380, %parallel_loop3A_382 : vector<16xi32>
        %parallel_loop3A_384 = arith.addi %parallel_loop3A_352, %parallel_loop3A_383 : vector<16xi32>
        %parallel_loop3A_385 = tpu.vector_load_idx %arg16[%parallel_loop3A_377] : memref<2048xf32, #tpu.memory_space<vmem>>[vector<16xi32>], vector<16xf32>,
        %parallel_loop3A_386 = arith.constant 128 : i32
        %parallel_loop3A_387 = vector.broadcast %parallel_loop3A_386 : i32 to vector<16xi32>
        %parallel_loop3A_388 = arith.addi %parallel_loop3A_377, %parallel_loop3A_387 : vector<16xi32>
        %parallel_loop3A_389 = tpu.vector_load_idx %arg16[%parallel_loop3A_388] : memref<2048xf32, #tpu.memory_space<vmem>>[vector<16xi32>], vector<16xf32>,
        %parallel_loop3A_390 = tpu.vector_load_idx %arg16[%parallel_loop3A_384] : memref<2048xf32, #tpu.memory_space<vmem>>[vector<16xi32>], vector<16xf32>,
        %parallel_loop3A_391 = arith.constant 128 : i32
        %parallel_loop3A_392 = vector.broadcast %parallel_loop3A_391 : i32 to vector<16xi32>
        %parallel_loop3A_393 = arith.addi %parallel_loop3A_384, %parallel_loop3A_392 : vector<16xi32>
        %parallel_loop3A_394 = tpu.vector_load_idx %arg16[%parallel_loop3A_393] : memref<2048xf32, #tpu.memory_space<vmem>>[vector<16xi32>], vector<16xf32>,
        %parallel_loop3A_395 = tpu.vector_load_idx %arg15[%parallel_loop3A_377] : memref<2048xf32, #tpu.memory_space<vmem>>[vector<16xi32>], vector<16xf32>,
        %parallel_loop3A_396 = arith.constant 128 : i32
        %parallel_loop3A_397 = vector.broadcast %parallel_loop3A_396 : i32 to vector<16xi32>
        %parallel_loop3A_398 = arith.addi %parallel_loop3A_377, %parallel_loop3A_397 : vector<16xi32>
        %parallel_loop3A_399 = tpu.vector_load_idx %arg15[%parallel_loop3A_398] : memref<2048xf32, #tpu.memory_space<vmem>>[vector<16xi32>], vector<16xf32>,
        %parallel_loop3A_400 = tpu.vector_load_idx %arg15[%parallel_loop3A_384] : memref<2048xf32, #tpu.memory_space<vmem>>[vector<16xi32>], vector<16xf32>,
        %parallel_loop3A_401 = arith.constant 128 : i32
        %parallel_loop3A_402 = vector.broadcast %parallel_loop3A_401 : i32 to vector<16xi32>
        %parallel_loop3A_403 = arith.addi %parallel_loop3A_384, %parallel_loop3A_402 : vector<16xi32>
        %parallel_loop3A_404 = tpu.vector_load_idx %arg15[%parallel_loop3A_403] : memref<2048xf32, #tpu.memory_space<vmem>>[vector<16xi32>], vector<16xf32>,
        %parallel_loop3A_405 = arith.mulf %parallel_loop3A_385, %parallel_loop3A_400 : vector<16xf32>
        %parallel_loop3A_406 = arith.mulf %parallel_loop3A_389, %parallel_loop3A_404 : vector<16xf32>
        %parallel_loop3A_407 = arith.addf %parallel_loop3A_405, %parallel_loop3A_406 : vector<16xf32>
        %parallel_loop3A_408 = arith.mulf %parallel_loop3A_395, %parallel_loop3A_390 : vector<16xf32>
        %parallel_loop3A_409 = arith.subf %parallel_loop3A_407, %parallel_loop3A_408 : vector<16xf32>
        %parallel_loop3A_410 = arith.mulf %parallel_loop3A_399, %parallel_loop3A_394 : vector<16xf32>
        %parallel_loop3A_411 = arith.subf %parallel_loop3A_409, %parallel_loop3A_410 : vector<16xf32>
        %parallel_loop3A_412 = arith.mulf %parallel_loop3A_389, %parallel_loop3A_400 : vector<16xf32>
        %parallel_loop3A_413 = arith.mulf %parallel_loop3A_385, %parallel_loop3A_404 : vector<16xf32>
        %parallel_loop3A_414 = arith.subf %parallel_loop3A_412, %parallel_loop3A_413 : vector<16xf32>
        %parallel_loop3A_415 = arith.mulf %parallel_loop3A_395, %parallel_loop3A_394 : vector<16xf32>
        %parallel_loop3A_416 = arith.addf %parallel_loop3A_414, %parallel_loop3A_415 : vector<16xf32>
        %parallel_loop3A_417 = arith.mulf %parallel_loop3A_399, %parallel_loop3A_390 : vector<16xf32>
        %parallel_loop3A_418 = arith.subf %parallel_loop3A_416, %parallel_loop3A_417 : vector<16xf32>
        %parallel_loop3A_419 = arith.constant 8 : i32
        %parallel_loop3A_420 = arith.divsi %parallel_loop3A_255, %parallel_loop3A_419 : i32
        %parallel_loop3A_421 = arith.constant 0 : i32
        %parallel_loop3A_422 = arith.cmpi sgt, %parallel_loop3A_255, %parallel_loop3A_421 : i32
        %parallel_loop3A_423 = arith.extui %parallel_loop3A_422 : i1 to i32
        %parallel_loop3A_424 = arith.constant 0 : i32
        %parallel_loop3A_425 = arith.cmpi slt, %parallel_loop3A_255, %parallel_loop3A_424 : i32
        %parallel_loop3A_426 = arith.extui %parallel_loop3A_425 : i1 to i32
        %parallel_loop3A_427 = arith.subi %parallel_loop3A_423, %parallel_loop3A_426 : i32
        %parallel_loop3A_428 = arith.constant 0 : i32
        %parallel_loop3A_429 = arith.cmpi sgt, %parallel_loop3A_419, %parallel_loop3A_428 : i32
        %parallel_loop3A_430 = arith.extui %parallel_loop3A_429 : i1 to i32
        %parallel_loop3A_431 = arith.constant 0 : i32
        %parallel_loop3A_432 = arith.cmpi slt, %parallel_loop3A_419, %parallel_loop3A_431 : i32
        %parallel_loop3A_433 = arith.extui %parallel_loop3A_432 : i1 to i32
        %parallel_loop3A_434 = arith.subi %parallel_loop3A_430, %parallel_loop3A_433 : i32
        %parallel_loop3A_435 = arith.cmpi ne, %parallel_loop3A_427, %parallel_loop3A_434 : i32
        %parallel_loop3A_436 = arith.remsi %parallel_loop3A_255, %parallel_loop3A_419 : i32
        %parallel_loop3A_437 = arith.constant 0 : i32
        %parallel_loop3A_438 = arith.cmpi ne, %parallel_loop3A_436, %parallel_loop3A_437 : i32
        %parallel_loop3A_439 = arith.andi %parallel_loop3A_435, %parallel_loop3A_438 : i1
        %parallel_loop3A_440 = arith.constant 1 : i32
        %parallel_loop3A_441 = arith.subi %parallel_loop3A_420, %parallel_loop3A_440 : i32
        %parallel_loop3A_442 = arith.select %parallel_loop3A_439, %parallel_loop3A_441, %parallel_loop3A_420 : i32
        %parallel_loop3A_443 = arith.constant 256 : i32
        %parallel_loop3A_444 = arith.muli %parallel_loop3A_442, %parallel_loop3A_443 : i32
        %parallel_loop3A_445 = arith.constant 8 : i32
        %parallel_loop3A_446 = arith.constant 0 : i32
        %parallel_loop3A_447 = arith.cmpi eq, %parallel_loop3A_445, %parallel_loop3A_446 : i32
        %parallel_loop3A_448 = arith.constant 1 : i32
        %parallel_loop3A_449 = arith.select %parallel_loop3A_447, %parallel_loop3A_448, %parallel_loop3A_445 : i32
        %parallel_loop3A_450 = arith.remsi %parallel_loop3A_255, %parallel_loop3A_449 : i32
        %parallel_loop3A_451 = arith.constant 0 : i32
        %parallel_loop3A_452 = arith.cmpi ne, %parallel_loop3A_450, %parallel_loop3A_451 : i32
        %parallel_loop3A_453 = arith.constant 0 : i32
        %parallel_loop3A_454 = arith.cmpi slt, %parallel_loop3A_450, %parallel_loop3A_453 : i32
        %parallel_loop3A_455 = arith.constant 0 : i32
        %parallel_loop3A_456 = arith.cmpi slt, %parallel_loop3A_449, %parallel_loop3A_455 : i32
        %parallel_loop3A_457 = arith.xori %parallel_loop3A_454, %parallel_loop3A_456 : i1
        %parallel_loop3A_458 = arith.andi %parallel_loop3A_457, %parallel_loop3A_452 : i1
        %parallel_loop3A_459 = arith.addi %parallel_loop3A_450, %parallel_loop3A_449 : i32
        %parallel_loop3A_460 = arith.select %parallel_loop3A_458, %parallel_loop3A_459, %parallel_loop3A_450 : i32
        %parallel_loop3A_461 = arith.constant 16 : i32
        %parallel_loop3A_462 = arith.muli %parallel_loop3A_460, %parallel_loop3A_461 : i32
        %parallel_loop3A_463 = arith.addi %parallel_loop3A_444, %parallel_loop3A_462 : i32
        %parallel_loop3A_464 = arith.index_cast %parallel_loop3A_463 : i32 to index
        %parallel_loop3A_465 = tpu.vector_load %arg17[%parallel_loop3A_464] {strides = array<i32>} : memref<4096xf32, #tpu.memory_space<vmem>>, vector<16xf32>,
        %parallel_loop3A_466 = arith.index_cast %parallel_loop3A_463 : i32 to index
        %parallel_loop3A_467 = tpu.vector_load %arg18[%parallel_loop3A_466] {strides = array<i32>} : memref<4096xf32, #tpu.memory_space<vmem>>, vector<16xf32>,
        %parallel_loop3A_468 = arith.subf %parallel_loop3A_465, %parallel_loop3A_467 : vector<16xf32>
        %parallel_loop3A_469 = arith.constant 128 : i32
        %parallel_loop3A_470 = arith.addi %parallel_loop3A_463, %parallel_loop3A_469 : i32
        %parallel_loop3A_471 = arith.index_cast %parallel_loop3A_470 : i32 to index
        %parallel_loop3A_472 = tpu.vector_load %arg17[%parallel_loop3A_471] {strides = array<i32>} : memref<4096xf32, #tpu.memory_space<vmem>>, vector<16xf32>,
        %parallel_loop3A_473 = arith.constant 128 : i32
        %parallel_loop3A_474 = arith.addi %parallel_loop3A_463, %parallel_loop3A_473 : i32
        %parallel_loop3A_475 = arith.index_cast %parallel_loop3A_474 : i32 to index
        %parallel_loop3A_476 = tpu.vector_load %arg18[%parallel_loop3A_475] {strides = array<i32>} : memref<4096xf32, #tpu.memory_space<vmem>>, vector<16xf32>,
        %parallel_loop3A_477 = arith.subf %parallel_loop3A_472, %parallel_loop3A_476 : vector<16xf32>
        %parallel_loop3A_478 = arith.mulf %parallel_loop3A_370, %parallel_loop3A_411 : vector<16xf32>
        %parallel_loop3A_479 = arith.subf %parallel_loop3A_468, %parallel_loop3A_478 : vector<16xf32>
        %parallel_loop3A_480 = arith.mulf %parallel_loop3A_370, %parallel_loop3A_418 : vector<16xf32>
        %parallel_loop3A_481 = arith.subf %parallel_loop3A_477, %parallel_loop3A_480 : vector<16xf32>
        %parallel_loop3A_482 = arith.mulf %parallel_loop3A_479, %parallel_loop3A_479 : vector<16xf32>
        %parallel_loop3A_483 = arith.addf %parallel_loop3A_256, %parallel_loop3A_482 : vector<16xf32>
        %parallel_loop3A_484 = arith.mulf %parallel_loop3A_481, %parallel_loop3A_481 : vector<16xf32>
        %parallel_loop3A_485 = arith.addf %parallel_loop3A_483, %parallel_loop3A_484 : vector<16xf32>
        scf.yield %parallel_loop3A_485 : vector<16xf32>
      } {sc.loop_unroll_factor = 4 : i64, sc.parallel_access}
      %mul3A_239 = arith.constant 32768 : i32
      %mul3A_240 = arith.muli %add3A_26, %mul3A_239 : i32
      %add3A_241 = arith.constant 28672 : i32
      %add3A_242 = arith.addi %mul3A_240, %add3A_241 : i32
      %dma_wait3A_243 = tpu.memref_slice %arg4[%add3A_242] : memref<8388608xf32, #tpu.memory_space<hbm>> -> memref<4096xf32, #tpu.memory_space<hbm>>
      %dma_wait3A_244 = tpu.memref_slice %arg4[%add3A_242] : memref<8388608xf32, #tpu.memory_space<hbm>> -> memref<4096xf32, #tpu.memory_space<hbm>>
      tpu.wait_dma2 semaphore(%arg27 : memref<!tpu.dma_semaphore, #tpu.memory_space<semaphore_mem>>) src(%dma_wait3A_244 : memref<4096xf32, #tpu.memory_space<hbm>>) dst(%arg19 : memref<4096xf32, #tpu.memory_space<vmem>>)
      %mul3A_245 = arith.constant 32768 : i32
      %mul3A_246 = arith.muli %add3A_26, %mul3A_245 : i32
      %add3A_247 = arith.constant 28672 : i32
      %add3A_248 = arith.addi %mul3A_246, %add3A_247 : i32
      %dma_wait3A_249 = tpu.memref_slice %arg5[%add3A_248] : memref<8388608xf32, #tpu.memory_space<hbm>> -> memref<4096xf32, #tpu.memory_space<hbm>>
      %dma_wait3A_250 = tpu.memref_slice %arg5[%add3A_248] : memref<8388608xf32, #tpu.memory_space<hbm>> -> memref<4096xf32, #tpu.memory_space<hbm>>
      tpu.wait_dma2 semaphore(%arg28 : memref<!tpu.dma_semaphore, #tpu.memory_space<semaphore_mem>>) src(%dma_wait3A_250 : memref<4096xf32, #tpu.memory_space<hbm>>) dst(%arg20 : memref<4096xf32, #tpu.memory_space<vmem>>)
      %parallel_loop3A_251 = arith.constant 0 : i32
      %parallel_loop3A_252 = arith.constant 128 : i32
      %parallel_loop3A_253 = arith.constant 1 : i32
      %parallel_loop3A_254 = scf.for %parallel_loop3A_255 = %parallel_loop3A_251 to %parallel_loop3A_252 step %parallel_loop3A_253 iter_args(%parallel_loop3A_256 = %parallel_loop3A_238) -> (vector<16xf32>)  : i32 {
        %parallel_loop3A_257 = arith.constant 896 : i32
        %parallel_loop3A_258 = arith.addi %parallel_loop3A_257, %parallel_loop3A_255 : i32
        %parallel_loop3A_259 = arith.constant 512 : i32
        %parallel_loop3A_260 = arith.divsi %parallel_loop3A_258, %parallel_loop3A_259 : i32
        %parallel_loop3A_261 = arith.constant 0 : i32
        %parallel_loop3A_262 = arith.cmpi sgt, %parallel_loop3A_258, %parallel_loop3A_261 : i32
        %parallel_loop3A_263 = arith.extui %parallel_loop3A_262 : i1 to i32
        %parallel_loop3A_264 = arith.constant 0 : i32
        %parallel_loop3A_265 = arith.cmpi slt, %parallel_loop3A_258, %parallel_loop3A_264 : i32
        %parallel_loop3A_266 = arith.extui %parallel_loop3A_265 : i1 to i32
        %parallel_loop3A_267 = arith.subi %parallel_loop3A_263, %parallel_loop3A_266 : i32
        %parallel_loop3A_268 = arith.constant 0 : i32
        %parallel_loop3A_269 = arith.cmpi sgt, %parallel_loop3A_259, %parallel_loop3A_268 : i32
        %parallel_loop3A_270 = arith.extui %parallel_loop3A_269 : i1 to i32
        %parallel_loop3A_271 = arith.constant 0 : i32
        %parallel_loop3A_272 = arith.cmpi slt, %parallel_loop3A_259, %parallel_loop3A_271 : i32
        %parallel_loop3A_273 = arith.extui %parallel_loop3A_272 : i1 to i32
        %parallel_loop3A_274 = arith.subi %parallel_loop3A_270, %parallel_loop3A_273 : i32
        %parallel_loop3A_275 = arith.cmpi ne, %parallel_loop3A_267, %parallel_loop3A_274 : i32
        %parallel_loop3A_276 = arith.remsi %parallel_loop3A_258, %parallel_loop3A_259 : i32
        %parallel_loop3A_277 = arith.constant 0 : i32
        %parallel_loop3A_278 = arith.cmpi ne, %parallel_loop3A_276, %parallel_loop3A_277 : i32
        %parallel_loop3A_279 = arith.andi %parallel_loop3A_275, %parallel_loop3A_278 : i1
        %parallel_loop3A_280 = arith.constant 1 : i32
        %parallel_loop3A_281 = arith.subi %parallel_loop3A_260, %parallel_loop3A_280 : i32
        %parallel_loop3A_282 = arith.select %parallel_loop3A_279, %parallel_loop3A_281, %parallel_loop3A_260 : i32
        %parallel_loop3A_283 = arith.constant 16384 : i32
        %parallel_loop3A_284 = arith.muli %parallel_loop3A_282, %parallel_loop3A_283 : i32
        %parallel_loop3A_285 = arith.constant 512 : i32
        %parallel_loop3A_286 = arith.constant 0 : i32
        %parallel_loop3A_287 = arith.cmpi eq, %parallel_loop3A_285, %parallel_loop3A_286 : i32
        %parallel_loop3A_288 = arith.constant 1 : i32
        %parallel_loop3A_289 = arith.select %parallel_loop3A_287, %parallel_loop3A_288, %parallel_loop3A_285 : i32
        %parallel_loop3A_290 = arith.remsi %parallel_loop3A_258, %parallel_loop3A_289 : i32
        %parallel_loop3A_291 = arith.constant 0 : i32
        %parallel_loop3A_292 = arith.cmpi ne, %parallel_loop3A_290, %parallel_loop3A_291 : i32
        %parallel_loop3A_293 = arith.constant 0 : i32
        %parallel_loop3A_294 = arith.cmpi slt, %parallel_loop3A_290, %parallel_loop3A_293 : i32
        %parallel_loop3A_295 = arith.constant 0 : i32
        %parallel_loop3A_296 = arith.cmpi slt, %parallel_loop3A_289, %parallel_loop3A_295 : i32
        %parallel_loop3A_297 = arith.xori %parallel_loop3A_294, %parallel_loop3A_296 : i1
        %parallel_loop3A_298 = arith.andi %parallel_loop3A_297, %parallel_loop3A_292 : i1
        %parallel_loop3A_299 = arith.addi %parallel_loop3A_290, %parallel_loop3A_289 : i32
        %parallel_loop3A_300 = arith.select %parallel_loop3A_298, %parallel_loop3A_299, %parallel_loop3A_290 : i32
        %parallel_loop3A_301 = arith.constant 8 : i32
        %parallel_loop3A_302 = arith.divsi %parallel_loop3A_300, %parallel_loop3A_301 : i32
        %parallel_loop3A_303 = arith.constant 0 : i32
        %parallel_loop3A_304 = arith.cmpi sgt, %parallel_loop3A_300, %parallel_loop3A_303 : i32
        %parallel_loop3A_305 = arith.extui %parallel_loop3A_304 : i1 to i32
        %parallel_loop3A_306 = arith.constant 0 : i32
        %parallel_loop3A_307 = arith.cmpi slt, %parallel_loop3A_300, %parallel_loop3A_306 : i32
        %parallel_loop3A_308 = arith.extui %parallel_loop3A_307 : i1 to i32
        %parallel_loop3A_309 = arith.subi %parallel_loop3A_305, %parallel_loop3A_308 : i32
        %parallel_loop3A_310 = arith.constant 0 : i32
        %parallel_loop3A_311 = arith.cmpi sgt, %parallel_loop3A_301, %parallel_loop3A_310 : i32
        %parallel_loop3A_312 = arith.extui %parallel_loop3A_311 : i1 to i32
        %parallel_loop3A_313 = arith.constant 0 : i32
        %parallel_loop3A_314 = arith.cmpi slt, %parallel_loop3A_301, %parallel_loop3A_313 : i32
        %parallel_loop3A_315 = arith.extui %parallel_loop3A_314 : i1 to i32
        %parallel_loop3A_316 = arith.subi %parallel_loop3A_312, %parallel_loop3A_315 : i32
        %parallel_loop3A_317 = arith.cmpi ne, %parallel_loop3A_309, %parallel_loop3A_316 : i32
        %parallel_loop3A_318 = arith.remsi %parallel_loop3A_300, %parallel_loop3A_301 : i32
        %parallel_loop3A_319 = arith.constant 0 : i32
        %parallel_loop3A_320 = arith.cmpi ne, %parallel_loop3A_318, %parallel_loop3A_319 : i32
        %parallel_loop3A_321 = arith.andi %parallel_loop3A_317, %parallel_loop3A_320 : i1
        %parallel_loop3A_322 = arith.constant 1 : i32
        %parallel_loop3A_323 = arith.subi %parallel_loop3A_302, %parallel_loop3A_322 : i32
        %parallel_loop3A_324 = arith.select %parallel_loop3A_321, %parallel_loop3A_323, %parallel_loop3A_302 : i32
        %parallel_loop3A_325 = arith.constant 256 : i32
        %parallel_loop3A_326 = arith.muli %parallel_loop3A_324, %parallel_loop3A_325 : i32
        %parallel_loop3A_327 = arith.addi %parallel_loop3A_284, %parallel_loop3A_326 : i32
        %parallel_loop3A_328 = arith.constant 8 : i32
        %parallel_loop3A_329 = arith.constant 0 : i32
        %parallel_loop3A_330 = arith.cmpi eq, %parallel_loop3A_328, %parallel_loop3A_329 : i32
        %parallel_loop3A_331 = arith.constant 1 : i32
        %parallel_loop3A_332 = arith.select %parallel_loop3A_330, %parallel_loop3A_331, %parallel_loop3A_328 : i32
        %parallel_loop3A_333 = arith.remsi %parallel_loop3A_258, %parallel_loop3A_332 : i32
        %parallel_loop3A_334 = arith.constant 0 : i32
        %parallel_loop3A_335 = arith.cmpi ne, %parallel_loop3A_333, %parallel_loop3A_334 : i32
        %parallel_loop3A_336 = arith.constant 0 : i32
        %parallel_loop3A_337 = arith.cmpi slt, %parallel_loop3A_333, %parallel_loop3A_336 : i32
        %parallel_loop3A_338 = arith.constant 0 : i32
        %parallel_loop3A_339 = arith.cmpi slt, %parallel_loop3A_332, %parallel_loop3A_338 : i32
        %parallel_loop3A_340 = arith.xori %parallel_loop3A_337, %parallel_loop3A_339 : i1
        %parallel_loop3A_341 = arith.andi %parallel_loop3A_340, %parallel_loop3A_335 : i1
        %parallel_loop3A_342 = arith.addi %parallel_loop3A_333, %parallel_loop3A_332 : i32
        %parallel_loop3A_343 = arith.select %parallel_loop3A_341, %parallel_loop3A_342, %parallel_loop3A_333 : i32
        %parallel_loop3A_344 = arith.constant 16 : i32
        %parallel_loop3A_345 = arith.muli %parallel_loop3A_343, %parallel_loop3A_344 : i32
        %parallel_loop3A_346 = arith.addi %parallel_loop3A_327, %parallel_loop3A_345 : i32
        %parallel_loop3A_347 = arith.index_cast %parallel_loop3A_346 : i32 to index
        %parallel_loop3A_348 = tpu.vector_load %arg21[%parallel_loop3A_347] {strides = array<i32>} : memref<32768xi32, #tpu.memory_space<vmem>>, vector<16xi32>,
        %parallel_loop3A_349 = arith.constant 128 : i32
        %parallel_loop3A_350 = arith.addi %parallel_loop3A_346, %parallel_loop3A_349 : i32
        %parallel_loop3A_351 = arith.index_cast %parallel_loop3A_350 : i32 to index
        %parallel_loop3A_352 = tpu.vector_load %arg21[%parallel_loop3A_351] {strides = array<i32>} : memref<32768xi32, #tpu.memory_space<vmem>>, vector<16xi32>,
        %parallel_loop3A_353 = arith.index_cast %parallel_loop3A_346 : i32 to index
        %parallel_loop3A_354 = tpu.vector_load %arg22[%parallel_loop3A_353] {strides = array<i32>} : memref<32768xi32, #tpu.memory_space<vmem>>, vector<16xi32>,
        %parallel_loop3A_355 = arith.constant 128 : i32
        %parallel_loop3A_356 = arith.addi %parallel_loop3A_346, %parallel_loop3A_355 : i32
        %parallel_loop3A_357 = arith.index_cast %parallel_loop3A_356 : i32 to index
        %parallel_loop3A_358 = tpu.vector_load %arg22[%parallel_loop3A_357] {strides = array<i32>} : memref<32768xi32, #tpu.memory_space<vmem>>, vector<16xi32>,
        %parallel_loop3A_359 = arith.constant 0 : i32
        %parallel_loop3A_360 = vector.broadcast %parallel_loop3A_359 : i32 to vector<16xi32>
        %parallel_loop3A_361 = arith.cmpi eq, %parallel_loop3A_354, %parallel_loop3A_360 : vector<16xi32>
        %parallel_loop3A_362 = arith.constant 0 : i32
        %parallel_loop3A_363 = vector.broadcast %parallel_loop3A_362 : i32 to vector<16xi32>
        %parallel_loop3A_364 = arith.cmpi eq, %parallel_loop3A_358, %parallel_loop3A_363 : vector<16xi32>
        %parallel_loop3A_365 = arith.andi %parallel_loop3A_361, %parallel_loop3A_364 : vector<16xi1>
        %parallel_loop3A_366 = arith.constant 1.000000e+00 : f32
        %parallel_loop3A_367 = arith.constant 0.000000e+00 : f32
        %parallel_loop3A_368 = vector.broadcast %parallel_loop3A_366 : f32 to vector<16xf32>
        %parallel_loop3A_369 = vector.broadcast %parallel_loop3A_367 : f32 to vector<16xf32>
        %parallel_loop3A_370 = arith.select %parallel_loop3A_365, %parallel_loop3A_368, %parallel_loop3A_369 : vector<16xi1>, vector<16xf32>
        %parallel_loop3A_371 = arith.constant 7 : i32
        %parallel_loop3A_372 = vector.broadcast %parallel_loop3A_371 : i32 to vector<16xi32>
        %parallel_loop3A_373 = arith.shrsi %parallel_loop3A_348, %parallel_loop3A_372 : vector<16xi32>
        %parallel_loop3A_374 = arith.constant 7 : i32
        %parallel_loop3A_375 = vector.broadcast %parallel_loop3A_374 : i32 to vector<16xi32>
        %parallel_loop3A_376 = arith.shli %parallel_loop3A_373, %parallel_loop3A_375 : vector<16xi32>
        %parallel_loop3A_377 = arith.addi %parallel_loop3A_348, %parallel_loop3A_376 : vector<16xi32>
        %parallel_loop3A_378 = arith.constant 7 : i32
        %parallel_loop3A_379 = vector.broadcast %parallel_loop3A_378 : i32 to vector<16xi32>
        %parallel_loop3A_380 = arith.shrsi %parallel_loop3A_352, %parallel_loop3A_379 : vector<16xi32>
        %parallel_loop3A_381 = arith.constant 7 : i32
        %parallel_loop3A_382 = vector.broadcast %parallel_loop3A_381 : i32 to vector<16xi32>
        %parallel_loop3A_383 = arith.shli %parallel_loop3A_380, %parallel_loop3A_382 : vector<16xi32>
        %parallel_loop3A_384 = arith.addi %parallel_loop3A_352, %parallel_loop3A_383 : vector<16xi32>
        %parallel_loop3A_385 = tpu.vector_load_idx %arg16[%parallel_loop3A_377] : memref<2048xf32, #tpu.memory_space<vmem>>[vector<16xi32>], vector<16xf32>,
        %parallel_loop3A_386 = arith.constant 128 : i32
        %parallel_loop3A_387 = vector.broadcast %parallel_loop3A_386 : i32 to vector<16xi32>
        %parallel_loop3A_388 = arith.addi %parallel_loop3A_377, %parallel_loop3A_387 : vector<16xi32>
        %parallel_loop3A_389 = tpu.vector_load_idx %arg16[%parallel_loop3A_388] : memref<2048xf32, #tpu.memory_space<vmem>>[vector<16xi32>], vector<16xf32>,
        %parallel_loop3A_390 = tpu.vector_load_idx %arg16[%parallel_loop3A_384] : memref<2048xf32, #tpu.memory_space<vmem>>[vector<16xi32>], vector<16xf32>,
        %parallel_loop3A_391 = arith.constant 128 : i32
        %parallel_loop3A_392 = vector.broadcast %parallel_loop3A_391 : i32 to vector<16xi32>
        %parallel_loop3A_393 = arith.addi %parallel_loop3A_384, %parallel_loop3A_392 : vector<16xi32>
        %parallel_loop3A_394 = tpu.vector_load_idx %arg16[%parallel_loop3A_393] : memref<2048xf32, #tpu.memory_space<vmem>>[vector<16xi32>], vector<16xf32>,
        %parallel_loop3A_395 = tpu.vector_load_idx %arg15[%parallel_loop3A_377] : memref<2048xf32, #tpu.memory_space<vmem>>[vector<16xi32>], vector<16xf32>,
        %parallel_loop3A_396 = arith.constant 128 : i32
        %parallel_loop3A_397 = vector.broadcast %parallel_loop3A_396 : i32 to vector<16xi32>
        %parallel_loop3A_398 = arith.addi %parallel_loop3A_377, %parallel_loop3A_397 : vector<16xi32>
        %parallel_loop3A_399 = tpu.vector_load_idx %arg15[%parallel_loop3A_398] : memref<2048xf32, #tpu.memory_space<vmem>>[vector<16xi32>], vector<16xf32>,
        %parallel_loop3A_400 = tpu.vector_load_idx %arg15[%parallel_loop3A_384] : memref<2048xf32, #tpu.memory_space<vmem>>[vector<16xi32>], vector<16xf32>,
        %parallel_loop3A_401 = arith.constant 128 : i32
        %parallel_loop3A_402 = vector.broadcast %parallel_loop3A_401 : i32 to vector<16xi32>
        %parallel_loop3A_403 = arith.addi %parallel_loop3A_384, %parallel_loop3A_402 : vector<16xi32>
        %parallel_loop3A_404 = tpu.vector_load_idx %arg15[%parallel_loop3A_403] : memref<2048xf32, #tpu.memory_space<vmem>>[vector<16xi32>], vector<16xf32>,
        %parallel_loop3A_405 = arith.mulf %parallel_loop3A_385, %parallel_loop3A_400 : vector<16xf32>
        %parallel_loop3A_406 = arith.mulf %parallel_loop3A_389, %parallel_loop3A_404 : vector<16xf32>
        %parallel_loop3A_407 = arith.addf %parallel_loop3A_405, %parallel_loop3A_406 : vector<16xf32>
        %parallel_loop3A_408 = arith.mulf %parallel_loop3A_395, %parallel_loop3A_390 : vector<16xf32>
        %parallel_loop3A_409 = arith.subf %parallel_loop3A_407, %parallel_loop3A_408 : vector<16xf32>
        %parallel_loop3A_410 = arith.mulf %parallel_loop3A_399, %parallel_loop3A_394 : vector<16xf32>
        %parallel_loop3A_411 = arith.subf %parallel_loop3A_409, %parallel_loop3A_410 : vector<16xf32>
        %parallel_loop3A_412 = arith.mulf %parallel_loop3A_389, %parallel_loop3A_400 : vector<16xf32>
        %parallel_loop3A_413 = arith.mulf %parallel_loop3A_385, %parallel_loop3A_404 : vector<16xf32>
        %parallel_loop3A_414 = arith.subf %parallel_loop3A_412, %parallel_loop3A_413 : vector<16xf32>
        %parallel_loop3A_415 = arith.mulf %parallel_loop3A_395, %parallel_loop3A_394 : vector<16xf32>
        %parallel_loop3A_416 = arith.addf %parallel_loop3A_414, %parallel_loop3A_415 : vector<16xf32>
        %parallel_loop3A_417 = arith.mulf %parallel_loop3A_399, %parallel_loop3A_390 : vector<16xf32>
        %parallel_loop3A_418 = arith.subf %parallel_loop3A_416, %parallel_loop3A_417 : vector<16xf32>
        %parallel_loop3A_419 = arith.constant 8 : i32
        %parallel_loop3A_420 = arith.divsi %parallel_loop3A_255, %parallel_loop3A_419 : i32
        %parallel_loop3A_421 = arith.constant 0 : i32
        %parallel_loop3A_422 = arith.cmpi sgt, %parallel_loop3A_255, %parallel_loop3A_421 : i32
        %parallel_loop3A_423 = arith.extui %parallel_loop3A_422 : i1 to i32
        %parallel_loop3A_424 = arith.constant 0 : i32
        %parallel_loop3A_425 = arith.cmpi slt, %parallel_loop3A_255, %parallel_loop3A_424 : i32
        %parallel_loop3A_426 = arith.extui %parallel_loop3A_425 : i1 to i32
        %parallel_loop3A_427 = arith.subi %parallel_loop3A_423, %parallel_loop3A_426 : i32
        %parallel_loop3A_428 = arith.constant 0 : i32
        %parallel_loop3A_429 = arith.cmpi sgt, %parallel_loop3A_419, %parallel_loop3A_428 : i32
        %parallel_loop3A_430 = arith.extui %parallel_loop3A_429 : i1 to i32
        %parallel_loop3A_431 = arith.constant 0 : i32
        %parallel_loop3A_432 = arith.cmpi slt, %parallel_loop3A_419, %parallel_loop3A_431 : i32
        %parallel_loop3A_433 = arith.extui %parallel_loop3A_432 : i1 to i32
        %parallel_loop3A_434 = arith.subi %parallel_loop3A_430, %parallel_loop3A_433 : i32
        %parallel_loop3A_435 = arith.cmpi ne, %parallel_loop3A_427, %parallel_loop3A_434 : i32
        %parallel_loop3A_436 = arith.remsi %parallel_loop3A_255, %parallel_loop3A_419 : i32
        %parallel_loop3A_437 = arith.constant 0 : i32
        %parallel_loop3A_438 = arith.cmpi ne, %parallel_loop3A_436, %parallel_loop3A_437 : i32
        %parallel_loop3A_439 = arith.andi %parallel_loop3A_435, %parallel_loop3A_438 : i1
        %parallel_loop3A_440 = arith.constant 1 : i32
        %parallel_loop3A_441 = arith.subi %parallel_loop3A_420, %parallel_loop3A_440 : i32
        %parallel_loop3A_442 = arith.select %parallel_loop3A_439, %parallel_loop3A_441, %parallel_loop3A_420 : i32
        %parallel_loop3A_443 = arith.constant 256 : i32
        %parallel_loop3A_444 = arith.muli %parallel_loop3A_442, %parallel_loop3A_443 : i32
        %parallel_loop3A_445 = arith.constant 8 : i32
        %parallel_loop3A_446 = arith.constant 0 : i32
        %parallel_loop3A_447 = arith.cmpi eq, %parallel_loop3A_445, %parallel_loop3A_446 : i32
        %parallel_loop3A_448 = arith.constant 1 : i32
        %parallel_loop3A_449 = arith.select %parallel_loop3A_447, %parallel_loop3A_448, %parallel_loop3A_445 : i32
        %parallel_loop3A_450 = arith.remsi %parallel_loop3A_255, %parallel_loop3A_449 : i32
        %parallel_loop3A_451 = arith.constant 0 : i32
        %parallel_loop3A_452 = arith.cmpi ne, %parallel_loop3A_450, %parallel_loop3A_451 : i32
        %parallel_loop3A_453 = arith.constant 0 : i32
        %parallel_loop3A_454 = arith.cmpi slt, %parallel_loop3A_450, %parallel_loop3A_453 : i32
        %parallel_loop3A_455 = arith.constant 0 : i32
        %parallel_loop3A_456 = arith.cmpi slt, %parallel_loop3A_449, %parallel_loop3A_455 : i32
        %parallel_loop3A_457 = arith.xori %parallel_loop3A_454, %parallel_loop3A_456 : i1
        %parallel_loop3A_458 = arith.andi %parallel_loop3A_457, %parallel_loop3A_452 : i1
        %parallel_loop3A_459 = arith.addi %parallel_loop3A_450, %parallel_loop3A_449 : i32
        %parallel_loop3A_460 = arith.select %parallel_loop3A_458, %parallel_loop3A_459, %parallel_loop3A_450 : i32
        %parallel_loop3A_461 = arith.constant 16 : i32
        %parallel_loop3A_462 = arith.muli %parallel_loop3A_460, %parallel_loop3A_461 : i32
        %parallel_loop3A_463 = arith.addi %parallel_loop3A_444, %parallel_loop3A_462 : i32
        %parallel_loop3A_464 = arith.index_cast %parallel_loop3A_463 : i32 to index
        %parallel_loop3A_465 = tpu.vector_load %arg19[%parallel_loop3A_464] {strides = array<i32>} : memref<4096xf32, #tpu.memory_space<vmem>>, vector<16xf32>,
        %parallel_loop3A_466 = arith.index_cast %parallel_loop3A_463 : i32 to index
        %parallel_loop3A_467 = tpu.vector_load %arg20[%parallel_loop3A_466] {strides = array<i32>} : memref<4096xf32, #tpu.memory_space<vmem>>, vector<16xf32>,
        %parallel_loop3A_468 = arith.subf %parallel_loop3A_465, %parallel_loop3A_467 : vector<16xf32>
        %parallel_loop3A_469 = arith.constant 128 : i32
        %parallel_loop3A_470 = arith.addi %parallel_loop3A_463, %parallel_loop3A_469 : i32
        %parallel_loop3A_471 = arith.index_cast %parallel_loop3A_470 : i32 to index
        %parallel_loop3A_472 = tpu.vector_load %arg19[%parallel_loop3A_471] {strides = array<i32>} : memref<4096xf32, #tpu.memory_space<vmem>>, vector<16xf32>,
        %parallel_loop3A_473 = arith.constant 128 : i32
        %parallel_loop3A_474 = arith.addi %parallel_loop3A_463, %parallel_loop3A_473 : i32
        %parallel_loop3A_475 = arith.index_cast %parallel_loop3A_474 : i32 to index
        %parallel_loop3A_476 = tpu.vector_load %arg20[%parallel_loop3A_475] {strides = array<i32>} : memref<4096xf32, #tpu.memory_space<vmem>>, vector<16xf32>,
        %parallel_loop3A_477 = arith.subf %parallel_loop3A_472, %parallel_loop3A_476 : vector<16xf32>
        %parallel_loop3A_478 = arith.mulf %parallel_loop3A_370, %parallel_loop3A_411 : vector<16xf32>
        %parallel_loop3A_479 = arith.subf %parallel_loop3A_468, %parallel_loop3A_478 : vector<16xf32>
        %parallel_loop3A_480 = arith.mulf %parallel_loop3A_370, %parallel_loop3A_418 : vector<16xf32>
        %parallel_loop3A_481 = arith.subf %parallel_loop3A_477, %parallel_loop3A_480 : vector<16xf32>
        %parallel_loop3A_482 = arith.mulf %parallel_loop3A_479, %parallel_loop3A_479 : vector<16xf32>
        %parallel_loop3A_483 = arith.addf %parallel_loop3A_256, %parallel_loop3A_482 : vector<16xf32>
        %parallel_loop3A_484 = arith.mulf %parallel_loop3A_481, %parallel_loop3A_481 : vector<16xf32>
        %parallel_loop3A_485 = arith.addf %parallel_loop3A_483, %parallel_loop3A_484 : vector<16xf32>
        scf.yield %parallel_loop3A_485 : vector<16xf32>
      } {sc.loop_unroll_factor = 4 : i64, sc.parallel_access}
      scf.yield %parallel_loop3A_254 : vector<16xf32>
    }
    %scan3A_19 = arith.constant 8 : i32
    %swap3A_20 = arith.constant 0 : index
    %swap3A_21 = tpu.vector_load %arg23[%swap3A_20] {strides = array<i32>} : memref<16xf32, #tpu.memory_space<vmem>>, vector<16xf32>,
    tpu.vector_store %arg23[%swap3A_20], %scan3A_18 {strides = array<i32>} : memref<16xf32, #tpu.memory_space<vmem>>, vector<16xf32>,
    "tpu.region"() ({
      %run_scoped3A = tpu.sem_alloc : memref<!tpu.dma_semaphore, #tpu.memory_space<semaphore_mem>>
      %dma_start3A = arith.constant 0 : i32
      %dma_start3A_22 = tpu.memref_slice %arg12[%add3A, %dma_start3A] : memref<32x16xf32, #tpu.memory_space<hbm>> -> memref<1x16xf32, #tpu.memory_space<hbm>>
      %dma_start3A_23 = tpu.memref_squeeze %dma_start3A_22 : memref<1x16xf32, #tpu.memory_space<hbm>> -> memref<16xf32, #tpu.memory_space<hbm>>
      %dma_start3A_24 = arith.constant 0 : i32
      %dma_start3A_25 = tpu.memref_slice %arg12[%add3A, %dma_start3A_24] : memref<32x16xf32, #tpu.memory_space<hbm>> -> memref<1x16xf32, #tpu.memory_space<hbm>>
      %dma_start3A_26 = tpu.memref_squeeze %dma_start3A_25 : memref<1x16xf32, #tpu.memory_space<hbm>> -> memref<16xf32, #tpu.memory_space<hbm>>
      tpu.enqueue_dma source(%arg23 : memref<16xf32, #tpu.memory_space<vmem>>) target(%dma_start3A_26 : memref<16xf32, #tpu.memory_space<hbm>>) target_semaphore(%run_scoped3A : memref<!tpu.dma_semaphore, #tpu.memory_space<semaphore_mem>>)
      %dma_wait3A = arith.constant 0 : i32
      %dma_wait3A_27 = tpu.memref_slice %arg12[%add3A, %dma_wait3A] : memref<32x16xf32, #tpu.memory_space<hbm>> -> memref<1x16xf32, #tpu.memory_space<hbm>>
      %dma_wait3A_28 = tpu.memref_squeeze %dma_wait3A_27 : memref<1x16xf32, #tpu.memory_space<hbm>> -> memref<16xf32, #tpu.memory_space<hbm>>
      %dma_wait3A_29 = arith.constant 0 : i32
      %dma_wait3A_30 = tpu.memref_slice %arg12[%add3A, %dma_wait3A_29] : memref<32x16xf32, #tpu.memory_space<hbm>> -> memref<1x16xf32, #tpu.memory_space<hbm>>
      %dma_wait3A_31 = tpu.memref_squeeze %dma_wait3A_30 : memref<1x16xf32, #tpu.memory_space<hbm>> -> memref<16xf32, #tpu.memory_space<hbm>>
      tpu.wait_dma2 semaphore(%run_scoped3A : memref<!tpu.dma_semaphore, #tpu.memory_space<semaphore_mem>>) src(%arg23 : memref<16xf32, #tpu.memory_space<vmem>>) dst(%dma_wait3A_31 : memref<16xf32, #tpu.memory_space<hbm>>)
      tpu.yield
    }) : () -> ()
    return
  }
}

</mosaic_0001>

<sc_bundles>
// kernel: kernel.3.cloned.1.call-start
scs
__scs_entry_jumppad:
0x0: {  	(pc) =	sbr.rel $0x88, $3  }
0x1: {  	(tag) =	ssettag $0x0;
	lr =	simm.s32 $0x1  }
0x2: {  	[smem:$0x3F97] =	sst lr;
	_ =	strace $0xD0000000  }
0x3: {  	_ = 	snop  }
0x4: {  	_ = 	snop  }
0x5: {  	_ = 	snop  }
0x6: {  	_ = 	snop  }
0x7: {  	_ = 	snop  }
__scs_overlays_trampoline_lowered:
0x8: {  	[smem:$0x3FA6] =	sst s0  }
0x9: {  	[smem:$0x3FA7] =	sst s1  }
0xa: {  	[smem:$0x3FA8] =	sst s2  }
0xb: {  	[smem:$0x3FA9] =	sst s3  }
0xc: {  	[smem:$0x3FAA] =	sst s4  }
0xd: {  	[smem:$0x3FAB] =	sst s5  }
0xe: {  	[smem:$0x3FAC] =	sst s6  }
0xf: {  	[smem:$0x3FAD] =	sst s7  }
0x10: {  	[smem:$0x3FAE] =	sst s8  }
0x11: {  	[smem:$0x3FAF] =	sst s9;
	s0 =	simm.s32 @!p0 $0x0  }
0x12: {  	s1 =	sld [smem:$0x3F95];
	s0 =	simm.s32 @p0 $0x1  }
0x13: {  	[smem:$0x3FB0] =	sst s0;
	s0 =	simm.s32 @!p1 $0x0  }
0x14: {  	s2 =	sld [smem:$0x3F94];
	s0 =	simm.s32 @p1 $0x1  }
0x15: {  	[smem:$0x3FB1] =	sst s0;
	s0 =	simm.s32 @!p2 $0x0  }
0x16: {  	s3 =	sld [smem:$0x3FDB];
	s0 =	simm.s32 @p2 $0x1  }
0x17: {  	s4 =	simm.s32 $0x1BF5;
	[smem:$0x3FB3] =	sst s0  }
0x18: {  	s0 =	sld [smem:$0x3F96];
	_ =	swait.ge [sflag:s4], $0x0  }
0x19: {  	s7 =	sld [smem:$0x3F97]  }
0x1a: {  	s8 =	sadd.s32 $0xFFFFE003, lr  }
0x1b: {  	s9 =	sadd.s32 $0xFFFFFEF7, lr;
	s5 =	simm.s32 $0xFFFFFFFF;
	p2 =	slt.u32 s8, $0xFFFFF086  }
0x1c: {  	p1 =	slt.u32 s9, $0xF7A;
	s5 =	simm.s32 @!p2 $0x0  }
0x1d: {  	s5 =	simm.s32 @p1 $0x1;
	p0 =	seq.s32 s7, s2  }
0x1e: {  	s7 =	smul.u32 @!p0 $0xF7A, s2;
	p2 =	seq.s32 @!p0 s5, $0x0  }
0x1f: {  	s9 =	smul.u32 $0xF7A, s1;
	s8 =	simm.s32 @!p0 $0x1BF5;
	p2 =	por !p2, p0  }
0x20: {  	[sflag:s8] =	ssyncset.s32 @!p0 $0xFFFFF086;
	s6 =	sadd.s32 @!p0 s3, s7;
	s7 =	simm.s32 @!p0 $0x108  }
0x21: {  	s3 =	sadd.s32 s3, s9;
	s6 =	sadd.s32 @!p0 $0x88, s6;
	s7 =	simm.s32 @p2 $0x1082  }
0x22: {  	[simem:s7], [sflag:s8] =	dma.local @!p0 [hbm:s6], $0xF7A  }
0x23: {  	s9 =	sor.u32 $0xD0000000, s2;
	s6 =	simm.s32 $0x108;
	_ =	swait.ge @!p0 [sflag:s8], $0x0  }
0x24: {  	s3 =	sadd.s32 $0x88, s3;
	s6 =	simm.s32 @!p1 $0x1082;
	[sflag:s4] =	ssyncset.s32 $0xFFFFF086  }
0x25: {  	[simem:s6], [sflag:s4] =	dma.local [hbm:s3], $0xF7A  }
0x26: {  	[smem:$0x3F97] =	sst s1;
	(tag) =	ssettag s2;
	_ =	strace s9  }
0x27: {  	s1 =	sld [smem:$0x3FA7]  }
0x28: {  	s2 =	sld [smem:$0x3FA8]  }
0x29: {  	s4 =	sld [smem:$0x3FAA]  }
0x2a: {  	p0 =	seq.s32 s5, $0x0;
	s5 =	sld [smem:$0x3FAB]  }
0x2b: {  	s6 =	sld [smem:$0x3FAC]  }
0x2c: {  	s7 =	sld [smem:$0x3FAD]  }
0x2d: {  	s3 =	simm.s32 $0x108;
	s8 =	sld [smem:$0x3FAE]  }
0x2e: {  	s3 =	simm.s32 @!p0 $0x1082;
	s9 =	sld [smem:$0x3FAF]  }
0x2f: {  	lr =	sadd.s32 s0, s3;
	s0 =	sld [smem:$0x3FA6]  }
0x30: {  	s3 =	sld [smem:$0x3FA9]  }
0x31: {  	[smem:$0x3FB2] =	sst s10  }
0x32: {  	s10 =	sld [smem:$0x3FB0];
	_ =	sdelay $0x3  }
0x33: {  	p0 =	seq.s32 s10, $0x1;
	s10 =	sld [smem:$0x3FB2];
	_ =	sdelay $0x3  }
0x34: {  	[smem:$0x3FB2] =	sst s10  }
0x35: {  	s10 =	sld [smem:$0x3FB1];
	_ =	sdelay $0x3  }
0x36: {  	p1 =	seq.s32 s10, $0x1;
	s10 =	sld [smem:$0x3FB2];
	_ =	sdelay $0x3  }
0x37: {  	[smem:$0x3FB2] =	sst s10  }
0x38: {  	s10 =	sld [smem:$0x3FB3]  }
0x39: {  	_ = 	snop;
	(pc) =	sbr.ind lr, $3  }
0x3a: {  	_ = 	snop  }
0x3b: {  	_ = 	snop  }
0x3c: {  	p2 =	seq.s32 s10, $0x1;
	s10 =	sld [smem:$0x3FB2]  }
0x3d: {  	_ =	shalt  }
0x3e: {  	_ =	shalt  }
0x3f: {  	_ =	shalt  }
0x40: {  	_ =	shalt  }
0x41: {  	_ =	shalt  }
0x42: {  	_ =	shalt  }
0x43: {  	_ =	shalt  }
0x44: {  	_ =	shalt  }
0x45: {  	_ =	shalt  }
0x46: {  	_ =	shalt  }
0x47: {  	_ =	shalt  }
0x48: {  	_ =	shalt  }
0x49: {  	_ =	shalt  }
0x4a: {  	_ =	shalt  }
0x4b: {  	_ =	shalt  }
0x4c: {  	_ =	shalt  }
0x4d: {  	_ =	shalt  }
0x4e: {  	_ =	shalt  }
0x4f: {  	_ =	shalt  }
0x50: {  	_ =	shalt  }
0x51: {  	_ =	shalt  }
0x52: {  	_ =	shalt  }
0x53: {  	_ =	shalt  }
0x54: {  	_ =	shalt  }
0x55: {  	_ =	shalt  }
0x56: {  	_ =	shalt  }
0x57: {  	_ =	shalt  }
0x58: {  	_ =	shalt  }
0x59: {  	_ =	shalt  }
0x5a: {  	_ =	shalt  }
0x5b: {  	_ =	shalt  }
0x5c: {  	_ =	shalt  }
0x5d: {  	_ =	shalt  }
0x5e: {  	_ =	shalt  }
0x5f: {  	_ =	shalt  }
0x60: {  	_ =	shalt  }
0x61: {  	_ =	shalt  }
0x62: {  	_ =	shalt  }
0x63: {  	_ =	shalt  }
0x64: {  	_ =	shalt  }
0x65: {  	_ =	shalt  }
0x66: {  	_ =	shalt  }
0x67: {  	_ =	shalt  }
0x68: {  	_ =	shalt  }
0x69: {  	_ =	shalt  }
0x6a: {  	_ =	shalt  }
0x6b: {  	_ =	shalt  }
0x6c: {  	_ =	shalt  }
0x6d: {  	_ =	shalt  }
0x6e: {  	_ =	shalt  }
0x6f: {  	_ =	shalt  }
0x70: {  	_ =	shalt  }
0x71: {  	_ =	shalt  }
0x72: {  	_ =	shalt  }
0x73: {  	_ =	shalt  }
0x74: {  	_ =	shalt  }
0x75: {  	_ =	shalt  }
0x76: {  	_ =	shalt  }
0x77: {  	_ =	shalt  }
0x78: {  	_ =	shalt  }
0x79: {  	_ =	shalt  }
0x7a: {  	_ =	shalt  }
0x7b: {  	_ =	shalt  }
0x7c: {  	_ =	shalt  }
0x7d: {  	_ =	shalt  }
0x7e: {  	_ =	shalt  }
0x7f: {  	_ =	shalt  }
0x80: {  	_ =	shalt  }
0x81: {  	_ =	shalt  }
0x82: {  	_ =	shalt  }
0x83: {  	_ =	shalt  }
0x84: {  	_ =	shalt  }
0x85: {  	_ =	shalt  }
0x86: {  	_ =	shalt  }
0x87: {  	_ =	shalt  }
.Lfunc_end0:
.L_simem_size_0:
called_computation_lowered:
.L_overlay_start_0:
0x88: {  	s2 =	sld [smem:$0x3FD9]  }
0x89: {  	s3 =	sld [smem:$0x3FFE];
	_ =	sdelay $0x1  }
0x8a: {  	s1 =	srdreg.scid  }
0x8b: {  	s0 =	sand.u32 $0x1, s1  }
0x8c: {  	s17 =	sshll.u32 s0, $0xA;
	s2 =	sadd.s32 s3, s2  }
0x8d: {  	s2 =	sadd.s32 s2, s17  }
0x8e: {  	[smem:$0x3FBE] =	sst s2  }
0x8f: {  	_ = 	snop  }
0x90: {  	s2 =	sld [smem:$0x3FC9]  }
0x91: {  	s18 =	sld [smem:$0x3FC8]  }
0x92: {  	s4 =	sld [smem:$0x3FC7]  }
0x93: {  	s5 =	sld [smem:$0x3FC6]  }
0x94: {  	s6 =	sld [smem:$0x3FC5]  }
0x95: {  	s7 =	sld [smem:$0x3FC4]  }
0x96: {  	s8 =	sld [smem:$0x3FC3]  }
0x97: {  	s9 =	sld [smem:$0x3FC2]  }
0x98: {  	s10 =	sld [smem:$0x3FC1]  }
0x99: {  	s11 =	sld [smem:$0x3FC0];
	(tm) =	ssettm $0x1  }
0x9a: {  	s12 =	sld [smem:$0x3FFB];
	_ =	sdelay $0x3  }
0x9b: {  	_ =	strace s12  }
0x9c: {  	s12 =	sld [smem:$0x3FFC];
	_ =	sdelay $0x3  }
0x9d: {  	_ =	strace s12  }
0x9e: {  	s12 =	sld [smem:$0x3FFD];
	_ =	sdelay $0x3  }
0x9f: {  	_ =	strace s12  }
0xa0: {  	_ =	strace $0x8FFFFFFF  }
0xa1: {  	s19 =	sld [smem:$0x3FDB];
	_ =	sdelay $0x1  }
0xa2: {  	s13 =	simm.s32 $_scs_section_size  }
0xa3: {  	s14 =	simm.s32 $_size__tile_overlayer_lowered;
	s15 =	simm.s32 $_tile_overlayer_lowered  }
0xa4: {  	s22 =	simm.s32 $0x1BFF;
	s21 =	sshll.u32 s15, $0x1;
	s12 =	sadd.s32 s13, s19  }
0xa5: {  	s16 =	simm.s32 $0x0;
	s20 =	sshll.u32 s14, $0x1;
	s14 =	sadd.s32 s21, s12  }
0xa6: {  	[timem:s16], [sflag:s22] =	dma.local [hbm:s14], s20  }
0xa7: {  	_ =	swait.ge [sflag:s22], s20  }
0xa8: {  	s13 =	ssub.s32 $0x0, s20;
	[sflag:s22] =	ssyncset.done $0x0  }
0xa9: {  	[sflag:s22] =	ssyncadd.s32 s13;
	_ =	sdelay $0x1  }
0xaa: {  	s23 =	simm.s32 $0x1B8B  }
0xab: {  	_ =	swait.ge [sflag:s23], $0x1  }
0xac: {  	[sflag:s23] =	ssyncset.done $0x0  }
0xad: {  	s25 =	simm.s32 $0x1B8E;
	s24 =	sld [smem:$0x3FFE];
	[sflag:s23] =	ssyncadd.s32 $0xFFFFFFFF  }
0xae: {  	s26 =	simm.s32 $execute0_lowered;
	[smem:$0x3FD2] =	sst s25  }
0xaf: {  	s14 =	sshll.u32 s26, $0x1;
	_ =	strace $0x80000046;
	[dreg:$0x1] =	wrdreg $0xFFFFFFFF  }
0xb0: {  	s28 =	simm.s32 $_size_execute0_lowered;
	s12 =	sadd.s32 s12, s14;
	[dreg:$0x0] =	wrdreg $0x0  }
0xb1: {  	s14 =	sshll.u32 s28, $0x1;
	[dreg:$0x2] =	wrdreg s12  }
0xb2: {  	[dreg:$0x3] =	wrdreg s14  }
0xb3: {  	[dreg:$0x4] =	wrdreg $0xC0  }
0xb4: {  	_ =	task [dreg:s16], $0x5FFFF  }
0xb5: {  	[dreg:$0x1] =	wrdreg $0xFFFFFFFF  }
0xb6: {  	[dreg:$0x0] =	wrdreg $0x60  }
0xb7: {  	[dreg:$0x2] =	wrdreg s18  }
0xb8: {  	[dreg:$0x3] =	wrdreg s7  }
0xb9: {  	[dreg:$0x4] =	wrdreg s5  }
0xba: {  	[dreg:$0x5] =	wrdreg s9  }
0xbb: {  	[dreg:$0x6] =	wrdreg s10  }
0xbc: {  	[dreg:$0x7] =	wrdreg s11  }
0xbd: {  	[dreg:$0x8] =	wrdreg s2  }
0xbe: {  	[dreg:$0x9] =	wrdreg s6  }
0xbf: {  	[dreg:$0xa] =	wrdreg s4  }
0xc0: {  	[dreg:$0xb] =	wrdreg s8  }
0xc1: {  	[dreg:$0xc] =	wrdreg s24  }
0xc2: {  	[dreg:$0xd] =	wrdreg $0x9  }
0xc3: {  	_ =	task.clear_ibuf [dreg:s16], $0xEFFFF;
	_ =	strace $0x90000046  }
0xc4: {  	s29 =	simm.s32 $0x9;
	_ =	strace $0x80000048  }
0xc5: {  	_ =	swait.ge [sflag:s29], $0x1  }
0xc6: {  	[sflag:s29] =	ssyncadd.s32 $0xFFFFFFFF  }
0xc7: {  	_ =	strace $0x90000048  }
0xc8: {  	_ =	sfence  }
0xc9: {  	s30 =	sld [smem:$0x0];
	_ =	sdelay $0x2  }
0xca: {  	s31 =	sshll.u32 s1, $0xD;
	s1 =	sshrl.u32 s1, $0x2  }
0xcb: {  	s3 =	sand.u32 $0x4000, s31;
	s1 =	sadd.s32 s1, s30  }
0xcc: {  	s0 =	sor.u32 s3, s0;
	s1 =	sshll.u32 s1, $0x11  }
0xcd: {  	s0 =	sor.u32 s1, s0  }
0xce: {  	s0 =	sadd.s32 $0x8F2B, s0  }
0xcf: {  	[sflag:s0] =	ssyncadd.remote.s32 $0x1  }
0xd0: {  	_ =	sfence.sel $0xFFFF  }
0xd1: {  	[dreg:$0x0] =	wrdreg $0xFFFFFFFF;
	(pc) =	sbr.abs _section_cstart, $3  }
0xd2: {  	[dreg:$0x1] =	wrdreg $0xFFFFFFFF  }
0xd3: {  	_ =	task.clear_ibuf [dreg:s16], $0x2FFFF;
	_ =	strace $0x9FFFFFFF  }
0xd4: {  	(tm) =	ssettm $0x7FFFFFFF  }
0xd5: {  	_ =	shalt  }
tec
execute0_lowered:
.L_overlay_start_1:
0x0: {  	(tag) =	ssettag $0x1  }
0x1: {  	s2 =	rddreg [dreg:$0x2]  }
0x2: {  	s3 =	rddreg [dreg:$0x3]  }
0x3: {  	s0 =	rddreg [dreg:$0x6]  }
0x4: {  	s10 =	rddreg [dreg:$0x8]  }
0x5: {  	s11 =	rddreg [dreg:$0x9]  }
0x6: {  	s4 =	rddreg [dreg:$0xa]  }
0x7: {  	s5 =	srdreg.scid;
	s1 =	stileid.u32;
	s12 =	simm.s32 $0x0  }
0x8: {  	s19 =	simm.s32 $0x1800;
	s20 =	simm.s32 $0x5;
	s21 =	simm.s32 $0x2800  }
0x9: {  	s22 =	simm.s32 $0x1;
	s28 =	simm.s32 $0x2;
	s29 =	simm.s32 $0x3800  }
0xa: {  	s30 =	simm.s32 $0x4800;
	s31 =	simm.s32 $0x1000;
	s5 =	sand.u32 $0x1, s5  }
0xb: {  	s7 =	sshll.u32 s1, $0x1;
	[smem:$0x7FF] =	sst s12;
	s9 =	ssub.s32 $0x2, s5  }
0xc: {  	s5 =	sor.u32 s5, s7;
	_ =	strace $0x80000047;
	s24 =	sshrl.u32 s9, $0x1  }
0xd: {  	s13 =	sshll.u32 s5, $0x4;
	s14 =	sshll.u32 s5, $0xB;
	s15 =	sshll.u32 s5, $0xC  }
0xe: {  	s17 =	sshll.u32 s5, $0x3;
	s7 =	ssub.s32 s9, s24;
	s25 =	sadd.s32 s4, s13  }
0xf: {  	s9 =	simm.s32 $0x4;
	[dreg:$0xc] =	wrdreg s25;
	s1 =	sadd.s32 $0x200, s25  }
0x10: {  	s26 =	smax.u32 s7, $0x1;
	s7 =	simm.s32 $0x3;
	[dreg:$0xd] =	wrdreg s1  }
0x11: {  	v63 =	vimm.f32 $0.0e+00;
	[dreg:$0xe] =	wrdreg s26;
	s26 =	simm.s32 $0x800;
	s1 =	simm.s32 $0x0  }
.LBB2_1:
0x12: {  	[dreg:$0xf] =	wrdreg s1;
	v1 =	vimm.f32 $0.0e+00;
	s4 =	simm.s32 $0x0  }
.LBB2_2:
0x13: {  	s13 =	sshll.u32 s4, $0x8  }
0x14: {  	s13 =	sadd.s32 s14, s13  }
0x15: {  	s18 =	simm.s32 $0x0;
	s16 =	sadd.s32 s0, s13  }
0x16: {  	[tilespmem:s19], [sflag:$0x5] =	stream.linear.gather [hbm4b:s16+s18], $0x800, $0x38;
	[tilespmem:$0x15900] =	vst v63  }
0x17: {  	_ =	swait.ge [sflag:s20], $0x800  }
0x18: {  	[sflag:s20] =	ssyncset.done $0x0  }
0x19: {  	[sflag:s20] =	ssyncadd.s32 $0xFFFFF800  }
0x1a: {  	s1 =	rddreg [dreg:$0x7]  }
0x1b: {  	s13 =	sadd.s32 s1, s13  }
0x1c: {  	[tilespmem:s21], [sflag:$0x5] =	stream.linear.gather [hbm4b:s13+s18], $0x800, $0x38;
	[tilespmem:$0x15900] =	vst v63  }
0x1d: {  	_ =	swait.ge [sflag:s20], $0x800  }
0x1e: {  	s5 =	sand.u32 $0x700, s18;
	s6 =	sand.u32 $0x40, s18;
	[sflag:s20] =	ssyncset.done $0x0  }
0x1f: {  	s13 =	sor.u32 s6, s5;
	[sflag:s20] =	ssyncadd.s32 $0xFFFFF800  }
0x20: {  	v2 =	vld [tilespmem:s13+$0x2830]  }
0x21: {  	v5 =	vld [tilespmem:s13+$0x1830]  }
0x22: {  	v3 =	vld [tilespmem:s13+$0x2820]  }
0x23: {  	p0 =	por $0x0, $0x0;
	s16 =	simm.s32 $0x1;
	v4 =	vld [tilespmem:s13+$0x1820]  }
0x24: {  	s16 =	simm.s32 @!p0 $0x0;
	v6 =	vld [tilespmem:s13+$0x2810]  }
0x25: {  	s16 =	sshll.u32 s16, $0x6;
	v7 =	vld [tilespmem:s13+$0x1810]  }
0x26: {  	s16 =	sadd.s32 $0x0, s16;
	v9 =	vld [tilespmem:s13+$0x2800]  }
0x27: {  	s8 =	sor.u32 $0x80, s16;
	v10 =	vld [tilespmem:s13+$0x1800]  }
0x28: {  	s23 =	sadd.s32 $0x30, s16;
	v11 =	vld [tilespmem:s8+$0x2800]  }
0x29: {  	s24 =	sadd.s32 $0x10, s16;
	s23 =	sor.u32 $0x80, s23;
	v13 =	vld [tilespmem:s8+$0x1800]  }
0x2a: {  	s25 =	sor.u32 $0x80, s24;
	v8 =	vld [tilespmem:s23+$0x2800]  }
0x2b: {  	s16 =	sadd.s32 $0x20, s16;
	v12 =	vld [tilespmem:s25+$0x2800]  }
0x2c: {  	s24 =	sor.u32 $0x80, s16;
	v14 =	vld [tilespmem:s25+$0x1800]  }
0x2d: {  	s16 =	simm.s32 $0x80;
	s18 =	simm.s32 $0x40;
	s13 =	simm.s32 $0x0;
	v15 =	vadd.f32 v9, v9;
	v16 =	vsub.f32 v9, v10;
	v10 =	vld [tilespmem:s24+$0x2800];
	v9 =	vmov v2  }
.LBB2_3:
0x2e: {  	v17 =	vmov v2  }
0x2f: {  	s25 =	sand.u32 $0x700, s16;
	s5 =	sand.u32 $0x40, s18;
	v18 =	vadd.f32 v6, v6;
	v19 =	vld [tilespmem:s24+$0x1800]  }
0x30: {  	v11 =	vsub.f32 v11, v13;
	v6 =	vsub.f32 v6, v7;
	s5 =	sor.u32 s5, s25;
	v13 =	vmul.f32 v16, v15;
	v7 =	vld [tilespmem:s23+$0x1800]  }
0x31: {  	v4 =	vsub.f32 v3, v4;
	v15 =	vadd.f32 v3, v3;
	v2 =	vld [tilespmem:s5+$0x2830]  }
0x32: {  	v6 =	vmul.f32 v6, v18;
	v11 =	vsub.f32 v11, v13;
	v12 =	vsub.f32 v12, v14;
	v16 =	vld [tilespmem:s5+$0x1830]  }
0x33: {  	v5 =	vsub.f32 v9, v5;
	v13 =	vmul.f32 v4, v15;
	v14 =	vadd.f32 v17, v9;
	v3 =	vld [tilespmem:s5+$0x2820]  }
0x34: {  	p0 =	por !p0, !p0;
	s23 =	simm.s32 $0x1;
	v0 =	vmul.f32 v11, v11;
	v11 =	vsub.f32 v12, v6;
	v4 =	vld [tilespmem:s5+$0x1820];
	v10 =	vsub.f32 v10, v19  }
0x35: {  	s23 =	simm.s32 @!p0 $0x0;
	v12 =	vmul.f32 v5, v14;
	v6 =	vld [tilespmem:s5+$0x2810];
	v8 =	vsub.f32 v8, v7  }
0x36: {  	s23 =	sshll.u32 s23, $0x6;
	v1 =	vadd.f32 v0, v1;
	v11 =	vmul.f32 v11, v11;
	v7 =	vld [tilespmem:s5+$0x1810];
	v10 =	vsub.f32 v10, v13;
	v9 =	vmovc v2  }
0x37: {  	s13 =	sadd.s32 $0x4, s13;
	s24 =	sadd.s32 s23, s16;
	v17 =	vld [tilespmem:s5+$0x2800];
	v5 =	vmov v16  }
0x38: {  	p1 =	slt.u32 s13, $0x3C;
	s23 =	sor.u32 $0x80, s24;
	v1 =	vadd.f32 v11, v1;
	v8 =	vsub.f32 v8, v12;
	v16 =	vld [tilespmem:s5+$0x1800];
	v10 =	vmul.f32 v10, v10  }
0x39: {  	s5 =	sadd.s32 $0x30, s24;
	v11 =	vld [tilespmem:s23+$0x2800]  }
.Ltmp0:
0x3a: {  	s25 =	sadd.s32 $0x10, s24;
	v13 =	vld [tilespmem:s23+$0x1800];
	s23 =	sor.u32 $0x80, s5;
	v1 =	vadd.f32 v10, v1;
	v10 =	vmul.f32 v8, v8;
	(pc) =	sbr.rel @p1 .LBB2_3-.Ltmp0, $4  }
0x3b: {  	s5 =	sor.u32 $0x80, s25;
	v8 =	vld [tilespmem:s23+$0x2800]  }
0x3c: {  	s24 =	sadd.s32 $0x20, s24;
	v12 =	vld [tilespmem:s5+$0x2800];
	v1 =	vadd.f32 v10, v1  }
0x3d: {  	s24 =	sor.u32 $0x80, s24;
	v14 =	vld [tilespmem:s5+$0x1800]  }
0x3e: {  	s18 =	sadd.s32 $0x40, s18;
	s16 =	sadd.s32 $0x80, s16;
	v15 =	vadd.f32 v17, v17;
	v16 =	vsub.f32 v17, v16;
	v10 =	vld [tilespmem:s24+$0x2800]  }
0x3f: {  	v17 =	vadd.f32 v6, v6;
	v18 =	vld [tilespmem:s24+$0x1800]  }
0x40: {  	v11 =	vsub.f32 v11, v13;
	v56 =	vsub.f32 v6, v7;
	v57 =	vld [tilespmem:s23+$0x1800];
	v55 =	vmul.f32 v16, v15  }
0x41: {  	v58 =	vadd.f32 v3, v3;
	v3 =	vsub.f32 v3, v4  }
0x42: {  	v6 =	vmul.f32 v56, v17;
	v59 =	vsub.f32 v11, v55;
	v60 =	vsub.f32 v12, v14  }
0x43: {  	v2 =	vadd.f32 v2, v9;
	v5 =	vsub.f32 v9, v5;
	v3 =	vmul.f32 v3, v58  }
0x44: {  	v4 =	vmul.f32 v59, v59;
	v6 =	vsub.f32 v60, v6;
	v61 =	vsub.f32 v10, v18  }
0x45: {  	v2 =	vmul.f32 v5, v2;
	v7 =	vsub.f32 v8, v57  }
0x46: {  	s4 =	sadd.s32 $0x1, s4;
	v1 =	vadd.f32 v4, v1;
	v62 =	vmul.f32 v6, v6;
	v3 =	vsub.f32 v61, v3  }
0x47: {  	p0 =	sne.s32 s4, $0x8  }
.Ltmp1:
0x48: {  	v2 =	vsub.f32 v7, v2;
	v1 =	vadd.f32 v62, v1;
	v3 =	vmul.f32 v3, v3;
	(pc) =	sbr.rel @p0 .LBB2_2-.Ltmp1, $3  }
0x49: {  	_ = 	snop  }
0x4a: {  	v2 =	vmul.f32 v2, v2;
	v1 =	vadd.f32 v3, v1;
	_ =	sdelay $0x1  }
0x4b: {  	v1 =	vadd.f32 v2, v1  }
0x4c: {  	s4 =	simm.s32 $0x0;
	p1 =	por $0x1, $0x1  }
.LBB2_6:
0x4d: {  	p0 =	por p1, p1;
	s4 =	sor.u32 s15, s4;
	s13 =	simm.s32 $0x0  }
.LBB2_7:
0x4e: {  	s5 =	sshll.u32 s13, $0x9  }
0x4f: {  	s5 =	sadd.s32 s4, s5  }
0x50: {  	s16 =	sadd.s32 s10, s5  }
0x51: {  	[tilespmem:s19], [sflag:$0x5] =	stream.linear.gather [hbm4b:s16+s12], $0x1000, $0x38;
	[tilespmem:$0x15900] =	vst v63  }
0x52: {  	_ =	swait.ge [sflag:s20], $0x1000  }
0x53: {  	[sflag:s20] =	ssyncset.done $0x0  }
0x54: {  	s5 =	sadd.s32 s11, s5;
	[sflag:s20] =	ssyncadd.s32 $0xFFFFF000  }
0x55: {  	[tilespmem:s21], [sflag:$0x5] =	stream.linear.gather [hbm4b:s5+s12], $0x1000, $0x38;
	[tilespmem:$0x15900] =	vst v63  }
0x56: {  	_ =	swait.ge [sflag:s20], $0x1000  }
0x57: {  	[sflag:s20] =	ssyncset.done $0x0  }
0x58: {  	s25 =	simm.s32 $0x2840;
	[sflag:s20] =	ssyncadd.s32 $0xFFFFF000  }
0x59: {  	s16 =	simm.s32 $0x1840;
	v2 =	vld [tilespmem:s25+$0xFFFFFFC0]  }
0x5a: {  	v3 =	vld [tilespmem:s16+$0xFFFFFFC0]  }
0x5b: {  	v4 =	vld [tilespmem:s25+$0xFFFFFFD0]  }
0x5c: {  	v5 =	vld [tilespmem:s16+$0xFFFFFFD0]  }
0x5d: {  	v6 =	vld [tilespmem:s25+$0xFFFFFFE0]  }
0x5e: {  	v7 =	vld [tilespmem:s16+$0xFFFFFFE0]  }
0x5f: {  	v8 =	vld [tilespmem:s25+$0xFFFFFFF0];
	v2 =	vsub.f32 v2, v3  }
0x60: {  	v3 =	vld [tilespmem:s16+$0xFFFFFFF0]  }
0x61: {  	v9 =	vld [tilespmem:s25+$0x0];
	v4 =	vsub.f32 v4, v5;
	v10 =	vmul.f32 v2, v2  }
0x62: {  	v11 =	vld [tilespmem:s16+$0x0]  }
0x63: {  	v6 =	vsub.f32 v6, v7;
	v5 =	vld [tilespmem:s16+$0x10];
	v4 =	vmul.f32 v4, v4;
	v10 =	vadd.f32 v10, v1  }
0x64: {  	v2 =	vld [tilespmem:s25+$0x10]  }
0x65: {  	v6 =	vmul.f32 v6, v6;
	v1 =	vld [tilespmem:s25+$0x20];
	v8 =	vsub.f32 v8, v3;
	v7 =	vadd.f32 v4, v10  }
0x66: {  	v4 =	vld [tilespmem:s16+$0x20]  }
0x67: {  	v9 =	vsub.f32 v9, v11;
	v3 =	vld [tilespmem:s25+$0x30];
	v8 =	vmul.f32 v8, v8;
	v7 =	vadd.f32 v6, v7  }
0x68: {  	s18 =	simm.s32 $0x0;
	s23 =	simm.s32 $0x28C0;
	v6 =	vld [tilespmem:s16+$0x30]  }
.LBB2_8:
0x69: {  	v10 =	vld [tilespmem:s23+$0xFFFFFFC0];
	v7 =	vadd.f32 v8, v7;
	v8 =	vmul.f32 v9, v9;
	v2 =	vsub.f32 v2, v5;
	s16 =	sadd.s32 $0x80, s16  }
0x6a: {  	s18 =	sadd.s32 $0x8, s18;
	v5 =	vld [tilespmem:s16+$0xFFFFFFC0]  }
0x6b: {  	p1 =	slt.u32 s18, $0xF8;
	v9 =	vld [tilespmem:s23+$0xFFFFFFD0];
	v7 =	vadd.f32 v8, v7;
	v2 =	vmul.f32 v2, v2;
	v1 =	vsub.f32 v1, v4  }
0x6c: {  	v4 =	vld [tilespmem:s16+$0xFFFFFFD0]  }
0x6d: {  	v8 =	vld [tilespmem:s23+$0xFFFFFFE0];
	v2 =	vadd.f32 v2, v7;
	v1 =	vmul.f32 v1, v1;
	v3 =	vsub.f32 v3, v6  }
0x6e: {  	v6 =	vld [tilespmem:s16+$0xFFFFFFE0]  }
0x6f: {  	v5 =	vsub.f32 v10, v5;
	v7 =	vld [tilespmem:s23+$0xFFFFFFF0];
	v1 =	vadd.f32 v1, v2;
	v2 =	vmul.f32 v3, v3  }
0x70: {  	v3 =	vld [tilespmem:s16+$0xFFFFFFF0]  }
0x71: {  	v5 =	vmul.f32 v5, v5;
	v4 =	vsub.f32 v9, v4;
	v9 =	vld [tilespmem:s23+$0x0];
	v1 =	vadd.f32 v2, v1  }
0x72: {  	v10 =	vld [tilespmem:s16+$0x0]  }
0x73: {  	v1 =	vadd.f32 v5, v1;
	v4 =	vmul.f32 v4, v4;
	v6 =	vsub.f32 v8, v6;
	v2 =	vld [tilespmem:s23+$0x10]  }
.Ltmp2:
0x74: {  	v5 =	vld [tilespmem:s16+$0x10];
	(pc) =	sbr.rel @p1 .LBB2_8-.Ltmp2, $4  }
0x75: {  	v8 =	vadd.f32 v4, v1;
	v6 =	vmul.f32 v6, v6;
	v3 =	vsub.f32 v7, v3;
	v1 =	vld [tilespmem:s23+$0x20]  }
0x76: {  	v4 =	vld [tilespmem:s16+$0x20]  }
0x77: {  	v7 =	vadd.f32 v6, v8;
	v8 =	vmul.f32 v3, v3;
	v9 =	vsub.f32 v9, v10;
	v3 =	vld [tilespmem:s23+$0x30]  }
0x78: {  	s23 =	sadd.s32 $0x80, s23;
	v6 =	vld [tilespmem:s16+$0x30]  }
0x79: {  	v7 =	vadd.f32 v8, v7;
	v61 =	vmul.f32 v9, v9;
	v2 =	vsub.f32 v2, v5;
	_ =	sdelay $0x1  }
0x7a: {  	s13 =	sadd.s32 $0x1, s13;
	v62 =	vadd.f32 v61, v7;
	v2 =	vmul.f32 v2, v2;
	v1 =	vsub.f32 v1, v4  }
0x7b: {  	p1 =	sne.s32 s13, $0x4  }
.Ltmp3:
0x7c: {  	v2 =	vadd.f32 v2, v62;
	v1 =	vmul.f32 v1, v1;
	v3 =	vsub.f32 v3, v6;
	(pc) =	sbr.rel @p1 .LBB2_7-.Ltmp3, $3  }
0x7d: {  	_ = 	snop  }
0x7e: {  	v1 =	vadd.f32 v1, v2;
	v2 =	vmul.f32 v3, v3;
	_ =	sdelay $0x1  }
0x7f: {  	v1 =	vadd.f32 v2, v1  }
.Ltmp4:
0x80: {  	(pc) =	sbr.rel @p0 .LBB2_6-.Ltmp4, $2  }
0x81: {  	_ =	sdelay $0x2  }
0x82: {  	s4 =	simm.s32 $0x800;
	p1 =	por $0x0, $0x0  }
0x83: {  	[tilespmem:$0x15880] =	vst v1;
	s23 =	simm.s32 $0x0;
	s0 =	rddreg [dreg:$0xd];
	s1 =	simm.s32 $0x15880  }
0x84: {  	[hbm4b:s0+s23] =	stream.linear.scatter [tilespmem:s1], [sflag:$0x5], $0x80, $0x38;
	[tilespmem:$0x15900] =	vst v63  }
0x85: {  	_ =	swait.ge [sflag:s20], $0x80  }
0x86: {  	[sflag:s20] =	ssyncset.done $0x0  }
0x87: {  	[sflag:s20] =	ssyncadd.s32 $0xFFFFFF80  }
0x88: {  	s18 =	simm.s32 $0x5800;
	s16 =	rddreg [dreg:$0x4]  }
0x89: {  	[tilespmem:s18], [sflag:$0x5] =	stream.linear.gather [hbm4b:s16+s23], $0x8000, $0x38;
	[tilespmem:$0x15900] =	vst v63  }
0x8a: {  	_ =	swait.ge [sflag:s20], $0x8000  }
0x8b: {  	[sflag:s20] =	ssyncset.done $0x0  }
0x8c: {  	[sflag:s20] =	ssyncadd.s32 $0xFFFF8000  }
0x8d: {  	s25 =	simm.s32 $0xD800;
	s24 =	rddreg [dreg:$0x5]  }
0x8e: {  	[tilespmem:s25], [sflag:$0x5] =	stream.linear.gather [hbm4b:s24+s23], $0x8000, $0x38;
	[tilespmem:$0x15900] =	vst v63  }
0x8f: {  	_ =	swait.ge [sflag:s20], $0x8000  }
0x90: {  	[sflag:s20] =	ssyncset.done $0x0  }
0x91: {  	v1 =	vimm.f32 $0.0e+00;
	[sflag:s20] =	ssyncadd.s32 $0xFFFF8000  }
.LBB2_12:
0x92: {  	s4 =	sadd.s32 s17, s23  }
0x93: {  	s24 =	sshll.u32 s4, $0xC  }
0x94: {  	s5 =	sadd.s32 s2, s24  }
0x95: {  	[tilespmem:s19], [sflag:$0x1] =	stream.linear.gather [hbm4b:s5+s12], $0x1000, $0x38;
	[tilespmem:$0x15900] =	vst v63  }
0x96: {  	s0 =	rddreg [dreg:$0x0];
	s4 =	sshll.u32 s4, $0x8;
	s13 =	sadd.s32 s3, s24  }
0x97: {  	[tilespmem:s21], [sflag:$0x2] =	stream.linear.gather [hbm4b:s13+s12], $0x1000, $0x38;
	[tilespmem:$0x15900] =	vst v63  }
0x98: {  	s16 =	sadd.s32 s0, s4  }
0x99: {  	[tilespmem:s12], [sflag:$0x5] =	stream.linear.gather [hbm4b:s16+s12], $0x800, $0x38;
	[tilespmem:$0x15900] =	vst v63  }
0x9a: {  	_ =	swait.ge [sflag:s20], $0x800  }
0x9b: {  	[sflag:s20] =	ssyncset.done $0x0  }
0x9c: {  	[sflag:s20] =	ssyncadd.s32 $0xFFFFF800  }
0x9d: {  	s18 =	rddreg [dreg:$0x1]  }
0x9e: {  	s4 =	sadd.s32 s18, s4  }
0x9f: {  	[tilespmem:s26], [sflag:$0x5] =	stream.linear.gather [hbm4b:s4+s12], $0x800, $0x38;
	[tilespmem:$0x15900] =	vst v63  }
0xa0: {  	_ =	swait.ge [sflag:s20], $0x800  }
0xa1: {  	[sflag:s20] =	ssyncset.done $0x0  }
0xa2: {  	s25 =	simm.s32 $0x40;
	[sflag:s20] =	ssyncadd.s32 $0xFFFFF800  }
0xa3: {  	s4 =	simm.s32 $0x840;
	v3 =	vld [tilespmem:s25+$0x30]  }
0xa4: {  	v4 =	vld [tilespmem:s4+$0x30]  }
0xa5: {  	v2 =	vld [tilespmem:s4+$0xFFFFFFC0]  }
0xa6: {  	v5 =	vld [tilespmem:s25+$0xFFFFFFD0]  }
0xa7: {  	v6 =	vld [tilespmem:s4+$0xFFFFFFD0]  }
0xa8: {  	v7 =	vld [tilespmem:s25+$0xFFFFFFE0]  }
0xa9: {  	v8 =	vld [tilespmem:s4+$0xFFFFFFE0]  }
0xaa: {  	v9 =	vld [tilespmem:s25+$0xFFFFFFF0]  }
0xab: {  	v10 =	vld [tilespmem:s4+$0xFFFFFFF0]  }
0xac: {  	v11 =	vld [tilespmem:s25+$0x0]  }
0xad: {  	v12 =	vld [tilespmem:s4+$0x0];
	v4 =	vsub.f32 v3, v4  }
0xae: {  	s13 =	simm.s32 $0x1040;
	v6 =	vsub.f32 v5, v6;
	v3 =	vld [tilespmem:s25+$0x10]  }
0xaf: {  	v7 =	vsub.f32 v7, v8;
	v5 =	vld [tilespmem:s4+$0x10];
	[tilespmem:s13+$0x30] =	vst v4  }
0xb0: {  	v8 =	vsub.f32 v9, v10;
	[tilespmem:s13+$0xFFFFFFD0] =	vst v6;
	v4 =	vld [tilespmem:s25+$0x20]  }
0xb1: {  	[tilespmem:s13+$0xFFFFFFE0] =	vst v7;
	v7 =	vld [tilespmem:s4+$0x20]  }
0xb2: {  	s16 =	simm.s32 $0x0;
	s18 =	simm.s32 $0xC0;
	v6 =	vld [tilespmem:s25+$0xFFFFFFC0];
	[tilespmem:s13+$0xFFFFFFF0] =	vst v8;
	v8 =	vsub.f32 v11, v12  }
.LBB2_13:
0xb3: {  	v9 =	vld [tilespmem:s18+$0x30];
	s4 =	sadd.s32 $0x80, s4  }
0xb4: {  	s16 =	sadd.s32 $0x8, s16;
	v10 =	vld [tilespmem:s4+$0x30];
	[tilespmem:s13+$0x0] =	vst v8;
	v3 =	vsub.f32 v3, v5  }
0xb5: {  	p0 =	slt.u32 s16, $0x78;
	v5 =	vld [tilespmem:s4+$0xFFFFFFC0]  }
0xb6: {  	v8 =	vld [tilespmem:s18+$0xFFFFFFD0];
	[tilespmem:s13+$0x10] =	vst v3;
	v3 =	vsub.f32 v4, v7  }
0xb7: {  	v4 =	vld [tilespmem:s4+$0xFFFFFFD0];
	v0 =	vsub.f32 v6, v2  }
0xb8: {  	v6 =	vld [tilespmem:s18+$0xFFFFFFE0];
	[tilespmem:s13+$0x20] =	vst v3  }
0xb9: {  	v3 =	vld [tilespmem:s4+$0xFFFFFFE0];
	v7 =	vsub.f32 v9, v10;
	[tilespmem:s13+$0xFFFFFFC0] =	vst v0  }
0xba: {  	s13 =	sadd.s32 $0x80, s13;
	v9 =	vld [tilespmem:s18+$0xFFFFFFF0];
	v2 =	vmov v5  }
0xbb: {  	v10 =	vld [tilespmem:s4+$0xFFFFFFF0];
	[tilespmem:s13+$0x30] =	vst v7  }
0xbc: {  	v4 =	vsub.f32 v8, v4;
	v8 =	vld [tilespmem:s18+$0x0]  }
0xbd: {  	v11 =	vld [tilespmem:s4+$0x0]  }
.Ltmp5:
0xbe: {  	[tilespmem:s13+$0xFFFFFFD0] =	vst v4;
	v4 =	vsub.f32 v6, v3;
	v3 =	vld [tilespmem:s18+$0x10];
	(pc) =	sbr.rel @p0 .LBB2_13-.Ltmp5, $4  }
0xbf: {  	v5 =	vld [tilespmem:s4+$0x10]  }
0xc0: {  	[tilespmem:s13+$0xFFFFFFE0] =	vst v4;
	v9 =	vsub.f32 v9, v10;
	v4 =	vld [tilespmem:s18+$0x20]  }
0xc1: {  	v7 =	vld [tilespmem:s4+$0x20]  }
0xc2: {  	v6 =	vld [tilespmem:s18+$0xFFFFFFC0];
	[tilespmem:s13+$0xFFFFFFF0] =	vst v9;
	v8 =	vsub.f32 v8, v11;
	s18 =	sadd.s32 $0x80, s18  }
0xc3: {  	_ =	sdelay $0x1  }
0xc4: {  	v3 =	vsub.f32 v3, v5  }
0xc5: {  	[tilespmem:s13+$0x0] =	vst v8;
	v4 =	vsub.f32 v4, v7  }
0xc6: {  	[tilespmem:s13+$0x10] =	vst v3;
	v2 =	vsub.f32 v6, v2  }
0xc7: {  	[tilespmem:s13+$0x20] =	vst v4  }
0xc8: {  	[tilespmem:s13+$0xFFFFFFC0] =	vst v2  }
0xc9: {  	_ =	swait.ge [sflag:s22], $0x1000  }
0xca: {  	[sflag:s22] =	ssyncset.done $0x0  }
0xcb: {  	[sflag:s22] =	ssyncadd.s32 $0xFFFFF000  }
0xcc: {  	s4 =	sor.u32 $0x200, s24;
	_ =	swait.ge [sflag:s28], $0x1000  }
0xcd: {  	s16 =	simm.s32 $0x0;
	s5 =	sadd.s32 s2, s4;
	[sflag:s28] =	ssyncset.done $0x0  }
0xce: {  	s18 =	sand.u32 $0xF00, s16;
	s25 =	sand.u32 $0x40, s16;
	[sflag:s28] =	ssyncadd.s32 $0xFFFFF000  }
0xcf: {  	[tilespmem:s29], [sflag:$0x3] =	stream.linear.gather [hbm4b:s5+s16], $0x1000, $0x38;
	[tilespmem:$0x15900] =	vst v63  }
0xd0: {  	s4 =	sadd.s32 s3, s4;
	s25 =	sor.u32 s25, s18  }
0xd1: {  	[tilespmem:s30], [sflag:$0x4] =	stream.linear.gather [hbm4b:s4+s16], $0x1000, $0x38;
	[tilespmem:$0x15900] =	vst v63  }
0xd2: {  	v9 =	vld [tilespmem:s25+$0xD830]  }
0xd3: {  	v3 =	vld [tilespmem:s25+$0x1820]  }
0xd4: {  	v4 =	vld [tilespmem:s25+$0x2820]  }
0xd5: {  	v16 =	vld [tilespmem:s25+$0xD820]  }
0xd6: {  	v5 =	vld [tilespmem:s25+$0x1810]  }
0xd7: {  	v6 =	vld [tilespmem:s25+$0x2810]  }
0xd8: {  	v17 =	vld [tilespmem:s25+$0xD810]  }
0xd9: {  	v13 =	vld [tilespmem:s25+$0x1800]  }
0xda: {  	v15 =	vld [tilespmem:s25+$0x2800]  }
0xdb: {  	p0 =	por $0x0, $0x0;
	s4 =	simm.s32 $0x1;
	v18 =	vld [tilespmem:s25+$0xD800]  }
0xdc: {  	v7 =	vld [tilespmem:s25+$0x5830];
	s4 =	simm.s32 @!p0 $0x0  }
0xdd: {  	v10 =	vld [tilespmem:s25+$0x5820];
	s4 =	sshll.u32 s4, $0x6  }
0xde: {  	v21 =	vld [tilespmem:s25+$0x5810];
	s4 =	sadd.s32 $0x0, s4  }
0xdf: {  	v22 =	vld [tilespmem:s25+$0x5800];
	s0 =	sor.u32 $0x80, s4  }
0xe0: {  	v23 =	vld [tilespmem:s0+$0x1800]  }
0xe1: {  	v24 =	vld [tilespmem:s0+$0x2800]  }
0xe2: {  	s1 =	sadd.s32 $0x20, s4;
	v25 =	vld [tilespmem:s0+$0xD800]  }
0xe3: {  	v27 =	vld [tilespmem:s0+$0x5800];
	s6 =	sor.u32 $0x80, s1  }
0xe4: {  	s8 =	sadd.s32 $0x30, s4;
	v28 =	vld [tilespmem:s6+$0x1800]  }
0xe5: {  	s16 =	sadd.s32 $0x10, s4;
	s4 =	sor.u32 $0x80, s8;
	v29 =	vld [tilespmem:s6+$0x2800]  }
0xe6: {  	s18 =	sor.u32 $0x80, s16;
	v30 =	vld [tilespmem:s4+$0xD800]  }
0xe7: {  	v31 =	vld [tilespmem:s18+$0x1800]  }
0xe8: {  	v32 =	vld [tilespmem:s18+$0x2800];
	v2 =	vand.u32 $0xFFFFFF80, v7  }
0xe9: {  	v33 =	vld [tilespmem:s6+$0xD800];
	v12 =	vadd.s32 v7, v2  }
0xea: {  	v35 =	vld [tilespmem:s18+$0xD800];
	v2 =	vand.u32 $0xFFFFFF80, v10  }
0xeb: {  	v34 =	vld [tilespmem:s4+$0x5800];
	v19 =	vadd.s32 v10, v2  }
0xec: {  	v36 =	vld [tilespmem:s6+$0x5800];
	v2 =	vand.u32 $0xFFFFFF80, v21  }
0xed: {  	v37 =	vld [tilespmem:s18+$0x5800];
	v26 =	vadd.s32 v21, v2  }
0xee: {  	v2 =	vand.u32 $0xFFFFFF80, v22;
	v11 =	vld.idx.msk [tilespmem:v12+s26+$0x0], $0xffff  }
0xef: {  	v38 =	vadd.s32 v22, v2;
	v14 =	vld.idx.msk [tilespmem:v12+s31+$0x0], $0xffff  }
0xf0: {  	v8 =	vand.u32 $0xFFFFFF80, v27;
	v2 =	vld.idx.msk [tilespmem:v19+s26+$0x0], $0xffff  }
0xf1: {  	v39 =	vadd.s32 v27, v8;
	v8 =	vld.idx.msk [tilespmem:v19+s31+$0x0], $0xffff  }
0xf2: {  	v20 =	vand.u32 $0x7F, v7;
	v40 =	vand.u32 $0xFFFFFF80, v34;
	v12 =	vand.u32 $0xFFFFFF80, v12;
	v7 =	vld.idx.msk [tilespmem:v26+s26+$0x0], $0xffff  }
0xf3: {  	v10 =	vand.u32 $0x7F, v10;
	v40 =	vadd.s32 v34, v40;
	v20 =	vor.u32 v20, v12;
	v12 =	vld.idx.msk [tilespmem:v26+s31+$0x0], $0xffff  }
0xf4: {  	v48 =	vand.u32 $0xFFFFFF80, v37;
	v19 =	vand.u32 $0xFFFFFF80, v19;
	v41 =	vadd.s32 $0x80, v20;
	v20 =	vld.idx.msk [tilespmem:v38+s26+$0x0], $0xffff  }
0xf5: {  	v56 =	vadd.s32 v37, v48;
	v10 =	vor.u32 v10, v19;
	v19 =	vld.idx.msk [tilespmem:v38+s31+$0x0], $0xffff  }
0xf6: {  	v5 =	vsub.f32 v5, v6;
	v15 =	vsub.f32 v13, v15;
	v43 =	vld.idx.msk [tilespmem:v39+s31+$0x0], $0xffff  }
0xf7: {  	v13 =	vsub.f32 v23, v24;
	v23 =	vand.u32 $0x7F, v27;
	v6 =	vand.u32 $0xFFFFFF80, v39;
	v44 =	vld.idx.msk [tilespmem:v39+s26+$0x0], $0xffff  }
0xf8: {  	v23 =	vor.u32 v23, v6;
	v47 =	vld.idx.msk [tilespmem:v40+s31+$0x0], $0xffff  }
0xf9: {  	v23 =	vadd.s32 $0x80, v23;
	v57 =	vld.idx.msk [tilespmem:v40+s26+$0x0], $0xffff  }
0xfa: {  	v6 =	vsub.f32 v31, v32;
	v31 =	vld.idx.msk [tilespmem:v56+s31+$0x0], $0xffff  }
0xfb: {  	v21 =	vand.u32 $0x7F, v21;
	v42 =	vadd.s32 $0x80, v10;
	v10 =	vand.u32 $0xFFFFFF80, v26;
	v60 =	vld.idx.msk [tilespmem:v56+s26+$0x0], $0xffff  }
0xfc: {  	v26 =	vand.u32 $0xFFFFFF80, v36;
	v10 =	vor.u32 v21, v10;
	v21 =	vld.idx.msk [tilespmem:v41+s26+$0x0], $0xffff  }
0xfd: {  	v45 =	vadd.s32 v36, v26;
	v26 =	vld.idx.msk [tilespmem:v41+s31+$0x0], $0xffff  }
0xfe: {  	v4 =	vsub.f32 v3, v4;
	v22 =	vand.u32 $0x7F, v22;
	v38 =	vand.u32 $0xFFFFFF80, v38;
	v54 =	vld.idx.msk [tilespmem:v23+s31+$0x0], $0xffff  }
0xff: {  	v25 =	vor.u32 v18, v25;
	v22 =	vor.u32 v22, v38;
	v46 =	vadd.s32 $0x80, v10;
	v55 =	vld.idx.msk [tilespmem:v23+s26+$0x0], $0xffff  }
0x100: {  	v3 =	vsub.f32 v28, v29;
	v30 =	vor.u32 v9, v30;
	v49 =	vadd.s32 $0x80, v22;
	v10 =	vld.idx.msk [tilespmem:v42+s26+$0x0], $0xffff  }
0x101: {  	v24 =	vand.u32 $0x7F, v34;
	v27 =	vand.u32 $0x7F, v37;
	v9 =	vand.u32 $0xFFFFFF80, v40;
	v18 =	vld.idx.msk [tilespmem:v42+s31+$0x0], $0xffff  }
0x102: {  	v29 =	vand.u32 $0x7F, v36;
	v9 =	vor.u32 v24, v9;
	v24 =	vand.u32 $0xFFFFFF80, v56;
	v51 =	vld.idx.msk [tilespmem:v45+s31+$0x0], $0xffff  }
0x103: {  	v59 =	vadd.s32 $0x80, v9;
	v9 =	vor.u32 v27, v24;
	v58 =	vand.u32 $0xFFFFFF80, v45;
	v28 =	vld.idx.msk [tilespmem:v45+s26+$0x0], $0xffff  }
0x104: {  	v61 =	vor.u32 v16, v33;
	v62 =	vadd.s32 $0x80, v9;
	v16 =	vor.u32 v29, v58;
	v22 =	vld.idx.msk [tilespmem:v46+s26+$0x0], $0xffff  }
0x105: {  	v24 =	vadd.s32 $0x80, v16;
	v50 =	vmul.f32 v44, v19;
	v36 =	vmul.f32 v20, v43;
	v48 =	vld.idx.msk [tilespmem:v49+s26+$0x0], $0xffff  }
0x106: {  	v23 =	vor.u32 v17, v35;
	v34 =	vld.idx.msk [tilespmem:v46+s31+$0x0], $0xffff;
	v17 =	vmul.f32 v11, v47;
	v46 =	vmul.f32 v57, v14  }
0x107: {  	v33 =	vld.idx.msk [tilespmem:v49+s31+$0x0], $0xffff;
	v9 =	vmul.f32 v21, v47;
	v47 =	vmul.f32 v57, v26  }
0x108: {  	vm3 =	veq.s32 v25, $0x0;
	v52 =	vld.idx.msk [tilespmem:v59+s31+$0x0], $0xffff;
	v57 =	vmul.f32 v60, v12;
	v16 =	vmul.f32 v10, v51  }
0x109: {  	vm2 =	veq.s32 v30, $0x0;
	v56 =	vld.idx.msk [tilespmem:v59+s26+$0x0], $0xffff;
	v29 =	vmul.f32 v2, v51;
	v38 =	vmul.f32 v28, v18  }
0x10a: {  	vm1 =	veq.s32 v61, $0x0;
	v53 =	vld.idx.msk [tilespmem:v62+s26+$0x0], $0xffff;
	v35 =	vmul.f32 v28, v8;
	v27 =	vmul.f32 v22, v31  }
0x10b: {  	v37 =	vsel vm3, $0x3F800000, v63;
	v42 =	vld.idx.msk [tilespmem:v24+s26+$0x0], $0xffff;
	v39 =	vmul.f32 v48, v43;
	v43 =	vmul.f32 v7, v31  }
0x10c: {  	s13 =	simm.s32 $0x0;
	s16 =	simm.s32 $0x80;
	s18 =	simm.s32 $0x40;
	vm0 =	veq.s32 v23, $0x0;
	v51 =	vld.idx.msk [tilespmem:v62+s31+$0x0], $0xffff;
	v49 =	vmul.f32 v60, v34;
	v58 =	vmul.f32 v44, v33  }
.LBB2_15:
0x10d: {  	s5 =	sand.u32 $0xF00, s16;
	s0 =	sand.u32 $0x40, s18;
	v25 =	vmul.f32 v48, v54;
	v20 =	vmul.f32 v20, v54;
	v40 =	vsel vm2, $0x3F800000, v63;
	v41 =	vld [tilespmem:s25+$0x1830]  }
0x10e: {  	v30 =	vmul.f32 v55, v33;
	v19 =	vmul.f32 v55, v19;
	v33 =	vsel vm1, $0x3F800000, v63;
	v44 =	vld [tilespmem:s25+$0x2830];
	s25 =	sor.u32 s0, s5  }
0x10f: {  	v45 =	vsel vm0, $0x3F800000, v63;
	v21 =	vmul.f32 v21, v52;
	v11 =	vmul.f32 v11, v52;
	v23 =	vld [tilespmem:s25+$0xD830]  }
0x110: {  	v26 =	vmul.f32 v56, v26;
	v14 =	vmul.f32 v56, v14;
	v31 =	vadd.f32 v30, v50;
	v28 =	vld [tilespmem:s25+$0x1820]  }
0x111: {  	v19 =	vsub.f32 v58, v19;
	v8 =	vmul.f32 v42, v8;
	v32 =	vmul.f32 v53, v34;
	v34 =	vld.idx.msk [tilespmem:v24+s31+$0x0], $0xffff  }
0x112: {  	v14 =	vsub.f32 v47, v14;
	v31 =	vsub.f32 v31, v36;
	v36 =	vmul.f32 v22, v51;
	v30 =	vld [tilespmem:s25+$0x2820]  }
0x113: {  	v12 =	vmul.f32 v53, v12;
	v26 =	vadd.f32 v26, v46;
	v32 =	vadd.f32 v32, v57;
	v24 =	vld [tilespmem:s25+$0xD820]  }
0x114: {  	v19 =	vadd.f32 v19, v20;
	v7 =	vmul.f32 v7, v51;
	v46 =	vsub.f32 v31, v25;
	v22 =	vld [tilespmem:s25+$0x1810]  }
0x115: {  	v20 =	vmul.f32 v42, v18;
	v8 =	vsub.f32 v38, v8;
	v12 =	vsub.f32 v49, v12;
	v31 =	vld [tilespmem:s25+$0x2810]  }
0x116: {  	v19 =	vsub.f32 v19, v39;
	v39 =	vsub.f32 v32, v43;
	v38 =	vmul.f32 v46, v37;
	v25 =	vld [tilespmem:s25+$0xD810]  }
0x117: {  	v7 =	vadd.f32 v12, v7;
	v12 =	vadd.f32 v20, v35;
	v10 =	vmul.f32 v10, v34;
	v18 =	vld [tilespmem:s25+$0x1800]  }
0x118: {  	v19 =	vmul.f32 v19, v37;
	v35 =	vsub.f32 v39, v36;
	v20 =	vsub.f32 v15, v38;
	v32 =	vld [tilespmem:s25+$0x2800]  }
0x119: {  	v7 =	vsub.f32 v7, v27;
	v12 =	vsub.f32 v12, v29;
	v2 =	vmul.f32 v2, v34;
	v15 =	vld [tilespmem:s25+$0xD800]  }
0x11a: {  	v13 =	vsub.f32 v13, v19;
	v19 =	vmul.f32 v20, v20;
	v20 =	vmul.f32 v35, v45;
	v27 =	vld [tilespmem:s25+$0x5830]  }
0x11b: {  	p0 =	por !p0, !p0;
	s0 =	simm.s32 $0x1;
	v7 =	vmul.f32 v7, v45;
	v10 =	vsub.f32 v12, v10;
	v2 =	vadd.f32 v8, v2;
	v29 =	vld [tilespmem:s25+$0x5820]  }
0x11c: {  	s0 =	simm.s32 @!p0 $0x0;
	v8 =	vmul.f32 v13, v13;
	v1 =	vadd.f32 v19, v1;
	v5 =	vsub.f32 v5, v20;
	v34 =	vld [tilespmem:s25+$0x5810]  }
0x11d: {  	s0 =	sshll.u32 s0, $0x6;
	v12 =	vsub.f32 v26, v17;
	v2 =	vsub.f32 v2, v16;
	v10 =	vmul.f32 v10, v33;
	v13 =	vld [tilespmem:s4+$0x1800]  }
0x11e: {  	s0 =	sadd.s32 s0, s16;
	v6 =	vsub.f32 v6, v7;
	v1 =	vadd.f32 v1, v8;
	v5 =	vmul.f32 v5, v5;
	v7 =	vld [tilespmem:s4+$0x2800]  }
0x11f: {  	v11 =	vadd.f32 v14, v11;
	v2 =	vmul.f32 v2, v33;
	v8 =	vsub.f32 v12, v21;
	s4 =	sor.u32 $0x80, s0;
	v16 =	vld [tilespmem:s25+$0x5800]  }
0x120: {  	v4 =	vsub.f32 v4, v10;
	v1 =	vadd.f32 v5, v1;
	v5 =	vmul.f32 v6, v6;
	v17 =	vld [tilespmem:s4+$0x1800]  }
0x121: {  	v9 =	vsub.f32 v11, v9;
	v10 =	vsub.f32 v41, v44;
	v8 =	vmul.f32 v8, v40;
	v6 =	vld [tilespmem:s4+$0x2800]  }
0x122: {  	s5 =	sadd.s32 $0x20, s0;
	v2 =	vsub.f32 v3, v2;
	v3 =	vmul.f32 v4, v4;
	v1 =	vadd.f32 v1, v5;
	v33 =	vld [tilespmem:s4+$0xD800]  }
0x123: {  	s5 =	sor.u32 $0x80, s5;
	v5 =	vmul.f32 v9, v40;
	v35 =	vld [tilespmem:s4+$0x5800];
	v4 =	vsub.f32 v13, v7  }
0x124: {  	v2 =	vmul.f32 v2, v2;
	s4 =	sadd.s32 $0x30, s0;
	v1 =	vadd.f32 v3, v1;
	v3 =	vsub.f32 v10, v8;
	v9 =	vld [tilespmem:s5+$0x1800]  }
0x125: {  	s0 =	sadd.s32 $0x10, s0;
	s4 =	sor.u32 $0x80, s4;
	v36 =	vld [tilespmem:s5+$0x2800]  }
0x126: {  	s0 =	sor.u32 $0x80, s0;
	v1 =	vadd.f32 v1, v2;
	v2 =	vsub.f32 v4, v5;
	v3 =	vmul.f32 v3, v3;
	v37 =	vld [tilespmem:s4+$0xD800]  }
0x127: {  	v38 =	vld [tilespmem:s0+$0x1800]  }
0x128: {  	v4 =	vand.u32 $0xFFFFFF80, v27;
	v1 =	vadd.f32 v3, v1;
	v2 =	vmul.f32 v2, v2;
	v39 =	vld [tilespmem:s0+$0x2800]  }
0x129: {  	v3 =	vadd.s32 v27, v4;
	v40 =	vld [tilespmem:s5+$0xD800]  }
0x12a: {  	v4 =	vand.u32 $0xFFFFFF80, v29;
	v1 =	vadd.f32 v1, v2;
	v41 =	vld [tilespmem:s0+$0xD800]  }
0x12b: {  	v4 =	vadd.s32 v29, v4;
	v42 =	vld [tilespmem:s4+$0x5800]  }
0x12c: {  	v2 =	vand.u32 $0xFFFFFF80, v34;
	v43 =	vld [tilespmem:s5+$0x5800]  }
0x12d: {  	v5 =	vadd.s32 v34, v2;
	v44 =	vld [tilespmem:s0+$0x5800]  }
0x12e: {  	v2 =	vand.u32 $0xFFFFFF80, v16;
	v11 =	vld.idx.msk [tilespmem:v3+s26+$0x0], $0xffff  }
0x12f: {  	v13 =	vadd.s32 v16, v2;
	v14 =	vld.idx.msk [tilespmem:v3+s31+$0x0], $0xffff  }
0x130: {  	v7 =	vand.u32 $0xFFFFFF80, v35;
	v2 =	vld.idx.msk [tilespmem:v4+s26+$0x0], $0xffff  }
0x131: {  	v10 =	vand.u32 $0x7F, v27;
	v45 =	vadd.s32 v35, v7;
	v3 =	vand.u32 $0xFFFFFF80, v3;
	v8 =	vld.idx.msk [tilespmem:v4+s31+$0x0], $0xffff  }
0x132: {  	v19 =	vand.u32 $0x7F, v29;
	v3 =	vor.u32 v10, v3;
	v7 =	vld.idx.msk [tilespmem:v5+s26+$0x0], $0xffff  }
0x133: {  	v10 =	vand.u32 $0xFFFFFF80, v42;
	v4 =	vand.u32 $0xFFFFFF80, v4;
	v3 =	vadd.s32 $0x80, v3;
	v12 =	vld.idx.msk [tilespmem:v5+s31+$0x0], $0xffff  }
0x134: {  	v27 =	vadd.s32 v42, v10;
	v4 =	vor.u32 v19, v4;
	v20 =	vld.idx.msk [tilespmem:v13+s26+$0x0], $0xffff  }
0x135: {  	v29 =	vadd.s32 $0x80, v4;
	v19 =	vld.idx.msk [tilespmem:v13+s31+$0x0], $0xffff  }
0x136: {  	s13 =	sadd.s32 $0x4, s13;
	v49 =	vld.idx.msk [tilespmem:v45+s31+$0x0], $0xffff  }
0x137: {  	p1 =	slt.u32 s13, $0x7C;
	v10 =	vand.u32 $0xFFFFFF80, v43;
	v4 =	vand.u32 $0xFFFFFF80, v5;
	v5 =	vand.u32 $0x7F, v34;
	v51 =	vld.idx.msk [tilespmem:v45+s26+$0x0], $0xffff  }
0x138: {  	v46 =	vadd.s32 v43, v10;
	v4 =	vor.u32 v5, v4;
	v21 =	vld.idx.msk [tilespmem:v3+s26+$0x0], $0xffff  }
0x139: {  	v34 =	vadd.s32 $0x80, v4;
	v47 =	vld.idx.msk [tilespmem:v27+s31+$0x0], $0xffff  }
0x13a: {  	v10 =	vld.idx.msk [tilespmem:v29+s26+$0x0], $0xffff  }
0x13b: {  	v5 =	vand.u32 $0x7F, v16;
	v4 =	vand.u32 $0xFFFFFF80, v13;
	v13 =	vand.u32 $0xFFFFFF80, v44;
	v26 =	vld.idx.msk [tilespmem:v3+s31+$0x0], $0xffff  }
0x13c: {  	v16 =	vadd.s32 v44, v13;
	v3 =	vor.u32 v5, v4;
	v53 =	vld.idx.msk [tilespmem:v27+s26+$0x0], $0xffff  }
0x13d: {  	v5 =	vsub.f32 v22, v31;
	v4 =	vsub.f32 v28, v30;
	v50 =	vadd.s32 $0x80, v3;
	v31 =	vld.idx.msk [tilespmem:v46+s31+$0x0], $0xffff  }
0x13e: {  	v13 =	vsub.f32 v17, v6;
	v28 =	vor.u32 v15, v33;
	v15 =	vsub.f32 v18, v32;
	v22 =	vld.idx.msk [tilespmem:v34+s26+$0x0], $0xffff  }
0x13f: {  	v6 =	vand.u32 $0xFFFFFF80, v45;
	v17 =	vand.u32 $0x7F, v35;
	v3 =	vsub.f32 v9, v36;
	v18 =	vld.idx.msk [tilespmem:v29+s31+$0x0], $0xffff  }
0x140: {  	v23 =	vor.u32 v23, v37;
	v9 =	vor.u32 v17, v6;
	v6 =	vsub.f32 v38, v39;
	v30 =	vld.idx.msk [tilespmem:v46+s26+$0x0], $0xffff  }
0x141: {  	v17 =	vadd.s32 $0x80, v9;
	v9 =	vand.u32 $0xFFFFFF80, v27;
	v27 =	vand.u32 $0x7F, v42;
	v32 =	vld.idx.msk [tilespmem:v16+s31+$0x0], $0xffff  }
0x142: {  	v33 =	vand.u32 $0x7F, v43;
	v9 =	vor.u32 v27, v9;
	v29 =	vand.u32 $0x7F, v44;
	v48 =	vld.idx.msk [tilespmem:v50+s26+$0x0], $0xffff  }
0x143: {  	v35 =	vand.u32 $0xFFFFFF80, v46;
	v27 =	vand.u32 $0xFFFFFF80, v16;
	v37 =	vadd.s32 $0x80, v9;
	v34 =	vld.idx.msk [tilespmem:v34+s31+$0x0], $0xffff  }
0x144: {  	v40 =	vor.u32 v24, v40;
	v9 =	vor.u32 v29, v27;
	v44 =	vld.idx.msk [tilespmem:v16+s26+$0x0], $0xffff;
	v16 =	vor.u32 v33, v35  }
0x145: {  	v36 =	vmul.f32 v20, v49;
	v33 =	vld.idx.msk [tilespmem:v50+s31+$0x0], $0xffff;
	v50 =	vmul.f32 v51, v19;
	v24 =	vadd.s32 $0x80, v16  }
0x146: {  	v45 =	vadd.s32 $0x80, v9;
	v9 =	vmul.f32 v21, v47;
	v16 =	vmul.f32 v10, v31;
	v54 =	vld.idx.msk [tilespmem:v17+s31+$0x0], $0xffff  }
0x147: {  	v25 =	vor.u32 v25, v41;
	v55 =	vld.idx.msk [tilespmem:v17+s26+$0x0], $0xffff;
	v17 =	vmul.f32 v11, v47;
	v47 =	vmul.f32 v53, v26  }
.Ltmp6:
0x148: {  	vm3 =	veq.s32 v28, $0x0;
	v46 =	vmul.f32 v53, v14;
	v27 =	vmul.f32 v22, v32;
	v52 =	vld.idx.msk [tilespmem:v37+s31+$0x0], $0xffff;
	(pc) =	sbr.rel @p1 .LBB2_15-.Ltmp6, $4  }
0x149: {  	vm2 =	veq.s32 v23, $0x0;
	v29 =	vmul.f32 v2, v31;
	v38 =	vmul.f32 v30, v18;
	v56 =	vld.idx.msk [tilespmem:v37+s26+$0x0], $0xffff  }
0x14a: {  	vm1 =	veq.s32 v40, $0x0;
	v35 =	vmul.f32 v30, v8;
	v39 =	vmul.f32 v48, v49;
	v42 =	vld.idx.msk [tilespmem:v24+s26+$0x0], $0xffff  }
0x14b: {  	vm0 =	veq.s32 v25, $0x0;
	v43 =	vmul.f32 v7, v32;
	v49 =	vmul.f32 v44, v34;
	v53 =	vld.idx.msk [tilespmem:v45+s26+$0x0], $0xffff  }
0x14c: {  	s18 =	sadd.s32 $0x40, s18;
	s16 =	sadd.s32 $0x80, s16;
	v37 =	vsel vm3, $0x3F800000, v63;
	v57 =	vmul.f32 v44, v12;
	v58 =	vmul.f32 v51, v33;
	v51 =	vld.idx.msk [tilespmem:v45+s31+$0x0], $0xffff  }
0x14d: {  	_ =	sdelay $0x1  }
0x14e: {  	v44 =	vld [tilespmem:s25+$0x1830]  }
0x14f: {  	v45 =	vld [tilespmem:s25+$0x2830]  }
0x150: {  	v59 =	vld.idx.msk [tilespmem:v24+s31+$0x0], $0xffff  }
0x151: {  	v40 =	vld [tilespmem:s4+$0x1800]  }
0x152: {  	v41 =	vld [tilespmem:s4+$0x2800];
	_ =	swait.ge [sflag:s7], $0x1000  }
0x153: {  	[sflag:s7] =	ssyncset.done $0x0  }
0x154: {  	[sflag:s7] =	ssyncadd.s32 $0xFFFFF000  }
0x155: {  	s0 =	sor.u32 $0x400, s24;
	_ =	swait.ge [sflag:s9], $0x1000  }
0x156: {  	s5 =	simm.s32 $0x0;
	s18 =	sadd.s32 s2, s0;
	[sflag:s9] =	ssyncset.done $0x0  }
0x157: {  	s25 =	sand.u32 $0xF00, s5;
	s1 =	sand.u32 $0x40, s5;
	[sflag:s9] =	ssyncadd.s32 $0xFFFFF000  }
0x158: {  	[tilespmem:s19], [sflag:$0x1] =	stream.linear.gather [hbm4b:s18+s5], $0x1000, $0x38;
	[tilespmem:$0x15900] =	vst v63  }
0x159: {  	s0 =	sadd.s32 s3, s0;
	s25 =	sor.u32 s1, s25  }
0x15a: {  	[tilespmem:s21], [sflag:$0x2] =	stream.linear.gather [hbm4b:s0+s5], $0x1000, $0x38;
	[tilespmem:$0x15900] =	vst v63  }
0x15b: {  	v24 =	vld [tilespmem:s25+$0x3820]  }
0x15c: {  	v28 =	vld [tilespmem:s25+$0x4820]  }
0x15d: {  	v23 =	vld [tilespmem:s25+$0x3810]  }
0x15e: {  	v25 =	vld [tilespmem:s25+$0x4810]  }
0x15f: {  	v30 =	vld [tilespmem:s25+$0x3800]  }
0x160: {  	v31 =	vld [tilespmem:s25+$0x4800]  }
0x161: {  	v32 =	vld [tilespmem:s25+$0xE800]  }
0x162: {  	v60 =	vmul.f32 v55, v33;
	s4 =	simm.s32 $0x1060;
	s5 =	simm.s32 $0x830;
	v33 =	vld [tilespmem:s25+$0xE880]  }
0x163: {  	v61 =	vmul.f32 v48, v54;
	v19 =	vmul.f32 v55, v19;
	s0 =	sand.u32 $0x1F00, s4;
	v48 =	vld [tilespmem:s25+$0x6800];
	s4 =	sand.u32 $0x70, s5  }
0x164: {  	v20 =	vmul.f32 v20, v54;
	s6 =	simm.s32 $0x1040;
	s13 =	simm.s32 $0x820;
	v14 =	vmul.f32 v56, v14;
	v60 =	vadd.f32 v60, v50;
	v50 =	vld [tilespmem:s25+$0x6880];
	s0 =	sor.u32 s4, s0  }
0x165: {  	v21 =	vmul.f32 v21, v52;
	v55 =	vmul.f32 v56, v26;
	s8 =	sand.u32 $0x1F00, s6;
	v19 =	vsub.f32 v58, v19;
	s18 =	sand.u32 $0x60, s13;
	v26 =	vld [tilespmem:s0+$0xD800]  }
0x166: {  	v8 =	vmul.f32 v42, v8;
	v62 =	vmul.f32 v53, v34;
	v14 =	vsub.f32 v47, v14;
	s4 =	sor.u32 s18, s8;
	v34 =	vld [tilespmem:s0+$0xD880]  }
0x167: {  	v46 =	vadd.f32 v55, v46;
	v54 =	vsub.f32 v60, v36;
	v60 =	vmul.f32 v53, v12;
	v36 =	vld [tilespmem:s4+$0xD800]  }
0x168: {  	v18 =	vmul.f32 v42, v18;
	v19 =	vadd.f32 v19, v20;
	v58 =	vadd.f32 v62, v57;
	v12 =	vld [tilespmem:s4+$0xD880]  }
0x169: {  	v11 =	vmul.f32 v11, v52;
	v8 =	vsub.f32 v38, v8;
	v20 =	vsub.f32 v49, v60;
	v49 =	vld [tilespmem:s0+$0x5800]  }
0x16a: {  	s16 =	simm.s32 $0x810;
	s1 =	simm.s32 $0x1020;
	v7 =	vmul.f32 v7, v51;
	v18 =	vadd.f32 v18, v35;
	v58 =	vsub.f32 v58, v43;
	v43 =	vld [tilespmem:s0+$0x5880]  }
0x16b: {  	s6 =	sand.u32 $0x1F00, s1;
	v62 =	vmul.f32 v22, v51;
	v10 =	vmul.f32 v10, v59;
	v11 =	vadd.f32 v14, v11;
	s8 =	sand.u32 $0x50, s16;
	v35 =	vld [tilespmem:s4+$0x5800]  }
0x16c: {  	p0 =	por $0x0, $0x0;
	v2 =	vmul.f32 v2, v59;
	v61 =	vsub.f32 v54, v61;
	v19 =	vsub.f32 v19, v39;
	s5 =	sor.u32 s8, s6;
	s0 =	simm.s32 $0x1;
	v47 =	vld [tilespmem:s4+$0x5880]  }
0x16d: {  	v60 =	vsel vm0, $0x3F800000, v63;
	v18 =	vsub.f32 v18, v29;
	v7 =	vadd.f32 v20, v7;
	v22 =	vld [tilespmem:s5+$0xD800];
	s0 =	simm.s32 @!p0 $0x0  }
0x16e: {  	v2 =	vadd.f32 v8, v2;
	v9 =	vsub.f32 v11, v9;
	v57 =	vmul.f32 v61, v37;
	v42 =	vld [tilespmem:s5+$0xD880];
	s0 =	sshll.u32 s0, $0x6  }
0x16f: {  	v19 =	vmul.f32 v19, v37;
	v18 =	vsub.f32 v18, v10;
	v7 =	vsub.f32 v7, v27;
	v52 =	vld [tilespmem:s5+$0x5800];
	s4 =	sadd.s32 $0x0, s0  }
0x170: {  	v20 =	vsel vm1, $0x3F800000, v63;
	v61 =	vsub.f32 v58, v62;
	v15 =	vsub.f32 v15, v57;
	v53 =	vld [tilespmem:s5+$0x5880];
	s0 =	sor.u32 $0x80, s4  }
0x171: {  	v13 =	vsub.f32 v13, v19;
	v27 =	vmul.f32 v7, v60;
	v7 =	vand.u32 $0xFFFFFF80, v50;
	s13 =	sadd.s32 $0x20, s4;
	v29 =	vld [tilespmem:s0+$0x3800]  }
0x172: {  	v15 =	vmul.f32 v15, v15;
	v8 =	vand.u32 $0xFFFFFF80, v48;
	v37 =	vadd.s32 v50, v7;
	v39 =	vld [tilespmem:s0+$0x4800];
	s16 =	sor.u32 $0x80, s13  }
0x173: {  	v2 =	vsub.f32 v2, v16;
	v19 =	vmul.f32 v61, v60;
	v62 =	vadd.s32 v48, v8;
	s18 =	sadd.s32 $0x10, s4;
	v7 =	vld [tilespmem:s16+$0x3800]  }
0x174: {  	v16 =	vsub.f32 v46, v17;
	v1 =	vadd.f32 v15, v1;
	v8 =	vmul.f32 v13, v13;
	s5 =	sor.u32 $0x80, s18;
	v10 =	vld [tilespmem:s16+$0x4800]  }
0x175: {  	v15 =	vmul.f32 v18, v20;
	v13 =	vsub.f32 v5, v19;
	v17 =	vand.u32 $0xFFFFFF80, v43;
	v5 =	vld [tilespmem:s5+$0x3800]  }
0x176: {  	v18 =	vand.u32 $0xFFFFFF80, v49;
	v1 =	vadd.f32 v1, v8;
	v8 =	vld [tilespmem:s5+$0x4800];
	v46 =	vadd.s32 v43, v17  }
0x177: {  	v2 =	vmul.f32 v2, v20;
	v6 =	vsub.f32 v6, v27;
	v27 =	vadd.s32 v49, v18;
	v54 =	vld.idx.msk [tilespmem:v37+s31+$0x0], $0xffff  }
0x178: {  	v51 =	vsel vm2, $0x3F800000, v63;
	v16 =	vsub.f32 v16, v21;
	v4 =	vsub.f32 v4, v15;
	v56 =	vld.idx.msk [tilespmem:v62+s26+$0x0], $0xffff  }
0x179: {  	v2 =	vsub.f32 v3, v2;
	v14 =	vand.u32 $0xFFFFFF80, v35;
	v13 =	vmul.f32 v13, v13;
	v57 =	vld.idx.msk [tilespmem:v62+s31+$0x0], $0xffff  }
0x17a: {  	v6 =	vmul.f32 v6, v6;
	v59 =	vadd.s32 v35, v14;
	v3 =	vmul.f32 v4, v4;
	v58 =	vld.idx.msk [tilespmem:v37+s26+$0x0], $0xffff  }
0x17b: {  	v4 =	vand.u32 $0xFFFFFF80, v53;
	v1 =	vadd.f32 v13, v1;
	v13 =	vand.u32 $0xFFFFFF80, v47;
	v19 =	vld.idx.msk [tilespmem:v46+s31+$0x0], $0xffff  }
0x17c: {  	v11 =	vsub.f32 v44, v45;
	v60 =	vadd.s32 v53, v4;
	v55 =	vadd.s32 v47, v13;
	v17 =	vld.idx.msk [tilespmem:v27+s26+$0x0], $0xffff  }
0x17d: {  	v13 =	vmul.f32 v16, v51;
	v1 =	vadd.f32 v1, v6;
	v6 =	vand.u32 $0xFFFFFF80, v52;
	v15 =	vld.idx.msk [tilespmem:v27+s31+$0x0], $0xffff  }
0x17e: {  	v21 =	vand.u32 $0x7F, v48;
	v18 =	vand.u32 $0xFFFFFF80, v62;
	v20 =	vld.idx.msk [tilespmem:v46+s26+$0x0], $0xffff;
	v61 =	vadd.s32 v52, v6  }
0x17f: {  	v4 =	vsub.f32 v11, v13;
	v11 =	vand.u32 $0xFFFFFF80, v37;
	v13 =	vand.u32 $0x7F, v50;
	v14 =	vld.idx.msk [tilespmem:v59+s31+$0x0], $0xffff  }
0x180: {  	v50 =	vand.u32 $0x7F, v49;
	v1 =	vadd.f32 v3, v1;
	v3 =	vmul.f32 v2, v2;
	v2 =	vld.idx.msk [tilespmem:v59+s26+$0x0], $0xffff  }
0x181: {  	v27 =	vand.u32 $0xFFFFFF80, v27;
	v11 =	vor.u32 v13, v11;
	v62 =	vmul.f32 v4, v4;
	v4 =	vld.idx.msk [tilespmem:v60+s31+$0x0], $0xffff  }
0x182: {  	v38 =	vor.u32 v50, v27;
	v11 =	vadd.s32 $0x80, v11;
	v27 =	vld.idx.msk [tilespmem:v60+s26+$0x0], $0xffff;
	v1 =	vadd.f32 v1, v3  }
0x183: {  	v6 =	vld.idx.msk [tilespmem:v55+s31+$0x0], $0xffff;
	v3 =	vor.u32 v21, v18;
	v21 =	vand.u32 $0xFFFFFF80, v46;
	v46 =	vadd.s32 $0x80, v38  }
0x184: {  	v18 =	vld.idx.msk [tilespmem:v55+s26+$0x0], $0xffff  }
0x185: {  	v9 =	vmul.f32 v9, v51;
	v43 =	vand.u32 $0x7F, v43;
	v3 =	vadd.s32 $0x80, v3;
	v13 =	vld.idx.msk [tilespmem:v61+s26+$0x0], $0xffff  }
0x186: {  	v35 =	vand.u32 $0x7F, v35;
	v22 =	vor.u32 v22, v42;
	v43 =	vor.u32 v43, v21;
	v21 =	vld.idx.msk [tilespmem:v61+s31+$0x0], $0xffff  }
0x187: {  	v44 =	vand.u32 $0xFFFFFF80, v59;
	v16 =	vsub.f32 v40, v41;
	v51 =	vand.u32 $0x7F, v47;
	v47 =	vld.idx.msk [tilespmem:v11+s31+$0x0], $0xffff  }
0x188: {  	v43 =	vadd.s32 $0x80, v43;
	v1 =	vadd.f32 v62, v1;
	v62 =	vand.u32 $0x7F, v52;
	v52 =	vld.idx.msk [tilespmem:v46+s26+$0x0], $0xffff  }
0x189: {  	v9 =	vsub.f32 v16, v9;
	v16 =	vor.u32 v35, v44;
	v55 =	vand.u32 $0xFFFFFF80, v55;
	v44 =	vld.idx.msk [tilespmem:v46+s31+$0x0], $0xffff  }
0x18a: {  	vm0 =	veq.s32 v22, $0x0;
	v59 =	vadd.s32 $0x80, v16;
	v45 =	vor.u32 v51, v55;
	v48 =	vld.idx.msk [tilespmem:v3+s26+$0x0], $0xffff  }
0x18b: {  	v29 =	vsub.f32 v29, v39;
	v16 =	vand.u32 $0x7F, v53;
	v45 =	vadd.s32 $0x80, v45;
	v49 =	vld.idx.msk [tilespmem:v3+s31+$0x0], $0xffff  }
0x18c: {  	v53 =	vmul.f32 v58, v57;
	v3 =	vmul.f32 v9, v9;
	v9 =	vld.idx.msk [tilespmem:v11+s26+$0x0], $0xffff;
	v11 =	vand.u32 $0xFFFFFF80, v60  }
0x18d: {  	v40 =	vmul.f32 v56, v54;
	v61 =	vand.u32 $0xFFFFFF80, v61;
	v11 =	vor.u32 v16, v11;
	v38 =	vld.idx.msk [tilespmem:v43+s31+$0x0], $0xffff  }
0x18e: {  	v42 =	vmul.f32 v20, v15;
	v16 =	vor.u32 v62, v61;
	v55 =	vld.idx.msk [tilespmem:v43+s26+$0x0], $0xffff;
	v62 =	vadd.s32 $0x80, v11  }
0x18f: {  	v51 =	vmul.f32 v27, v21;
	v39 =	vmul.f32 v13, v4;
	v43 =	vld.idx.msk [tilespmem:v59+s31+$0x0], $0xffff;
	v60 =	vadd.s32 $0x80, v16  }
0x190: {  	v1 =	vadd.f32 v1, v3;
	v16 =	vld.idx.msk [tilespmem:v45+s31+$0x0], $0xffff;
	v3 =	vsub.f32 v24, v28;
	v28 =	vor.u32 v32, v33  }
0x191: {  	v24 =	vsub.f32 v30, v31;
	v11 =	vsub.f32 v23, v25;
	v30 =	vld.idx.msk [tilespmem:v59+s26+$0x0], $0xffff;
	v23 =	vor.u32 v36, v12  }
0x192: {  	v12 =	vor.u32 v26, v34;
	v46 =	vmul.f32 v48, v47;
	v41 =	vmul.f32 v48, v54;
	v48 =	vld.idx.msk [tilespmem:v45+s26+$0x0], $0xffff  }
0x193: {  	v34 =	vmul.f32 v18, v14;
	v31 =	vmul.f32 v2, v6;
	vm2 =	veq.s32 v28, $0x0;
	v37 =	vld.idx.msk [tilespmem:v62+s31+$0x0], $0xffff  }
0x194: {  	vm3 =	veq.s32 v12, $0x0;
	v12 =	vmul.f32 v17, v19;
	vm1 =	veq.s32 v23, $0x0;
	v35 =	vld.idx.msk [tilespmem:v60+s26+$0x0], $0xffff  }
0x195: {  	v36 =	vsel vm2, $0x3F800000, v63;
	v59 =	vmul.f32 v58, v49;
	v54 =	vmul.f32 v56, v47;
	v58 =	vld.idx.msk [tilespmem:v60+s31+$0x0], $0xffff  }
0x196: {  	s18 =	simm.s32 $0x40;
	s13 =	simm.s32 $0x80;
	s16 =	simm.s32 $0x0;
	v61 =	vmul.f32 v9, v49;
	v60 =	vmul.f32 v9, v57;
	v57 =	vld.idx.msk [tilespmem:v62+s26+$0x0], $0xffff;
	v9 =	vsel vm3, $0x3F800000, v63  }
.LBB2_17:
0x197: {  	s0 =	sand.u32 $0xF00, s13;
	s5 =	sand.u32 $0x40, s18;
	v7 =	vsub.f32 v7, v10;
	v10 =	vmul.f32 v52, v38;
	v19 =	vmul.f32 v52, v19;
	v45 =	vld [tilespmem:s25+$0x3830]  }
0x198: {  	v47 =	vsel vm1, $0x3F800000, v63;
	v6 =	vmul.f32 v30, v6;
	v17 =	vmul.f32 v17, v38;
	v38 =	vld [tilespmem:s25+$0x4830];
	s25 =	sor.u32 s5, s0  }
0x199: {  	v5 =	vsub.f32 v5, v8;
	v8 =	vmul.f32 v20, v44;
	v15 =	vmul.f32 v55, v15;
	v22 =	vld [tilespmem:s25+$0x3820]  }
0x19a: {  	v20 =	vsel vm0, $0x3F800000, v63;
	v49 =	vmul.f32 v30, v16;
	v32 =	vmul.f32 v55, v44;
	v23 =	vld [tilespmem:s25+$0x4820]  }
0x19b: {  	v18 =	vmul.f32 v18, v43;
	v30 =	vadd.f32 v61, v53;
	v14 =	vmul.f32 v48, v14;
	v25 =	vld [tilespmem:s25+$0x3810]  }
0x19c: {  	v50 =	vmul.f32 v35, v37;
	v33 =	vsub.f32 v59, v60;
	v44 =	vmul.f32 v57, v58;
	v26 =	vld [tilespmem:s25+$0x4810]  }
0x19d: {  	v27 =	vmul.f32 v27, v58;
	v8 =	vsub.f32 v8, v15;
	v40 =	vsub.f32 v30, v40;
	v28 =	vld [tilespmem:s25+$0x3800]  }
0x19e: {  	v42 =	vadd.f32 v32, v42;
	v21 =	vmul.f32 v57, v21;
	v15 =	vadd.f32 v44, v51;
	v30 =	vld [tilespmem:s25+$0x4800]  }
0x19f: {  	v37 =	vmul.f32 v13, v37;
	v40 =	vsub.f32 v40, v46;
	v44 =	vadd.f32 v33, v54;
	v32 =	vld [tilespmem:s25+$0xE800]  }
0x1a0: {  	s0 =	sadd.s32 $0x1060, s13;
	s5 =	sadd.s32 $0x830, s18;
	v18 =	vsub.f32 v18, v14;
	v21 =	vsub.f32 v27, v21;
	v27 =	vmul.f32 v48, v43;
	v33 =	vld [tilespmem:s25+$0xE880]  }
0x1a1: {  	s0 =	sand.u32 $0x1F00, s0;
	s5 =	sand.u32 $0x70, s5;
	v41 =	vsub.f32 v44, v41;
	v40 =	vmul.f32 v40, v36;
	v15 =	vsub.f32 v15, v39;
	v13 =	vld [tilespmem:s25+$0x6800]  }
0x1a2: {  	s1 =	sadd.s32 $0x1040, s13;
	s6 =	sadd.s32 $0x820, s18;
	v4 =	vmul.f32 v35, v4;
	s0 =	sor.u32 s5, s0;
	v21 =	vadd.f32 v21, v37;
	v27 =	vadd.f32 v27, v34;
	v14 =	vld [tilespmem:s25+$0x6880]  }
0x1a3: {  	s1 =	sand.u32 $0x1F00, s1;
	s5 =	sand.u32 $0x60, s6;
	v24 =	vsub.f32 v24, v40;
	v36 =	vmul.f32 v41, v36;
	v15 =	vsub.f32 v15, v50;
	v34 =	vld [tilespmem:s0+$0xD800]  }
0x1a4: {  	s8 =	sadd.s32 $0x810, s18;
	v2 =	vmul.f32 v2, v16;
	s6 =	sadd.s32 $0x1020, s13;
	s1 =	sor.u32 s5, s1;
	v4 =	vsub.f32 v21, v4;
	v21 =	vsub.f32 v27, v31;
	v35 =	vld [tilespmem:s0+$0xD880]  }
0x1a5: {  	s5 =	sand.u32 $0x1F00, s6;
	s6 =	sand.u32 $0x50, s8;
	v16 =	vsub.f32 v29, v36;
	v24 =	vmul.f32 v24, v24;
	v15 =	vmul.f32 v15, v20;
	v31 =	vld [tilespmem:s1+$0xD800]  }
0x1a6: {  	s4 =	sadd.s32 $0x30, s4;
	s5 =	sor.u32 s6, s5;
	v2 =	vadd.f32 v18, v2;
	v4 =	vmul.f32 v4, v20;
	v20 =	vsub.f32 v21, v49;
	v29 =	vld [tilespmem:s1+$0xD880]  }
0x1a7: {  	s4 =	sor.u32 $0x80, s4;
	v1 =	vadd.f32 v24, v1;
	v16 =	vmul.f32 v16, v16;
	v11 =	vsub.f32 v11, v15;
	v36 =	vld [tilespmem:s5+$0xD800]  }
0x1a8: {  	v2 =	vsub.f32 v2, v6;
	v6 =	vmul.f32 v20, v47;
	v15 =	vsub.f32 v42, v12;
	v18 =	vld [tilespmem:s4+$0x3800]  }
0x1a9: {  	v4 =	vsub.f32 v5, v4;
	v1 =	vadd.f32 v1, v16;
	v5 =	vmul.f32 v11, v11;
	v11 =	vld [tilespmem:s4+$0x4800]  }
0x1aa: {  	v8 =	vadd.f32 v8, v17;
	v2 =	vmul.f32 v2, v47;
	v10 =	vsub.f32 v15, v10;
	v12 =	vld [tilespmem:s5+$0xD880]  }
0x1ab: {  	v4 =	vmul.f32 v4, v4;
	v3 =	vsub.f32 v3, v6;
	v1 =	vadd.f32 v5, v1;
	v16 =	vld [tilespmem:s0+$0x5800]  }
0x1ac: {  	p0 =	por !p0, !p0;
	v6 =	vsub.f32 v45, v38;
	v5 =	vsub.f32 v8, v19;
	v8 =	vmul.f32 v10, v9;
	v21 =	vld [tilespmem:s0+$0x5880];
	s0 =	simm.s32 $0x1  }
0x1ad: {  	v2 =	vsub.f32 v7, v2;
	v3 =	vmul.f32 v3, v3;
	v1 =	vadd.f32 v1, v4;
	s0 =	simm.s32 @!p0 $0x0;
	v24 =	vld [tilespmem:s1+$0x5800]  }
0x1ae: {  	v5 =	vmul.f32 v5, v9;
	s0 =	sshll.u32 s0, $0x6;
	v27 =	vld [tilespmem:s1+$0x5880];
	v4 =	vsub.f32 v18, v11  }
0x1af: {  	v2 =	vmul.f32 v2, v2;
	v1 =	vadd.f32 v3, v1;
	v3 =	vsub.f32 v6, v8;
	s4 =	sadd.s32 s0, s13;
	v11 =	vld [tilespmem:s5+$0x5800]  }
0x1b0: {  	v6 =	vand.u32 $0xFFFFFF80, v14;
	s0 =	sor.u32 $0x80, s4;
	v37 =	vld [tilespmem:s5+$0x5880]  }
0x1b1: {  	v1 =	vadd.f32 v1, v2;
	v3 =	vmul.f32 v3, v3;
	s1 =	sadd.s32 $0x20, s4;
	v2 =	vsub.f32 v4, v5;
	v9 =	vld [tilespmem:s0+$0x3800]  }
0x1b2: {  	v18 =	vadd.s32 v14, v6;
	v4 =	vand.u32 $0xFFFFFF80, v13;
	v39 =	vld [tilespmem:s0+$0x4800];
	s0 =	sor.u32 $0x80, s1  }
0x1b3: {  	v1 =	vadd.f32 v3, v1;
	v4 =	vadd.s32 v13, v4;
	s1 =	sadd.s32 $0x10, s4;
	v2 =	vmul.f32 v2, v2;
	v7 =	vld [tilespmem:s0+$0x3800]  }
0x1b4: {  	s1 =	sor.u32 $0x80, s1;
	v10 =	vld [tilespmem:s0+$0x4800]  }
0x1b5: {  	v3 =	vand.u32 $0xFFFFFF80, v21;
	v1 =	vadd.f32 v1, v2;
	v5 =	vld [tilespmem:s1+$0x3800]  }
0x1b6: {  	v3 =	vadd.s32 v21, v3;
	v2 =	vand.u32 $0xFFFFFF80, v16;
	v8 =	vld [tilespmem:s1+$0x4800]  }
0x1b7: {  	v38 =	vadd.s32 v16, v2;
	v41 =	vld.idx.msk [tilespmem:v18+s31+$0x0], $0xffff  }
0x1b8: {  	v45 =	vld.idx.msk [tilespmem:v4+s26+$0x0], $0xffff  }
0x1b9: {  	v2 =	vand.u32 $0xFFFFFF80, v27;
	v47 =	vld.idx.msk [tilespmem:v4+s31+$0x0], $0xffff  }
0x1ba: {  	v6 =	vand.u32 $0xFFFFFF80, v24;
	v40 =	vadd.s32 v27, v2;
	v49 =	vld.idx.msk [tilespmem:v18+s26+$0x0], $0xffff  }
0x1bb: {  	v42 =	vadd.s32 v24, v6;
	v19 =	vld.idx.msk [tilespmem:v3+s31+$0x0], $0xffff  }
0x1bc: {  	v17 =	vld.idx.msk [tilespmem:v38+s26+$0x0], $0xffff  }
0x1bd: {  	v2 =	vand.u32 $0xFFFFFF80, v37;
	v15 =	vld.idx.msk [tilespmem:v38+s31+$0x0], $0xffff  }
0x1be: {  	v6 =	vand.u32 $0xFFFFFF80, v11;
	v43 =	vadd.s32 v37, v2;
	v20 =	vld.idx.msk [tilespmem:v3+s26+$0x0], $0xffff  }
0x1bf: {  	v44 =	vadd.s32 v11, v6;
	v6 =	vld.idx.msk [tilespmem:v40+s31+$0x0], $0xffff  }
0x1c0: {  	v14 =	vand.u32 $0x7F, v14;
	v18 =	vand.u32 $0xFFFFFF80, v18;
	v2 =	vld.idx.msk [tilespmem:v42+s26+$0x0], $0xffff  }
0x1c1: {  	v13 =	vand.u32 $0x7F, v13;
	v4 =	vand.u32 $0xFFFFFF80, v4;
	v18 =	vor.u32 v14, v18;
	v14 =	vld.idx.msk [tilespmem:v42+s31+$0x0], $0xffff  }
0x1c2: {  	v4 =	vor.u32 v13, v4;
	v46 =	vadd.s32 $0x80, v18;
	v18 =	vld.idx.msk [tilespmem:v40+s26+$0x0], $0xffff  }
0x1c3: {  	s16 =	sadd.s32 $0x4, s16;
	v16 =	vand.u32 $0x7F, v16;
	v48 =	vadd.s32 $0x80, v4;
	v4 =	vld.idx.msk [tilespmem:v43+s31+$0x0], $0xffff  }
0x1c4: {  	p1 =	slt.u32 s16, $0x7C;
	v50 =	vand.u32 $0x7F, v21;
	v24 =	vand.u32 $0x7F, v24;
	v3 =	vand.u32 $0xFFFFFF80, v3;
	v13 =	vld.idx.msk [tilespmem:v44+s26+$0x0], $0xffff  }
0x1c5: {  	v51 =	vand.u32 $0x7F, v27;
	v38 =	vand.u32 $0xFFFFFF80, v38;
	v3 =	vor.u32 v50, v3;
	v21 =	vld.idx.msk [tilespmem:v44+s31+$0x0], $0xffff  }
0x1c6: {  	v16 =	vor.u32 v16, v38;
	v50 =	vadd.s32 $0x80, v3;
	v40 =	vand.u32 $0xFFFFFF80, v40;
	v27 =	vld.idx.msk [tilespmem:v43+s26+$0x0], $0xffff  }
0x1c7: {  	v3 =	vand.u32 $0xFFFFFF80, v42;
	v38 =	vor.u32 v51, v40;
	v40 =	vadd.s32 $0x80, v16;
	v54 =	vld.idx.msk [tilespmem:v46+s31+$0x0], $0xffff  }
0x1c8: {  	v3 =	vor.u32 v24, v3;
	v57 =	vadd.s32 $0x80, v38;
	v56 =	vld.idx.msk [tilespmem:v48+s26+$0x0], $0xffff  }
0x1c9: {  	v60 =	vld.idx.msk [tilespmem:v48+s31+$0x0], $0xffff;
	v48 =	vadd.s32 $0x80, v3  }
0x1ca: {  	v16 =	vand.u32 $0x7F, v37;
	v3 =	vand.u32 $0xFFFFFF80, v43;
	v62 =	vld.idx.msk [tilespmem:v46+s26+$0x0], $0xffff  }
0x1cb: {  	v11 =	vand.u32 $0x7F, v11;
	v24 =	vand.u32 $0xFFFFFF80, v44;
	v3 =	vor.u32 v16, v3;
	v38 =	vld.idx.msk [tilespmem:v50+s31+$0x0], $0xffff  }
0x1cc: {  	v0 =	vimm.f32 $0.0e+00;
	v11 =	vor.u32 v11, v24;
	v63 =	vadd.s32 $0x80, v3;
	v52 =	vld.idx.msk [tilespmem:v40+s26+$0x0], $0xffff  }
0x1cd: {  	v58 =	vadd.s32 $0x80, v11;
	v3 =	vsub.f32 v22, v23;
	v16 =	vld.idx.msk [tilespmem:v57+s31+$0x0], $0xffff  }
0x1ce: {  	v24 =	vsub.f32 v28, v30;
	v11 =	vsub.f32 v25, v26;
	v22 =	vor.u32 v32, v33;
	v30 =	vld.idx.msk [tilespmem:v48+s26+$0x0], $0xffff  }
0x1cf: {  	v25 =	vor.u32 v31, v29;
	v23 =	vor.u32 v36, v12;
	v12 =	vor.u32 v34, v35;
	v44 =	vld.idx.msk [tilespmem:v40+s31+$0x0], $0xffff  }
0x1d0: {  	v53 =	vmul.f32 v49, v47;
	vm2 =	veq.s32 v22, $0x0;
	v40 =	vmul.f32 v45, v41;
	v55 =	vld.idx.msk [tilespmem:v50+s26+$0x0], $0xffff  }
0x1d1: {  	v42 =	vmul.f32 v20, v15;
	vm3 =	veq.s32 v12, $0x0;
	v12 =	vmul.f32 v17, v19;
	v37 =	vld.idx.msk [tilespmem:v63+s31+$0x0], $0xffff  }
0x1d2: {  	vm1 =	veq.s32 v25, $0x0;
	v31 =	vmul.f32 v2, v6;
	v34 =	vmul.f32 v18, v14;
	v35 =	vld.idx.msk [tilespmem:v58+s26+$0x0], $0xffff  }
.Ltmp7:
0x1d3: {  	v29 =	vsub.f32 v9, v39;
	v39 =	vmul.f32 v13, v4;
	v51 =	vmul.f32 v27, v21;
	v43 =	vld.idx.msk [tilespmem:v48+s31+$0x0], $0xffff;
	(pc) =	sbr.rel @p1 .LBB2_17-.Ltmp7, $4  }
0x1d4: {  	vm0 =	veq.s32 v23, $0x0;
	v46 =	vmul.f32 v56, v54;
	v41 =	vmul.f32 v56, v41;
	v48 =	vld.idx.msk [tilespmem:v57+s26+$0x0], $0xffff  }
0x1d5: {  	v36 =	vsel vm2, $0x3F800000, v0;
	v54 =	vmul.f32 v45, v54;
	v59 =	vmul.f32 v49, v60;
	v58 =	vld.idx.msk [tilespmem:v58+s31+$0x0], $0xffff  }
0x1d6: {  	v57 =	vld.idx.msk [tilespmem:v63+s26+$0x0], $0xffff;
	v63 =	vimm.f32 $0.0e+00  }
0x1d7: {  	s18 =	sadd.s32 $0x40, s18;
	s13 =	sadd.s32 $0x80, s13;
	v61 =	vmul.f32 v62, v60;
	v60 =	vmul.f32 v62, v47;
	v9 =	vsel vm3, $0x3F800000, v63  }
0x1d8: {  	v49 =	vld [tilespmem:s25+$0x3830];
	s0 =	sadd.s32 $0x30, s4  }
0x1d9: {  	v50 =	vld [tilespmem:s25+$0x4830];
	s0 =	sor.u32 $0x80, s0  }
0x1da: {  	v45 =	vld [tilespmem:s0+$0x3800]  }
0x1db: {  	v47 =	vld [tilespmem:s0+$0x4800];
	_ =	swait.ge [sflag:s22], $0x1000  }
0x1dc: {  	[sflag:s22] =	ssyncset.done $0x0  }
0x1dd: {  	[sflag:s22] =	ssyncadd.s32 $0xFFFFF000  }
0x1de: {  	_ =	swait.ge [sflag:s28], $0x1000  }
0x1df: {  	s18 =	sor.u32 $0x600, s24;
	[sflag:s28] =	ssyncset.done $0x0  }
0x1e0: {  	s25 =	simm.s32 $0x0;
	s1 =	sadd.s32 s2, s18;
	[sflag:s28] =	ssyncadd.s32 $0xFFFFF000  }
0x1e1: {  	[tilespmem:s29], [sflag:$0x3] =	stream.linear.gather [hbm4b:s1+s25], $0x1000, $0x38;
	[tilespmem:$0x15900] =	vst v63  }
0x1e2: {  	s4 =	sand.u32 $0x40, s25;
	s0 =	sadd.s32 s3, s18;
	s1 =	sand.u32 $0xF00, s25  }
0x1e3: {  	[tilespmem:s30], [sflag:$0x4] =	stream.linear.gather [hbm4b:s0+s25], $0x1000, $0x38;
	[tilespmem:$0x15900] =	vst v63  }
0x1e4: {  	s25 =	sor.u32 s4, s1  }
0x1e5: {  	v23 =	vld [tilespmem:s25+$0x1820]  }
0x1e6: {  	v26 =	vld [tilespmem:s25+$0x2820]  }
0x1e7: {  	v22 =	vld [tilespmem:s25+$0x1810]  }
0x1e8: {  	v25 =	vld [tilespmem:s25+$0x2810]  }
0x1e9: {  	v28 =	vld [tilespmem:s25+$0x1800]  }
0x1ea: {  	v56 =	vsub.f32 v7, v10;
	v19 =	vmul.f32 v52, v19;
	v32 =	vld [tilespmem:s25+$0x2800]  }
0x1eb: {  	v63 =	vsub.f32 v5, v8;
	v7 =	vmul.f32 v20, v44;
	v8 =	vmul.f32 v55, v15;
	v33 =	vld [tilespmem:s25+$0xF800]  }
0x1ec: {  	s5 =	simm.s32 $0x2060;
	s6 =	simm.s32 $0x1030;
	v62 =	vmul.f32 v52, v38;
	v20 =	vmul.f32 v55, v44;
	v10 =	vld [tilespmem:s25+$0xF880]  }
0x1ed: {  	v27 =	vmul.f32 v27, v58;
	v55 =	vsub.f32 v7, v8;
	v8 =	vmul.f32 v57, v21;
	s0 =	sand.u32 $0x2F00, s5;
	s1 =	sand.u32 $0x70, s6;
	v5 =	vld [tilespmem:s25+$0x7800]  }
0x1ee: {  	v17 =	vmul.f32 v17, v38;
	v0 =	vimm.f32 $0.0e+00;
	v15 =	vadd.f32 v61, v53;
	v52 =	vld [tilespmem:s25+$0x7880];
	s0 =	sor.u32 s1, s0  }
0x1ef: {  	v18 =	vmul.f32 v18, v43;
	v13 =	vmul.f32 v13, v37;
	v8 =	vsub.f32 v27, v8;
	v38 =	vld [tilespmem:s0+$0xD800]  }
0x1f0: {  	s8 =	simm.s32 $0x2040;
	v4 =	vmul.f32 v35, v4;
	v60 =	vsub.f32 v59, v60;
	v15 =	vsub.f32 v15, v40;
	s5 =	simm.s32 $0x1020;
	v40 =	vld [tilespmem:s0+$0xD880]  }
0x1f1: {  	s13 =	sand.u32 $0x2F00, s8;
	v14 =	vmul.f32 v48, v14;
	v20 =	vadd.f32 v20, v42;
	v8 =	vadd.f32 v8, v13;
	s16 =	sand.u32 $0x60, s5;
	v13 =	vld [tilespmem:s0+$0x5800]  }
0x1f2: {  	s18 =	simm.s32 $0x2020;
	v61 =	vmul.f32 v57, v58;
	v21 =	vadd.f32 v60, v54;
	v58 =	vmul.f32 v35, v37;
	s6 =	simm.s32 $0x1010;
	s1 =	sor.u32 s16, s13;
	v35 =	vld [tilespmem:s0+$0x5880]  }
0x1f3: {  	v2 =	vmul.f32 v2, v16;
	v14 =	vsub.f32 v18, v14;
	v15 =	vsub.f32 v15, v46;
	s5 =	sand.u32 $0x2F00, s18;
	s8 =	sand.u32 $0x50, s6;
	v42 =	vld [tilespmem:s1+$0xD800]  }
0x1f4: {  	v59 =	vmul.f32 v30, v6;
	v12 =	vsub.f32 v20, v12;
	v7 =	vadd.f32 v61, v51;
	s5 =	sor.u32 s8, s5;
	v44 =	vld [tilespmem:s1+$0xD880]  }
0x1f5: {  	v27 =	vmul.f32 v48, v43;
	v18 =	vsub.f32 v21, v41;
	v15 =	vmul.f32 v15, v36;
	v46 =	vld [tilespmem:s5+$0xD800]  }
0x1f6: {  	p0 =	por $0x0, $0x0;
	v30 =	vmul.f32 v30, v16;
	v2 =	vadd.f32 v14, v2;
	v7 =	vsub.f32 v7, v39;
	s0 =	simm.s32 $0x1;
	v41 =	vld [tilespmem:s5+$0xD880]  }
0x1f7: {  	v21 =	vsel vm1, $0x3F800000, v0;
	v6 =	vadd.f32 v27, v34;
	v15 =	vsub.f32 v24, v15;
	s0 =	simm.s32 @!p0 $0x0;
	v24 =	vld [tilespmem:s1+$0x5800]  }
0x1f8: {  	v27 =	vsel vm0, $0x3F800000, v0;
	v18 =	vmul.f32 v18, v36;
	v7 =	vsub.f32 v7, v58;
	v34 =	vld [tilespmem:s1+$0x5880];
	s0 =	sshll.u32 s0, $0x6  }
0x1f9: {  	v4 =	vsub.f32 v8, v4;
	v6 =	vsub.f32 v6, v31;
	v15 =	vmul.f32 v15, v15;
	v31 =	vld [tilespmem:s5+$0x5800];
	s4 =	sadd.s32 $0x0, s0  }
0x1fa: {  	v2 =	vsub.f32 v2, v59;
	v8 =	vsub.f32 v29, v18;
	v7 =	vmul.f32 v7, v27;
	v16 =	vld [tilespmem:s5+$0x5880];
	s0 =	sor.u32 $0x80, s4  }
0x1fb: {  	v18 =	vmul.f32 v4, v27;
	v1 =	vadd.f32 v15, v1;
	v4 =	vand.u32 $0xFFFFFF80, v52;
	s13 =	sadd.s32 $0x20, s4;
	v29 =	vld [tilespmem:s0+$0x1800]  }
0x1fc: {  	v15 =	vmul.f32 v8, v8;
	v14 =	vand.u32 $0xFFFFFF80, v5;
	v27 =	vadd.s32 v52, v4;
	v36 =	vld [tilespmem:s0+$0x2800];
	s16 =	sor.u32 $0x80, s13  }
0x1fd: {  	v11 =	vsub.f32 v11, v7;
	s18 =	sadd.s32 $0x10, s4;
	v4 =	vsub.f32 v6, v30;
	v14 =	vadd.s32 v5, v14;
	v6 =	vld [tilespmem:s16+$0x1800]  }
0x1fe: {  	v12 =	vsub.f32 v12, v62;
	v2 =	vmul.f32 v2, v21;
	v18 =	vsub.f32 v63, v18;
	s1 =	sor.u32 $0x80, s18;
	v8 =	vld [tilespmem:s16+$0x2800]  }
0x1ff: {  	v1 =	vadd.f32 v1, v15;
	v11 =	vmul.f32 v11, v11;
	v20 =	vand.u32 $0xFFFFFF80, v35;
	v7 =	vld [tilespmem:s1+$0x2800]  }
0x200: {  	v15 =	vand.u32 $0xFFFFFF80, v13;
	v60 =	vadd.s32 v35, v20;
	v30 =	vmul.f32 v4, v21;
	v4 =	vld [tilespmem:s1+$0x1800]  }
0x201: {  	v45 =	vsub.f32 v45, v47;
	v12 =	vmul.f32 v12, v9;
	v61 =	vadd.s32 v13, v15;
	v48 =	vld.idx.msk [tilespmem:v27+s31+$0x0], $0xffff  }
0x202: {  	v2 =	vsub.f32 v56, v2;
	v1 =	vadd.f32 v11, v1;
	v11 =	vmul.f32 v18, v18;
	v54 =	vld.idx.msk [tilespmem:v14+s26+$0x0], $0xffff  }
0x203: {  	v15 =	vadd.f32 v55, v17;
	v17 =	vand.u32 $0xFFFFFF80, v34;
	v18 =	vand.u32 $0xFFFFFF80, v24;
	v57 =	vld.idx.msk [tilespmem:v14+s31+$0x0], $0xffff  }
0x204: {  	v35 =	vand.u32 $0x7F, v35;
	v21 =	vsub.f32 v49, v50;
	v63 =	vadd.s32 v24, v18;
	v58 =	vld.idx.msk [tilespmem:v27+s26+$0x0], $0xffff  }
0x205: {  	v1 =	vadd.f32 v1, v11;
	v18 =	vand.u32 $0xFFFFFF80, v31;
	v20 =	vsub.f32 v15, v19;
	v19 =	vld.idx.msk [tilespmem:v60+s31+$0x0], $0xffff  }
0x206: {  	v49 =	vadd.s32 v31, v18;
	v3 =	vsub.f32 v3, v30;
	v30 =	vadd.s32 v34, v17;
	v17 =	vld.idx.msk [tilespmem:v61+s26+$0x0], $0xffff  }
0x207: {  	v11 =	vand.u32 $0xFFFFFF80, v16;
	v18 =	vand.u32 $0xFFFFFF80, v27;
	v12 =	vsub.f32 v21, v12;
	v15 =	vld.idx.msk [tilespmem:v61+s31+$0x0], $0xffff  }
0x208: {  	v21 =	vand.u32 $0x7F, v52;
	v9 =	vmul.f32 v20, v9;
	v3 =	vmul.f32 v3, v3;
	v20 =	vld.idx.msk [tilespmem:v60+s26+$0x0], $0xffff  }
0x209: {  	v47 =	vadd.s32 v16, v11;
	v27 =	vand.u32 $0xFFFFFF80, v14;
	v18 =	vor.u32 v21, v18;
	v14 =	vld.idx.msk [tilespmem:v63+s31+$0x0], $0xffff  }
0x20a: {  	v21 =	vand.u32 $0xFFFFFF80, v60;
	v1 =	vadd.f32 v3, v1;
	v3 =	vmul.f32 v2, v2;
	v2 =	vld.idx.msk [tilespmem:v63+s26+$0x0], $0xffff  }
0x20b: {  	v35 =	vor.u32 v35, v21;
	v21 =	vld.idx.msk [tilespmem:v49+s31+$0x0], $0xffff  }
0x20c: {  	v5 =	vand.u32 $0x7F, v5;
	v24 =	vand.u32 $0x7F, v24;
	v53 =	vadd.s32 $0x80, v18;
	v11 =	vld.idx.msk [tilespmem:v30+s31+$0x0], $0xffff  }
0x20d: {  	v62 =	vand.u32 $0xFFFFFF80, v61;
	v35 =	vadd.s32 $0x80, v35;
	v63 =	vand.u32 $0xFFFFFF80, v63;
	v18 =	vld.idx.msk [tilespmem:v30+s26+$0x0], $0xffff  }
0x20e: {  	v24 =	vor.u32 v24, v63;
	v1 =	vadd.f32 v1, v3;
	v3 =	vor.u32 v5, v27;
	v5 =	vld.idx.msk [tilespmem:v47+s31+$0x0], $0xffff  }
0x20f: {  	v34 =	vand.u32 $0x7F, v34;
	v27 =	vand.u32 $0x7F, v13;
	v13 =	vld.idx.msk [tilespmem:v49+s26+$0x0], $0xffff;
	v61 =	vadd.s32 $0x80, v24  }
0x210: {  	v30 =	vand.u32 $0xFFFFFF80, v30;
	v3 =	vadd.s32 $0x80, v3;
	v37 =	vor.u32 v27, v62;
	v27 =	vld.idx.msk [tilespmem:v47+s26+$0x0], $0xffff  }
0x211: {  	v12 =	vmul.f32 v12, v12;
	v30 =	vor.u32 v34, v30;
	v56 =	vld.idx.msk [tilespmem:v53+s31+$0x0], $0xffff  }
0x212: {  	v16 =	vand.u32 $0x7F, v16;
	v24 =	vand.u32 $0xFFFFFF80, v49;
	v59 =	vadd.s32 $0x80, v30;
	v49 =	vld.idx.msk [tilespmem:v35+s31+$0x0], $0xffff  }
0x213: {  	v30 =	vand.u32 $0x7F, v31;
	v1 =	vadd.f32 v12, v1;
	v12 =	vand.u32 $0xFFFFFF80, v47;
	v55 =	vld.idx.msk [tilespmem:v35+s26+$0x0], $0xffff  }
0x214: {  	v12 =	vor.u32 v16, v12;
	v16 =	vor.u32 v30, v24;
	v30 =	vld.idx.msk [tilespmem:v61+s26+$0x0], $0xffff  }
0x215: {  	v9 =	vsub.f32 v45, v9;
	v37 =	vadd.s32 $0x80, v37;
	v45 =	vld.idx.msk [tilespmem:v3+s26+$0x0], $0xffff  }
0x216: {  	v0 =	vimm.f32 $0.0e+00;
	v29 =	vsub.f32 v29, v36;
	v43 =	vmul.f32 v20, v15;
	v60 =	vld.idx.msk [tilespmem:v3+s31+$0x0], $0xffff  }
0x217: {  	v24 =	vsub.f32 v28, v32;
	v47 =	vadd.s32 $0x80, v12;
	v3 =	vmul.f32 v9, v9;
	v9 =	vld.idx.msk [tilespmem:v53+s26+$0x0], $0xffff  }
0x218: {  	v62 =	vadd.s32 $0x80, v16;
	v12 =	vor.u32 v33, v10;
	v10 =	vsub.f32 v22, v25;
	v16 =	vld.idx.msk [tilespmem:v59+s31+$0x0], $0xffff  }
0x219: {  	v22 =	vor.u32 v46, v41;
	v25 =	vor.u32 v38, v40;
	v40 =	vmul.f32 v54, v48;
	v46 =	vld.idx.msk [tilespmem:v59+s26+$0x0], $0xffff  }
0x21a: {  	v34 =	vmul.f32 v18, v14;
	v31 =	vmul.f32 v2, v11;
	vm2 =	veq.s32 v12, $0x0;
	v52 =	vld.idx.msk [tilespmem:v37+s26+$0x0], $0xffff  }
0x21b: {  	vm3 =	veq.s32 v25, $0x0;
	v12 =	vmul.f32 v17, v19;
	v39 =	vmul.f32 v13, v5;
	v38 =	vld.idx.msk [tilespmem:v37+s31+$0x0], $0xffff  }
0x21c: {  	v1 =	vadd.f32 v1, v3;
	v3 =	vsub.f32 v23, v26;
	v23 =	vor.u32 v42, v44;
	v42 =	vld.idx.msk [tilespmem:v61+s31+$0x0], $0xffff  }
0x21d: {  	vm0 =	veq.s32 v22, $0x0;
	v53 =	vmul.f32 v58, v57;
	v51 =	vmul.f32 v27, v21;
	v37 =	vld.idx.msk [tilespmem:v47+s31+$0x0], $0xffff  }
0x21e: {  	v36 =	vsel vm2, $0x3F800000, v0;
	v54 =	vmul.f32 v54, v56;
	v35 =	vld.idx.msk [tilespmem:v62+s26+$0x0], $0xffff;
	v50 =	vmul.f32 v45, v56  }
0x21f: {  	vm1 =	veq.s32 v23, $0x0;
	v41 =	vmul.f32 v45, v48;
	v59 =	vmul.f32 v58, v60;
	v58 =	vld.idx.msk [tilespmem:v62+s31+$0x0], $0xffff  }
0x220: {  	s18 =	simm.s32 $0x40;
	s13 =	simm.s32 $0x80;
	s16 =	simm.s32 $0x0;
	v61 =	vmul.f32 v9, v60;
	v60 =	vmul.f32 v9, v57;
	v57 =	vld.idx.msk [tilespmem:v47+s26+$0x0], $0xffff;
	v9 =	vsel vm3, $0x3F800000, v0  }
.LBB2_19:
0x221: {  	s0 =	sand.u32 $0xF00, s13;
	s1 =	sand.u32 $0x40, s18;
	v6 =	vsub.f32 v6, v8;
	v8 =	vmul.f32 v52, v49;
	v19 =	vmul.f32 v52, v19;
	v44 =	vld [tilespmem:s25+$0x1830]  }
0x222: {  	v45 =	vsel vm1, $0x3F800000, v0;
	v11 =	vmul.f32 v30, v11;
	v17 =	vmul.f32 v17, v49;
	v47 =	vld [tilespmem:s25+$0x2830];
	s25 =	sor.u32 s1, s0  }
0x223: {  	v4 =	vsub.f32 v4, v7;
	v7 =	vmul.f32 v20, v38;
	v15 =	vmul.f32 v55, v15;
	v22 =	vld [tilespmem:s25+$0x1820]  }
0x224: {  	v20 =	vsel vm0, $0x3F800000, v0;
	v48 =	vmul.f32 v30, v16;
	v32 =	vmul.f32 v55, v38;
	v23 =	vld [tilespmem:s25+$0x2820]  }
0x225: {  	v30 =	vadd.f32 v61, v53;
	v18 =	vmul.f32 v18, v42;
	v14 =	vmul.f32 v46, v14;
	v25 =	vld [tilespmem:s25+$0x1810]  }
0x226: {  	v49 =	vmul.f32 v35, v37;
	v33 =	vsub.f32 v59, v60;
	v38 =	vmul.f32 v57, v58;
	v26 =	vld [tilespmem:s25+$0x2810]  }
0x227: {  	v7 =	vsub.f32 v7, v15;
	v40 =	vsub.f32 v30, v40;
	v27 =	vmul.f32 v27, v58;
	v28 =	vld [tilespmem:s25+$0x1800]  }
0x228: {  	v21 =	vmul.f32 v57, v21;
	v15 =	vadd.f32 v38, v51;
	v38 =	vadd.f32 v32, v43;
	v30 =	vld [tilespmem:s25+$0x2800]  }
0x229: {  	v37 =	vmul.f32 v13, v37;
	v40 =	vsub.f32 v40, v50;
	v43 =	vadd.f32 v33, v54;
	v32 =	vld [tilespmem:s25+$0xF800]  }
0x22a: {  	s0 =	sadd.s32 $0x2060, s13;
	s1 =	sadd.s32 $0x1030, s18;
	v18 =	vsub.f32 v18, v14;
	v21 =	vsub.f32 v27, v21;
	v27 =	vmul.f32 v46, v42;
	v33 =	vld [tilespmem:s25+$0xF880]  }
0x22b: {  	s0 =	sand.u32 $0x2F00, s0;
	s1 =	sand.u32 $0x70, s1;
	v40 =	vmul.f32 v40, v36;
	v41 =	vsub.f32 v43, v41;
	v15 =	vsub.f32 v15, v39;
	v13 =	vld [tilespmem:s25+$0x7800]  }
0x22c: {  	s5 =	sadd.s32 $0x2040, s13;
	s6 =	sadd.s32 $0x1020, s18;
	v5 =	vmul.f32 v35, v5;
	s0 =	sor.u32 s1, s0;
	v21 =	vadd.f32 v21, v37;
	v27 =	vadd.f32 v27, v34;
	v14 =	vld [tilespmem:s25+$0x7880]  }
0x22d: {  	s1 =	sand.u32 $0x2F00, s5;
	s5 =	sand.u32 $0x60, s6;
	v24 =	vsub.f32 v24, v40;
	v36 =	vmul.f32 v41, v36;
	v15 =	vsub.f32 v15, v49;
	v34 =	vld [tilespmem:s0+$0xD800]  }
0x22e: {  	s8 =	sadd.s32 $0x1010, s18;
	v2 =	vmul.f32 v2, v16;
	s6 =	sadd.s32 $0x2020, s13;
	s1 =	sor.u32 s5, s1;
	v5 =	vsub.f32 v21, v5;
	v21 =	vsub.f32 v27, v31;
	v35 =	vld [tilespmem:s0+$0xD880]  }
0x22f: {  	s5 =	sand.u32 $0x2F00, s6;
	s6 =	sand.u32 $0x50, s8;
	v24 =	vmul.f32 v24, v24;
	v16 =	vsub.f32 v29, v36;
	v15 =	vmul.f32 v15, v20;
	v31 =	vld [tilespmem:s1+$0xD800]  }
0x230: {  	s4 =	sadd.s32 $0x30, s4;
	s5 =	sor.u32 s6, s5;
	v2 =	vadd.f32 v18, v2;
	v5 =	vmul.f32 v5, v20;
	v20 =	vsub.f32 v21, v48;
	v29 =	vld [tilespmem:s1+$0xD880]  }
0x231: {  	s4 =	sor.u32 $0x80, s4;
	v1 =	vadd.f32 v24, v1;
	v16 =	vmul.f32 v16, v16;
	v10 =	vsub.f32 v10, v15;
	v36 =	vld [tilespmem:s5+$0xD800]  }
0x232: {  	v2 =	vsub.f32 v2, v11;
	v11 =	vmul.f32 v20, v45;
	v15 =	vsub.f32 v38, v12;
	v18 =	vld [tilespmem:s4+$0x1800]  }
0x233: {  	v4 =	vsub.f32 v4, v5;
	v1 =	vadd.f32 v1, v16;
	v5 =	vmul.f32 v10, v10;
	v10 =	vld [tilespmem:s4+$0x2800]  }
0x234: {  	v7 =	vadd.f32 v7, v17;
	v2 =	vmul.f32 v2, v45;
	v8 =	vsub.f32 v15, v8;
	v12 =	vld [tilespmem:s5+$0xD880]  }
0x235: {  	v4 =	vmul.f32 v4, v4;
	v3 =	vsub.f32 v3, v11;
	v1 =	vadd.f32 v5, v1;
	v16 =	vld [tilespmem:s0+$0x5800]  }
0x236: {  	p0 =	por !p0, !p0;
	v5 =	vsub.f32 v7, v19;
	v7 =	vsub.f32 v44, v47;
	v8 =	vmul.f32 v8, v9;
	v21 =	vld [tilespmem:s0+$0x5880];
	s0 =	simm.s32 $0x1  }
0x237: {  	v2 =	vsub.f32 v6, v2;
	v3 =	vmul.f32 v3, v3;
	v1 =	vadd.f32 v1, v4;
	s0 =	simm.s32 @!p0 $0x0;
	v24 =	vld [tilespmem:s1+$0x5800]  }
0x238: {  	v5 =	vmul.f32 v5, v9;
	s0 =	sshll.u32 s0, $0x6;
	v27 =	vld [tilespmem:s1+$0x5880];
	v4 =	vsub.f32 v18, v10  }
0x239: {  	v2 =	vmul.f32 v2, v2;
	v1 =	vadd.f32 v3, v1;
	v3 =	vsub.f32 v7, v8;
	s4 =	sadd.s32 s0, s13;
	v10 =	vld [tilespmem:s5+$0x5800]  }
0x23a: {  	v6 =	vand.u32 $0xFFFFFF80, v14;
	s0 =	sor.u32 $0x80, s4;
	v37 =	vld [tilespmem:s5+$0x5880]  }
0x23b: {  	v1 =	vadd.f32 v1, v2;
	v3 =	vmul.f32 v3, v3;
	s1 =	sadd.s32 $0x20, s4;
	v2 =	vsub.f32 v4, v5;
	v9 =	vld [tilespmem:s0+$0x1800]  }
0x23c: {  	v4 =	vand.u32 $0xFFFFFF80, v13;
	v5 =	vadd.s32 v14, v6;
	v39 =	vld [tilespmem:s0+$0x2800];
	s0 =	sor.u32 $0x80, s1  }
0x23d: {  	v18 =	vadd.s32 v13, v4;
	v1 =	vadd.f32 v3, v1;
	s1 =	sadd.s32 $0x10, s4;
	v2 =	vmul.f32 v2, v2;
	v6 =	vld [tilespmem:s0+$0x1800]  }
0x23e: {  	s1 =	sor.u32 $0x80, s1;
	v8 =	vld [tilespmem:s0+$0x2800]  }
0x23f: {  	v3 =	vand.u32 $0xFFFFFF80, v21;
	v1 =	vadd.f32 v1, v2;
	v4 =	vld [tilespmem:s1+$0x1800]  }
0x240: {  	v3 =	vadd.s32 v21, v3;
	v2 =	vand.u32 $0xFFFFFF80, v16;
	v7 =	vld [tilespmem:s1+$0x2800]  }
0x241: {  	v38 =	vadd.s32 v16, v2;
	v41 =	vld.idx.msk [tilespmem:v5+s31+$0x0], $0xffff  }
0x242: {  	v44 =	vld.idx.msk [tilespmem:v18+s26+$0x0], $0xffff  }
0x243: {  	v2 =	vand.u32 $0xFFFFFF80, v27;
	v45 =	vld.idx.msk [tilespmem:v18+s31+$0x0], $0xffff  }
0x244: {  	v11 =	vand.u32 $0xFFFFFF80, v24;
	v40 =	vadd.s32 v27, v2;
	v47 =	vld.idx.msk [tilespmem:v5+s26+$0x0], $0xffff  }
0x245: {  	v42 =	vadd.s32 v24, v11;
	v19 =	vld.idx.msk [tilespmem:v3+s31+$0x0], $0xffff  }
0x246: {  	v17 =	vld.idx.msk [tilespmem:v38+s26+$0x0], $0xffff  }
0x247: {  	v2 =	vand.u32 $0xFFFFFF80, v37;
	v15 =	vld.idx.msk [tilespmem:v38+s31+$0x0], $0xffff  }
0x248: {  	v11 =	vand.u32 $0xFFFFFF80, v10;
	v43 =	vadd.s32 v37, v2;
	v20 =	vld.idx.msk [tilespmem:v3+s26+$0x0], $0xffff  }
0x249: {  	v46 =	vadd.s32 v10, v11;
	v11 =	vld.idx.msk [tilespmem:v40+s31+$0x0], $0xffff  }
0x24a: {  	v14 =	vand.u32 $0x7F, v14;
	v5 =	vand.u32 $0xFFFFFF80, v5;
	v2 =	vld.idx.msk [tilespmem:v42+s26+$0x0], $0xffff  }
0x24b: {  	v13 =	vand.u32 $0x7F, v13;
	v18 =	vand.u32 $0xFFFFFF80, v18;
	v5 =	vor.u32 v14, v5;
	v14 =	vld.idx.msk [tilespmem:v42+s31+$0x0], $0xffff  }
0x24c: {  	v13 =	vor.u32 v13, v18;
	v48 =	vadd.s32 $0x80, v5;
	v18 =	vld.idx.msk [tilespmem:v40+s26+$0x0], $0xffff  }
0x24d: {  	s16 =	sadd.s32 $0x4, s16;
	v16 =	vand.u32 $0x7F, v16;
	v49 =	vadd.s32 $0x80, v13;
	v5 =	vld.idx.msk [tilespmem:v43+s31+$0x0], $0xffff  }
0x24e: {  	p1 =	slt.u32 s16, $0x7C;
	v50 =	vand.u32 $0x7F, v21;
	v24 =	vand.u32 $0x7F, v24;
	v3 =	vand.u32 $0xFFFFFF80, v3;
	v13 =	vld.idx.msk [tilespmem:v46+s26+$0x0], $0xffff  }
0x24f: {  	v51 =	vand.u32 $0x7F, v27;
	v38 =	vand.u32 $0xFFFFFF80, v38;
	v3 =	vor.u32 v50, v3;
	v21 =	vld.idx.msk [tilespmem:v46+s31+$0x0], $0xffff  }
0x250: {  	v16 =	vor.u32 v16, v38;
	v50 =	vadd.s32 $0x80, v3;
	v40 =	vand.u32 $0xFFFFFF80, v40;
	v27 =	vld.idx.msk [tilespmem:v43+s26+$0x0], $0xffff  }
0x251: {  	v3 =	vand.u32 $0xFFFFFF80, v42;
	v38 =	vor.u32 v51, v40;
	v40 =	vadd.s32 $0x80, v16;
	v54 =	vld.idx.msk [tilespmem:v48+s31+$0x0], $0xffff  }
0x252: {  	v3 =	vor.u32 v24, v3;
	v57 =	vadd.s32 $0x80, v38;
	v56 =	vld.idx.msk [tilespmem:v49+s26+$0x0], $0xffff  }
0x253: {  	v42 =	vadd.s32 $0x80, v3;
	v60 =	vld.idx.msk [tilespmem:v49+s31+$0x0], $0xffff  }
0x254: {  	v3 =	vand.u32 $0xFFFFFF80, v43;
	v16 =	vand.u32 $0x7F, v37;
	v48 =	vld.idx.msk [tilespmem:v48+s26+$0x0], $0xffff  }
0x255: {  	v10 =	vand.u32 $0x7F, v10;
	v24 =	vand.u32 $0xFFFFFF80, v46;
	v3 =	vor.u32 v16, v3;
	v49 =	vld.idx.msk [tilespmem:v50+s31+$0x0], $0xffff  }
0x256: {  	v10 =	vor.u32 v10, v24;
	v62 =	vadd.s32 $0x80, v3;
	v52 =	vld.idx.msk [tilespmem:v40+s26+$0x0], $0xffff  }
0x257: {  	v58 =	vadd.s32 $0x80, v10;
	v3 =	vsub.f32 v22, v23;
	v16 =	vld.idx.msk [tilespmem:v57+s31+$0x0], $0xffff  }
0x258: {  	v24 =	vsub.f32 v28, v30;
	v10 =	vsub.f32 v25, v26;
	v22 =	vor.u32 v32, v33;
	v30 =	vld.idx.msk [tilespmem:v42+s26+$0x0], $0xffff  }
0x259: {  	v25 =	vor.u32 v31, v29;
	v23 =	vor.u32 v36, v12;
	v12 =	vor.u32 v34, v35;
	v38 =	vld.idx.msk [tilespmem:v40+s31+$0x0], $0xffff  }
0x25a: {  	v53 =	vmul.f32 v47, v45;
	vm2 =	veq.s32 v22, $0x0;
	v40 =	vmul.f32 v44, v41;
	v55 =	vld.idx.msk [tilespmem:v50+s26+$0x0], $0xffff  }
0x25b: {  	vm3 =	veq.s32 v12, $0x0;
	v43 =	vmul.f32 v20, v15;
	v12 =	vmul.f32 v17, v19;
	v37 =	vld.idx.msk [tilespmem:v62+s31+$0x0], $0xffff  }
.Ltmp8:
0x25c: {  	vm1 =	veq.s32 v25, $0x0;
	v31 =	vmul.f32 v2, v11;
	v34 =	vmul.f32 v18, v14;
	v35 =	vld.idx.msk [tilespmem:v58+s26+$0x0], $0xffff;
	(pc) =	sbr.rel @p1 .LBB2_19-.Ltmp8, $4  }
0x25d: {  	v29 =	vsub.f32 v9, v39;
	v39 =	vmul.f32 v13, v5;
	v51 =	vmul.f32 v27, v21;
	v42 =	vld.idx.msk [tilespmem:v42+s31+$0x0], $0xffff  }
0x25e: {  	vm0 =	veq.s32 v23, $0x0;
	v41 =	vmul.f32 v56, v41;
	v50 =	vmul.f32 v56, v54;
	v46 =	vld.idx.msk [tilespmem:v57+s26+$0x0], $0xffff  }
0x25f: {  	v36 =	vsel vm2, $0x3F800000, v0;
	v59 =	vmul.f32 v47, v60;
	v54 =	vmul.f32 v44, v54;
	v58 =	vld.idx.msk [tilespmem:v58+s31+$0x0], $0xffff  }
0x260: {  	s18 =	sadd.s32 $0x40, s18;
	s13 =	sadd.s32 $0x80, s13;
	v9 =	vsel vm3, $0x3F800000, v0;
	v61 =	vmul.f32 v48, v60;
	v60 =	vmul.f32 v48, v45;
	v57 =	vld.idx.msk [tilespmem:v62+s26+$0x0], $0xffff  }
0x261: {  	v47 =	vld [tilespmem:s25+$0x1830];
	s0 =	sadd.s32 $0x30, s4  }
0x262: {  	v48 =	vld [tilespmem:s25+$0x2830];
	s0 =	sor.u32 $0x80, s0  }
0x263: {  	v44 =	vld [tilespmem:s0+$0x1800]  }
0x264: {  	v45 =	vld [tilespmem:s0+$0x2800];
	_ =	swait.ge [sflag:s7], $0x1000  }
0x265: {  	[sflag:s7] =	ssyncset.done $0x0  }
0x266: {  	[sflag:s7] =	ssyncadd.s32 $0xFFFFF000  }
0x267: {  	_ =	swait.ge [sflag:s9], $0x1000  }
0x268: {  	s18 =	sor.u32 $0x800, s24;
	[sflag:s9] =	ssyncset.done $0x0  }
0x269: {  	s25 =	simm.s32 $0x0;
	s1 =	sadd.s32 s2, s18;
	[sflag:s9] =	ssyncadd.s32 $0xFFFFF000  }
0x26a: {  	[tilespmem:s19], [sflag:$0x1] =	stream.linear.gather [hbm4b:s1+s25], $0x1000, $0x38;
	[tilespmem:$0x15900] =	vst v63  }
0x26b: {  	s4 =	sand.u32 $0x40, s25;
	s0 =	sadd.s32 s3, s18;
	s1 =	sand.u32 $0xF00, s25  }
0x26c: {  	[tilespmem:s21], [sflag:$0x2] =	stream.linear.gather [hbm4b:s0+s25], $0x1000, $0x38;
	[tilespmem:$0x15900] =	vst v63  }
0x26d: {  	s25 =	sor.u32 s4, s1  }
0x26e: {  	v23 =	vld [tilespmem:s25+$0x3820]  }
0x26f: {  	v26 =	vld [tilespmem:s25+$0x4820]  }
0x270: {  	v22 =	vld [tilespmem:s25+$0x3810]  }
0x271: {  	v25 =	vld [tilespmem:s25+$0x4810]  }
0x272: {  	v28 =	vld [tilespmem:s25+$0x3800]  }
0x273: {  	v62 =	vmul.f32 v52, v19;
	v32 =	vld [tilespmem:s25+$0x4800]  }
0x274: {  	v56 =	vsub.f32 v6, v8;
	v52 =	vmul.f32 v52, v49;
	v49 =	vmul.f32 v17, v49;
	v33 =	vld [tilespmem:s25+$0x10800]  }
0x275: {  	s5 =	simm.s32 $0x3060;
	s6 =	simm.s32 $0x1830;
	v0 =	vimm.f32 $0.0e+00;
	v63 =	vsub.f32 v4, v7;
	v4 =	vmul.f32 v20, v38;
	v8 =	vld [tilespmem:s25+$0x10880]  }
0x276: {  	v6 =	vmul.f32 v55, v15;
	v7 =	vadd.f32 v61, v53;
	v61 =	vmul.f32 v57, v58;
	s0 =	sand.u32 $0x3F00, s5;
	s1 =	sand.u32 $0x70, s6;
	v17 =	vld [tilespmem:s25+$0x8800]  }
0x277: {  	v15 =	vmul.f32 v55, v38;
	v5 =	vmul.f32 v35, v5;
	v20 =	vsub.f32 v59, v60;
	v19 =	vld [tilespmem:s25+$0x8880];
	s0 =	sor.u32 s1, s0  }
0x278: {  	v11 =	vmul.f32 v30, v11;
	v59 =	vsub.f32 v4, v6;
	v4 =	vadd.f32 v61, v51;
	v38 =	vld [tilespmem:s0+$0xD800]  }
0x279: {  	s8 =	simm.s32 $0x3040;
	v18 =	vmul.f32 v18, v42;
	v15 =	vadd.f32 v15, v43;
	v7 =	vsub.f32 v7, v40;
	s5 =	simm.s32 $0x1820;
	v40 =	vld [tilespmem:s0+$0xD880]  }
0x27a: {  	s13 =	sand.u32 $0x3F00, s8;
	v14 =	vmul.f32 v46, v14;
	v27 =	vmul.f32 v27, v58;
	v4 =	vsub.f32 v4, v39;
	s16 =	sand.u32 $0x60, s5;
	v39 =	vld [tilespmem:s0+$0x5800]  }
0x27b: {  	s18 =	simm.s32 $0x3020;
	v6 =	vmul.f32 v57, v21;
	v7 =	vsub.f32 v7, v50;
	v50 =	vmul.f32 v35, v37;
	s6 =	simm.s32 $0x1810;
	s1 =	sor.u32 s16, s13;
	v35 =	vld [tilespmem:s0+$0x5880]  }
0x27c: {  	v2 =	vmul.f32 v2, v16;
	v20 =	vadd.f32 v20, v54;
	v14 =	vsub.f32 v18, v14;
	s5 =	sand.u32 $0x3F00, s18;
	s8 =	sand.u32 $0x50, s6;
	v21 =	vld [tilespmem:s1+$0xD800]  }
0x27d: {  	v12 =	vsub.f32 v15, v12;
	v61 =	vmul.f32 v13, v37;
	v6 =	vsub.f32 v27, v6;
	s5 =	sor.u32 s8, s5;
	v43 =	vld [tilespmem:s1+$0xD880]  }
0x27e: {  	v18 =	vsub.f32 v20, v41;
	v27 =	vmul.f32 v46, v42;
	v7 =	vmul.f32 v7, v36;
	v13 =	vld [tilespmem:s5+$0xD800]  }
0x27f: {  	p0 =	por $0x0, $0x0;
	v53 =	vmul.f32 v30, v16;
	v2 =	vadd.f32 v14, v2;
	v6 =	vadd.f32 v6, v61;
	s0 =	simm.s32 $0x1;
	v41 =	vld [tilespmem:s5+$0xD880]  }
0x280: {  	v20 =	vsel vm1, $0x3F800000, v0;
	v27 =	vadd.f32 v27, v34;
	v7 =	vsub.f32 v24, v7;
	s0 =	simm.s32 @!p0 $0x0;
	v24 =	vld [tilespmem:s1+$0x5800]  }
0x281: {  	v12 =	vsub.f32 v12, v52;
	v18 =	vmul.f32 v18, v36;
	v2 =	vsub.f32 v2, v11;
	v36 =	vld [tilespmem:s1+$0x5880];
	s0 =	sshll.u32 s0, $0x6  }
0x282: {  	v51 =	vsel vm0, $0x3F800000, v0;
	v5 =	vsub.f32 v6, v5;
	v6 =	vsub.f32 v27, v31;
	v27 =	vld [tilespmem:s5+$0x5800];
	s4 =	sadd.s32 $0x0, s0  }
0x283: {  	v16 =	vsub.f32 v29, v18;
	v4 =	vsub.f32 v4, v50;
	v2 =	vmul.f32 v2, v20;
	v42 =	vld [tilespmem:s5+$0x5880];
	s0 =	sor.u32 $0x80, s4  }
0x284: {  	v7 =	vmul.f32 v7, v7;
	v18 =	vmul.f32 v5, v51;
	v5 =	vand.u32 $0xFFFFFF80, v19;
	s13 =	sadd.s32 $0x20, s4;
	v30 =	vld [tilespmem:s0+$0x3800]  }
0x285: {  	v4 =	vmul.f32 v4, v51;
	v14 =	vand.u32 $0xFFFFFF80, v17;
	v29 =	vadd.s32 v19, v5;
	v31 =	vld [tilespmem:s0+$0x4800];
	s16 =	sor.u32 $0x80, s13  }
0x286: {  	v6 =	vsub.f32 v6, v53;
	v2 =	vsub.f32 v56, v2;
	s18 =	sadd.s32 $0x10, s4;
	v54 =	vadd.s32 v17, v14;
	v5 =	vld [tilespmem:s16+$0x3800]  }
0x287: {  	v12 =	vmul.f32 v12, v9;
	v1 =	vadd.f32 v7, v1;
	v10 =	vsub.f32 v10, v4;
	s1 =	sor.u32 $0x80, s18;
	v7 =	vld [tilespmem:s16+$0x4800]  }
0x288: {  	v11 =	vmul.f32 v6, v20;
	v14 =	vmul.f32 v16, v16;
	v15 =	vand.u32 $0xFFFFFF80, v35;
	v4 =	vld [tilespmem:s1+$0x3800]  }
0x289: {  	v20 =	vsub.f32 v47, v48;
	v10 =	vmul.f32 v10, v10;
	v6 =	vld [tilespmem:s1+$0x4800];
	v37 =	vadd.s32 v35, v15  }
0x28a: {  	v15 =	vsub.f32 v63, v18;
	v1 =	vadd.f32 v1, v14;
	v14 =	vand.u32 $0xFFFFFF80, v39;
	v50 =	vld.idx.msk [tilespmem:v29+s31+$0x0], $0xffff  }
0x28b: {  	v3 =	vsub.f32 v3, v11;
	v60 =	vadd.s32 v39, v14;
	v14 =	vadd.f32 v59, v49;
	v51 =	vld.idx.msk [tilespmem:v54+s26+$0x0], $0xffff  }
0x28c: {  	v1 =	vadd.f32 v10, v1;
	v10 =	vmul.f32 v15, v15;
	v15 =	vand.u32 $0xFFFFFF80, v36;
	v58 =	vld.idx.msk [tilespmem:v54+s31+$0x0], $0xffff  }
0x28d: {  	v11 =	vand.u32 $0xFFFFFF80, v24;
	v57 =	vld.idx.msk [tilespmem:v29+s26+$0x0], $0xffff;
	v61 =	vadd.s32 v36, v15;
	v18 =	vsub.f32 v14, v62  }
0x28e: {  	v19 =	vand.u32 $0x7F, v19;
	v3 =	vmul.f32 v3, v3;
	v62 =	vadd.s32 v24, v11;
	v16 =	vld.idx.msk [tilespmem:v37+s31+$0x0], $0xffff  }
0x28f: {  	v55 =	vand.u32 $0x7F, v24;
	v35 =	vand.u32 $0x7F, v35;
	v63 =	vmul.f32 v18, v9;
	v18 =	vld.idx.msk [tilespmem:v37+s26+$0x0], $0xffff  }
0x290: {  	v11 =	vand.u32 $0xFFFFFF80, v42;
	v24 =	vand.u32 $0xFFFFFF80, v37;
	v1 =	vadd.f32 v1, v10;
	v15 =	vld.idx.msk [tilespmem:v60+s26+$0x0], $0xffff  }
0x291: {  	v59 =	vand.u32 $0xFFFFFF80, v60;
	v52 =	vadd.s32 v42, v11;
	v35 =	vor.u32 v35, v24;
	v14 =	vld.idx.msk [tilespmem:v60+s31+$0x0], $0xffff  }
0x292: {  	v9 =	vand.u32 $0xFFFFFF80, v27;
	v35 =	vadd.s32 $0x80, v35;
	v1 =	vadd.f32 v3, v1;
	v11 =	vld.idx.msk [tilespmem:v61+s31+$0x0], $0xffff  }
0x293: {  	v3 =	vmul.f32 v2, v2;
	v53 =	vadd.s32 v27, v9;
	v9 =	vsub.f32 v20, v12;
	v2 =	vld.idx.msk [tilespmem:v62+s26+$0x0], $0xffff  }
0x294: {  	v12 =	vand.u32 $0xFFFFFF80, v29;
	v20 =	vand.u32 $0xFFFFFF80, v54;
	v29 =	vand.u32 $0x7F, v17;
	v17 =	vld.idx.msk [tilespmem:v62+s31+$0x0], $0xffff  }
0x295: {  	v12 =	vor.u32 v19, v12;
	v1 =	vadd.f32 v1, v3;
	v3 =	vor.u32 v29, v20;
	v20 =	vld.idx.msk [tilespmem:v61+s26+$0x0], $0xffff  }
0x296: {  	v19 =	vadd.s32 $0x80, v12;
	v54 =	vmul.f32 v9, v9;
	v29 =	vand.u32 $0x7F, v39;
	v9 =	vld.idx.msk [tilespmem:v52+s31+$0x0], $0xffff  }
0x297: {  	v37 =	vor.u32 v29, v59;
	v29 =	vld.idx.msk [tilespmem:v52+s26+$0x0], $0xffff  }
0x298: {  	v56 =	vld.idx.msk [tilespmem:v35+s26+$0x0], $0xffff  }
0x299: {  	v36 =	vand.u32 $0x7F, v36;
	v60 =	vand.u32 $0xFFFFFF80, v61;
	v3 =	vadd.s32 $0x80, v3;
	v12 =	vld.idx.msk [tilespmem:v53+s26+$0x0], $0xffff  }
0x29a: {  	v8 =	vor.u32 v33, v8;
	v10 =	vsub.f32 v44, v45;
	v36 =	vor.u32 v36, v60;
	v24 =	vld.idx.msk [tilespmem:v53+s31+$0x0], $0xffff  }
0x29b: {  	vm2 =	veq.s32 v8, $0x0;
	v61 =	vand.u32 $0xFFFFFF80, v62;
	v36 =	vadd.s32 $0x80, v36;
	v59 =	vld.idx.msk [tilespmem:v19+s31+$0x0], $0xffff  }
0x29c: {  	v10 =	vsub.f32 v10, v63;
	v39 =	vor.u32 v55, v61;
	v37 =	vadd.s32 $0x80, v37;
	v63 =	vld.idx.msk [tilespmem:v19+s26+$0x0], $0xffff  }
0x29d: {  	v21 =	vor.u32 v21, v43;
	v39 =	vadd.s32 $0x80, v39;
	v19 =	vand.u32 $0x7F, v42;
	v42 =	vld.idx.msk [tilespmem:v35+s31+$0x0], $0xffff  }
0x29e: {  	vm1 =	veq.s32 v21, $0x0;
	v27 =	vand.u32 $0x7F, v27;
	v62 =	vand.u32 $0xFFFFFF80, v53;
	v47 =	vld.idx.msk [tilespmem:v3+s26+$0x0], $0xffff  }
0x29f: {  	v46 =	vmul.f32 v51, v50;
	v61 =	vld.idx.msk [tilespmem:v3+s31+$0x0], $0xffff;
	v3 =	vmul.f32 v10, v10;
	v10 =	vand.u32 $0xFFFFFF80, v52  }
0x2a0: {  	v1 =	vadd.f32 v54, v1;
	v54 =	vmul.f32 v57, v58;
	v49 =	vld.idx.msk [tilespmem:v36+s26+$0x0], $0xffff;
	v10 =	vor.u32 v19, v10  }
0x2a1: {  	v44 =	vmul.f32 v18, v14;
	v19 =	vor.u32 v27, v62;
	v52 =	vld.idx.msk [tilespmem:v37+s26+$0x0], $0xffff;
	v48 =	vadd.s32 $0x80, v10  }
0x2a2: {  	v35 =	vmul.f32 v20, v17;
	v27 =	vsub.f32 v28, v32;
	v45 =	vld.idx.msk [tilespmem:v39+s31+$0x0], $0xffff;
	v62 =	vadd.s32 $0x80, v19  }
0x2a3: {  	v33 =	vmul.f32 v2, v11;
	v32 =	vsub.f32 v30, v31;
	v1 =	vadd.f32 v1, v3;
	v19 =	vld.idx.msk [tilespmem:v36+s31+$0x0], $0xffff  }
0x2a4: {  	v3 =	vsub.f32 v23, v26;
	v10 =	vsub.f32 v22, v25;
	v25 =	vld.idx.msk [tilespmem:v39+s26+$0x0], $0xffff;
	v22 =	vor.u32 v13, v41  }
0x2a5: {  	v13 =	vor.u32 v38, v40;
	v40 =	vld.idx.msk [tilespmem:v37+s31+$0x0], $0xffff;
	v55 =	vmul.f32 v29, v24;
	v41 =	vmul.f32 v12, v9  }
0x2a6: {  	v37 =	vsel vm2, $0x3F800000, v0;
	vm3 =	veq.s32 v13, $0x0;
	v13 =	vmul.f32 v15, v16;
	v38 =	vld.idx.msk [tilespmem:v48+s31+$0x0], $0xffff  }
0x2a7: {  	v23 =	vimm.f32 $0.0e+00;
	v53 =	vmul.f32 v47, v59;
	v43 =	vmul.f32 v47, v50;
	v34 =	vld.idx.msk [tilespmem:v62+s26+$0x0], $0xffff  }
0x2a8: {  	vm0 =	veq.s32 v22, $0x0;
	v60 =	vmul.f32 v57, v61;
	v57 =	vmul.f32 v51, v59;
	v59 =	vld.idx.msk [tilespmem:v62+s31+$0x0], $0xffff  }
0x2a9: {  	s18 =	simm.s32 $0x40;
	s13 =	simm.s32 $0x80;
	s16 =	simm.s32 $0x0;
	v8 =	vsel vm3, $0x3F800000, v23;
	v62 =	vmul.f32 v63, v61;
	v61 =	vmul.f32 v63, v58;
	v58 =	vld.idx.msk [tilespmem:v48+s26+$0x0], $0xffff  }
.LBB2_21:
0x2aa: {  	s0 =	sand.u32 $0xF00, s13;
	s1 =	sand.u32 $0x40, s18;
	v5 =	vsub.f32 v5, v7;
	v7 =	vmul.f32 v52, v42;
	v16 =	vmul.f32 v52, v16;
	v39 =	vld [tilespmem:s25+$0x3830]  }
0x2ab: {  	v47 =	vsel vm1, $0x3F800000, v23;
	v11 =	vmul.f32 v25, v11;
	v15 =	vmul.f32 v15, v42;
	v42 =	vld [tilespmem:s25+$0x4830];
	s25 =	sor.u32 s1, s0  }
0x2ac: {  	v4 =	vsub.f32 v4, v6;
	v6 =	vmul.f32 v18, v40;
	v14 =	vmul.f32 v56, v14;
	v21 =	vld [tilespmem:s25+$0x3820]  }
0x2ad: {  	v18 =	vsel vm0, $0x3F800000, v23;
	v36 =	vmul.f32 v25, v19;
	v30 =	vmul.f32 v56, v40;
	v22 =	vld [tilespmem:s25+$0x4820]  }
0x2ae: {  	v28 =	vadd.f32 v62, v54;
	v20 =	vmul.f32 v20, v45;
	v17 =	vmul.f32 v49, v17;
	v23 =	vld [tilespmem:s25+$0x3810]  }
0x2af: {  	v48 =	vmul.f32 v34, v38;
	v31 =	vsub.f32 v60, v61;
	v40 =	vmul.f32 v58, v59;
	v25 =	vld [tilespmem:s25+$0x4810]  }
0x2b0: {  	v6 =	vsub.f32 v6, v14;
	v46 =	vsub.f32 v28, v46;
	v29 =	vmul.f32 v29, v59;
	v26 =	vld [tilespmem:s25+$0x3800]  }
0x2b1: {  	v24 =	vmul.f32 v58, v24;
	v14 =	vadd.f32 v40, v55;
	v40 =	vadd.f32 v30, v44;
	v28 =	vld [tilespmem:s25+$0x4800]  }
0x2b2: {  	v38 =	vmul.f32 v12, v38;
	v44 =	vsub.f32 v46, v53;
	v46 =	vadd.f32 v31, v57;
	v30 =	vld [tilespmem:s25+$0x10800]  }
0x2b3: {  	s0 =	sadd.s32 $0x3060, s13;
	s1 =	sadd.s32 $0x1830, s18;
	v20 =	vsub.f32 v20, v17;
	v24 =	vsub.f32 v29, v24;
	v29 =	vmul.f32 v49, v45;
	v31 =	vld [tilespmem:s25+$0x10880]  }
0x2b4: {  	s0 =	sand.u32 $0x3F00, s0;
	s1 =	sand.u32 $0x70, s1;
	v43 =	vsub.f32 v46, v43;
	v44 =	vmul.f32 v44, v37;
	v14 =	vsub.f32 v14, v41;
	v12 =	vld [tilespmem:s25+$0x8800]  }
0x2b5: {  	s5 =	sadd.s32 $0x3040, s13;
	s6 =	sadd.s32 $0x1820, s18;
	v9 =	vmul.f32 v34, v9;
	s0 =	sor.u32 s1, s0;
	v24 =	vadd.f32 v24, v38;
	v29 =	vadd.f32 v29, v35;
	v17 =	vld [tilespmem:s25+$0x8880]  }
0x2b6: {  	s1 =	sand.u32 $0x3F00, s5;
	s5 =	sand.u32 $0x60, s6;
	v27 =	vsub.f32 v27, v44;
	v37 =	vmul.f32 v43, v37;
	v14 =	vsub.f32 v14, v48;
	v34 =	vld [tilespmem:s0+$0xD800]  }
0x2b7: {  	s8 =	sadd.s32 $0x1810, s18;
	v2 =	vmul.f32 v2, v19;
	s6 =	sadd.s32 $0x3020, s13;
	s1 =	sor.u32 s5, s1;
	v9 =	vsub.f32 v24, v9;
	v24 =	vsub.f32 v29, v33;
	v35 =	vld [tilespmem:s0+$0xD880]  }
0x2b8: {  	s5 =	sand.u32 $0x3F00, s6;
	s6 =	sand.u32 $0x50, s8;
	v19 =	vsub.f32 v32, v37;
	v27 =	vmul.f32 v27, v27;
	v14 =	vmul.f32 v14, v18;
	v33 =	vld [tilespmem:s1+$0xD800]  }
0x2b9: {  	s4 =	sadd.s32 $0x30, s4;
	s5 =	sor.u32 s6, s5;
	v2 =	vadd.f32 v20, v2;
	v9 =	vmul.f32 v9, v18;
	v18 =	vsub.f32 v24, v36;
	v32 =	vld [tilespmem:s1+$0xD880]  }
0x2ba: {  	s4 =	sor.u32 $0x80, s4;
	v1 =	vadd.f32 v27, v1;
	v19 =	vmul.f32 v19, v19;
	v10 =	vsub.f32 v10, v14;
	v36 =	vld [tilespmem:s5+$0xD800]  }
0x2bb: {  	v2 =	vsub.f32 v2, v11;
	v11 =	vmul.f32 v18, v47;
	v14 =	vsub.f32 v40, v13;
	v18 =	vld [tilespmem:s4+$0x3800]  }
0x2bc: {  	v4 =	vsub.f32 v4, v9;
	v1 =	vadd.f32 v1, v19;
	v9 =	vmul.f32 v10, v10;
	v10 =	vld [tilespmem:s4+$0x4800]  }
0x2bd: {  	v6 =	vadd.f32 v6, v15;
	v2 =	vmul.f32 v2, v47;
	v7 =	vsub.f32 v14, v7;
	v13 =	vld [tilespmem:s5+$0xD880]  }
0x2be: {  	v4 =	vmul.f32 v4, v4;
	v3 =	vsub.f32 v3, v11;
	v1 =	vadd.f32 v9, v1;
	v19 =	vld [tilespmem:s0+$0x5800]  }
0x2bf: {  	p0 =	por !p0, !p0;
	v6 =	vsub.f32 v6, v16;
	v9 =	vsub.f32 v39, v42;
	v7 =	vmul.f32 v7, v8;
	v24 =	vld [tilespmem:s0+$0x5880];
	s0 =	simm.s32 $0x1  }
0x2c0: {  	v2 =	vsub.f32 v5, v2;
	v3 =	vmul.f32 v3, v3;
	v1 =	vadd.f32 v1, v4;
	s0 =	simm.s32 @!p0 $0x0;
	v27 =	vld [tilespmem:s1+$0x5800]  }
0x2c1: {  	v5 =	vmul.f32 v6, v8;
	s0 =	sshll.u32 s0, $0x6;
	v29 =	vld [tilespmem:s1+$0x5880];
	v4 =	vsub.f32 v18, v10  }
0x2c2: {  	v2 =	vmul.f32 v2, v2;
	v1 =	vadd.f32 v3, v1;
	v3 =	vsub.f32 v9, v7;
	s4 =	sadd.s32 s0, s13;
	v10 =	vld [tilespmem:s5+$0x5800]  }
0x2c3: {  	v6 =	vand.u32 $0xFFFFFF80, v17;
	s0 =	sor.u32 $0x80, s4;
	v38 =	vld [tilespmem:s5+$0x5880]  }
0x2c4: {  	v1 =	vadd.f32 v1, v2;
	v3 =	vmul.f32 v3, v3;
	s1 =	sadd.s32 $0x20, s4;
	v2 =	vsub.f32 v4, v5;
	v8 =	vld [tilespmem:s0+$0x3800]  }
0x2c5: {  	v9 =	vadd.s32 v17, v6;
	v4 =	vand.u32 $0xFFFFFF80, v12;
	v37 =	vld [tilespmem:s0+$0x4800];
	s0 =	sor.u32 $0x80, s1  }
0x2c6: {  	v20 =	vadd.s32 v12, v4;
	v1 =	vadd.f32 v3, v1;
	s1 =	sadd.s32 $0x10, s4;
	v2 =	vmul.f32 v2, v2;
	v5 =	vld [tilespmem:s0+$0x3800]  }
0x2c7: {  	s1 =	sor.u32 $0x80, s1;
	v7 =	vld [tilespmem:s0+$0x4800]  }
0x2c8: {  	v3 =	vand.u32 $0xFFFFFF80, v24;
	v1 =	vadd.f32 v1, v2;
	v4 =	vld [tilespmem:s1+$0x3800]  }
0x2c9: {  	v3 =	vadd.s32 v24, v3;
	v2 =	vand.u32 $0xFFFFFF80, v19;
	v6 =	vld [tilespmem:s1+$0x4800]  }
0x2ca: {  	v40 =	vadd.s32 v19, v2;
	v39 =	vld.idx.msk [tilespmem:v9+s31+$0x0], $0xffff  }
0x2cb: {  	v47 =	vld.idx.msk [tilespmem:v20+s26+$0x0], $0xffff  }
0x2cc: {  	v2 =	vand.u32 $0xFFFFFF80, v29;
	v48 =	vld.idx.msk [tilespmem:v20+s31+$0x0], $0xffff  }
0x2cd: {  	v11 =	vand.u32 $0xFFFFFF80, v27;
	v41 =	vadd.s32 v29, v2;
	v50 =	vld.idx.msk [tilespmem:v9+s26+$0x0], $0xffff  }
0x2ce: {  	v42 =	vadd.s32 v27, v11;
	v16 =	vld.idx.msk [tilespmem:v3+s31+$0x0], $0xffff  }
0x2cf: {  	v15 =	vld.idx.msk [tilespmem:v40+s26+$0x0], $0xffff  }
0x2d0: {  	v2 =	vand.u32 $0xFFFFFF80, v38;
	v14 =	vld.idx.msk [tilespmem:v40+s31+$0x0], $0xffff  }
0x2d1: {  	v11 =	vand.u32 $0xFFFFFF80, v10;
	v43 =	vadd.s32 v38, v2;
	v18 =	vld.idx.msk [tilespmem:v3+s26+$0x0], $0xffff  }
0x2d2: {  	v44 =	vadd.s32 v10, v11;
	v11 =	vld.idx.msk [tilespmem:v41+s31+$0x0], $0xffff  }
0x2d3: {  	v17 =	vand.u32 $0x7F, v17;
	v9 =	vand.u32 $0xFFFFFF80, v9;
	v2 =	vld.idx.msk [tilespmem:v42+s26+$0x0], $0xffff  }
0x2d4: {  	v12 =	vand.u32 $0x7F, v12;
	v20 =	vand.u32 $0xFFFFFF80, v20;
	v9 =	vor.u32 v17, v9;
	v17 =	vld.idx.msk [tilespmem:v42+s31+$0x0], $0xffff  }
0x2d5: {  	v12 =	vor.u32 v12, v20;
	v45 =	vadd.s32 $0x80, v9;
	v20 =	vld.idx.msk [tilespmem:v41+s26+$0x0], $0xffff  }
0x2d6: {  	s16 =	sadd.s32 $0x4, s16;
	v19 =	vand.u32 $0x7F, v19;
	v46 =	vadd.s32 $0x80, v12;
	v9 =	vld.idx.msk [tilespmem:v43+s31+$0x0], $0xffff  }
0x2d7: {  	p1 =	slt.u32 s16, $0x7C;
	v49 =	vand.u32 $0x7F, v24;
	v27 =	vand.u32 $0x7F, v27;
	v3 =	vand.u32 $0xFFFFFF80, v3;
	v12 =	vld.idx.msk [tilespmem:v44+s26+$0x0], $0xffff  }
0x2d8: {  	v51 =	vand.u32 $0x7F, v29;
	v40 =	vand.u32 $0xFFFFFF80, v40;
	v3 =	vor.u32 v49, v3;
	v24 =	vld.idx.msk [tilespmem:v44+s31+$0x0], $0xffff  }
0x2d9: {  	v19 =	vor.u32 v19, v40;
	v49 =	vadd.s32 $0x80, v3;
	v41 =	vand.u32 $0xFFFFFF80, v41;
	v29 =	vld.idx.msk [tilespmem:v43+s26+$0x0], $0xffff  }
0x2da: {  	v3 =	vand.u32 $0xFFFFFF80, v42;
	v40 =	vor.u32 v51, v41;
	v41 =	vadd.s32 $0x80, v19;
	v57 =	vld.idx.msk [tilespmem:v45+s31+$0x0], $0xffff  }
0x2db: {  	v3 =	vor.u32 v27, v3;
	v58 =	vadd.s32 $0x80, v40;
	v51 =	vld.idx.msk [tilespmem:v46+s26+$0x0], $0xffff  }
0x2dc: {  	v53 =	vadd.s32 $0x80, v3;
	v61 =	vld.idx.msk [tilespmem:v46+s31+$0x0], $0xffff  }
0x2dd: {  	v60 =	vimm.f32 $0.0e+00;
	v3 =	vand.u32 $0xFFFFFF80, v43;
	v19 =	vand.u32 $0x7F, v38;
	v63 =	vld.idx.msk [tilespmem:v45+s26+$0x0], $0xffff  }
0x2de: {  	v10 =	vand.u32 $0x7F, v10;
	v27 =	vand.u32 $0xFFFFFF80, v44;
	v3 =	vor.u32 v19, v3;
	v42 =	vld.idx.msk [tilespmem:v49+s31+$0x0], $0xffff  }
0x2df: {  	v10 =	vor.u32 v10, v27;
	v0 =	vadd.s32 $0x80, v3;
	v52 =	vld.idx.msk [tilespmem:v41+s26+$0x0], $0xffff  }
0x2e0: {  	v54 =	vmul.f32 v50, v48;
	v59 =	vadd.s32 $0x80, v10;
	v3 =	vsub.f32 v21, v22;
	v19 =	vld.idx.msk [tilespmem:v58+s31+$0x0], $0xffff  }
0x2e1: {  	v27 =	vsub.f32 v26, v28;
	v10 =	vsub.f32 v23, v25;
	v21 =	vor.u32 v30, v31;
	v25 =	vld.idx.msk [tilespmem:v53+s26+$0x0], $0xffff  }
0x2e2: {  	v23 =	vor.u32 v33, v32;
	v22 =	vor.u32 v36, v13;
	v13 =	vor.u32 v34, v35;
	v40 =	vld.idx.msk [tilespmem:v41+s31+$0x0], $0xffff  }
0x2e3: {  	v32 =	vsub.f32 v8, v37;
	vm2 =	veq.s32 v21, $0x0;
	v46 =	vmul.f32 v47, v39;
	v56 =	vld.idx.msk [tilespmem:v49+s26+$0x0], $0xffff  }
0x2e4: {  	v44 =	vmul.f32 v18, v14;
	vm3 =	veq.s32 v13, $0x0;
	v13 =	vmul.f32 v15, v16;
	v38 =	vld.idx.msk [tilespmem:v0+s31+$0x0], $0xffff  }
.Ltmp9:
0x2e5: {  	vm1 =	veq.s32 v23, $0x0;
	v33 =	vmul.f32 v2, v11;
	v35 =	vmul.f32 v20, v17;
	v34 =	vld.idx.msk [tilespmem:v59+s26+$0x0], $0xffff;
	(pc) =	sbr.rel @p1 .LBB2_21-.Ltmp9, $4  }
0x2e6: {  	v23 =	vimm.f32 $0.0e+00;
	v55 =	vmul.f32 v29, v24;
	v41 =	vmul.f32 v12, v9;
	v45 =	vld.idx.msk [tilespmem:v53+s31+$0x0], $0xffff  }
0x2e7: {  	vm0 =	veq.s32 v22, $0x0;
	v43 =	vmul.f32 v51, v39;
	v53 =	vmul.f32 v51, v57;
	v49 =	vld.idx.msk [tilespmem:v58+s26+$0x0], $0xffff  }
0x2e8: {  	v37 =	vsel vm2, $0x3F800000, v60;
	v60 =	vmul.f32 v50, v61;
	v57 =	vmul.f32 v47, v57;
	v59 =	vld.idx.msk [tilespmem:v59+s31+$0x0], $0xffff  }
0x2e9: {  	s18 =	sadd.s32 $0x40, s18;
	s13 =	sadd.s32 $0x80, s13;
	v8 =	vsel vm3, $0x3F800000, v23;
	v62 =	vmul.f32 v63, v61;
	v61 =	vmul.f32 v63, v48;
	v58 =	vld.idx.msk [tilespmem:v0+s26+$0x0], $0xffff  }
0x2ea: {  	v50 =	vld [tilespmem:s25+$0x3830];
	s0 =	sadd.s32 $0x30, s4  }
0x2eb: {  	v51 =	vld [tilespmem:s25+$0x4830];
	s0 =	sor.u32 $0x80, s0  }
0x2ec: {  	v47 =	vld [tilespmem:s0+$0x3800]  }
0x2ed: {  	v48 =	vld [tilespmem:s0+$0x4800];
	_ =	swait.ge [sflag:s22], $0x1000  }
0x2ee: {  	[sflag:s22] =	ssyncset.done $0x0  }
0x2ef: {  	[sflag:s22] =	ssyncadd.s32 $0xFFFFF000  }
0x2f0: {  	s4 =	sor.u32 $0xA00, s24;
	_ =	swait.ge [sflag:s28], $0x1000  }
0x2f1: {  	s5 =	simm.s32 $0x0;
	s1 =	sadd.s32 s2, s4;
	[sflag:s28] =	ssyncset.done $0x0  }
0x2f2: {  	s6 =	sand.u32 $0xF00, s5;
	s8 =	sand.u32 $0x40, s5;
	[sflag:s28] =	ssyncadd.s32 $0xFFFFF000  }
0x2f3: {  	[tilespmem:s29], [sflag:$0x3] =	stream.linear.gather [hbm4b:s1+s5], $0x1000, $0x38;
	[tilespmem:$0x15900] =	vst v63  }
0x2f4: {  	s0 =	sadd.s32 s3, s4;
	s25 =	sor.u32 s8, s6  }
0x2f5: {  	[tilespmem:s30], [sflag:$0x4] =	stream.linear.gather [hbm4b:s0+s5], $0x1000, $0x38;
	[tilespmem:$0x15900] =	vst v63  }
0x2f6: {  	v0 =	vld [tilespmem:s25+$0x1820];
	_ =	sdelay $0x3  }
0x2f7: {  	v23 =	vld [tilespmem:s25+$0x11830]  }
0x2f8: {  	v21 =	vld [tilespmem:s25+$0x118B0];
	[tilespmem:$0x1FFE0] =	vst v0  }
0x2f9: {  	v0 =	vld [tilespmem:s25+$0x2820];
	_ =	sdelay $0x3  }
0x2fa: {  	v63 =	vsub.f32 v4, v6;
	v6 =	vadd.f32 v62, v54  }
0x2fb: {  	[tilespmem:$0x1FFF0] =	vst v0  }
0x2fc: {  	v6 =	vsub.f32 v6, v46;
	v28 =	vld [tilespmem:s25+$0x11820]  }
0x2fd: {  	v16 =	vmul.f32 v52, v16;
	v22 =	vld [tilespmem:s25+$0x118A0]  }
0x2fe: {  	v52 =	vmul.f32 v52, v42;
	v15 =	vmul.f32 v15, v42;
	v6 =	vsub.f32 v6, v53;
	v31 =	vld [tilespmem:s25+$0x1810]  }
0x2ff: {  	v4 =	vmul.f32 v18, v40;
	v12 =	vmul.f32 v12, v38;
	v39 =	vld [tilespmem:s25+$0x2810]  }
0x300: {  	v11 =	vmul.f32 v25, v11;
	v6 =	vmul.f32 v6, v37;
	v36 =	vld [tilespmem:s25+$0x11810]  }
0x301: {  	v25 =	vmul.f32 v25, v19;
	v62 =	vmul.f32 v29, v59;
	v18 =	vld [tilespmem:s25+$0x11890]  }
0x302: {  	p0 =	por $0x0, $0x0;
	v6 =	vsub.f32 v27, v6;
	s0 =	simm.s32 $0x1;
	v0 =	vsub.f32 v5, v7;
	v7 =	vmul.f32 v56, v40;
	v40 =	vld [tilespmem:s25+$0x1800]  }
0x303: {  	s0 =	simm.s32 @!p0 $0x0;
	v5 =	vmul.f32 v56, v14;
	v14 =	vsub.f32 v60, v61;
	v61 =	vmul.f32 v58, v59;
	v59 =	vld [tilespmem:s25+$0x2800]  }
0x304: {  	v2 =	vmul.f32 v2, v19;
	v19 =	vmul.f32 v6, v6;
	s0 =	sshll.u32 s0, $0x6;
	v42 =	vld [tilespmem:s25+$0x11800]  }
0x305: {  	v30 =	vimm.f32 $0.0e+00;
	v9 =	vmul.f32 v34, v9;
	v17 =	vmul.f32 v49, v17;
	s4 =	sadd.s32 $0x0, s0;
	v46 =	vld [tilespmem:s25+$0x98A0]  }
0x306: {  	v1 =	vadd.f32 v19, v1;
	s0 =	sor.u32 $0x80, s4;
	v27 =	vld [tilespmem:s25+$0x9890];
	v60 =	vsub.f32 v4, v5;
	v5 =	vmul.f32 v58, v24  }
0x307: {  	v6 =	vld [tilespmem:s0+$0x2800];
	v4 =	vadd.f32 v61, v55;
	v24 =	vmul.f32 v20, v45;
	v14 =	vadd.f32 v14, v57  }
0x308: {  	v7 =	vadd.f32 v7, v44;
	v20 =	vld [tilespmem:s25+$0x11880];
	v61 =	vmul.f32 v49, v45;
	v5 =	vsub.f32 v62, v5  }
0x309: {  	v53 =	vmul.f32 v34, v38;
	v45 =	vld [tilespmem:s25+$0x9830];
	v17 =	vsub.f32 v24, v17;
	v14 =	vsub.f32 v14, v43  }
0x30a: {  	v21 =	vor.u32 v23, v21;
	v44 =	vld [tilespmem:s25+$0x9810];
	v4 =	vsub.f32 v4, v41;
	v55 =	vadd.f32 v61, v35  }
0x30b: {  	s18 =	sadd.s32 $0x10, s4;
	v24 =	vld [tilespmem:s25+$0x98B0];
	v62 =	vsel vm1, $0x3F800000, v30;
	v13 =	vsub.f32 v7, v13;
	v15 =	vadd.f32 v60, v15  }
0x30c: {  	s1 =	sor.u32 $0x80, s18;
	v41 =	vld [tilespmem:s25+$0x9820];
	v5 =	vadd.f32 v5, v12;
	v12 =	vsel vm0, $0x3F800000, v30;
	v4 =	vsub.f32 v4, v53  }
0x30d: {  	v7 =	vld [tilespmem:s1+$0x1800];
	v14 =	vmul.f32 v14, v37;
	v2 =	vadd.f32 v17, v2;
	v13 =	vsub.f32 v13, v52  }
0x30e: {  	v15 =	vsub.f32 v15, v16;
	v23 =	vor.u32 v28, v22;
	v22 =	vld [tilespmem:$0x1FFF0];
	v5 =	vsub.f32 v5, v9  }
0x30f: {  	v17 =	vand.u32 $0xFFFFFF80, v45;
	v9 =	vsub.f32 v55, v33;
	v33 =	vld [tilespmem:s25+$0x9800];
	v14 =	vsub.f32 v32, v14  }
0x310: {  	s13 =	sadd.s32 $0x20, s4;
	v32 =	vld [tilespmem:s25+$0x9880];
	v56 =	vmul.f32 v4, v12;
	v17 =	vadd.s32 v45, v17;
	v2 =	vsub.f32 v2, v11  }
0x311: {  	s16 =	sor.u32 $0x80, s13;
	v4 =	vld [tilespmem:s0+$0x1800];
	v12 =	vmul.f32 v5, v12;
	v5 =	vand.u32 $0xFFFFFF80, v24;
	v25 =	vsub.f32 v9, v25  }
0x312: {  	v55 =	vsub.f32 v50, v51;
	v14 =	vmul.f32 v14, v14;
	v9 =	vld [tilespmem:s16+$0x2800];
	v57 =	vadd.s32 v24, v5  }
0x313: {  	v19 =	vsub.f32 v10, v56;
	v10 =	vld [tilespmem:s1+$0x2800];
	v11 =	vmul.f32 v25, v62;
	v25 =	vand.u32 $0xFFFFFF80, v46  }
0x314: {  	v5 =	vld [tilespmem:s16+$0x1800];
	v1 =	vadd.f32 v1, v14;
	v14 =	vand.u32 $0xFFFFFF80, v41;
	v58 =	vadd.s32 v46, v25  }
0x315: {  	v2 =	vmul.f32 v2, v62;
	v19 =	vmul.f32 v19, v19;
	v14 =	vadd.s32 v41, v14;
	v52 =	vld.idx.msk [tilespmem:v17+s26+$0x0], $0xffff  }
0x316: {  	v56 =	vmul.f32 v13, v8;
	v8 =	vmul.f32 v15, v8;
	v12 =	vsub.f32 v63, v12;
	v29 =	vld.idx.msk [tilespmem:v17+s31+$0x0], $0xffff  }
0x317: {  	v24 =	vand.u32 $0x7F, v24;
	v16 =	vand.u32 $0xFFFFFF80, v32;
	v1 =	vadd.f32 v19, v1;
	v49 =	vld.idx.msk [tilespmem:v57+s31+$0x0], $0xffff  }
0x318: {  	v12 =	vmul.f32 v12, v12;
	v19 =	vand.u32 $0xFFFFFF80, v27;
	v61 =	vadd.s32 v32, v16;
	v63 =	vld.idx.msk [tilespmem:v57+s26+$0x0], $0xffff  }
0x319: {  	v3 =	vsub.f32 v3, v11;
	v11 =	vand.u32 $0xFFFFFF80, v44;
	v54 =	vadd.s32 v27, v19;
	v50 =	vld.idx.msk [tilespmem:v58+s31+$0x0], $0xffff  }
0x31a: {  	v25 =	vand.u32 $0x7F, v45;
	v11 =	vadd.s32 v44, v11;
	v12 =	vadd.f32 v1, v12;
	v1 =	vld.idx.msk [tilespmem:v14+s26+$0x0], $0xffff  }
0x31b: {  	v17 =	vand.u32 $0xFFFFFF80, v17;
	v16 =	vand.u32 $0xFFFFFF80, v57;
	v3 =	vmul.f32 v3, v3;
	v13 =	vld.idx.msk [tilespmem:v14+s31+$0x0], $0xffff  }
0x31c: {  	v45 =	vor.u32 v25, v17;
	v17 =	vand.u32 $0xFFFFFF80, v58;
	v57 =	vand.u32 $0x7F, v46;
	v19 =	vld.idx.msk [tilespmem:v58+s26+$0x0], $0xffff  }
0x31d: {  	v35 =	vor.u32 v57, v17;
	v60 =	vadd.f32 v3, v12;
	v3 =	vand.u32 $0xFFFFFF80, v33;
	v17 =	vld.idx.msk [tilespmem:v61+s31+$0x0], $0xffff  }
0x31e: {  	v38 =	vsub.f32 v55, v56;
	v45 =	vadd.s32 $0x80, v45;
	v62 =	vadd.s32 v33, v3;
	v3 =	vld.idx.msk [tilespmem:v54+s31+$0x0], $0xffff  }
0x31f: {  	v41 =	vand.u32 $0x7F, v41;
	v24 =	vor.u32 v24, v16;
	v27 =	vand.u32 $0x7F, v27;
	v12 =	vld.idx.msk [tilespmem:v11+s26+$0x0], $0xffff  }
0x320: {  	v15 =	vand.u32 $0xFFFFFF80, v54;
	v58 =	vadd.s32 $0x80, v24;
	v14 =	vand.u32 $0xFFFFFF80, v14;
	v16 =	vld.idx.msk [tilespmem:v11+s31+$0x0], $0xffff  }
0x321: {  	v0 =	vsub.f32 v0, v2;
	v15 =	vor.u32 v27, v15;
	v14 =	vor.u32 v41, v14;
	v25 =	vld.idx.msk [tilespmem:v54+s26+$0x0], $0xffff  }
0x322: {  	v26 =	vadd.s32 $0x80, v15;
	v43 =	vadd.s32 $0x80, v14;
	v14 =	vmul.f32 v38, v38;
	v38 =	vld.idx.msk [tilespmem:v61+s26+$0x0], $0xffff  }
0x323: {  	v0 =	vmul.f32 v0, v0;
	v55 =	vld.idx.msk [tilespmem:v45+s26+$0x0], $0xffff  }
0x324: {  	v2 =	vsub.f32 v47, v48;
	v54 =	vld.idx.msk [tilespmem:v45+s31+$0x0], $0xffff  }
0x325: {  	v41 =	vadd.s32 $0x80, v35;
	v0 =	vadd.f32 v60, v0;
	v60 =	vand.u32 $0x7F, v44;
	v44 =	vld.idx.msk [tilespmem:v58+s31+$0x0], $0xffff  }
0x326: {  	v2 =	vsub.f32 v2, v8;
	v56 =	vld.idx.msk [tilespmem:v58+s26+$0x0], $0xffff  }
0x327: {  	v11 =	vand.u32 $0xFFFFFF80, v11;
	v45 =	vld.idx.msk [tilespmem:v26+s31+$0x0], $0xffff  }
0x328: {  	v2 =	vmul.f32 v2, v2;
	v15 =	vand.u32 $0x7F, v32;
	v8 =	vor.u32 v60, v11;
	v24 =	vld.idx.msk [tilespmem:v62+s26+$0x0], $0xffff  }
0x329: {  	v0 =	vadd.f32 v14, v0;
	v11 =	vadd.s32 $0x80, v8;
	v8 =	vand.u32 $0xFFFFFF80, v61;
	v35 =	vld.idx.msk [tilespmem:v62+s31+$0x0], $0xffff  }
0x32a: {  	v27 =	vand.u32 $0xFFFFFF80, v62;
	v61 =	vand.u32 $0x7F, v33;
	v8 =	vor.u32 v15, v8;
	v14 =	vld.idx.msk [tilespmem:v41+s31+$0x0], $0xffff  }
0x32b: {  	v15 =	vor.u32 v61, v27;
	v62 =	vadd.s32 $0x80, v8;
	v2 =	vadd.f32 v0, v2;
	v8 =	vld [tilespmem:$0x1FFE0]  }
0x32c: {  	v0 =	vadd.s32 $0x80, v15;
	v15 =	vsub.f32 v31, v39;
	v31 =	vsub.f32 v40, v59;
	v59 =	vld.idx.msk [tilespmem:v26+s26+$0x0], $0xffff  }
0x32d: {  	v37 =	vld.idx.msk [tilespmem:v43+s26+$0x0], $0xffff  }
0x32e: {  	vm1 =	veq.s32 v21, $0x0;
	v47 =	vmul.f32 v63, v29;
	v33 =	vmul.f32 v1, v50;
	v40 =	vld.idx.msk [tilespmem:v43+s31+$0x0], $0xffff  }
0x32f: {  	v18 =	vor.u32 v36, v18;
	v43 =	vld.idx.msk [tilespmem:v41+s26+$0x0], $0xffff;
	v41 =	vmul.f32 v19, v13;
	v53 =	vmul.f32 v25, v16  }
0x330: {  	vm3 =	veq.s32 v18, $0x0;
	v46 =	vmul.f32 v12, v3;
	v18 =	vmul.f32 v55, v49;
	v27 =	vld.idx.msk [tilespmem:v11+s26+$0x0], $0xffff  }
0x331: {  	vm2 =	veq.s32 v23, $0x0;
	v63 =	vmul.f32 v63, v54;
	v60 =	vld.idx.msk [tilespmem:v11+s31+$0x0], $0xffff;
	v21 =	vmul.f32 v55, v44  }
0x332: {  	v11 =	vsel vm1, $0x3F800000, v30;
	v23 =	vmul.f32 v52, v44;
	v34 =	vmul.f32 v56, v29;
	v48 =	vld.idx.msk [tilespmem:v62+s31+$0x0], $0xffff  }
0x333: {  	v8 =	vsub.f32 v8, v22;
	v22 =	vor.u32 v42, v20;
	v20 =	vmul.f32 v52, v49;
	v58 =	vld.idx.msk [tilespmem:v0+s31+$0x0], $0xffff  }
0x334: {  	v44 =	vsel vm3, $0x3F800000, v30;
	v61 =	vld.idx.msk [tilespmem:v62+s26+$0x0], $0xffff;
	v62 =	vmul.f32 v38, v35;
	v57 =	vmul.f32 v24, v17  }
0x335: {  	s13 =	simm.s32 $0x0;
	s18 =	simm.s32 $0x80;
	s16 =	simm.s32 $0x40;
	v55 =	vld.idx.msk [tilespmem:v0+s26+$0x0], $0xffff;
	vm0 =	veq.s32 v22, $0x0;
	v22 =	vsel vm2, $0x3F800000, v30;
	v28 =	vmul.f32 v37, v50  }
.LBB2_23:
0x336: {  	v0 =	vsub.f32 v4, v6  }
0x337: {  	s0 =	sand.u32 $0xF00, s18;
	s1 =	sand.u32 $0x40, s16;
	v4 =	vmul.f32 v37, v14;
	v6 =	vmul.f32 v56, v54;
	v37 =	vld [tilespmem:s25+$0x1830];
	v26 =	vimm.f32 $0.0e+00  }
0x338: {  	v19 =	vmul.f32 v19, v40;
	v13 =	vmul.f32 v43, v13;
	v49 =	vsel vm0, $0x3F800000, v26;
	v50 =	vld [tilespmem:s25+$0x2830];
	s25 =	sor.u32 s1, s0  }
0x339: {  	v51 =	vmul.f32 v27, v45;
	v5 =	vsub.f32 v5, v9;
	v32 =	vmul.f32 v61, v58;
	v26 =	vld [tilespmem:s25+$0x11830]  }
0x33a: {  	v12 =	vmul.f32 v12, v45;
	v7 =	vsub.f32 v7, v10;
	v9 =	vmul.f32 v25, v60;
	v30 =	vld [tilespmem:s25+$0x118B0]  }
0x33b: {  	v35 =	vmul.f32 v61, v35;
	v25 =	vmul.f32 v38, v58;
	v10 =	vadd.f32 v32, v62;
	v29 =	vld [tilespmem:s25+$0x1820]  }
0x33c: {  	v45 =	vsub.f32 v63, v34;
	v38 =	vmul.f32 v55, v48;
	v39 =	vmul.f32 v59, v60;
	v32 =	vld [tilespmem:s25+$0x2820]  }
0x33d: {  	v24 =	vmul.f32 v24, v48;
	v25 =	vsub.f32 v25, v35;
	v10 =	vsub.f32 v10, v57;
	v34 =	vld [tilespmem:s25+$0x11820]  }
0x33e: {  	v6 =	vadd.f32 v6, v47;
	v16 =	vmul.f32 v59, v16;
	v35 =	vadd.f32 v39, v53;
	v36 =	vld [tilespmem:s25+$0x118A0]  }
0x33f: {  	v17 =	vmul.f32 v55, v17;
	v24 =	vadd.f32 v25, v24;
	v10 =	vsub.f32 v10, v38;
	v39 =	vld [tilespmem:s25+$0x1810]  }
0x340: {  	v13 =	vsub.f32 v19, v13;
	v9 =	vsub.f32 v9, v16;
	v16 =	vmul.f32 v43, v40;
	v42 =	vld [tilespmem:s25+$0x2810]  }
0x341: {  	v17 =	vsub.f32 v24, v17;
	v19 =	vsub.f32 v35, v46;
	v10 =	vmul.f32 v10, v49;
	v40 =	vld [tilespmem:s25+$0x11810]  }
0x342: {  	v3 =	vmul.f32 v27, v3;
	v9 =	vadd.f32 v9, v12;
	v12 =	vadd.f32 v16, v41;
	v43 =	vld [tilespmem:s25+$0x11890]  }
0x343: {  	v16 =	vmul.f32 v17, v49;
	v17 =	vsub.f32 v19, v51;
	v10 =	vsub.f32 v31, v10;
	v41 =	vld [tilespmem:s25+$0x1800]  }
0x344: {  	v1 =	vmul.f32 v1, v14;
	v3 =	vsub.f32 v9, v3;
	v9 =	vsub.f32 v12, v33;
	v31 =	vld [tilespmem:s25+$0x2800]  }
0x345: {  	v0 =	vsub.f32 v0, v16;
	v12 =	vmul.f32 v17, v44;
	v10 =	vmul.f32 v10, v10;
	v33 =	vld [tilespmem:s25+$0x11800]  }
0x346: {  	s0 =	sadd.s32 $0x30, s4;
	v1 =	vadd.f32 v13, v1;
	v3 =	vmul.f32 v3, v44;
	v4 =	vsub.f32 v9, v4;
	v46 =	vld [tilespmem:s25+$0x11880]  }
0x347: {  	s0 =	sor.u32 $0x80, s0;
	v0 =	vmul.f32 v0, v0;
	v9 =	vsub.f32 v15, v12;
	v2 =	vadd.f32 v10, v2;
	v14 =	vld [tilespmem:s25+$0x9830]  }
0x348: {  	v6 =	vsub.f32 v6, v20;
	v1 =	vsub.f32 v1, v28;
	v4 =	vmul.f32 v4, v22;
	v10 =	vld [tilespmem:s0+$0x1800]  }
0x349: {  	v0 =	vadd.f32 v2, v0;
	v2 =	vsub.f32 v7, v3;
	v3 =	vmul.f32 v9, v9;
	v7 =	vld [tilespmem:s0+$0x2800]  }
0x34a: {  	v6 =	vsub.f32 v6, v21;
	v1 =	vmul.f32 v1, v22;
	v9 =	vadd.f32 v45, v23;
	v15 =	vld [tilespmem:s25+$0x98B0]  }
0x34b: {  	v0 =	vadd.f32 v3, v0;
	v2 =	vmul.f32 v2, v2;
	v3 =	vsub.f32 v8, v4;
	v16 =	vld [tilespmem:s25+$0x9820]  }
0x34c: {  	p0 =	por !p0, !p0;
	v6 =	vmul.f32 v6, v11;
	s0 =	simm.s32 $0x1;
	v4 =	vsub.f32 v9, v18;
	v9 =	vsub.f32 v37, v50;
	v8 =	vld [tilespmem:s25+$0x98A0]  }
0x34d: {  	v1 =	vsub.f32 v5, v1;
	s0 =	simm.s32 @!p0 $0x0;
	v0 =	vadd.f32 v0, v2;
	v2 =	vmul.f32 v3, v3;
	v18 =	vld [tilespmem:s25+$0x9810]  }
0x34e: {  	s0 =	sshll.u32 s0, $0x6;
	v5 =	vmul.f32 v4, v11;
	v20 =	vld [tilespmem:s25+$0x9890];
	v3 =	vsub.f32 v10, v7  }
0x34f: {  	v1 =	vmul.f32 v1, v1;
	s4 =	sadd.s32 s0, s18;
	v0 =	vadd.f32 v2, v0;
	v2 =	vsub.f32 v9, v6;
	v11 =	vld [tilespmem:s25+$0x9800]  }
0x350: {  	s0 =	sor.u32 $0x80, s4;
	v7 =	vand.u32 $0xFFFFFF80, v15;
	v21 =	vld [tilespmem:s25+$0x9880]  }
0x351: {  	s1 =	sadd.s32 $0x20, s4;
	v0 =	vadd.f32 v0, v1;
	v1 =	vsub.f32 v3, v5;
	v2 =	vmul.f32 v2, v2;
	v4 =	vld [tilespmem:s0+$0x1800]  }
0x352: {  	v3 =	vand.u32 $0xFFFFFF80, v14;
	v17 =	vadd.s32 v15, v7;
	v6 =	vld [tilespmem:s0+$0x2800];
	s0 =	sor.u32 $0x80, s1  }
0x353: {  	v22 =	vadd.s32 v14, v3;
	s1 =	sadd.s32 $0x10, s4;
	v0 =	vadd.f32 v2, v0;
	v1 =	vmul.f32 v1, v1;
	v5 =	vld [tilespmem:s0+$0x1800]  }
0x354: {  	s1 =	sor.u32 $0x80, s1;
	v9 =	vld [tilespmem:s0+$0x2800]  }
0x355: {  	v3 =	vand.u32 $0xFFFFFF80, v8;
	v2 =	vadd.f32 v0, v1;
	v7 =	vld [tilespmem:s1+$0x1800]  }
0x356: {  	v23 =	vadd.s32 v8, v3;
	v0 =	vand.u32 $0xFFFFFF80, v16;
	v10 =	vld [tilespmem:s1+$0x2800]  }
0x357: {  	v0 =	vadd.s32 v16, v0;
	v28 =	vld.idx.msk [tilespmem:v17+s31+$0x0], $0xffff  }
0x358: {  	v44 =	vld.idx.msk [tilespmem:v22+s26+$0x0], $0xffff  }
0x359: {  	v1 =	vand.u32 $0xFFFFFF80, v20;
	v49 =	vld.idx.msk [tilespmem:v22+s31+$0x0], $0xffff  }
0x35a: {  	v3 =	vand.u32 $0xFFFFFF80, v18;
	v27 =	vadd.s32 v20, v1;
	v50 =	vld.idx.msk [tilespmem:v17+s26+$0x0], $0xffff  }
0x35b: {  	v37 =	vadd.s32 v18, v3;
	v51 =	vld.idx.msk [tilespmem:v23+s31+$0x0], $0xffff  }
0x35c: {  	v1 =	vld.idx.msk [tilespmem:v0+s26+$0x0], $0xffff  }
0x35d: {  	v3 =	vand.u32 $0xFFFFFF80, v21;
	v13 =	vld.idx.msk [tilespmem:v0+s31+$0x0], $0xffff  }
0x35e: {  	v12 =	vand.u32 $0xFFFFFF80, v11;
	v45 =	vadd.s32 v21, v3;
	v19 =	vld.idx.msk [tilespmem:v23+s26+$0x0], $0xffff  }
0x35f: {  	v14 =	vand.u32 $0x7F, v14;
	v47 =	vadd.s32 v11, v12;
	v3 =	vld.idx.msk [tilespmem:v27+s31+$0x0], $0xffff  }
0x360: {  	v35 =	vand.u32 $0x7F, v16;
	v15 =	vand.u32 $0x7F, v15;
	v17 =	vand.u32 $0xFFFFFF80, v17;
	v12 =	vld.idx.msk [tilespmem:v37+s26+$0x0], $0xffff  }
0x361: {  	v8 =	vand.u32 $0x7F, v8;
	v22 =	vand.u32 $0xFFFFFF80, v22;
	v15 =	vor.u32 v15, v17;
	v16 =	vld.idx.msk [tilespmem:v37+s31+$0x0], $0xffff  }
0x362: {  	v14 =	vor.u32 v14, v22;
	v15 =	vadd.s32 $0x80, v15;
	v23 =	vand.u32 $0xFFFFFF80, v23;
	v25 =	vld.idx.msk [tilespmem:v27+s26+$0x0], $0xffff  }
0x363: {  	s13 =	sadd.s32 $0x4, s13;
	v22 =	vadd.s32 $0x80, v14;
	v0 =	vand.u32 $0xFFFFFF80, v0;
	v8 =	vor.u32 v8, v23;
	v17 =	vld.idx.msk [tilespmem:v45+s31+$0x0], $0xffff  }
0x364: {  	p1 =	slt.u32 s13, $0x7C;
	v0 =	vor.u32 v35, v0;
	v23 =	vadd.s32 $0x80, v8;
	v24 =	vld.idx.msk [tilespmem:v47+s26+$0x0], $0xffff  }
0x365: {  	v0 =	vadd.s32 $0x80, v0;
	v35 =	vld.idx.msk [tilespmem:v47+s31+$0x0], $0xffff  }
0x366: {  	v14 =	vand.u32 $0x7F, v20;
	v8 =	vand.u32 $0xFFFFFF80, v27;
	v38 =	vld.idx.msk [tilespmem:v45+s26+$0x0], $0xffff  }
0x367: {  	v18 =	vand.u32 $0x7F, v18;
	v20 =	vand.u32 $0xFFFFFF80, v37;
	v8 =	vor.u32 v14, v8;
	v52 =	vld.idx.msk [tilespmem:v15+s31+$0x0], $0xffff  }
0x368: {  	v14 =	vor.u32 v18, v20;
	v59 =	vadd.s32 $0x80, v8;
	v18 =	vld.idx.msk [tilespmem:v22+s26+$0x0], $0xffff  }
0x369: {  	v55 =	vadd.s32 $0x80, v14;
	v14 =	vld.idx.msk [tilespmem:v23+s31+$0x0], $0xffff  }
0x36a: {  	v20 =	vand.u32 $0x7F, v21;
	v8 =	vand.u32 $0xFFFFFF80, v45;
	v37 =	vld.idx.msk [tilespmem:v0+s26+$0x0], $0xffff  }
0x36b: {  	v11 =	vand.u32 $0x7F, v11;
	v21 =	vand.u32 $0xFFFFFF80, v47;
	v8 =	vor.u32 v20, v8;
	v54 =	vld.idx.msk [tilespmem:v22+s31+$0x0], $0xffff  }
0x36c: {  	v31 =	vsub.f32 v41, v31;
	v11 =	vor.u32 v11, v21;
	v21 =	vadd.s32 $0x80, v8;
	v56 =	vld.idx.msk [tilespmem:v15+s26+$0x0], $0xffff  }
0x36d: {  	v20 =	vmul.f32 v44, v28;
	v22 =	vadd.s32 $0x80, v11;
	v11 =	vor.u32 v26, v30;
	v45 =	vld.idx.msk [tilespmem:v59+s31+$0x0], $0xffff  }
0x36e: {  	v8 =	vsub.f32 v29, v32;
	v26 =	vor.u32 v34, v36;
	v15 =	vsub.f32 v39, v42;
	v27 =	vld.idx.msk [tilespmem:v55+s26+$0x0], $0xffff  }
0x36f: {  	v41 =	vmul.f32 v19, v13;
	v29 =	vor.u32 v33, v46;
	v30 =	vor.u32 v40, v43;
	v40 =	vld.idx.msk [tilespmem:v0+s31+$0x0], $0xffff  }
0x370: {  	v33 =	vmul.f32 v1, v51;
	v47 =	vmul.f32 v50, v49;
	vm1 =	veq.s32 v11, $0x0;
	v43 =	vld.idx.msk [tilespmem:v23+s26+$0x0], $0xffff  }
0x371: {  	v46 =	vmul.f32 v12, v3;
	vm0 =	veq.s32 v29, $0x0;
	vm2 =	veq.s32 v26, $0x0;
	v48 =	vld.idx.msk [tilespmem:v21+s31+$0x0], $0xffff  }
.Ltmp10:
0x372: {  	v53 =	vmul.f32 v25, v16;
	v57 =	vmul.f32 v24, v17;
	vm3 =	veq.s32 v30, $0x0;
	v58 =	vld.idx.msk [tilespmem:v22+s31+$0x0], $0xffff;
	(pc) =	sbr.rel @p1 .LBB2_23-.Ltmp10, $4  }
0x373: {  	v62 =	vmul.f32 v38, v35;
	v0 =	vimm.f32 $0.0e+00;
	v23 =	vmul.f32 v44, v52;
	v61 =	vld.idx.msk [tilespmem:v21+s26+$0x0], $0xffff  }
0x374: {  	v11 =	vsel vm1, $0x3F800000, v0;
	v21 =	vmul.f32 v18, v52;
	v18 =	vmul.f32 v18, v28;
	v60 =	vld.idx.msk [tilespmem:v55+s31+$0x0], $0xffff  }
0x375: {  	v28 =	vmul.f32 v37, v51;
	v55 =	vld.idx.msk [tilespmem:v22+s26+$0x0], $0xffff;
	v22 =	vsel vm2, $0x3F800000, v0;
	v0 =	vimm.f32 $0.0e+00  }
0x376: {  	s16 =	sadd.s32 $0x40, s16;
	s18 =	sadd.s32 $0x80, s18;
	v63 =	vmul.f32 v50, v54;
	v34 =	vmul.f32 v56, v49;
	v44 =	vsel vm3, $0x3F800000, v0;
	v59 =	vld.idx.msk [tilespmem:v59+s26+$0x0], $0xffff  }
0x377: {  	v51 =	vld [tilespmem:s25+$0x1830];
	s0 =	sadd.s32 $0x30, s4  }
0x378: {  	v52 =	vld [tilespmem:s25+$0x2830];
	s0 =	sor.u32 $0x80, s0  }
0x379: {  	v49 =	vld [tilespmem:s0+$0x1800]  }
0x37a: {  	v50 =	vld [tilespmem:s0+$0x2800];
	_ =	swait.ge [sflag:s7], $0x1000  }
0x37b: {  	[sflag:s7] =	ssyncset.done $0x0  }
0x37c: {  	[sflag:s7] =	ssyncadd.s32 $0xFFFFF000  }
0x37d: {  	_ =	swait.ge [sflag:s9], $0x1000  }
0x37e: {  	s18 =	sor.u32 $0xC00, s24;
	[sflag:s9] =	ssyncset.done $0x0  }
0x37f: {  	s25 =	simm.s32 $0x0;
	s1 =	sadd.s32 s2, s18;
	[sflag:s9] =	ssyncadd.s32 $0xFFFFF000  }
0x380: {  	[tilespmem:s19], [sflag:$0x1] =	stream.linear.gather [hbm4b:s1+s25], $0x1000, $0x38;
	[tilespmem:$0x15900] =	vst v63  }
0x381: {  	s4 =	sand.u32 $0x40, s25;
	s0 =	sadd.s32 s3, s18;
	s1 =	sand.u32 $0xF00, s25  }
0x382: {  	[tilespmem:s21], [sflag:$0x2] =	stream.linear.gather [hbm4b:s0+s25], $0x1000, $0x38;
	[tilespmem:$0x15900] =	vst v63  }
0x383: {  	s25 =	sor.u32 s4, s1  }
0x384: {  	v0 =	vld [tilespmem:s25+$0x3810];
	_ =	sdelay $0x3  }
0x385: {  	v19 =	vmul.f32 v19, v40;
	v13 =	vmul.f32 v43, v13;
	v29 =	vld [tilespmem:s25+$0x3820]  }
0x386: {  	v32 =	vld [tilespmem:s25+$0x4820];
	[tilespmem:$0x1FFD0] =	vst v0  }
0x387: {  	v1 =	vmul.f32 v1, v14;
	v13 =	vsub.f32 v19, v13;
	v30 =	vld [tilespmem:s25+$0x4810]  }
0x388: {  	v26 =	vld [tilespmem:s25+$0x3800]  }
0x389: {  	v1 =	vadd.f32 v13, v1;
	v36 =	vld [tilespmem:s25+$0x4800]  }
0x38a: {  	v12 =	vmul.f32 v12, v45;
	v3 =	vmul.f32 v27, v3;
	v39 =	vld [tilespmem:s25+$0x12800]  }
0x38b: {  	s5 =	simm.s32 $0x5060;
	s6 =	simm.s32 $0x2830;
	v16 =	vmul.f32 v59, v16;
	v1 =	vsub.f32 v1, v28;
	v0 =	vsub.f32 v4, v6;
	v42 =	vld [tilespmem:s25+$0x12880]  }
0x38c: {  	s0 =	sand.u32 $0x5F00, s5;
	s1 =	sand.u32 $0x70, s6;
	v4 =	vmul.f32 v61, v58;
	v6 =	vmul.f32 v56, v54;
	v54 =	vsub.f32 v5, v9;
	v5 =	vld [tilespmem:s25+$0xA800]  }
0x38d: {  	s8 =	simm.s32 $0x5040;
	s5 =	simm.s32 $0x2820;
	s0 =	sor.u32 s1, s0;
	v56 =	vsub.f32 v7, v10;
	v7 =	vmul.f32 v38, v58;
	v9 =	vmul.f32 v61, v35;
	v10 =	vld [tilespmem:s25+$0xA880]  }
0x38e: {  	v34 =	vsub.f32 v63, v34;
	s13 =	sand.u32 $0x5F00, s8;
	v1 =	vmul.f32 v1, v22;
	s16 =	sand.u32 $0x60, s5;
	v61 =	vmul.f32 v25, v60;
	v25 =	vld [tilespmem:s0+$0xD800]  }
0x38f: {  	s18 =	simm.s32 $0x5020;
	s6 =	simm.s32 $0x2810;
	s1 =	sor.u32 s16, s13;
	v35 =	vld [tilespmem:s0+$0xD880];
	v4 =	vadd.f32 v4, v62;
	v62 =	vmul.f32 v59, v60;
	v7 =	vsub.f32 v7, v9  }
0x390: {  	s5 =	sand.u32 $0x5F00, s18;
	s8 =	sand.u32 $0x50, s6;
	v38 =	vld [tilespmem:s1+$0xD800];
	v9 =	vmul.f32 v24, v48;
	v59 =	vadd.f32 v6, v47;
	v1 =	vsub.f32 v54, v1  }
0x391: {  	v63 =	vimm.f32 $0.0e+00;
	s5 =	sor.u32 s8, s5;
	v47 =	vld [tilespmem:s1+$0xD880];
	v4 =	vsub.f32 v4, v57;
	v24 =	vadd.f32 v62, v53  }
0x392: {  	v57 =	vmul.f32 v55, v48;
	v6 =	vadd.f32 v7, v9;
	v7 =	vmul.f32 v55, v17;
	v48 =	vld [tilespmem:s5+$0xD800]  }
0x393: {  	v9 =	vsub.f32 v61, v16;
	v16 =	vmul.f32 v43, v40;
	v40 =	vld [tilespmem:s5+$0xD880];
	v17 =	vsel vm0, $0x3F800000, v63  }
0x394: {  	v55 =	vld [tilespmem:s0+$0x5800];
	v4 =	vsub.f32 v4, v57;
	v6 =	vsub.f32 v6, v7;
	v7 =	vmul.f32 v27, v45  }
0x395: {  	p0 =	por $0x0, $0x0;
	v19 =	vsub.f32 v24, v46;
	v24 =	vld [tilespmem:s0+$0x5880];
	s0 =	simm.s32 $0x1;
	v9 =	vadd.f32 v9, v12;
	v13 =	vand.u32 $0xFFFFFF80, v5  }
0x396: {  	v12 =	vadd.f32 v16, v41;
	v16 =	vld [tilespmem:s1+$0x5800];
	s0 =	simm.s32 @!p0 $0x0;
	v13 =	vadd.s32 v5, v13;
	v4 =	vmul.f32 v4, v17  }
0x397: {  	v27 =	vld [tilespmem:s1+$0x5880];
	v6 =	vmul.f32 v6, v17;
	v7 =	vsub.f32 v19, v7;
	s0 =	sshll.u32 s0, $0x6;
	v3 =	vsub.f32 v9, v3  }
0x398: {  	v17 =	vmul.f32 v37, v14;
	v9 =	vsub.f32 v12, v33;
	v12 =	vld [tilespmem:s5+$0x5800];
	v19 =	vsub.f32 v59, v20;
	s4 =	sadd.s32 $0x0, s0  }
0x399: {  	v4 =	vsub.f32 v31, v4;
	v0 =	vsub.f32 v0, v6;
	s0 =	sor.u32 $0x80, s4;
	v31 =	vld [tilespmem:s5+$0x5880];
	v7 =	vmul.f32 v7, v44  }
0x39a: {  	v3 =	vmul.f32 v3, v44;
	v6 =	vand.u32 $0xFFFFFF80, v10;
	s13 =	sadd.s32 $0x20, s4;
	v17 =	vsub.f32 v9, v17;
	v33 =	vld [tilespmem:s0+$0x3800]  }
0x39b: {  	v14 =	vadd.s32 v10, v6;
	v37 =	vld [tilespmem:s0+$0x4800];
	s16 =	sor.u32 $0x80, s13;
	v20 =	vand.u32 $0xFFFFFF80, v24;
	v4 =	vmul.f32 v4, v4  }
0x39c: {  	s18 =	sadd.s32 $0x10, s4;
	v10 =	vand.u32 $0x7F, v10;
	v6 =	vld [tilespmem:s16+$0x3800];
	v0 =	vmul.f32 v0, v0;
	v17 =	vmul.f32 v17, v22  }
0x39d: {  	s1 =	sor.u32 $0x80, s18;
	v15 =	vsub.f32 v15, v7;
	v9 =	vld [tilespmem:s16+$0x4800];
	v28 =	vadd.s32 v24, v20;
	v3 =	vsub.f32 v56, v3  }
0x39e: {  	v7 =	vld [tilespmem:s1+$0x4800];
	v2 =	vadd.f32 v4, v2;
	v8 =	vsub.f32 v8, v17;
	v17 =	vand.u32 $0xFFFFFF80, v16  }
0x39f: {  	v22 =	vld.idx.msk [tilespmem:v13+s26+$0x0], $0xffff;
	v15 =	vmul.f32 v15, v15;
	v3 =	vmul.f32 v3, v3;
	v60 =	vadd.s32 v16, v17  }
0x3a0: {  	v20 =	vand.u32 $0xFFFFFF80, v31;
	v0 =	vadd.f32 v2, v0;
	v2 =	vand.u32 $0xFFFFFF80, v55;
	v41 =	vld.idx.msk [tilespmem:v14+s31+$0x0], $0xffff  }
0x3a1: {  	v45 =	vld.idx.msk [tilespmem:v14+s26+$0x0], $0xffff;
	v14 =	vand.u32 $0xFFFFFF80, v14;
	v57 =	vadd.s32 v55, v2;
	v2 =	vsub.f32 v19, v21  }
0x3a2: {  	v4 =	vld [tilespmem:s1+$0x3800];
	v19 =	vadd.f32 v34, v23;
	v10 =	vor.u32 v10, v14;
	v0 =	vadd.f32 v15, v0  }
0x3a3: {  	v23 =	vld.idx.msk [tilespmem:v13+s31+$0x0], $0xffff;
	v21 =	vsub.f32 v51, v52;
	v15 =	vand.u32 $0xFFFFFF80, v27;
	v10 =	vadd.s32 $0x80, v10  }
0x3a4: {  	v18 =	vsub.f32 v19, v18;
	v19 =	vld.idx.msk [tilespmem:v28+s31+$0x0], $0xffff;
	v2 =	vmul.f32 v2, v11;
	v0 =	vadd.f32 v0, v3  }
0x3a5: {  	v3 =	vmul.f32 v8, v8;
	v8 =	vsub.f32 v49, v50;
	v50 =	vadd.s32 v31, v20;
	v20 =	vld.idx.msk [tilespmem:v28+s26+$0x0], $0xffff  }
0x3a6: {  	v1 =	vmul.f32 v1, v1;
	v59 =	vadd.s32 v27, v15;
	v14 =	vld.idx.msk [tilespmem:v60+s31+$0x0], $0xffff  }
0x3a7: {  	v5 =	vand.u32 $0x7F, v5;
	v43 =	vand.u32 $0x7F, v55;
	v21 =	vsub.f32 v21, v2;
	v2 =	vld.idx.msk [tilespmem:v60+s26+$0x0], $0xffff  }
0x3a8: {  	v58 =	vand.u32 $0x7F, v27;
	v24 =	vand.u32 $0x7F, v24;
	v28 =	vand.u32 $0xFFFFFF80, v28;
	v17 =	vld.idx.msk [tilespmem:v57+s26+$0x0], $0xffff  }
0x3a9: {  	v61 =	vmul.f32 v18, v11;
	v11 =	vand.u32 $0xFFFFFF80, v12;
	v24 =	vor.u32 v24, v28;
	v15 =	vld.idx.msk [tilespmem:v57+s31+$0x0], $0xffff  }
0x3aa: {  	v28 =	vand.u32 $0xFFFFFF80, v59;
	v0 =	vadd.f32 v3, v0;
	v3 =	vadd.s32 v12, v11;
	v55 =	vld.idx.msk [tilespmem:v10+s31+$0x0], $0xffff  }
0x3ab: {  	v13 =	vand.u32 $0xFFFFFF80, v13;
	v44 =	vand.u32 $0xFFFFFF80, v57;
	v28 =	vor.u32 v58, v28;
	v11 =	vld.idx.msk [tilespmem:v59+s31+$0x0], $0xffff  }
0x3ac: {  	v8 =	vsub.f32 v8, v61;
	v61 =	vadd.s32 $0x80, v28;
	v0 =	vadd.f32 v0, v1;
	v18 =	vld.idx.msk [tilespmem:v59+s26+$0x0], $0xffff  }
0x3ad: {  	v1 =	vor.u32 v5, v13;
	v59 =	vor.u32 v43, v44;
	v43 =	vadd.s32 $0x80, v24;
	v5 =	vld.idx.msk [tilespmem:v50+s31+$0x0], $0xffff  }
0x3ae: {  	v27 =	vld.idx.msk [tilespmem:v50+s26+$0x0], $0xffff  }
0x3af: {  	v1 =	vadd.s32 $0x80, v1;
	v13 =	vld.idx.msk [tilespmem:v3+s26+$0x0], $0xffff  }
0x3b0: {  	v16 =	vand.u32 $0x7F, v16;
	v62 =	vmul.f32 v21, v21;
	v24 =	vand.u32 $0xFFFFFF80, v60;
	v21 =	vld.idx.msk [tilespmem:v3+s31+$0x0], $0xffff  }
0x3b1: {  	v16 =	vor.u32 v16, v24;
	v24 =	vsub.f32 v26, v36;
	v26 =	vor.u32 v48, v40;
	v48 =	vld.idx.msk [tilespmem:v61+s26+$0x0], $0xffff  }
0x3b2: {  	v34 =	vadd.s32 $0x80, v59;
	v46 =	vld.idx.msk [tilespmem:v43+s31+$0x0], $0xffff  }
0x3b3: {  	v25 =	vor.u32 v25, v35;
	v56 =	vld.idx.msk [tilespmem:v43+s26+$0x0], $0xffff  }
0x3b4: {  	vm3 =	veq.s32 v25, $0x0;
	v25 =	vimm.f32 $0.0e+00;
	v60 =	vld.idx.msk [tilespmem:v1+s26+$0x0], $0xffff  }
0x3b5: {  	v12 =	vand.u32 $0x7F, v12;
	v0 =	vadd.f32 v62, v0;
	v62 =	vadd.s32 $0x80, v16;
	v58 =	vld.idx.msk [tilespmem:v1+s31+$0x0], $0xffff  }
0x3b6: {  	v16 =	vand.u32 $0x7F, v31;
	v1 =	vmul.f32 v8, v8;
	v8 =	vld.idx.msk [tilespmem:v10+s26+$0x0], $0xffff;
	v10 =	vand.u32 $0xFFFFFF80, v50  }
0x3b7: {  	v54 =	vmul.f32 v45, v23;
	v3 =	vand.u32 $0xFFFFFF80, v3;
	v52 =	vld.idx.msk [tilespmem:v34+s26+$0x0], $0xffff;
	v10 =	vor.u32 v16, v10  }
0x3b8: {  	v3 =	vor.u32 v12, v3;
	v12 =	vor.u32 v39, v42;
	v39 =	vld.idx.msk [tilespmem:v34+s31+$0x0], $0xffff;
	v50 =	vadd.s32 $0x80, v10  }
0x3b9: {  	v44 =	vmul.f32 v22, v41;
	v16 =	vld.idx.msk [tilespmem:v61+s31+$0x0], $0xffff;
	v1 =	vadd.f32 v0, v1;
	v0 =	vadd.s32 $0x80, v3  }
0x3ba: {  	v42 =	vmul.f32 v20, v15;
	vm2 =	veq.s32 v12, $0x0;
	v12 =	vmul.f32 v17, v19;
	v28 =	vld.idx.msk [tilespmem:v62+s26+$0x0], $0xffff  }
0x3bb: {  	vm0 =	veq.s32 v26, $0x0;
	v31 =	vmul.f32 v2, v11;
	v34 =	vmul.f32 v18, v14;
	v10 =	vld [tilespmem:$0x1FFD0]  }
0x3bc: {  	v43 =	vld.idx.msk [tilespmem:v62+s31+$0x0], $0xffff;
	v3 =	vsub.f32 v29, v32;
	v29 =	vor.u32 v38, v47;
	v53 =	vmul.f32 v27, v21  }
0x3bd: {  	v40 =	vmul.f32 v13, v5;
	vm1 =	veq.s32 v29, $0x0;
	v51 =	vmul.f32 v60, v55;
	v38 =	vld.idx.msk [tilespmem:v50+s31+$0x0], $0xffff  }
0x3be: {  	v29 =	vsub.f32 v33, v37;
	v41 =	vmul.f32 v60, v41;
	v60 =	vmul.f32 v45, v58;
	v35 =	vld.idx.msk [tilespmem:v0+s26+$0x0], $0xffff  }
0x3bf: {  	v37 =	vsel vm2, $0x3F800000, v63;
	v55 =	vmul.f32 v22, v55;
	v62 =	vmul.f32 v8, v58;
	v59 =	vld.idx.msk [tilespmem:v0+s31+$0x0], $0xffff  }
0x3c0: {  	s18 =	simm.s32 $0x40;
	s13 =	simm.s32 $0x80;
	s16 =	simm.s32 $0x0;
	v61 =	vmul.f32 v8, v23;
	v8 =	vsel vm3, $0x3F800000, v63;
	v10 =	vsub.f32 v10, v30;
	v58 =	vld.idx.msk [tilespmem:v50+s26+$0x0], $0xffff  }
.LBB2_25:
0x3c1: {  	s0 =	sand.u32 $0xF00, s13;
	s1 =	sand.u32 $0x40, s18;
	v6 =	vsub.f32 v6, v9;
	v0 =	vmul.f32 v52, v46;
	v9 =	vmul.f32 v52, v19;
	v19 =	vld [tilespmem:s25+$0x3830]  }
0x3c2: {  	v45 =	vsel vm1, $0x3F800000, v25;
	v11 =	vmul.f32 v28, v11;
	v17 =	vmul.f32 v17, v46;
	v46 =	vld [tilespmem:s25+$0x4830];
	s25 =	sor.u32 s1, s0  }
0x3c3: {  	v4 =	vsub.f32 v4, v7;
	v7 =	vmul.f32 v20, v39;
	v15 =	vmul.f32 v56, v15;
	v22 =	vld [tilespmem:s25+$0x3820]  }
0x3c4: {  	v20 =	vsel vm0, $0x3F800000, v25;
	v36 =	vmul.f32 v28, v16;
	v32 =	vmul.f32 v56, v39;
	v23 =	vld [tilespmem:s25+$0x4820]  }
0x3c5: {  	v30 =	vadd.f32 v62, v54;
	v18 =	vmul.f32 v18, v43;
	v14 =	vmul.f32 v48, v14;
	v25 =	vld [tilespmem:s25+$0x3810]  }
0x3c6: {  	v47 =	vmul.f32 v35, v38;
	v33 =	vsub.f32 v60, v61;
	v39 =	vmul.f32 v58, v59;
	v26 =	vld [tilespmem:s25+$0x4810]  }
0x3c7: {  	v7 =	vsub.f32 v7, v15;
	v44 =	vsub.f32 v30, v44;
	v27 =	vmul.f32 v27, v59;
	v28 =	vld [tilespmem:s25+$0x3800]  }
0x3c8: {  	v21 =	vmul.f32 v58, v21;
	v15 =	vadd.f32 v39, v53;
	v39 =	vadd.f32 v32, v42;
	v30 =	vld [tilespmem:s25+$0x4800]  }
0x3c9: {  	v38 =	vmul.f32 v13, v38;
	v42 =	vsub.f32 v44, v51;
	v44 =	vadd.f32 v33, v55;
	v32 =	vld [tilespmem:s25+$0x12800]  }
0x3ca: {  	s0 =	sadd.s32 $0x5060, s13;
	s1 =	sadd.s32 $0x2830, s18;
	v18 =	vsub.f32 v18, v14;
	v21 =	vsub.f32 v27, v21;
	v27 =	vmul.f32 v48, v43;
	v33 =	vld [tilespmem:s25+$0x12880]  }
0x3cb: {  	s0 =	sand.u32 $0x5F00, s0;
	s1 =	sand.u32 $0x70, s1;
	v41 =	vsub.f32 v44, v41;
	v42 =	vmul.f32 v42, v37;
	v15 =	vsub.f32 v15, v40;
	v13 =	vld [tilespmem:s25+$0xA800]  }
0x3cc: {  	s5 =	sadd.s32 $0x5040, s13;
	s6 =	sadd.s32 $0x2820, s18;
	v5 =	vmul.f32 v35, v5;
	s0 =	sor.u32 s1, s0;
	v21 =	vadd.f32 v21, v38;
	v27 =	vadd.f32 v27, v34;
	v14 =	vld [tilespmem:s25+$0xA880]  }
0x3cd: {  	s1 =	sand.u32 $0x5F00, s5;
	s5 =	sand.u32 $0x60, s6;
	v24 =	vsub.f32 v24, v42;
	v37 =	vmul.f32 v41, v37;
	v15 =	vsub.f32 v15, v47;
	v34 =	vld [tilespmem:s0+$0xD800]  }
0x3ce: {  	s8 =	sadd.s32 $0x2810, s18;
	v2 =	vmul.f32 v2, v16;
	s6 =	sadd.s32 $0x5020, s13;
	s1 =	sor.u32 s5, s1;
	v5 =	vsub.f32 v21, v5;
	v21 =	vsub.f32 v27, v31;
	v35 =	vld [tilespmem:s0+$0xD880]  }
0x3cf: {  	s5 =	sand.u32 $0x5F00, s6;
	s6 =	sand.u32 $0x50, s8;
	v16 =	vsub.f32 v29, v37;
	v24 =	vmul.f32 v24, v24;
	v15 =	vmul.f32 v15, v20;
	v31 =	vld [tilespmem:s1+$0xD800]  }
0x3d0: {  	s4 =	sadd.s32 $0x30, s4;
	s5 =	sor.u32 s6, s5;
	v2 =	vadd.f32 v18, v2;
	v5 =	vmul.f32 v5, v20;
	v20 =	vsub.f32 v21, v36;
	v29 =	vld [tilespmem:s1+$0xD880]  }
0x3d1: {  	s4 =	sor.u32 $0x80, s4;
	v1 =	vadd.f32 v24, v1;
	v16 =	vmul.f32 v16, v16;
	v10 =	vsub.f32 v10, v15;
	v36 =	vld [tilespmem:s5+$0xD800]  }
0x3d2: {  	v2 =	vsub.f32 v2, v11;
	v11 =	vmul.f32 v20, v45;
	v15 =	vsub.f32 v39, v12;
	v18 =	vld [tilespmem:s4+$0x3800]  }
0x3d3: {  	v4 =	vsub.f32 v4, v5;
	v1 =	vadd.f32 v1, v16;
	v5 =	vmul.f32 v10, v10;
	v10 =	vld [tilespmem:s4+$0x4800]  }
0x3d4: {  	v7 =	vadd.f32 v7, v17;
	v2 =	vmul.f32 v2, v45;
	v0 =	vsub.f32 v15, v0;
	v12 =	vld [tilespmem:s5+$0xD880]  }
0x3d5: {  	v4 =	vmul.f32 v4, v4;
	v3 =	vsub.f32 v3, v11;
	v1 =	vadd.f32 v5, v1;
	v16 =	vld [tilespmem:s0+$0x5800]  }
0x3d6: {  	p0 =	por !p0, !p0;
	v5 =	vsub.f32 v7, v9;
	v7 =	vsub.f32 v19, v46;
	v0 =	vmul.f32 v0, v8;
	v21 =	vld [tilespmem:s0+$0x5880];
	s0 =	simm.s32 $0x1  }
0x3d7: {  	v2 =	vsub.f32 v6, v2;
	v3 =	vmul.f32 v3, v3;
	v1 =	vadd.f32 v1, v4;
	s0 =	simm.s32 @!p0 $0x0;
	v24 =	vld [tilespmem:s1+$0x5800]  }
0x3d8: {  	v5 =	vmul.f32 v5, v8;
	s0 =	sshll.u32 s0, $0x6;
	v27 =	vld [tilespmem:s1+$0x5880];
	v4 =	vsub.f32 v18, v10  }
0x3d9: {  	v2 =	vmul.f32 v2, v2;
	v0 =	vsub.f32 v7, v0;
	v1 =	vadd.f32 v3, v1;
	s4 =	sadd.s32 s0, s13;
	v10 =	vld [tilespmem:s5+$0x5800]  }
0x3da: {  	v3 =	vand.u32 $0xFFFFFF80, v14;
	s0 =	sor.u32 $0x80, s4;
	v38 =	vld [tilespmem:s5+$0x5880]  }
0x3db: {  	v0 =	vmul.f32 v0, v0;
	v1 =	vadd.f32 v1, v2;
	s1 =	sadd.s32 $0x20, s4;
	v2 =	vsub.f32 v4, v5;
	v8 =	vld [tilespmem:s0+$0x3800]  }
0x3dc: {  	v3 =	vadd.s32 v14, v3;
	v4 =	vand.u32 $0xFFFFFF80, v13;
	v37 =	vld [tilespmem:s0+$0x4800];
	s0 =	sor.u32 $0x80, s1  }
0x3dd: {  	v5 =	vadd.s32 v13, v4;
	v0 =	vadd.f32 v0, v1;
	s1 =	sadd.s32 $0x10, s4;
	v1 =	vmul.f32 v2, v2;
	v6 =	vld [tilespmem:s0+$0x3800]  }
0x3de: {  	s1 =	sor.u32 $0x80, s1;
	v9 =	vld [tilespmem:s0+$0x4800]  }
0x3df: {  	v2 =	vand.u32 $0xFFFFFF80, v21;
	v1 =	vadd.f32 v0, v1;
	v4 =	vld [tilespmem:s1+$0x3800]  }
0x3e0: {  	v39 =	vadd.s32 v21, v2;
	v0 =	vand.u32 $0xFFFFFF80, v16;
	v7 =	vld [tilespmem:s1+$0x4800]  }
0x3e1: {  	v0 =	vadd.s32 v16, v0;
	v41 =	vld.idx.msk [tilespmem:v3+s31+$0x0], $0xffff  }
0x3e2: {  	v45 =	vld.idx.msk [tilespmem:v5+s26+$0x0], $0xffff  }
0x3e3: {  	v2 =	vand.u32 $0xFFFFFF80, v27;
	v47 =	vld.idx.msk [tilespmem:v5+s31+$0x0], $0xffff  }
0x3e4: {  	v11 =	vand.u32 $0xFFFFFF80, v24;
	v40 =	vadd.s32 v27, v2;
	v49 =	vld.idx.msk [tilespmem:v3+s26+$0x0], $0xffff  }
0x3e5: {  	v42 =	vadd.s32 v24, v11;
	v19 =	vld.idx.msk [tilespmem:v39+s31+$0x0], $0xffff  }
0x3e6: {  	v17 =	vld.idx.msk [tilespmem:v0+s26+$0x0], $0xffff  }
0x3e7: {  	v2 =	vand.u32 $0xFFFFFF80, v38;
	v15 =	vld.idx.msk [tilespmem:v0+s31+$0x0], $0xffff  }
0x3e8: {  	v11 =	vand.u32 $0xFFFFFF80, v10;
	v43 =	vadd.s32 v38, v2;
	v20 =	vld.idx.msk [tilespmem:v39+s26+$0x0], $0xffff  }
0x3e9: {  	v44 =	vadd.s32 v10, v11;
	v11 =	vld.idx.msk [tilespmem:v40+s31+$0x0], $0xffff  }
0x3ea: {  	v14 =	vand.u32 $0x7F, v14;
	v3 =	vand.u32 $0xFFFFFF80, v3;
	v2 =	vld.idx.msk [tilespmem:v42+s26+$0x0], $0xffff  }
0x3eb: {  	v13 =	vand.u32 $0x7F, v13;
	v5 =	vand.u32 $0xFFFFFF80, v5;
	v3 =	vor.u32 v14, v3;
	v14 =	vld.idx.msk [tilespmem:v42+s31+$0x0], $0xffff  }
0x3ec: {  	v5 =	vor.u32 v13, v5;
	v3 =	vadd.s32 $0x80, v3;
	v18 =	vld.idx.msk [tilespmem:v40+s26+$0x0], $0xffff  }
0x3ed: {  	s16 =	sadd.s32 $0x4, s16;
	v16 =	vand.u32 $0x7F, v16;
	v46 =	vadd.s32 $0x80, v5;
	v5 =	vld.idx.msk [tilespmem:v43+s31+$0x0], $0xffff  }
0x3ee: {  	p1 =	slt.u32 s16, $0x7C;
	v48 =	vand.u32 $0x7F, v21;
	v24 =	vand.u32 $0x7F, v24;
	v39 =	vand.u32 $0xFFFFFF80, v39;
	v13 =	vld.idx.msk [tilespmem:v44+s26+$0x0], $0xffff  }
0x3ef: {  	v50 =	vand.u32 $0x7F, v27;
	v0 =	vand.u32 $0xFFFFFF80, v0;
	v39 =	vor.u32 v48, v39;
	v21 =	vld.idx.msk [tilespmem:v44+s31+$0x0], $0xffff  }
0x3f0: {  	v0 =	vor.u32 v16, v0;
	v48 =	vadd.s32 $0x80, v39;
	v40 =	vand.u32 $0xFFFFFF80, v40;
	v27 =	vld.idx.msk [tilespmem:v43+s26+$0x0], $0xffff  }
0x3f1: {  	v16 =	vand.u32 $0xFFFFFF80, v42;
	v0 =	vadd.s32 $0x80, v0;
	v39 =	vor.u32 v50, v40;
	v55 =	vld.idx.msk [tilespmem:v3+s31+$0x0], $0xffff  }
0x3f2: {  	v16 =	vor.u32 v24, v16;
	v57 =	vadd.s32 $0x80, v39;
	v50 =	vld.idx.msk [tilespmem:v46+s26+$0x0], $0xffff  }
0x3f3: {  	v51 =	vadd.s32 $0x80, v16;
	v58 =	vld.idx.msk [tilespmem:v46+s31+$0x0], $0xffff  }
0x3f4: {  	v16 =	vand.u32 $0x7F, v38;
	v61 =	vld.idx.msk [tilespmem:v3+s26+$0x0], $0xffff;
	v3 =	vand.u32 $0xFFFFFF80, v43  }
0x3f5: {  	v10 =	vand.u32 $0x7F, v10;
	v24 =	vand.u32 $0xFFFFFF80, v44;
	v3 =	vor.u32 v16, v3;
	v46 =	vld.idx.msk [tilespmem:v48+s31+$0x0], $0xffff  }
0x3f6: {  	v60 =	vimm.f32 $0.0e+00;
	v10 =	vor.u32 v10, v24;
	v63 =	vadd.s32 $0x80, v3;
	v52 =	vld.idx.msk [tilespmem:v0+s26+$0x0], $0xffff  }
0x3f7: {  	v54 =	vmul.f32 v49, v47;
	v59 =	vadd.s32 $0x80, v10;
	v3 =	vsub.f32 v22, v23;
	v16 =	vld.idx.msk [tilespmem:v57+s31+$0x0], $0xffff  }
0x3f8: {  	v24 =	vsub.f32 v28, v30;
	v10 =	vsub.f32 v25, v26;
	v22 =	vor.u32 v32, v33;
	v28 =	vld.idx.msk [tilespmem:v51+s26+$0x0], $0xffff  }
0x3f9: {  	v25 =	vor.u32 v31, v29;
	v23 =	vor.u32 v36, v12;
	v12 =	vor.u32 v34, v35;
	v39 =	vld.idx.msk [tilespmem:v0+s31+$0x0], $0xffff  }
0x3fa: {  	v29 =	vsub.f32 v8, v37;
	v44 =	vmul.f32 v45, v41;
	vm2 =	veq.s32 v22, $0x0;
	v56 =	vld.idx.msk [tilespmem:v48+s26+$0x0], $0xffff  }
0x3fb: {  	v42 =	vmul.f32 v20, v15;
	vm3 =	veq.s32 v12, $0x0;
	v12 =	vmul.f32 v17, v19;
	v38 =	vld.idx.msk [tilespmem:v63+s31+$0x0], $0xffff  }
.Ltmp11:
0x3fc: {  	vm1 =	veq.s32 v25, $0x0;
	v31 =	vmul.f32 v2, v11;
	v34 =	vmul.f32 v18, v14;
	v35 =	vld.idx.msk [tilespmem:v59+s26+$0x0], $0xffff;
	(pc) =	sbr.rel @p1 .LBB2_25-.Ltmp11, $4  }
0x3fd: {  	v25 =	vimm.f32 $0.0e+00;
	v40 =	vmul.f32 v13, v5;
	v53 =	vmul.f32 v27, v21;
	v43 =	vld.idx.msk [tilespmem:v51+s31+$0x0], $0xffff  }
0x3fe: {  	v41 =	vmul.f32 v50, v41;
	vm0 =	veq.s32 v23, $0x0;
	v51 =	vmul.f32 v50, v55;
	v48 =	vld.idx.msk [tilespmem:v57+s26+$0x0], $0xffff  }
0x3ff: {  	v37 =	vsel vm2, $0x3F800000, v60;
	v60 =	vmul.f32 v49, v58;
	v55 =	vmul.f32 v45, v55;
	v59 =	vld.idx.msk [tilespmem:v59+s31+$0x0], $0xffff  }
0x400: {  	s18 =	sadd.s32 $0x40, s18;
	s13 =	sadd.s32 $0x80, s13;
	v8 =	vsel vm3, $0x3F800000, v25;
	v62 =	vmul.f32 v61, v58;
	v61 =	vmul.f32 v61, v47;
	v58 =	vld.idx.msk [tilespmem:v63+s26+$0x0], $0xffff  }
0x401: {  	v49 =	vld [tilespmem:s25+$0x3830];
	s0 =	sadd.s32 $0x30, s4  }
0x402: {  	v50 =	vld [tilespmem:s25+$0x4830];
	s0 =	sor.u32 $0x80, s0  }
0x403: {  	v45 =	vld [tilespmem:s0+$0x3800]  }
0x404: {  	v47 =	vld [tilespmem:s0+$0x4800];
	_ =	swait.ge [sflag:s22], $0x1000  }
0x405: {  	[sflag:s22] =	ssyncset.done $0x0  }
0x406: {  	[sflag:s22] =	ssyncadd.s32 $0xFFFFF000  }
0x407: {  	_ =	swait.ge [sflag:s28], $0x1000  }
0x408: {  	s24 =	sor.u32 $0xE00, s24;
	[sflag:s28] =	ssyncset.done $0x0  }
0x409: {  	s25 =	simm.s32 $0x0;
	s1 =	sadd.s32 s2, s24;
	[sflag:s28] =	ssyncadd.s32 $0xFFFFF000  }
0x40a: {  	[tilespmem:s29], [sflag:$0x3] =	stream.linear.gather [hbm4b:s1+s25], $0x1000, $0x38;
	[tilespmem:$0x15900] =	vst v63  }
0x40b: {  	s5 =	sand.u32 $0x40, s25;
	s1 =	sand.u32 $0xF00, s25  }
0x40c: {  	s0 =	sadd.s32 s3, s24;
	s24 =	sor.u32 s5, s1  }
0x40d: {  	[tilespmem:s30], [sflag:$0x4] =	stream.linear.gather [hbm4b:s0+s25], $0x1000, $0x38;
	[tilespmem:$0x15900] =	vst v63  }
0x40e: {  	v0 =	vld [tilespmem:s24+$0x1810];
	_ =	sdelay $0x3  }
0x40f: {  	v23 =	vld [tilespmem:s24+$0x1820]  }
0x410: {  	v25 =	vld [tilespmem:s24+$0x2820];
	[tilespmem:$0x1FFC0] =	vst v0  }
0x411: {  	v26 =	vld [tilespmem:s24+$0x2810]  }
0x412: {  	v22 =	vmul.f32 v52, v19;
	v30 =	vld [tilespmem:s24+$0x1800]  }
0x413: {  	v57 =	vsub.f32 v6, v9;
	v19 =	vmul.f32 v52, v46;
	v17 =	vmul.f32 v17, v46;
	v32 =	vld [tilespmem:s24+$0x2800]  }
0x414: {  	v63 =	vsub.f32 v4, v7;
	v4 =	vmul.f32 v20, v39;
	v6 =	vmul.f32 v56, v15;
	v33 =	vld [tilespmem:s24+$0x13800]  }
0x415: {  	s6 =	simm.s32 $0x6060;
	s8 =	simm.s32 $0x3030;
	v9 =	vmul.f32 v56, v39;
	v13 =	vmul.f32 v13, v38;
	v7 =	vadd.f32 v62, v54;
	v36 =	vld [tilespmem:s24+$0x13880]  }
0x416: {  	v5 =	vmul.f32 v35, v5;
	v11 =	vmul.f32 v28, v11;
	s1 =	sand.u32 $0x70, s8;
	s0 =	sand.u32 $0x6F00, s6;
	v52 =	vld [tilespmem:s24+$0xB800]  }
0x417: {  	s13 =	simm.s32 $0x6040;
	v15 =	vsub.f32 v60, v61;
	v14 =	vmul.f32 v48, v14;
	v7 =	vsub.f32 v7, v44;
	s5 =	simm.s32 $0x3020;
	s0 =	sor.u32 s1, s0;
	v54 =	vld [tilespmem:s24+$0xB880]  }
0x418: {  	s16 =	sand.u32 $0x6F00, s13;
	v56 =	vsub.f32 v4, v6;
	v62 =	vmul.f32 v27, v59;
	v20 =	vmul.f32 v58, v59;
	s18 =	sand.u32 $0x60, s5;
	v39 =	vld [tilespmem:s0+$0xD800]  }
0x419: {  	v15 =	vadd.f32 v15, v55;
	v6 =	vmul.f32 v58, v21;
	v7 =	vsub.f32 v7, v51;
	s25 =	simm.s32 $0x6020;
	s6 =	simm.s32 $0x3010;
	s1 =	sor.u32 s18, s16;
	v27 =	vld [tilespmem:s0+$0xD880]  }
0x41a: {  	v4 =	vadd.f32 v20, v53;
	v20 =	vadd.f32 v9, v42;
	v9 =	vmul.f32 v18, v43;
	s8 =	sand.u32 $0x6F00, s25;
	s13 =	sand.u32 $0x50, s6;
	v42 =	vld [tilespmem:s1+$0xD800]  }
0x41b: {  	v21 =	vmul.f32 v35, v38;
	v6 =	vsub.f32 v62, v6;
	v45 =	vsub.f32 v45, v47;
	s5 =	sor.u32 s13, s8;
	v44 =	vld [tilespmem:s1+$0xD880]  }
0x41c: {  	v18 =	vmul.f32 v48, v43;
	v9 =	vsub.f32 v9, v14;
	v14 =	vsub.f32 v15, v41;
	v46 =	vld [tilespmem:s5+$0xD800]  }
0x41d: {  	v7 =	vmul.f32 v7, v37;
	v4 =	vsub.f32 v4, v40;
	v6 =	vadd.f32 v6, v13;
	v41 =	vld [tilespmem:s5+$0xD880]  }
0x41e: {  	v2 =	vmul.f32 v2, v16;
	v18 =	vadd.f32 v18, v34;
	v12 =	vsub.f32 v20, v12;
	v13 =	vld [tilespmem:s0+$0x5800]  }
0x41f: {  	p0 =	por $0x0, $0x0;
	v7 =	vsub.f32 v24, v7;
	v14 =	vmul.f32 v14, v37;
	v4 =	vsub.f32 v4, v21;
	v35 =	vld [tilespmem:s0+$0x5880];
	s0 =	simm.s32 $0x1  }
0x420: {  	v21 =	vmul.f32 v28, v16;
	v5 =	vsub.f32 v6, v5;
	v6 =	vsub.f32 v18, v31;
	v24 =	vld [tilespmem:s1+$0x5800];
	s0 =	simm.s32 @!p0 $0x0  }
0x421: {  	v2 =	vadd.f32 v9, v2;
	v12 =	vsub.f32 v12, v19;
	v7 =	vmul.f32 v7, v7;
	v59 =	vld [tilespmem:s1+$0x5880];
	s0 =	sshll.u32 s0, $0x6  }
0x422: {  	v14 =	vsub.f32 v29, v14;
	v21 =	vsub.f32 v6, v21;
	v38 =	vld [tilespmem:s5+$0x5800];
	s4 =	sadd.s32 $0x0, s0  }
0x423: {  	v2 =	vsub.f32 v2, v11;
	v12 =	vmul.f32 v12, v8;
	v1 =	vadd.f32 v7, v1;
	v16 =	vld [tilespmem:s5+$0x5880];
	s0 =	sor.u32 $0x80, s4  }
0x424: {  	v7 =	vmul.f32 v14, v14;
	v0 =	vimm.f32 $0.0e+00;
	s16 =	sadd.s32 $0x20, s4;
	v18 =	vand.u32 $0xFFFFFF80, v54;
	v31 =	vld [tilespmem:s0+$0x1800]  }
0x425: {  	v58 =	vsel vm0, $0x3F800000, v0;
	v9 =	vand.u32 $0xFFFFFF80, v52;
	v34 =	vld [tilespmem:s0+$0x2800];
	s18 =	sor.u32 $0x80, s16;
	v18 =	vadd.s32 v54, v18  }
0x426: {  	v15 =	vsel vm1, $0x3F800000, v0;
	v4 =	vmul.f32 v4, v58;
	s25 =	sadd.s32 $0x10, s4;
	v28 =	vadd.s32 v52, v9;
	v6 =	vld [tilespmem:s18+$0x1800]  }
0x427: {  	v1 =	vadd.f32 v1, v7;
	v5 =	vmul.f32 v5, v58;
	v11 =	vmul.f32 v21, v15;
	s1 =	sor.u32 $0x80, s25;
	v9 =	vld [tilespmem:s18+$0x2800]  }
0x428: {  	v2 =	vmul.f32 v2, v15;
	v10 =	vsub.f32 v10, v4;
	v14 =	vand.u32 $0xFFFFFF80, v35;
	v4 =	vld [tilespmem:s1+$0x1800]  }
0x429: {  	v5 =	vsub.f32 v63, v5;
	v20 =	vand.u32 $0xFFFFFF80, v13;
	v7 =	vld [tilespmem:s1+$0x2800];
	v21 =	vadd.s32 v35, v14  }
0x42a: {  	v3 =	vsub.f32 v3, v11;
	v2 =	vsub.f32 v57, v2;
	v29 =	vadd.s32 v13, v20;
	v43 =	vld.idx.msk [tilespmem:v18+s31+$0x0], $0xffff  }
0x42b: {  	v10 =	vmul.f32 v10, v10;
	v5 =	vmul.f32 v5, v5;
	v11 =	vand.u32 $0xFFFFFF80, v24;
	v53 =	vld.idx.msk [tilespmem:v28+s26+$0x0], $0xffff  }
0x42c: {  	v3 =	vmul.f32 v3, v3;
	v14 =	vadd.f32 v56, v17;
	v62 =	vadd.s32 v24, v11;
	v60 =	vld.idx.msk [tilespmem:v28+s31+$0x0], $0xffff  }
0x42d: {  	v24 =	vand.u32 $0x7F, v24;
	v1 =	vadd.f32 v10, v1;
	v10 =	vand.u32 $0xFFFFFF80, v59;
	v55 =	vld.idx.msk [tilespmem:v18+s26+$0x0], $0xffff  }
0x42e: {  	v35 =	vand.u32 $0x7F, v35;
	v10 =	vadd.s32 v59, v10;
	v0 =	vsub.f32 v14, v22;
	v19 =	vld.idx.msk [tilespmem:v21+s31+$0x0], $0xffff  }
0x42f: {  	v14 =	vsub.f32 v49, v50;
	v1 =	vadd.f32 v1, v5;
	v5 =	vand.u32 $0xFFFFFF80, v16;
	v17 =	vld.idx.msk [tilespmem:v29+s26+$0x0], $0xffff  }
0x430: {  	v0 =	vmul.f32 v0, v8;
	v8 =	vand.u32 $0xFFFFFF80, v38;
	v47 =	vadd.s32 v16, v5;
	v15 =	vld.idx.msk [tilespmem:v29+s31+$0x0], $0xffff  }
0x431: {  	v5 =	vsub.f32 v14, v12;
	v12 =	vand.u32 $0xFFFFFF80, v18;
	v14 =	vand.u32 $0x7F, v54;
	v20 =	vld.idx.msk [tilespmem:v21+s26+$0x0], $0xffff  }
0x432: {  	v1 =	vadd.f32 v3, v1;
	v3 =	vmul.f32 v2, v2;
	v8 =	vadd.s32 v38, v8;
	v2 =	vld.idx.msk [tilespmem:v62+s26+$0x0], $0xffff  }
0x433: {  	v18 =	vand.u32 $0xFFFFFF80, v28;
	v28 =	vand.u32 $0x7F, v52;
	v12 =	vor.u32 v14, v12;
	v14 =	vld.idx.msk [tilespmem:v62+s31+$0x0], $0xffff  }
0x434: {  	v21 =	vand.u32 $0xFFFFFF80, v21;
	v29 =	vand.u32 $0xFFFFFF80, v29;
	v62 =	vand.u32 $0xFFFFFF80, v62;
	v11 =	vld.idx.msk [tilespmem:v10+s31+$0x0], $0xffff  }
0x435: {  	v12 =	vadd.s32 $0x80, v12;
	v1 =	vadd.f32 v1, v3;
	v3 =	vor.u32 v28, v18;
	v18 =	vld.idx.msk [tilespmem:v10+s26+$0x0], $0xffff  }
0x436: {  	v61 =	vmul.f32 v5, v5;
	v35 =	vor.u32 v35, v21;
	v28 =	vand.u32 $0x7F, v13;
	v5 =	vld.idx.msk [tilespmem:v47+s31+$0x0], $0xffff  }
0x437: {  	v24 =	vor.u32 v24, v62;
	v35 =	vadd.s32 $0x80, v35;
	v29 =	vor.u32 v28, v29;
	v28 =	vld.idx.msk [tilespmem:v47+s26+$0x0], $0xffff  }
0x438: {  	v49 =	vadd.s32 $0x80, v24;
	v13 =	vld.idx.msk [tilespmem:v8+s26+$0x0], $0xffff  }
0x439: {  	v21 =	vld.idx.msk [tilespmem:v8+s31+$0x0], $0xffff  }
0x43a: {  	v3 =	vadd.s32 $0x80, v3;
	v57 =	vld.idx.msk [tilespmem:v12+s31+$0x0], $0xffff  }
0x43b: {  	v37 =	vand.u32 $0x7F, v59;
	v10 =	vand.u32 $0xFFFFFF80, v10;
	v62 =	vld.idx.msk [tilespmem:v12+s26+$0x0], $0xffff  }
0x43c: {  	v0 =	vsub.f32 v45, v0;
	v10 =	vor.u32 v37, v10;
	v29 =	vadd.s32 $0x80, v29;
	v48 =	vld.idx.msk [tilespmem:v35+s31+$0x0], $0xffff  }
0x43d: {  	v22 =	vor.u32 v46, v41;
	v58 =	vadd.s32 $0x80, v10;
	v24 =	vld.idx.msk [tilespmem:v49+s26+$0x0], $0xffff  }
0x43e: {  	v63 =	vimm.f32 $0.0e+00;
	vm0 =	veq.s32 v22, $0x0;
	v0 =	vmul.f32 v0, v0;
	v56 =	vld.idx.msk [tilespmem:v35+s26+$0x0], $0xffff  }
0x43f: {  	v1 =	vadd.f32 v61, v1;
	v8 =	vand.u32 $0xFFFFFF80, v8;
	v12 =	vand.u32 $0x7F, v38;
	v45 =	vld.idx.msk [tilespmem:v3+s26+$0x0], $0xffff  }
0x440: {  	v10 =	vand.u32 $0x7F, v16;
	v54 =	vmul.f32 v55, v60;
	v8 =	vor.u32 v12, v8;
	v61 =	vld.idx.msk [tilespmem:v3+s31+$0x0], $0xffff  }
0x441: {  	v1 =	vadd.f32 v1, v0;
	v12 =	vor.u32 v39, v27;
	v0 =	vadd.s32 $0x80, v8;
	v52 =	vld.idx.msk [tilespmem:v29+s26+$0x0], $0xffff  }
0x442: {  	v35 =	vmul.f32 v18, v14;
	v3 =	vand.u32 $0xFFFFFF80, v47;
	v8 =	vor.u32 v33, v36;
	v16 =	vld.idx.msk [tilespmem:v58+s31+$0x0], $0xffff  }
0x443: {  	vm3 =	veq.s32 v12, $0x0;
	v12 =	vmul.f32 v17, v19;
	v3 =	vor.u32 v10, v3;
	v10 =	vld [tilespmem:$0x1FFC0]  }
0x444: {  	v50 =	vld.idx.msk [tilespmem:v29+s31+$0x0], $0xffff;
	vm2 =	veq.s32 v8, $0x0;
	v29 =	vmul.f32 v53, v43;
	v38 =	vadd.s32 $0x80, v3  }
0x445: {  	v8 =	vsel vm3, $0x3F800000, v63;
	v3 =	vsub.f32 v23, v25;
	v23 =	vor.u32 v42, v44;
	v44 =	vld.idx.msk [tilespmem:v49+s31+$0x0], $0xffff  }
0x446: {  	v25 =	vsub.f32 v30, v32;
	v42 =	vmul.f32 v20, v15;
	v32 =	vmul.f32 v2, v11;
	v37 =	vld.idx.msk [tilespmem:v0+s26+$0x0], $0xffff  }
0x447: {  	v30 =	vsub.f32 v31, v34;
	v49 =	vmul.f32 v45, v57;
	v43 =	vmul.f32 v45, v43;
	v45 =	vld.idx.msk [tilespmem:v58+s26+$0x0], $0xffff  }
0x448: {  	v51 =	vmul.f32 v28, v21;
	v41 =	vmul.f32 v13, v5;
	v39 =	vsel vm2, $0x3F800000, v63;
	v58 =	vld.idx.msk [tilespmem:v0+s31+$0x0], $0xffff  }
0x449: {  	vm1 =	veq.s32 v23, $0x0;
	v60 =	vmul.f32 v62, v60;
	v59 =	vmul.f32 v55, v61;
	v40 =	vld.idx.msk [tilespmem:v38+s31+$0x0], $0xffff  }
0x44a: {  	s13 =	simm.s32 $0x80;
	s16 =	simm.s32 $0x0;
	s18 =	simm.s32 $0x40;
	v55 =	vmul.f32 v53, v57;
	v61 =	vmul.f32 v62, v61;
	v10 =	vsub.f32 v10, v26;
	v57 =	vld.idx.msk [tilespmem:v38+s26+$0x0], $0xffff  }
.LBB2_27:
0x44b: {  	s0 =	sand.u32 $0xF00, s13;
	s1 =	sand.u32 $0x40, s18;
	v6 =	vsub.f32 v6, v9;
	v0 =	vmul.f32 v52, v48;
	v9 =	vmul.f32 v52, v19;
	v19 =	vld [tilespmem:s24+$0x1830]  }
0x44c: {  	v38 =	vsel vm1, $0x3F800000, v63;
	v11 =	vmul.f32 v24, v11;
	v17 =	vmul.f32 v17, v48;
	v46 =	vld [tilespmem:s24+$0x2830];
	s24 =	sor.u32 s1, s0  }
0x44d: {  	v4 =	vsub.f32 v4, v7;
	v7 =	vmul.f32 v20, v50;
	v15 =	vmul.f32 v56, v15;
	v22 =	vld [tilespmem:s24+$0x1820]  }
0x44e: {  	v20 =	vsel vm0, $0x3F800000, v63;
	v36 =	vmul.f32 v24, v16;
	v31 =	vmul.f32 v56, v50;
	v23 =	vld [tilespmem:s24+$0x2820]  }
0x44f: {  	v18 =	vmul.f32 v18, v44;
	v33 =	vadd.f32 v61, v54;
	v14 =	vmul.f32 v45, v14;
	v24 =	vld [tilespmem:s24+$0x1810]  }
0x450: {  	v48 =	vmul.f32 v37, v40;
	v34 =	vsub.f32 v59, v60;
	v47 =	vmul.f32 v57, v58;
	v26 =	vld [tilespmem:s24+$0x2810]  }
0x451: {  	v28 =	vmul.f32 v28, v58;
	v7 =	vsub.f32 v7, v15;
	v33 =	vsub.f32 v33, v29;
	v27 =	vld [tilespmem:s24+$0x1800]  }
0x452: {  	v42 =	vadd.f32 v31, v42;
	v21 =	vmul.f32 v57, v21;
	v15 =	vadd.f32 v47, v51;
	v29 =	vld [tilespmem:s24+$0x2800]  }
0x453: {  	v40 =	vmul.f32 v13, v40;
	v34 =	vadd.f32 v34, v55;
	v47 =	vsub.f32 v33, v49;
	v31 =	vld [tilespmem:s24+$0x13800]  }
0x454: {  	s0 =	sadd.s32 $0x6060, s13;
	s1 =	sadd.s32 $0x3030, s18;
	v18 =	vsub.f32 v18, v14;
	v21 =	vsub.f32 v28, v21;
	v28 =	vmul.f32 v45, v44;
	v33 =	vld [tilespmem:s24+$0x13880]  }
0x455: {  	s0 =	sand.u32 $0x6F00, s0;
	s1 =	sand.u32 $0x70, s1;
	v43 =	vsub.f32 v34, v43;
	v44 =	vmul.f32 v47, v39;
	v15 =	vsub.f32 v15, v41;
	v13 =	vld [tilespmem:s24+$0xB800]  }
0x456: {  	s5 =	sadd.s32 $0x6040, s13;
	s6 =	sadd.s32 $0x3020, s18;
	v5 =	vmul.f32 v37, v5;
	s0 =	sor.u32 s1, s0;
	v21 =	vadd.f32 v21, v40;
	v28 =	vadd.f32 v28, v35;
	v14 =	vld [tilespmem:s24+$0xB880]  }
0x457: {  	s1 =	sand.u32 $0x6F00, s5;
	s5 =	sand.u32 $0x60, s6;
	v37 =	vmul.f32 v43, v39;
	v25 =	vsub.f32 v25, v44;
	v15 =	vsub.f32 v15, v48;
	v34 =	vld [tilespmem:s0+$0xD800]  }
0x458: {  	s8 =	sadd.s32 $0x3010, s18;
	v2 =	vmul.f32 v2, v16;
	s6 =	sadd.s32 $0x6020, s13;
	s1 =	sor.u32 s5, s1;
	v5 =	vsub.f32 v21, v5;
	v21 =	vsub.f32 v28, v32;
	v35 =	vld [tilespmem:s0+$0xD880]  }
0x459: {  	s5 =	sand.u32 $0x6F00, s6;
	s6 =	sand.u32 $0x50, s8;
	v16 =	vsub.f32 v30, v37;
	v25 =	vmul.f32 v25, v25;
	v15 =	vmul.f32 v15, v20;
	v32 =	vld [tilespmem:s1+$0xD800]  }
0x45a: {  	s4 =	sadd.s32 $0x30, s4;
	s5 =	sor.u32 s6, s5;
	v2 =	vadd.f32 v18, v2;
	v5 =	vmul.f32 v5, v20;
	v20 =	vsub.f32 v21, v36;
	v30 =	vld [tilespmem:s1+$0xD880]  }
0x45b: {  	s4 =	sor.u32 $0x80, s4;
	v16 =	vmul.f32 v16, v16;
	v1 =	vadd.f32 v25, v1;
	v10 =	vsub.f32 v10, v15;
	v36 =	vld [tilespmem:s5+$0xD800]  }
0x45c: {  	v2 =	vsub.f32 v2, v11;
	v11 =	vmul.f32 v20, v38;
	v15 =	vsub.f32 v42, v12;
	v18 =	vld [tilespmem:s4+$0x1800]  }
0x45d: {  	v4 =	vsub.f32 v4, v5;
	v1 =	vadd.f32 v1, v16;
	v5 =	vmul.f32 v10, v10;
	v10 =	vld [tilespmem:s4+$0x2800]  }
0x45e: {  	v7 =	vadd.f32 v7, v17;
	v2 =	vmul.f32 v2, v38;
	v0 =	vsub.f32 v15, v0;
	v12 =	vld [tilespmem:s5+$0xD880]  }
0x45f: {  	v4 =	vmul.f32 v4, v4;
	v3 =	vsub.f32 v3, v11;
	v1 =	vadd.f32 v5, v1;
	v16 =	vld [tilespmem:s0+$0x5800]  }
0x460: {  	p0 =	por !p0, !p0;
	v5 =	vsub.f32 v7, v9;
	v7 =	vsub.f32 v19, v46;
	v0 =	vmul.f32 v0, v8;
	v21 =	vld [tilespmem:s0+$0x5880];
	s0 =	simm.s32 $0x1  }
0x461: {  	v2 =	vsub.f32 v6, v2;
	v3 =	vmul.f32 v3, v3;
	v1 =	vadd.f32 v1, v4;
	s0 =	simm.s32 @!p0 $0x0;
	v25 =	vld [tilespmem:s1+$0x5800]  }
0x462: {  	v5 =	vmul.f32 v5, v8;
	s0 =	sshll.u32 s0, $0x6;
	v28 =	vld [tilespmem:s1+$0x5880];
	v4 =	vsub.f32 v18, v10  }
0x463: {  	v2 =	vmul.f32 v2, v2;
	v0 =	vsub.f32 v7, v0;
	v1 =	vadd.f32 v3, v1;
	s4 =	sadd.s32 s0, s13;
	v10 =	vld [tilespmem:s5+$0x5800]  }
0x464: {  	v3 =	vand.u32 $0xFFFFFF80, v14;
	s0 =	sor.u32 $0x80, s4;
	v37 =	vld [tilespmem:s5+$0x5880]  }
0x465: {  	v0 =	vmul.f32 v0, v0;
	v1 =	vadd.f32 v1, v2;
	s1 =	sadd.s32 $0x20, s4;
	v2 =	vsub.f32 v4, v5;
	v8 =	vld [tilespmem:s0+$0x1800]  }
0x466: {  	v3 =	vadd.s32 v14, v3;
	v4 =	vand.u32 $0xFFFFFF80, v13;
	v38 =	vld [tilespmem:s0+$0x2800];
	s0 =	sor.u32 $0x80, s1  }
0x467: {  	v0 =	vadd.f32 v0, v1;
	v5 =	vadd.s32 v13, v4;
	s1 =	sadd.s32 $0x10, s4;
	v1 =	vmul.f32 v2, v2;
	v6 =	vld [tilespmem:s0+$0x1800]  }
0x468: {  	s1 =	sor.u32 $0x80, s1;
	v9 =	vld [tilespmem:s0+$0x2800]  }
0x469: {  	v2 =	vand.u32 $0xFFFFFF80, v21;
	v1 =	vadd.f32 v0, v1;
	v4 =	vld [tilespmem:s1+$0x1800]  }
0x46a: {  	v39 =	vadd.s32 v21, v2;
	v0 =	vand.u32 $0xFFFFFF80, v16;
	v7 =	vld [tilespmem:s1+$0x2800]  }
0x46b: {  	v0 =	vadd.s32 v16, v0;
	v43 =	vld.idx.msk [tilespmem:v3+s31+$0x0], $0xffff  }
0x46c: {  	v46 =	vld.idx.msk [tilespmem:v5+s26+$0x0], $0xffff  }
0x46d: {  	v2 =	vand.u32 $0xFFFFFF80, v28;
	v47 =	vld.idx.msk [tilespmem:v5+s31+$0x0], $0xffff  }
0x46e: {  	v11 =	vand.u32 $0xFFFFFF80, v25;
	v40 =	vadd.s32 v28, v2;
	v53 =	vld.idx.msk [tilespmem:v3+s26+$0x0], $0xffff  }
0x46f: {  	v41 =	vadd.s32 v25, v11;
	v19 =	vld.idx.msk [tilespmem:v39+s31+$0x0], $0xffff  }
0x470: {  	v17 =	vld.idx.msk [tilespmem:v0+s26+$0x0], $0xffff  }
0x471: {  	v2 =	vand.u32 $0xFFFFFF80, v37;
	v15 =	vld.idx.msk [tilespmem:v0+s31+$0x0], $0xffff  }
0x472: {  	v11 =	vand.u32 $0xFFFFFF80, v10;
	v42 =	vadd.s32 v37, v2;
	v20 =	vld.idx.msk [tilespmem:v39+s26+$0x0], $0xffff  }
0x473: {  	v44 =	vadd.s32 v10, v11;
	v11 =	vld.idx.msk [tilespmem:v40+s31+$0x0], $0xffff  }
0x474: {  	v14 =	vand.u32 $0x7F, v14;
	v3 =	vand.u32 $0xFFFFFF80, v3;
	v2 =	vld.idx.msk [tilespmem:v41+s26+$0x0], $0xffff  }
0x475: {  	v13 =	vand.u32 $0x7F, v13;
	v5 =	vand.u32 $0xFFFFFF80, v5;
	v3 =	vor.u32 v14, v3;
	v14 =	vld.idx.msk [tilespmem:v41+s31+$0x0], $0xffff  }
0x476: {  	v5 =	vor.u32 v13, v5;
	v3 =	vadd.s32 $0x80, v3;
	v18 =	vld.idx.msk [tilespmem:v40+s26+$0x0], $0xffff  }
0x477: {  	s16 =	sadd.s32 $0x4, s16;
	v16 =	vand.u32 $0x7F, v16;
	v45 =	vadd.s32 $0x80, v5;
	v5 =	vld.idx.msk [tilespmem:v42+s31+$0x0], $0xffff  }
0x478: {  	p1 =	slt.u32 s16, $0x7C;
	v48 =	vand.u32 $0x7F, v21;
	v25 =	vand.u32 $0x7F, v25;
	v39 =	vand.u32 $0xFFFFFF80, v39;
	v13 =	vld.idx.msk [tilespmem:v44+s26+$0x0], $0xffff  }
0x479: {  	v49 =	vand.u32 $0x7F, v28;
	v0 =	vand.u32 $0xFFFFFF80, v0;
	v39 =	vor.u32 v48, v39;
	v21 =	vld.idx.msk [tilespmem:v44+s31+$0x0], $0xffff  }
0x47a: {  	v0 =	vor.u32 v16, v0;
	v39 =	vadd.s32 $0x80, v39;
	v40 =	vand.u32 $0xFFFFFF80, v40;
	v28 =	vld.idx.msk [tilespmem:v42+s26+$0x0], $0xffff  }
0x47b: {  	v16 =	vand.u32 $0xFFFFFF80, v41;
	v0 =	vadd.s32 $0x80, v0;
	v40 =	vor.u32 v49, v40;
	v55 =	vld.idx.msk [tilespmem:v3+s31+$0x0], $0xffff  }
0x47c: {  	v16 =	vor.u32 v25, v16;
	v58 =	vadd.s32 $0x80, v40;
	v57 =	vld.idx.msk [tilespmem:v45+s26+$0x0], $0xffff  }
0x47d: {  	v60 =	vld.idx.msk [tilespmem:v45+s31+$0x0], $0xffff;
	v45 =	vadd.s32 $0x80, v16  }
0x47e: {  	v16 =	vand.u32 $0x7F, v37;
	v62 =	vld.idx.msk [tilespmem:v3+s26+$0x0], $0xffff;
	v3 =	vand.u32 $0xFFFFFF80, v42  }
0x47f: {  	v10 =	vand.u32 $0x7F, v10;
	v25 =	vand.u32 $0xFFFFFF80, v44;
	v3 =	vor.u32 v16, v3;
	v48 =	vld.idx.msk [tilespmem:v39+s31+$0x0], $0xffff  }
0x480: {  	v59 =	vimm.f32 $0.0e+00;
	v10 =	vor.u32 v10, v25;
	v63 =	vadd.s32 $0x80, v3;
	v52 =	vld.idx.msk [tilespmem:v0+s26+$0x0], $0xffff  }
0x481: {  	v61 =	vadd.s32 $0x80, v10;
	v3 =	vsub.f32 v22, v23;
	v16 =	vld.idx.msk [tilespmem:v58+s31+$0x0], $0xffff  }
0x482: {  	v25 =	vsub.f32 v27, v29;
	v10 =	vsub.f32 v24, v26;
	v22 =	vor.u32 v31, v33;
	v24 =	vld.idx.msk [tilespmem:v45+s26+$0x0], $0xffff  }
0x483: {  	v26 =	vor.u32 v32, v30;
	v23 =	vor.u32 v36, v12;
	v12 =	vor.u32 v34, v35;
	v50 =	vld.idx.msk [tilespmem:v0+s31+$0x0], $0xffff  }
0x484: {  	v54 =	vmul.f32 v53, v47;
	v29 =	vmul.f32 v46, v43;
	vm2 =	veq.s32 v22, $0x0;
	v56 =	vld.idx.msk [tilespmem:v39+s26+$0x0], $0xffff  }
0x485: {  	v42 =	vmul.f32 v20, v15;
	vm3 =	veq.s32 v12, $0x0;
	v12 =	vmul.f32 v17, v19;
	v40 =	vld.idx.msk [tilespmem:v63+s31+$0x0], $0xffff  }
0x486: {  	vm1 =	veq.s32 v26, $0x0;
	v32 =	vmul.f32 v2, v11;
	v35 =	vmul.f32 v18, v14;
	v37 =	vld.idx.msk [tilespmem:v61+s26+$0x0], $0xffff  }
.Ltmp12:
0x487: {  	v30 =	vsub.f32 v8, v38;
	v41 =	vmul.f32 v13, v5;
	v51 =	vmul.f32 v28, v21;
	v44 =	vld.idx.msk [tilespmem:v45+s31+$0x0], $0xffff;
	(pc) =	sbr.rel @p1 .LBB2_27-.Ltmp12, $4  }
0x488: {  	v49 =	vmul.f32 v57, v55;
	v43 =	vmul.f32 v57, v43;
	vm0 =	veq.s32 v23, $0x0;
	v45 =	vld.idx.msk [tilespmem:v58+s26+$0x0], $0xffff  }
0x489: {  	v55 =	vmul.f32 v46, v55;
	v39 =	vsel vm2, $0x3F800000, v59;
	v59 =	vmul.f32 v53, v60;
	v58 =	vld.idx.msk [tilespmem:v61+s31+$0x0], $0xffff  }
0x48a: {  	v57 =	vld.idx.msk [tilespmem:v63+s26+$0x0], $0xffff;
	v63 =	vimm.f32 $0.0e+00  }
0x48b: {  	s18 =	sadd.s32 $0x40, s18;
	s13 =	sadd.s32 $0x80, s13;
	v61 =	vmul.f32 v62, v60;
	v60 =	vmul.f32 v62, v47;
	v8 =	vsel vm3, $0x3F800000, v63  }
0x48c: {  	v46 =	vld [tilespmem:s24+$0x1830];
	s0 =	sadd.s32 $0x30, s4  }
0x48d: {  	v47 =	vld [tilespmem:s24+$0x2830];
	s0 =	sor.u32 $0x80, s0  }
0x48e: {  	v26 =	vld [tilespmem:s0+$0x1800]  }
0x48f: {  	v27 =	vld [tilespmem:s0+$0x2800];
	_ =	swait.ge [sflag:s7], $0x1000  }
0x490: {  	[sflag:s7] =	ssyncset.done $0x0  }
0x491: {  	[sflag:s7] =	ssyncadd.s32 $0xFFFFF000  }
0x492: {  	s5 =	simm.s32 $0x0;
	_ =	swait.ge [sflag:s9], $0x1000  }
0x493: {  	s1 =	sand.u32 $0xF00, s5;
	s0 =	sand.u32 $0x40, s5;
	[sflag:s9] =	ssyncset.done $0x0  }
0x494: {  	s24 =	sor.u32 s0, s1;
	[sflag:s9] =	ssyncadd.s32 $0xFFFFF000  }
0x495: {  	v23 =	vld [tilespmem:s24+$0x3820]  }
0x496: {  	v33 =	vld [tilespmem:s24+$0x4820]  }
0x497: {  	v22 =	vld [tilespmem:s24+$0x3810]  }
0x498: {  	v31 =	vld [tilespmem:s24+$0x4810]  }
0x499: {  	v34 =	vld [tilespmem:s24+$0x3800]  }
0x49a: {  	v0 =	vmul.f32 v52, v19;
	v19 =	vmul.f32 v52, v48;
	v36 =	vld [tilespmem:s24+$0x4800]  }
0x49b: {  	v48 =	vmul.f32 v17, v48;
	v52 =	vsub.f32 v4, v7;
	v4 =	vmul.f32 v20, v50;
	v38 =	vld [tilespmem:s24+$0x14800]  }
0x49c: {  	v53 =	vsub.f32 v6, v9;
	s6 =	simm.s32 $0x7060;
	s8 =	simm.s32 $0x3830;
	v6 =	vmul.f32 v56, v15;
	v50 =	vmul.f32 v56, v50;
	v9 =	vld [tilespmem:s24+$0x14880]  }
0x49d: {  	v13 =	vmul.f32 v13, v40;
	v5 =	vmul.f32 v37, v5;
	v7 =	vadd.f32 v61, v54;
	s0 =	sand.u32 $0x7F00, s6;
	s1 =	sand.u32 $0x70, s8;
	v17 =	vld [tilespmem:s24+$0xC800]  }
0x49e: {  	s13 =	simm.s32 $0x7040;
	v61 =	vsub.f32 v59, v60;
	v59 =	vmul.f32 v18, v44;
	v60 =	vmul.f32 v45, v14;
	s5 =	simm.s32 $0x3820;
	s0 =	sor.u32 s1, s0;
	v15 =	vld [tilespmem:s24+$0xC880]  }
0x49f: {  	s16 =	sand.u32 $0x7F00, s13;
	v62 =	vmul.f32 v57, v58;
	s18 =	sand.u32 $0x60, s5;
	v7 =	vsub.f32 v7, v29;
	v29 =	vmul.f32 v28, v58;
	v20 =	vld [tilespmem:s0+$0xD800]  }
0x4a0: {  	s25 =	simm.s32 $0x7020;
	v58 =	vsub.f32 v4, v6;
	s6 =	simm.s32 $0x3810;
	v6 =	vmul.f32 v57, v21;
	v21 =	vadd.f32 v50, v42;
	s1 =	sor.u32 s18, s16;
	v28 =	vld [tilespmem:s0+$0xD880]  }
0x4a1: {  	v2 =	vmul.f32 v2, v16;
	s5 =	sand.u32 $0x7F00, s25;
	v54 =	vadd.f32 v61, v55;
	v61 =	vsub.f32 v59, v60;
	s8 =	sand.u32 $0x50, s6;
	v42 =	vld [tilespmem:s1+$0xD800]  }
0x4a2: {  	v55 =	vmul.f32 v24, v11;
	v24 =	vmul.f32 v24, v16;
	v4 =	vadd.f32 v62, v51;
	s4 =	sor.u32 s8, s5;
	v14 =	vld [tilespmem:s1+$0xD880]  }
0x4a3: {  	v7 =	vsub.f32 v7, v49;
	v6 =	vsub.f32 v29, v6;
	v29 =	vmul.f32 v45, v44;
	v18 =	vld [tilespmem:s4+$0xD800]  }
0x4a4: {  	v62 =	vsub.f32 v54, v43;
	v54 =	vmul.f32 v37, v40;
	v2 =	vadd.f32 v61, v2;
	v43 =	vld [tilespmem:s4+$0xD880]  }
0x4a5: {  	v12 =	vsub.f32 v21, v12;
	v7 =	vmul.f32 v7, v39;
	v4 =	vsub.f32 v4, v41;
	v41 =	vld [tilespmem:s0+$0x5800]  }
0x4a6: {  	p0 =	por $0x0, $0x0;
	v6 =	vadd.f32 v6, v13;
	v13 =	vsel vm1, $0x3F800000, v63;
	v11 =	vadd.f32 v29, v35;
	v37 =	vld [tilespmem:s0+$0x5880];
	s0 =	simm.s32 $0x1  }
0x4a7: {  	v56 =	vmul.f32 v62, v39;
	v2 =	vsub.f32 v2, v55;
	v12 =	vsub.f32 v12, v19;
	v39 =	vld [tilespmem:s1+$0x5880];
	s0 =	simm.s32 @!p0 $0x0  }
0x4a8: {  	v29 =	vsel vm0, $0x3F800000, v63;
	v40 =	vld [tilespmem:s4+$0x5880];
	v7 =	vsub.f32 v25, v7;
	v4 =	vsub.f32 v4, v54;
	s0 =	sshll.u32 s0, $0x6  }
0x4a9: {  	v25 =	vld [tilespmem:s1+$0x5800];
	v5 =	vsub.f32 v6, v5;
	v6 =	vsub.f32 v11, v32;
	v2 =	vmul.f32 v2, v13;
	s25 =	sadd.s32 $0x0, s0  }
0x4aa: {  	v32 =	vld [tilespmem:s4+$0x5800];
	v16 =	vsub.f32 v30, v56;
	v7 =	vmul.f32 v7, v7;
	v4 =	vmul.f32 v4, v29;
	s0 =	sor.u32 $0x80, s25  }
0x4ab: {  	v29 =	vmul.f32 v5, v29;
	v6 =	vsub.f32 v6, v24;
	s13 =	sadd.s32 $0x20, s25;
	v5 =	vand.u32 $0xFFFFFF80, v15;
	v11 =	vld [tilespmem:s0+$0x3800]  }
0x4ac: {  	v16 =	vmul.f32 v16, v16;
	v30 =	vand.u32 $0xFFFFFF80, v17;
	v35 =	vld [tilespmem:s0+$0x4800];
	s16 =	sor.u32 $0x80, s13;
	v57 =	vadd.s32 v15, v5  }
0x4ad: {  	s18 =	sadd.s32 $0x10, s25;
	v1 =	vadd.f32 v7, v1;
	v21 =	vand.u32 $0xFFFFFF80, v37;
	v24 =	vadd.s32 v17, v30;
	v5 =	vld [tilespmem:s16+$0x3800]  }
0x4ae: {  	v10 =	vsub.f32 v10, v4;
	s1 =	sor.u32 $0x80, s18;
	v7 =	vld [tilespmem:s16+$0x4800];
	v30 =	vmul.f32 v6, v13;
	v56 =	vadd.s32 v37, v21  }
0x4af: {  	v4 =	vld [tilespmem:s1+$0x3800];
	v21 =	vsub.f32 v52, v29;
	v13 =	vadd.f32 v58, v48;
	v19 =	vand.u32 $0xFFFFFF80, v25  }
0x4b0: {  	v6 =	vld [tilespmem:s1+$0x4800];
	v15 =	vand.u32 $0x7F, v15;
	v1 =	vadd.f32 v1, v16;
	v16 =	vand.u32 $0xFFFFFF80, v41  }
0x4b1: {  	v10 =	vmul.f32 v10, v10;
	v60 =	vadd.s32 v25, v19;
	v19 =	vand.u32 $0xFFFFFF80, v40;
	v49 =	vld.idx.msk [tilespmem:v57+s31+$0x0], $0xffff  }
0x4b2: {  	v29 =	vadd.s32 v41, v16;
	v16 =	vand.u32 $0xFFFFFF80, v39;
	v3 =	vsub.f32 v3, v30;
	v48 =	vld.idx.msk [tilespmem:v24+s26+$0x0], $0xffff  }
0x4b3: {  	v0 =	vsub.f32 v13, v0;
	v30 =	vmul.f32 v12, v8;
	v61 =	vadd.s32 v40, v19;
	v51 =	vld.idx.msk [tilespmem:v24+s31+$0x0], $0xffff  }
0x4b4: {  	v1 =	vadd.f32 v10, v1;
	v10 =	vmul.f32 v21, v21;
	v21 =	vsub.f32 v46, v47;
	v50 =	vld.idx.msk [tilespmem:v57+s26+$0x0], $0xffff  }
0x4b5: {  	v59 =	vadd.s32 v39, v16;
	v0 =	vmul.f32 v0, v8;
	v8 =	vand.u32 $0xFFFFFF80, v32;
	v16 =	vld.idx.msk [tilespmem:v56+s31+$0x0], $0xffff  }
0x4b6: {  	v19 =	vld.idx.msk [tilespmem:v56+s26+$0x0], $0xffff;
	v62 =	vadd.s32 v32, v8;
	v8 =	vsub.f32 v21, v30;
	v21 =	vand.u32 $0xFFFFFF80, v57  }
0x4b7: {  	v15 =	vor.u32 v15, v21;
	v21 =	vld.idx.msk [tilespmem:v60+s31+$0x0], $0xffff  }
0x4b8: {  	v2 =	vsub.f32 v53, v2;
	v3 =	vmul.f32 v3, v3;
	v1 =	vadd.f32 v1, v10;
	v13 =	vld.idx.msk [tilespmem:v29+s26+$0x0], $0xffff  }
0x4b9: {  	v17 =	vand.u32 $0x7F, v17;
	v39 =	vand.u32 $0x7F, v39;
	v58 =	vand.u32 $0xFFFFFF80, v59;
	v12 =	vld.idx.msk [tilespmem:v29+s31+$0x0], $0xffff  }
0x4ba: {  	v10 =	vsub.f32 v26, v27;
	v1 =	vadd.f32 v3, v1;
	v3 =	vmul.f32 v2, v2;
	v2 =	vld.idx.msk [tilespmem:v60+s26+$0x0], $0xffff  }
0x4bb: {  	v24 =	vand.u32 $0xFFFFFF80, v24;
	v39 =	vor.u32 v39, v58;
	v57 =	vmul.f32 v8, v8;
	v8 =	vld.idx.msk [tilespmem:v61+s31+$0x0], $0xffff  }
0x4bc: {  	v30 =	vand.u32 $0x7F, v41;
	v55 =	vadd.s32 $0x80, v39;
	v29 =	vand.u32 $0xFFFFFF80, v29;
	v27 =	vld.idx.msk [tilespmem:v59+s31+$0x0], $0xffff  }
0x4bd: {  	v26 =	vld.idx.msk [tilespmem:v59+s26+$0x0], $0xffff;
	v1 =	vadd.f32 v1, v3;
	v3 =	vor.u32 v17, v24;
	v17 =	vadd.s32 $0x80, v15  }
0x4be: {  	v37 =	vand.u32 $0x7F, v37;
	v25 =	vand.u32 $0x7F, v25;
	v29 =	vor.u32 v30, v29;
	v30 =	vld.idx.msk [tilespmem:v61+s26+$0x0], $0xffff  }
0x4bf: {  	v0 =	vsub.f32 v10, v0;
	v24 =	vand.u32 $0xFFFFFF80, v56;
	v45 =	vadd.s32 $0x80, v29;
	v15 =	vld.idx.msk [tilespmem:v62+s26+$0x0], $0xffff  }
0x4c0: {  	v59 =	vand.u32 $0xFFFFFF80, v60;
	v3 =	vadd.s32 $0x80, v3;
	v37 =	vor.u32 v37, v24;
	v24 =	vld.idx.msk [tilespmem:v62+s31+$0x0], $0xffff  }
0x4c1: {  	v10 =	vor.u32 v25, v59;
	v25 =	vand.u32 $0xFFFFFF80, v62;
	v62 =	vor.u32 v42, v14;
	v42 =	vld.idx.msk [tilespmem:v55+s26+$0x0], $0xffff  }
0x4c2: {  	v52 =	vld.idx.msk [tilespmem:v17+s31+$0x0], $0xffff  }
0x4c3: {  	v10 =	vadd.s32 $0x80, v10;
	v60 =	vld.idx.msk [tilespmem:v17+s26+$0x0], $0xffff  }
0x4c4: {  	v9 =	vor.u32 v38, v9;
	v37 =	vadd.s32 $0x80, v37;
	v44 =	vld.idx.msk [tilespmem:v45+s26+$0x0], $0xffff  }
0x4c5: {  	vm2 =	veq.s32 v9, $0x0;
	v35 =	vsub.f32 v11, v35;
	v0 =	vmul.f32 v0, v0;
	v54 =	vld.idx.msk [tilespmem:v3+s26+$0x0], $0xffff  }
0x4c6: {  	v1 =	vadd.f32 v57, v1;
	v17 =	vand.u32 $0x7F, v40;
	v56 =	vld.idx.msk [tilespmem:v3+s31+$0x0], $0xffff;
	v3 =	vand.u32 $0xFFFFFF80, v61  }
0x4c7: {  	v29 =	vand.u32 $0x7F, v32;
	vm0 =	veq.s32 v62, $0x0;
	v14 =	vld.idx.msk [tilespmem:v45+s31+$0x0], $0xffff;
	v3 =	vor.u32 v17, v3  }
0x4c8: {  	v1 =	vadd.f32 v1, v0;
	v41 =	vld.idx.msk [tilespmem:v10+s26+$0x0], $0xffff;
	v17 =	vor.u32 v29, v25;
	v61 =	vadd.s32 $0x80, v3  }
0x4c9: {  	v32 =	vmul.f32 v26, v21;
	v45 =	vmul.f32 v30, v24;
	v39 =	vld.idx.msk [tilespmem:v37+s31+$0x0], $0xffff;
	v0 =	vadd.s32 $0x80, v17  }
0x4ca: {  	v46 =	vld.idx.msk [tilespmem:v37+s26+$0x0], $0xffff;
	v37 =	vmul.f32 v15, v8;
	v3 =	vsub.f32 v23, v33;
	v33 =	vsub.f32 v34, v36  }
0x4cb: {  	v40 =	vld.idx.msk [tilespmem:v10+s31+$0x0], $0xffff;
	v17 =	vsub.f32 v22, v31;
	v23 =	vor.u32 v18, v43;
	v18 =	vmul.f32 v50, v51  }
0x4cc: {  	v29 =	vld.idx.msk [tilespmem:v55+s31+$0x0], $0xffff;
	v22 =	vor.u32 v20, v28;
	v20 =	vmul.f32 v48, v49;
	v28 =	vmul.f32 v13, v16  }
0x4cd: {  	v34 =	vmul.f32 v2, v27;
	vm3 =	veq.s32 v22, $0x0;
	v22 =	vmul.f32 v19, v12;
	v25 =	vld.idx.msk [tilespmem:v61+s31+$0x0], $0xffff  }
0x4ce: {  	v36 =	vsel vm2, $0x3F800000, v63;
	v47 =	vmul.f32 v48, v52;
	v51 =	vmul.f32 v60, v51;
	v31 =	vld.idx.msk [tilespmem:v0+s26+$0x0], $0xffff  }
0x4cf: {  	vm1 =	veq.s32 v23, $0x0;
	v43 =	vmul.f32 v54, v52;
	v38 =	vmul.f32 v54, v49;
	v48 =	vld.idx.msk [tilespmem:v0+s31+$0x0], $0xffff  }
0x4d0: {  	s4 =	simm.s32 $0x0;
	s13 =	simm.s32 $0x80;
	s16 =	simm.s32 $0x40;
	v23 =	vsel vm3, $0x3F800000, v63;
	v50 =	vmul.f32 v50, v56;
	v52 =	vmul.f32 v60, v56;
	v49 =	vld.idx.msk [tilespmem:v61+s26+$0x0], $0xffff  }
.LBB2_29:
0x4d1: {  	s0 =	sand.u32 $0xF00, s13;
	s1 =	sand.u32 $0x40, s16;
	v5 =	vsub.f32 v5, v7;
	v0 =	vmul.f32 v44, v39;
	v7 =	vmul.f32 v44, v16;
	v16 =	vld [tilespmem:s24+$0x3830]  }
0x4d2: {  	v44 =	vsel vm0, $0x3F800000, v63;
	v27 =	vmul.f32 v41, v27;
	v13 =	vmul.f32 v13, v39;
	v39 =	vld [tilespmem:s24+$0x4830];
	s24 =	sor.u32 s1, s0  }
0x4d3: {  	v4 =	vsub.f32 v4, v6;
	v6 =	vmul.f32 v19, v14;
	v12 =	vmul.f32 v46, v12;
	v9 =	vld [tilespmem:s24+$0x3820]  }
0x4d4: {  	v19 =	vsel vm1, $0x3F800000, v63;
	v41 =	vmul.f32 v41, v29;
	v46 =	vmul.f32 v46, v14;
	v10 =	vld [tilespmem:s24+$0x4820]  }
0x4d5: {  	v52 =	vadd.f32 v52, v18;
	v26 =	vmul.f32 v26, v40;
	v21 =	vmul.f32 v42, v21;
	v11 =	vld [tilespmem:s24+$0x3810]  }
0x4d6: {  	v53 =	vmul.f32 v31, v25;
	v50 =	vsub.f32 v50, v51;
	v51 =	vmul.f32 v49, v48;
	v14 =	vld [tilespmem:s24+$0x4810]  }
0x4d7: {  	v6 =	vsub.f32 v6, v12;
	v52 =	vsub.f32 v52, v20;
	v30 =	vmul.f32 v30, v48;
	v18 =	vld [tilespmem:s24+$0x3800]  }
0x4d8: {  	v24 =	vmul.f32 v49, v24;
	v12 =	vadd.f32 v51, v45;
	v45 =	vadd.f32 v46, v22;
	v20 =	vld [tilespmem:s24+$0x4800]  }
0x4d9: {  	v43 =	vsub.f32 v52, v43;
	v46 =	vadd.f32 v50, v47;
	v47 =	vmul.f32 v15, v25;
	v22 =	vld [tilespmem:s24+$0x14800]  }
0x4da: {  	s0 =	sadd.s32 $0x7060, s13;
	s1 =	sadd.s32 $0x3830, s16;
	v26 =	vsub.f32 v26, v21;
	v24 =	vsub.f32 v30, v24;
	v30 =	vmul.f32 v42, v40;
	v25 =	vld [tilespmem:s24+$0x14880]  }
0x4db: {  	s0 =	sand.u32 $0x7F00, s0;
	s1 =	sand.u32 $0x70, s1;
	v40 =	vmul.f32 v43, v36;
	v38 =	vsub.f32 v46, v38;
	v12 =	vsub.f32 v12, v37;
	v15 =	vld [tilespmem:s24+$0xC800]  }
0x4dc: {  	s5 =	sadd.s32 $0x7040, s13;
	s6 =	sadd.s32 $0x3820, s16;
	v8 =	vmul.f32 v31, v8;
	s0 =	sor.u32 s1, s0;
	v24 =	vadd.f32 v24, v47;
	v30 =	vadd.f32 v30, v32;
	v21 =	vld [tilespmem:s24+$0xC880]  }
0x4dd: {  	s1 =	sand.u32 $0x7F00, s5;
	s5 =	sand.u32 $0x60, s6;
	v33 =	vsub.f32 v33, v40;
	v36 =	vmul.f32 v38, v36;
	v12 =	vsub.f32 v12, v53;
	v31 =	vld [tilespmem:s0+$0xD800]  }
0x4de: {  	s8 =	sadd.s32 $0x3810, s16;
	v2 =	vmul.f32 v2, v29;
	s6 =	sadd.s32 $0x7020, s13;
	s1 =	sor.u32 s5, s1;
	v8 =	vsub.f32 v24, v8;
	v24 =	vsub.f32 v30, v34;
	v32 =	vld [tilespmem:s0+$0xD880]  }
0x4df: {  	s5 =	sand.u32 $0x7F00, s6;
	s6 =	sand.u32 $0x50, s8;
	v30 =	vmul.f32 v33, v33;
	v29 =	vsub.f32 v35, v36;
	v12 =	vmul.f32 v12, v19;
	v34 =	vld [tilespmem:s1+$0xD800]  }
0x4e0: {  	s5 =	sor.u32 s6, s5;
	s6 =	sadd.s32 $0x30, s25;
	v2 =	vadd.f32 v26, v2;
	v8 =	vmul.f32 v8, v19;
	v19 =	vsub.f32 v24, v41;
	v35 =	vld [tilespmem:s1+$0xD880]  }
0x4e1: {  	s6 =	sor.u32 $0x80, s6;
	v1 =	vadd.f32 v30, v1;
	v24 =	vmul.f32 v29, v29;
	v12 =	vsub.f32 v17, v12;
	v36 =	vld [tilespmem:s5+$0xD800]  }
0x4e2: {  	v2 =	vsub.f32 v2, v27;
	v17 =	vmul.f32 v19, v44;
	v19 =	vsub.f32 v45, v28;
	v26 =	vld [tilespmem:s6+$0x3800]  }
0x4e3: {  	v4 =	vsub.f32 v4, v8;
	v1 =	vadd.f32 v1, v24;
	v8 =	vmul.f32 v12, v12;
	v12 =	vld [tilespmem:s6+$0x4800]  }
0x4e4: {  	v6 =	vadd.f32 v6, v13;
	v2 =	vmul.f32 v2, v44;
	v0 =	vsub.f32 v19, v0;
	v28 =	vld [tilespmem:s5+$0xD880]  }
0x4e5: {  	v4 =	vmul.f32 v4, v4;
	v3 =	vsub.f32 v3, v17;
	v1 =	vadd.f32 v8, v1;
	v24 =	vld [tilespmem:s0+$0x5800]  }
0x4e6: {  	p0 =	por !p0, !p0;
	v6 =	vsub.f32 v6, v7;
	v7 =	vsub.f32 v16, v39;
	v0 =	vmul.f32 v0, v23;
	v17 =	vld [tilespmem:s0+$0x5880];
	s0 =	simm.s32 $0x1  }
0x4e7: {  	v2 =	vsub.f32 v5, v2;
	v3 =	vmul.f32 v3, v3;
	v1 =	vadd.f32 v1, v4;
	s0 =	simm.s32 @!p0 $0x0;
	v29 =	vld [tilespmem:s1+$0x5800]  }
0x4e8: {  	v5 =	vmul.f32 v6, v23;
	s0 =	sshll.u32 s0, $0x6;
	v30 =	vld [tilespmem:s1+$0x5880];
	v4 =	vsub.f32 v26, v12  }
0x4e9: {  	v2 =	vmul.f32 v2, v2;
	v0 =	vsub.f32 v7, v0;
	v1 =	vadd.f32 v3, v1;
	s25 =	sadd.s32 s0, s13;
	v33 =	vld [tilespmem:s5+$0x5800]  }
0x4ea: {  	v3 =	vand.u32 $0xFFFFFF80, v21;
	s0 =	sor.u32 $0x80, s25;
	v38 =	vld [tilespmem:s5+$0x5880]  }
0x4eb: {  	v0 =	vmul.f32 v0, v0;
	v1 =	vadd.f32 v1, v2;
	s1 =	sadd.s32 $0x20, s25;
	v2 =	vsub.f32 v4, v5;
	v23 =	vld [tilespmem:s0+$0x3800]  }
0x4ec: {  	v3 =	vadd.s32 v21, v3;
	v4 =	vand.u32 $0xFFFFFF80, v15;
	v37 =	vld [tilespmem:s0+$0x4800];
	s0 =	sor.u32 $0x80, s1  }
0x4ed: {  	v8 =	vadd.s32 v15, v4;
	v0 =	vadd.f32 v0, v1;
	s1 =	sadd.s32 $0x10, s25;
	v1 =	vmul.f32 v2, v2;
	v5 =	vld [tilespmem:s0+$0x3800]  }
0x4ee: {  	s1 =	sor.u32 $0x80, s1;
	v7 =	vld [tilespmem:s0+$0x4800]  }
0x4ef: {  	v2 =	vand.u32 $0xFFFFFF80, v17;
	v1 =	vadd.f32 v0, v1;
	v4 =	vld [tilespmem:s1+$0x3800]  }
0x4f0: {  	v39 =	vadd.s32 v17, v2;
	v0 =	vand.u32 $0xFFFFFF80, v24;
	v6 =	vld [tilespmem:s1+$0x4800]  }
0x4f1: {  	v0 =	vadd.s32 v24, v0;
	v42 =	vld.idx.msk [tilespmem:v3+s31+$0x0], $0xffff  }
0x4f2: {  	v47 =	vld.idx.msk [tilespmem:v8+s26+$0x0], $0xffff  }
0x4f3: {  	v2 =	vand.u32 $0xFFFFFF80, v30;
	v49 =	vld.idx.msk [tilespmem:v8+s31+$0x0], $0xffff  }
0x4f4: {  	v12 =	vand.u32 $0xFFFFFF80, v29;
	v40 =	vadd.s32 v30, v2;
	v48 =	vld.idx.msk [tilespmem:v3+s26+$0x0], $0xffff  }
0x4f5: {  	v41 =	vadd.s32 v29, v12;
	v16 =	vld.idx.msk [tilespmem:v39+s31+$0x0], $0xffff  }
0x4f6: {  	v13 =	vld.idx.msk [tilespmem:v0+s26+$0x0], $0xffff  }
0x4f7: {  	v2 =	vand.u32 $0xFFFFFF80, v38;
	v12 =	vld.idx.msk [tilespmem:v0+s31+$0x0], $0xffff  }
0x4f8: {  	v26 =	vand.u32 $0xFFFFFF80, v33;
	v43 =	vadd.s32 v38, v2;
	v19 =	vld.idx.msk [tilespmem:v39+s26+$0x0], $0xffff  }
0x4f9: {  	v44 =	vadd.s32 v33, v26;
	v27 =	vld.idx.msk [tilespmem:v40+s31+$0x0], $0xffff  }
0x4fa: {  	v21 =	vand.u32 $0x7F, v21;
	v3 =	vand.u32 $0xFFFFFF80, v3;
	v2 =	vld.idx.msk [tilespmem:v41+s26+$0x0], $0xffff  }
0x4fb: {  	v15 =	vand.u32 $0x7F, v15;
	v8 =	vand.u32 $0xFFFFFF80, v8;
	v3 =	vor.u32 v21, v3;
	v21 =	vld.idx.msk [tilespmem:v41+s31+$0x0], $0xffff  }
0x4fc: {  	v8 =	vor.u32 v15, v8;
	v3 =	vadd.s32 $0x80, v3;
	v26 =	vld.idx.msk [tilespmem:v40+s26+$0x0], $0xffff  }
0x4fd: {  	s4 =	sadd.s32 $0x4, s4;
	v46 =	vand.u32 $0x7F, v24;
	v45 =	vadd.s32 $0x80, v8;
	v8 =	vld.idx.msk [tilespmem:v43+s31+$0x0], $0xffff  }
0x4fe: {  	p1 =	slt.u32 s4, $0x7C;
	v29 =	vand.u32 $0x7F, v29;
	v17 =	vand.u32 $0x7F, v17;
	v39 =	vand.u32 $0xFFFFFF80, v39;
	v15 =	vld.idx.msk [tilespmem:v44+s26+$0x0], $0xffff  }
0x4ff: {  	v50 =	vand.u32 $0x7F, v30;
	v0 =	vand.u32 $0xFFFFFF80, v0;
	v17 =	vor.u32 v17, v39;
	v24 =	vld.idx.msk [tilespmem:v44+s31+$0x0], $0xffff  }
0x500: {  	v0 =	vor.u32 v46, v0;
	v39 =	vand.u32 $0xFFFFFF80, v40;
	v40 =	vadd.s32 $0x80, v17;
	v30 =	vld.idx.msk [tilespmem:v43+s26+$0x0], $0xffff  }
0x501: {  	v0 =	vadd.s32 $0x80, v0;
	v39 =	vor.u32 v50, v39;
	v17 =	vand.u32 $0xFFFFFF80, v41;
	v51 =	vld.idx.msk [tilespmem:v3+s31+$0x0], $0xffff  }
0x502: {  	v52 =	vadd.s32 $0x80, v39;
	v17 =	vor.u32 v29, v17;
	v50 =	vld.idx.msk [tilespmem:v45+s26+$0x0], $0xffff  }
0x503: {  	v54 =	vadd.s32 $0x80, v17;
	v53 =	vld.idx.msk [tilespmem:v45+s31+$0x0], $0xffff  }
0x504: {  	v17 =	vand.u32 $0x7F, v38;
	v55 =	vld.idx.msk [tilespmem:v3+s26+$0x0], $0xffff;
	v3 =	vand.u32 $0xFFFFFF80, v43  }
0x505: {  	v33 =	vand.u32 $0x7F, v33;
	v29 =	vand.u32 $0xFFFFFF80, v44;
	v3 =	vor.u32 v17, v3;
	v39 =	vld.idx.msk [tilespmem:v40+s31+$0x0], $0xffff  }
0x506: {  	v17 =	vor.u32 v33, v29;
	v56 =	vadd.s32 $0x80, v3;
	v44 =	vld.idx.msk [tilespmem:v0+s26+$0x0], $0xffff  }
0x507: {  	v57 =	vadd.s32 $0x80, v17;
	v3 =	vsub.f32 v9, v10;
	v29 =	vld.idx.msk [tilespmem:v52+s31+$0x0], $0xffff  }
0x508: {  	v33 =	vsub.f32 v18, v20;
	v9 =	vor.u32 v22, v25;
	v17 =	vsub.f32 v11, v14;
	v41 =	vld.idx.msk [tilespmem:v54+s26+$0x0], $0xffff  }
0x509: {  	v10 =	vor.u32 v36, v28;
	v11 =	vor.u32 v34, v35;
	v22 =	vor.u32 v31, v32;
	v14 =	vld.idx.msk [tilespmem:v0+s31+$0x0], $0xffff  }
0x50a: {  	v18 =	vmul.f32 v48, v49;
	v20 =	vmul.f32 v47, v42;
	vm2 =	veq.s32 v9, $0x0;
	v46 =	vld.idx.msk [tilespmem:v40+s26+$0x0], $0xffff  }
0x50b: {  	v28 =	vmul.f32 v13, v16;
	vm3 =	veq.s32 v22, $0x0;
	v22 =	vmul.f32 v19, v12;
	v25 =	vld.idx.msk [tilespmem:v56+s31+$0x0], $0xffff  }
.Ltmp13:
0x50c: {  	v32 =	vmul.f32 v26, v21;
	v34 =	vmul.f32 v2, v27;
	vm0 =	veq.s32 v11, $0x0;
	v31 =	vld.idx.msk [tilespmem:v57+s26+$0x0], $0xffff;
	(pc) =	sbr.rel @p1 .LBB2_29-.Ltmp13, $4  }
0x50d: {  	v45 =	vmul.f32 v30, v24;
	v35 =	vsub.f32 v23, v37;
	v37 =	vmul.f32 v15, v8;
	v40 =	vld.idx.msk [tilespmem:v54+s31+$0x0], $0xffff  }
0x50e: {  	v43 =	vmul.f32 v50, v51;
	v38 =	vmul.f32 v50, v42;
	vm1 =	veq.s32 v10, $0x0;
	v42 =	vld.idx.msk [tilespmem:v52+s26+$0x0], $0xffff  }
0x50f: {  	v47 =	vmul.f32 v47, v51;
	v36 =	vsel vm2, $0x3F800000, v63;
	v50 =	vmul.f32 v48, v53;
	v48 =	vld.idx.msk [tilespmem:v57+s31+$0x0], $0xffff  }
0x510: {  	s16 =	sadd.s32 $0x40, s16;
	s13 =	sadd.s32 $0x80, s13;
	v23 =	vsel vm3, $0x3F800000, v63;
	v51 =	vmul.f32 v55, v49;
	v52 =	vmul.f32 v55, v53;
	v49 =	vld.idx.msk [tilespmem:v56+s26+$0x0], $0xffff  }
0x511: {  	v0 =	vsub.f32 v5, v7;
	v5 =	vmul.f32 v44, v39  }
0x512: {  	v7 =	vmul.f32 v44, v16;
	v10 =	vmul.f32 v41, v27  }
0x513: {  	v9 =	vsel vm0, $0x3F800000, v63;
	v11 =	vmul.f32 v13, v39;
	v55 =	vmul.f32 v19, v14  }
0x514: {  	v4 =	vsub.f32 v4, v6;
	v12 =	vmul.f32 v46, v12;
	v57 =	vmul.f32 v41, v29  }
0x515: {  	v56 =	vsel vm1, $0x3F800000, v63;
	v58 =	vmul.f32 v46, v14;
	v62 =	vmul.f32 v31, v25  }
0x516: {  	v18 =	vadd.f32 v52, v18;
	v59 =	vmul.f32 v26, v40;
	v60 =	vsub.f32 v50, v51  }
0x517: {  	v21 =	vmul.f32 v42, v21;
	v6 =	vsub.f32 v55, v12;
	v14 =	vadd.f32 v58, v22  }
0x518: {  	v18 =	vsub.f32 v18, v20;
	v44 =	vmul.f32 v30, v48;
	v61 =	vmul.f32 v49, v48  }
0x519: {  	v46 =	vadd.f32 v60, v47;
	v24 =	vmul.f32 v49, v24;
	v19 =	vsub.f32 v59, v21  }
0x51a: {  	v15 =	vmul.f32 v15, v25;
	v18 =	vsub.f32 v18, v43;
	v45 =	vadd.f32 v61, v45  }
0x51b: {  	v47 =	vmul.f32 v42, v40;
	v48 =	vsub.f32 v46, v38;
	v20 =	vsub.f32 v44, v24  }
0x51c: {  	v6 =	vadd.f32 v6, v11;
	v18 =	vmul.f32 v18, v36;
	v12 =	vsub.f32 v45, v37  }
0x51d: {  	v49 =	vadd.f32 v47, v32;
	v21 =	vmul.f32 v48, v36;
	v15 =	vadd.f32 v20, v15  }
0x51e: {  	v8 =	vmul.f32 v31, v8;
	v18 =	vsub.f32 v33, v18;
	v12 =	vsub.f32 v12, v62  }
0x51f: {  	v2 =	vmul.f32 v2, v29;
	v50 =	vsub.f32 v49, v34;
	v51 =	vsub.f32 v35, v21  }
0x520: {  	v8 =	vsub.f32 v15, v8;
	v18 =	vmul.f32 v18, v18;
	v12 =	vmul.f32 v12, v56  }
0x521: {  	s0 =	sadd.s32 $0x30, s25;
	v54 =	vld [tilespmem:s24+$0x4830];
	v2 =	vadd.f32 v19, v2;
	v53 =	vsub.f32 v50, v57;
	v55 =	vmul.f32 v51, v51  }
0x522: {  	v52 =	vld [tilespmem:s24+$0x3830];
	s0 =	sor.u32 $0x80, s0;
	v8 =	vmul.f32 v8, v56;
	v1 =	vadd.f32 v18, v1;
	v12 =	vsub.f32 v17, v12  }
0x523: {  	v58 =	vld [tilespmem:s0+$0x3800];
	v2 =	vsub.f32 v2, v10;
	v57 =	vsub.f32 v14, v28;
	v56 =	vmul.f32 v53, v9  }
0x524: {  	v60 =	vld [tilespmem:s0+$0x4800];
	v4 =	vsub.f32 v4, v8;
	v1 =	vadd.f32 v1, v55;
	v59 =	vmul.f32 v12, v12  }
0x525: {  	v6 =	vsub.f32 v6, v7;
	v2 =	vmul.f32 v2, v9;
	v5 =	vsub.f32 v57, v5  }
0x526: {  	v3 =	vsub.f32 v3, v56;
	v4 =	vmul.f32 v4, v4;
	v1 =	vadd.f32 v59, v1  }
0x527: {  	v61 =	vsub.f32 v52, v54;
	v0 =	vsub.f32 v0, v2  }
0x528: {  	v5 =	vmul.f32 v5, v23;
	v2 =	vmul.f32 v3, v3;
	v1 =	vadd.f32 v1, v4  }
0x529: {  	v62 =	vmul.f32 v6, v23;
	v3 =	vsub.f32 v58, v60  }
0x52a: {  	s23 =	sadd.s32 $0x1, s23;
	v0 =	vmul.f32 v0, v0;
	v1 =	vadd.f32 v2, v1;
	v2 =	vsub.f32 v61, v5  }
0x52b: {  	p0 =	sne.s32 s23, $0x8  }
.Ltmp14:
0x52c: {  	v0 =	vadd.f32 v1, v0;
	v1 =	vsub.f32 v3, v62;
	v2 =	vmul.f32 v2, v2;
	(pc) =	sbr.rel @p0 .LBB2_12-.Ltmp14, $3  }
0x52d: {  	_ = 	snop  }
0x52e: {  	v0 =	vadd.f32 v2, v0;
	v1 =	vmul.f32 v1, v1;
	_ =	sdelay $0x1  }
0x52f: {  	v1 =	vadd.f32 v0, v1  }
0x530: {  	_ = 	snop  }
0x531: {  	s0 =	rddreg [dreg:$0xc];
	s1 =	simm.s32 $0x15800;
	[tilespmem:$0x15800] =	vst v1  }
0x532: {  	[hbm4b:s0+s12] =	stream.linear.scatter [tilespmem:s1], [sflag:$0x5], $0x80, $0x38;
	[tilespmem:$0x15900] =	vst v63  }
0x533: {  	_ =	swait.ge [sflag:s20], $0x80  }
0x534: {  	s24 =	rddreg [dreg:$0xf]  }
0x535: {  	s25 =	rddreg [dreg:$0xe];
	s1 =	sadd.s32 $0x1, s24  }
0x536: {  	p0 =	sne.s32 s1, s25  }
.Ltmp15:
0x537: {  	_ = 	snop;
	(pc) =	sbr.rel @p0 .LBB2_1-.Ltmp15, $4  }
0x538: {  	_ = 	snop  }
0x539: {  	[sflag:s20] =	ssyncset.done $0x0  }
0x53a: {  	[sflag:s20] =	ssyncadd.s32 $0xFFFFFF80  }
0x53b: {  	s0 =	rddreg [dreg:$0x6]  }
0x53c: {  	_ =	sfence.sel $0x180000  }
0x53d: {  	[bflag:$0x0] =	sbarrier.arrive $0xFFFF  }
0x53e: {  	_ =	strace $0x90000047  }
0x53f: {  	s0 =	stileid.u32;
	[bflag:$0x2] =	sbarrier.arrive $0xFFFF  }
0x540: {  	p0 =	sne.s32 s0, $0x0;
	s0 =	rddreg [dreg:$0xb]  }
0x541: {  	s0 =	sadd.s32 @!p0 $0x100000, s0  }
0x542: {  	[sflag:s0] =	ssyncadd.tile.s32 @!p0 $0x1;
	_ =	shalt  }
.Lfunc_end2:
_tile_overlayer_lowered:
.L_overlay_start_2:
0x543: {  	(tag) =	ssettag $0x2  }
0x544: {  	s0 =	rddreg [dreg:$0x0];
	s2 =	stileid.u32  }
0x545: {  	s1 =	rddreg [dreg:$0x1];
	p0 =	sne.s32 s2, $0x0  }
0x546: {  	s3 =	rddreg [dreg:$0x2];
	[bflag:$0x3] =	sbarrier.arrive $0xFFFF;
	s2 =	simm.s32 @!p0 $0x1C05  }
0x547: {  	[timem:s3], [sflag:s2] =	dma.local @!p0 [hbm:s0], s1  }
0x548: {  	s0 =	simm.s32 @!p0 $0x5  }
0x549: {  	_ =	swait.ge @!p0 [sflag:s0], s1  }
0x54a: {  	s1 =	ssub.s32 @!p0 $0x0, s1;
	[sflag:s0] =	ssyncset.done @!p0 $0x0  }
0x54b: {  	[sflag:s0] =	ssyncadd.s32 @!p0 s1  }
0x54c: {  	[bflag:$0x3] =	sbarrier.arrive $0xFFFF  }
0x54d: {  	_ =	shalt  }

</sc_bundles>
